<compile_context>
chip_gen: v7x
topology: tpu7x:2x2x1
jax: 0.10.2.dev20260603
libtpu: 0.0.44.dev20260713+nightly
codegen_flags: <defaults>
</compile_context>

<pallas_src>
import functools

import jax
import jax.numpy as jnp
from jax import lax
from jax.experimental import pallas as pl
from jax.experimental.pallas import tpu as pltpu
from jax.experimental.pallas import tpu_sc as plsc

_BETA = 0.25


def _tc_body(flat_ref, x2_ref, w_ref, w2_ref, idx_ref, loss_ref):
    b = pl.program_id(0)
    T, C = flat_ref.shape
    K = w_ref.shape[0]

    fl = flat_ref[...]
    w = w_ref[...]
    x2 = x2_ref[...]
    w2 = w2_ref[...]

    s2 = lax.dot_general(fl + fl, w, (((1,), (1,)), ((), ())),
                         preferred_element_type=jnp.float32)
    d2 = (x2 + w2) - s2

    m = jnp.min(d2, axis=1, keepdims=True)
    lanes = lax.broadcasted_iota(jnp.int32, (T, K), 1).astype(jnp.float32)
    cand = jnp.where(d2 == m, lanes, jnp.float32(K))
    idxf = jnp.min(cand, axis=1, keepdims=True)
    idx_ref[...] = idxf.astype(jnp.int32)

    part = jnp.sum(m, keepdims=True)
    @pl.when(b == 0)
    def _():
        loss_ref[...] = jnp.zeros((1, 1), jnp.float32)
    loss_ref[...] += part


def _sc_lookup(wt, idx, B, C, T, K):
    info = plsc.get_sparse_core_info()
    nc, ns, L = info.num_cores, info.num_subcores, info.num_lanes
    nw = nc * ns
    cpw = C // (nw // B)
    mesh = plsc.VectorSubcoreMesh(core_axis_name="c", subcore_axis_name="s")

    @functools.partial(
        pl.kernel, mesh=mesh,
        out_type=jax.ShapeDtypeStruct((B, C, T), jnp.float32),
        compiler_params=pltpu.CompilerParams(needs_layout_passes=False),
        scratch_types=[
            pltpu.VMEM((2 * K,), jnp.float32),
            pltpu.VMEM((T,), jnp.int32),
            pltpu.VMEM((2, T), jnp.float32),
            pltpu.SemaphoreType.DMA,
            pltpu.SemaphoreType.DMA,
        ],
    )
    def body(wt_hbm, idx_hbm, out_hbm, wt_v, idx_v, o_v, sem_in, sem_out):
        wid = lax.axis_index("s") * nc + lax.axis_index("c")
        b = wid // 2
        c0 = (wid % 2) * cpw
        pltpu.sync_copy(idx_hbm.at[b], idx_v)

        def wt_fetch(cc):
            return pltpu.async_copy(
                wt_hbm.at[pl.ds((c0 + cc) * K, K)],
                wt_v.at[pl.ds((cc % 2) * K, K)], sem_in)

        cin = [wt_fetch(0), wt_fetch(1)]
        cout = [None, None]
        for cc in range(cpw):
            slot = cc % 2
            cin[slot].wait()
            if cout[slot] is not None:
                cout[slot].wait()
            off = slot * K

            def chunk(ch, carry):
                iv = idx_v[pl.ds(ch * L, L)]
                g = plsc.load_gather(wt_v, [iv + off])
                o_v[slot, pl.ds(ch * L, L)] = g
                return carry

            lax.fori_loop(0, T // L, chunk, 0)
            cout[slot] = pltpu.async_copy(
                o_v.at[slot], out_hbm.at[b, c0 + cc], sem_out)
            if cc + 2 < cpw:
                cin[slot] = wt_fetch(cc + 2)
        cout[0].wait()
        cout[1].wait()

    return body(wt, idx)


@jax.jit
def kernel(x, W):
    B, C, T = x.shape
    K = W.shape[0]
    flat = jnp.transpose(x, (0, 2, 1)).reshape(B * T, C)
    x2 = jnp.sum(flat * flat, axis=1, keepdims=True)
    w2 = jnp.sum(W * W, axis=1)[None, :]

    idx2, loss_sum = pl.pallas_call(
        _tc_body,
        grid=(B,),
        in_specs=[
            pl.BlockSpec((T, C), lambda b: (b, 0)),
            pl.BlockSpec((T, 1), lambda b: (b, 0)),
            pl.BlockSpec((K, C), lambda b: (0, 0)),
            pl.BlockSpec((1, K), lambda b: (0, 0)),
        ],
        out_specs=[
            pl.BlockSpec((T, 1), lambda b: (b, 0)),
            pl.BlockSpec((1, 1), lambda b: (0, 0)),
        ],
        out_shape=[
            jax.ShapeDtypeStruct((B * T, 1), jnp.int32),
            jax.ShapeDtypeStruct((1, 1), jnp.float32),
        ],
    )(flat, x2, W, w2)

    idx = idx2.reshape(B, T)
    qout = _sc_lookup(W.T.reshape(-1), idx, B, C, T, K)

    codebook_loss = loss_sum[0, 0] / (B * C * T)
    commitment_loss = _BETA * codebook_loss
    return qout, codebook_loss, commitment_loss, idx

# --- scband reference (transcript-rebuilt; emitter-appended) ---
"""Pipeline reference for scband-quantizer-23519240913578 (READ-ONLY COPY).

The authoritative reference and input builder live on the scoring server;
editing this copy changes nothing except your own understanding.
"""

import jax, jax.numpy as jnp
import numpy as np

CODEBOOK_SIZE = 1024
LATENT_DIM = 64
BETA = 0.25


def setup_inputs(seed: int = 0) -> dict:
    key = jax.random.key(seed)
    k1, k2 = jax.random.split(key)
    x = jax.random.normal(k1, (16, 64, 1024), dtype=jnp.float32)
    W = jax.random.uniform(k2, (CODEBOOK_SIZE, LATENT_DIM), minval=-1.0 / CODEBOOK_SIZE, maxval=1.0 / CODEBOOK_SIZE, dtype=jnp.float32)
    return {"x": x, "W": W}


def reference(x, W):
    # x: [B, C, T]  (C == latent_dim), W: [K, C] codebook (nn.Embedding weight)
    B, C, T = x.shape
    flat = jnp.transpose(x, (0, 2, 1)).reshape(B * T, C)  # [BT, C]
    # torch.cdist(p=2) distances; argmin over squared distances is identical
    d2 = (jnp.sum(flat * flat, axis=1, keepdims=True)
          + jnp.sum(W * W, axis=1)[None, :]
          - 2.0 * flat @ W.T)  # [BT, K]
    min_encoding_indices = jnp.argmin(d2, axis=-1)  # [BT]
    quant = jnp.take(W, min_encoding_indices, axis=0).reshape(B, T, C)
    quant = jnp.transpose(quant, (0, 2, 1))  # [B, C, T]
    commitment_loss = BETA * jnp.mean((jax.lax.stop_gradient(quant) - x) ** 2)
    codebook_loss = jnp.mean((quant - jax.lax.stop_gradient(x)) ** 2)
    # straight-through estimator
    quant_out = x + jax.lax.stop_gradient(quant - x)
    return quant_out, codebook_loss, commitment_loss, min_encoding_indices.reshape(B, T)

if __name__ == "__main__":
    import jax
    _d = setup_inputs()
    print(jax.jit(kernel)(*tuple(_d.values())))

</pallas_src>

<mosaic_0001>
#map = affine_map<(d0, d1) -> (0)>
#map1 = affine_map<(d0, d1) -> (0, 0)>
#map2 = affine_map<(d0, d1) -> (0, 0, 0)>
module attributes {stable_mosaic.version = 14 : i64} {
  func.func @body(%arg0: i32, %arg1: i32, %arg2: memref<65536xf32, #tpu.memory_space<hbm>>, %arg3: memref<16x1024xi32, #tpu.memory_space<hbm>>, %arg4: memref<16x64x1024xf32, #tpu.memory_space<hbm>>, %arg5: memref<2048xf32, #tpu.memory_space<vmem>>, %arg6: memref<1024xi32, #tpu.memory_space<vmem>>, %arg7: memref<2x1024xf32, #tpu.memory_space<vmem>>, %arg8: memref<!tpu.dma_semaphore, #tpu.memory_space<semaphore_mem>>, %arg9: memref<!tpu.dma_semaphore, #tpu.memory_space<semaphore_mem>>) attributes {dimension_semantics = [#tpu.dimension_semantics<core_parallel>, #tpu.dimension_semantics<subcore_parallel>], iteration_bounds = array<i64: 2, 16>, scalar_prefetch = 0 : i64, scratch_operands = 5 : i64, tpu.core_type = #tpu.core_type<sc_vector_subcore>, window_params = [{transform_indices = #map}, {transform_indices = #map1}, {transform_indices = #map2}]} {
    %mul3A = arith.constant 2 : i32
    %mul3A_0 = arith.muli %arg1, %mul3A : i32
    %add3A = arith.addi %mul3A_0, %arg0 : i32
    %jit3A = arith.constant 2 : i32
    %div3A = arith.divsi %add3A, %jit3A : i32
    %sign3A = arith.constant 0 : i32
    %sign3A_1 = arith.cmpi sgt, %add3A, %sign3A : i32
    %sign3A_2 = arith.extui %sign3A_1 : i1 to i32
    %sign3A_3 = arith.constant 0 : i32
    %sign3A_4 = arith.cmpi slt, %add3A, %sign3A_3 : i32
    %sign3A_5 = arith.extui %sign3A_4 : i1 to i32
    %sign3A_6 = arith.subi %sign3A_2, %sign3A_5 : i32
    %sign3A_7 = arith.constant 0 : i32
    %sign3A_8 = arith.cmpi sgt, %jit3A, %sign3A_7 : i32
    %sign3A_9 = arith.extui %sign3A_8 : i1 to i32
    %sign3A_10 = arith.constant 0 : i32
    %sign3A_11 = arith.cmpi slt, %jit3A, %sign3A_10 : i32
    %sign3A_12 = arith.extui %sign3A_11 : i1 to i32
    %sign3A_13 = arith.subi %sign3A_9, %sign3A_12 : i32
    %ne3A = arith.cmpi ne, %sign3A_6, %sign3A_13 : i32
    %rem3A = arith.remsi %add3A, %jit3A : i32
    %ne3A_14 = arith.constant 0 : i32
    %ne3A_15 = arith.cmpi ne, %rem3A, %ne3A_14 : i32
    %and3A = arith.andi %ne3A, %ne3A_15 : i1
    %sub3A = arith.constant 1 : i32
    %sub3A_16 = arith.subi %div3A, %sub3A : i32
    %select_n3A = arith.select %and3A, %sub3A_16, %div3A : i32
    %jit3A_17 = arith.constant 2 : i32
    %eq3A = arith.constant 0 : i32
    %eq3A_18 = arith.cmpi eq, %jit3A_17, %eq3A : i32
    %jit3A_19 = arith.constant 1 : i32
    %select_n3A_20 = arith.select %eq3A_18, %jit3A_19, %jit3A_17 : i32
    %rem3A_21 = arith.remsi %add3A, %select_n3A_20 : i32
    %ne3A_22 = arith.constant 0 : i32
    %ne3A_23 = arith.cmpi ne, %rem3A_21, %ne3A_22 : i32
    %lt3A = arith.constant 0 : i32
    %lt3A_24 = arith.cmpi slt, %rem3A_21, %lt3A : i32
    %lt3A_25 = arith.constant 0 : i32
    %lt3A_26 = arith.cmpi slt, %select_n3A_20, %lt3A_25 : i32
    %ne3A_27 = arith.xori %lt3A_24, %lt3A_26 : i1
    %and3A_28 = arith.andi %ne3A_27, %ne3A_23 : i1
    %add3A_29 = arith.addi %rem3A_21, %select_n3A_20 : i32
    %select_n3A_30 = arith.select %and3A_28, %add3A_29, %rem3A_21 : i32
    %mul3A_31 = arith.constant 32 : i32
    %mul3A_32 = arith.muli %select_n3A_30, %mul3A_31 : i32
    "tpu.region"() ({
      %run_scoped3A = tpu.sem_alloc : memref<!tpu.dma_semaphore, #tpu.memory_space<semaphore_mem>>
      %dma_start3A_1630 = arith.constant 0 : i32
      %dma_start3A_1631 = tpu.memref_slice %arg3[%select_n3A, %dma_start3A_1630] : memref<16x1024xi32, #tpu.memory_space<hbm>> -> memref<1x1024xi32, #tpu.memory_space<hbm>>
      %dma_start3A_1632 = tpu.memref_squeeze %dma_start3A_1631 : memref<1x1024xi32, #tpu.memory_space<hbm>> -> memref<1024xi32, #tpu.memory_space<hbm>>
      %dma_start3A_1633 = arith.constant 0 : i32
      %dma_start3A_1634 = tpu.memref_slice %arg3[%select_n3A, %dma_start3A_1633] : memref<16x1024xi32, #tpu.memory_space<hbm>> -> memref<1x1024xi32, #tpu.memory_space<hbm>>
      %dma_start3A_1635 = tpu.memref_squeeze %dma_start3A_1634 : memref<1x1024xi32, #tpu.memory_space<hbm>> -> memref<1024xi32, #tpu.memory_space<hbm>>
      tpu.enqueue_dma source(%dma_start3A_1635 : memref<1024xi32, #tpu.memory_space<hbm>>) target(%arg6 : memref<1024xi32, #tpu.memory_space<vmem>>) target_semaphore(%run_scoped3A : memref<!tpu.dma_semaphore, #tpu.memory_space<semaphore_mem>>)
      %dma_wait3A_1636 = arith.constant 0 : i32
      %dma_wait3A_1637 = tpu.memref_slice %arg3[%select_n3A, %dma_wait3A_1636] : memref<16x1024xi32, #tpu.memory_space<hbm>> -> memref<1x1024xi32, #tpu.memory_space<hbm>>
      %dma_wait3A_1638 = tpu.memref_squeeze %dma_wait3A_1637 : memref<1x1024xi32, #tpu.memory_space<hbm>> -> memref<1024xi32, #tpu.memory_space<hbm>>
      %dma_wait3A_1639 = arith.constant 0 : i32
      %dma_wait3A_1640 = tpu.memref_slice %arg3[%select_n3A, %dma_wait3A_1639] : memref<16x1024xi32, #tpu.memory_space<hbm>> -> memref<1x1024xi32, #tpu.memory_space<hbm>>
      %dma_wait3A_1641 = tpu.memref_squeeze %dma_wait3A_1640 : memref<1x1024xi32, #tpu.memory_space<hbm>> -> memref<1024xi32, #tpu.memory_space<hbm>>
      tpu.wait_dma2 semaphore(%run_scoped3A : memref<!tpu.dma_semaphore, #tpu.memory_space<semaphore_mem>>) src(%dma_wait3A_1641 : memref<1024xi32, #tpu.memory_space<hbm>>) dst(%arg6 : memref<1024xi32, #tpu.memory_space<vmem>>)
      tpu.yield
    }) : () -> ()
    %add3A_33 = arith.constant 0 : i32
    %add3A_34 = arith.addi %mul3A_32, %add3A_33 : i32
    %mul3A_35 = arith.constant 1024 : i32
    %mul3A_36 = arith.muli %add3A_34, %mul3A_35 : i32
    %dma_start3A = arith.constant 0 : i32
    %dma_start3A_37 = tpu.memref_slice %arg5[%dma_start3A] : memref<2048xf32, #tpu.memory_space<vmem>> -> memref<1024xf32, #tpu.memory_space<vmem>>
    %dma_start3A_38 = tpu.memref_slice %arg2[%mul3A_36] : memref<65536xf32, #tpu.memory_space<hbm>> -> memref<1024xf32, #tpu.memory_space<hbm>>
    %dma_start3A_39 = arith.constant 0 : i32
    %dma_start3A_40 = tpu.memref_slice %arg5[%dma_start3A_39] : memref<2048xf32, #tpu.memory_space<vmem>> -> memref<1024xf32, #tpu.memory_space<vmem>>
    %dma_start3A_41 = tpu.memref_slice %arg2[%mul3A_36] : memref<65536xf32, #tpu.memory_space<hbm>> -> memref<1024xf32, #tpu.memory_space<hbm>>
    tpu.enqueue_dma source(%dma_start3A_41 : memref<1024xf32, #tpu.memory_space<hbm>>) target(%dma_start3A_40 : memref<1024xf32, #tpu.memory_space<vmem>>) target_semaphore(%arg8 : memref<!tpu.dma_semaphore, #tpu.memory_space<semaphore_mem>>)
    %add3A_42 = arith.constant 1 : i32
    %add3A_43 = arith.addi %mul3A_32, %add3A_42 : i32
    %mul3A_44 = arith.constant 1024 : i32
    %mul3A_45 = arith.muli %add3A_43, %mul3A_44 : i32
    %dma_start3A_46 = arith.constant 1024 : i32
    %dma_start3A_47 = tpu.memref_slice %arg5[%dma_start3A_46] : memref<2048xf32, #tpu.memory_space<vmem>> -> memref<1024xf32, #tpu.memory_space<vmem>>
    %dma_start3A_48 = tpu.memref_slice %arg2[%mul3A_45] : memref<65536xf32, #tpu.memory_space<hbm>> -> memref<1024xf32, #tpu.memory_space<hbm>>
    %dma_start3A_49 = arith.constant 1024 : i32
    %dma_start3A_50 = tpu.memref_slice %arg5[%dma_start3A_49] : memref<2048xf32, #tpu.memory_space<vmem>> -> memref<1024xf32, #tpu.memory_space<vmem>>
    %dma_start3A_51 = tpu.memref_slice %arg2[%mul3A_45] : memref<65536xf32, #tpu.memory_space<hbm>> -> memref<1024xf32, #tpu.memory_space<hbm>>
    tpu.enqueue_dma source(%dma_start3A_51 : memref<1024xf32, #tpu.memory_space<hbm>>) target(%dma_start3A_50 : memref<1024xf32, #tpu.memory_space<vmem>>) target_semaphore(%arg8 : memref<!tpu.dma_semaphore, #tpu.memory_space<semaphore_mem>>)
    %dma_wait3A = arith.constant 0 : i32
    %dma_wait3A_52 = tpu.memref_slice %arg5[%dma_wait3A] : memref<2048xf32, #tpu.memory_space<vmem>> -> memref<1024xf32, #tpu.memory_space<vmem>>
    %dma_wait3A_53 = tpu.memref_slice %arg2[%mul3A_36] : memref<65536xf32, #tpu.memory_space<hbm>> -> memref<1024xf32, #tpu.memory_space<hbm>>
    %dma_wait3A_54 = arith.constant 0 : i32
    %dma_wait3A_55 = tpu.memref_slice %arg5[%dma_wait3A_54] : memref<2048xf32, #tpu.memory_space<vmem>> -> memref<1024xf32, #tpu.memory_space<vmem>>
    %dma_wait3A_56 = tpu.memref_slice %arg2[%mul3A_36] : memref<65536xf32, #tpu.memory_space<hbm>> -> memref<1024xf32, #tpu.memory_space<hbm>>
    tpu.wait_dma2 semaphore(%arg8 : memref<!tpu.dma_semaphore, #tpu.memory_space<semaphore_mem>>) src(%dma_wait3A_56 : memref<1024xf32, #tpu.memory_space<hbm>>) dst(%dma_wait3A_55 : memref<1024xf32, #tpu.memory_space<vmem>>)
    %scan3A = arith.constant 0 : i32
    %scan3A_57 = arith.constant 0 : i32
    %scan3A_58 = arith.constant 64 : i32
    %scan3A_59 = arith.addi %scan3A_57, %scan3A_58 : i32
    %scan3A_60 = arith.constant 1 : i32
    scf.for %scan3A_1630 = %scan3A_57 to %scan3A_59 step %scan3A_60  : i32 {
      %mul3A_1631 = arith.constant 16 : i32
      %mul3A_1632 = arith.muli %scan3A_1630, %mul3A_1631 : i32
      %get3A = arith.index_cast %mul3A_1632 : i32 to index
      %get3A_1633 = tpu.vector_load %arg6[%get3A] {strides = array<i32>} : memref<1024xi32, #tpu.memory_space<vmem>>, vector<16xi32>,
      %add3A_1634 = arith.constant 0 : i32
      %add3A_1635 = vector.broadcast %add3A_1634 : i32 to vector<16xi32>
      %add3A_1636 = arith.addi %get3A_1633, %add3A_1635 : vector<16xi32>
      %gather3A = tpu.vector_load_idx %arg5[%add3A_1636] : memref<2048xf32, #tpu.memory_space<vmem>>[vector<16xi32>], vector<16xf32>,
      %mul3A_1637 = arith.constant 16 : i32
      %mul3A_1638 = arith.muli %scan3A_1630, %mul3A_1637 : i32
      %swap3A = arith.constant 0 : i32
      %swap3A_1639 = arith.index_cast %swap3A : i32 to index
      %swap3A_1640 = arith.index_cast %mul3A_1638 : i32 to index
      %swap3A_1641 = tpu.vector_load %arg7[%swap3A_1639, %swap3A_1640] {strides = array<i32>} : memref<2x1024xf32, #tpu.memory_space<vmem>>, vector<16xf32>,
      tpu.vector_store %arg7[%swap3A_1639, %swap3A_1640], %gather3A {strides = array<i32>} : memref<2x1024xf32, #tpu.memory_space<vmem>>, vector<16xf32>,
    }
    %scan3A_61 = arith.constant 64 : i32
    %add3A_62 = arith.constant 0 : i32
    %add3A_63 = arith.addi %mul3A_32, %add3A_62 : i32
    %dma_start3A_64 = arith.constant 0 : i32
    %dma_start3A_65 = arith.constant 0 : i32
    %dma_start3A_66 = tpu.memref_slice %arg7[%dma_start3A_64, %dma_start3A_65] : memref<2x1024xf32, #tpu.memory_space<vmem>> -> memref<1x1024xf32, #tpu.memory_space<vmem>>
    %dma_start3A_67 = tpu.memref_squeeze %dma_start3A_66 : memref<1x1024xf32, #tpu.memory_space<vmem>> -> memref<1024xf32, #tpu.memory_space<vmem>>
    %dma_start3A_68 = arith.constant 0 : i32
    %dma_start3A_69 = tpu.memref_slice %arg4[%select_n3A, %add3A_63, %dma_start3A_68] : memref<16x64x1024xf32, #tpu.memory_space<hbm>> -> memref<1x1x1024xf32, #tpu.memory_space<hbm>>
    %dma_start3A_70 = tpu.memref_squeeze %dma_start3A_69 : memref<1x1x1024xf32, #tpu.memory_space<hbm>> -> memref<1024xf32, #tpu.memory_space<hbm>>
    %dma_start3A_71 = arith.constant 0 : i32
    %dma_start3A_72 = tpu.memref_slice %arg4[%select_n3A, %add3A_63, %dma_start3A_71] : memref<16x64x1024xf32, #tpu.memory_space<hbm>> -> memref<1x1x1024xf32, #tpu.memory_space<hbm>>
    %dma_start3A_73 = tpu.memref_squeeze %dma_start3A_72 : memref<1x1x1024xf32, #tpu.memory_space<hbm>> -> memref<1024xf32, #tpu.memory_space<hbm>>
    %dma_start3A_74 = arith.constant 0 : i32
    %dma_start3A_75 = tpu.memref_slice %arg7[%dma_start3A_64, %dma_start3A_74] : memref<2x1024xf32, #tpu.memory_space<vmem>> -> memref<1x1024xf32, #tpu.memory_space<vmem>>
    %dma_start3A_76 = tpu.memref_squeeze %dma_start3A_75 : memref<1x1024xf32, #tpu.memory_space<vmem>> -> memref<1024xf32, #tpu.memory_space<vmem>>
    tpu.enqueue_dma source(%dma_start3A_76 : memref<1024xf32, #tpu.memory_space<vmem>>) target(%dma_start3A_73 : memref<1024xf32, #tpu.memory_space<hbm>>) target_semaphore(%arg9 : memref<!tpu.dma_semaphore, #tpu.memory_space<semaphore_mem>>)
    %add3A_77 = arith.constant 2 : i32
    %add3A_78 = arith.addi %mul3A_32, %add3A_77 : i32
    %mul3A_79 = arith.constant 1024 : i32
    %mul3A_80 = arith.muli %add3A_78, %mul3A_79 : i32
    %dma_start3A_81 = arith.constant 0 : i32
    %dma_start3A_82 = tpu.memref_slice %arg5[%dma_start3A_81] : memref<2048xf32, #tpu.memory_space<vmem>> -> memref<1024xf32, #tpu.memory_space<vmem>>
    %dma_start3A_83 = tpu.memref_slice %arg2[%mul3A_80] : memref<65536xf32, #tpu.memory_space<hbm>> -> memref<1024xf32, #tpu.memory_space<hbm>>
    %dma_start3A_84 = arith.constant 0 : i32
    %dma_start3A_85 = tpu.memref_slice %arg5[%dma_start3A_84] : memref<2048xf32, #tpu.memory_space<vmem>> -> memref<1024xf32, #tpu.memory_space<vmem>>
    %dma_start3A_86 = tpu.memref_slice %arg2[%mul3A_80] : memref<65536xf32, #tpu.memory_space<hbm>> -> memref<1024xf32, #tpu.memory_space<hbm>>
    tpu.enqueue_dma source(%dma_start3A_86 : memref<1024xf32, #tpu.memory_space<hbm>>) target(%dma_start3A_85 : memref<1024xf32, #tpu.memory_space<vmem>>) target_semaphore(%arg8 : memref<!tpu.dma_semaphore, #tpu.memory_space<semaphore_mem>>)
    %dma_wait3A_87 = arith.constant 1024 : i32
    %dma_wait3A_88 = tpu.memref_slice %arg5[%dma_wait3A_87] : memref<2048xf32, #tpu.memory_space<vmem>> -> memref<1024xf32, #tpu.memory_space<vmem>>
    %dma_wait3A_89 = tpu.memref_slice %arg2[%mul3A_45] : memref<65536xf32, #tpu.memory_space<hbm>> -> memref<1024xf32, #tpu.memory_space<hbm>>
    %dma_wait3A_90 = arith.constant 1024 : i32
    %dma_wait3A_91 = tpu.memref_slice %arg5[%dma_wait3A_90] : memref<2048xf32, #tpu.memory_space<vmem>> -> memref<1024xf32, #tpu.memory_space<vmem>>
    %dma_wait3A_92 = tpu.memref_slice %arg2[%mul3A_45] : memref<65536xf32, #tpu.memory_space<hbm>> -> memref<1024xf32, #tpu.memory_space<hbm>>
    tpu.wait_dma2 semaphore(%arg8 : memref<!tpu.dma_semaphore, #tpu.memory_space<semaphore_mem>>) src(%dma_wait3A_92 : memref<1024xf32, #tpu.memory_space<hbm>>) dst(%dma_wait3A_91 : memref<1024xf32, #tpu.memory_space<vmem>>)
    %scan3A_93 = arith.constant 0 : i32
    %scan3A_94 = arith.constant 0 : i32
    %scan3A_95 = arith.constant 64 : i32
    %scan3A_96 = arith.addi %scan3A_94, %scan3A_95 : i32
    %scan3A_97 = arith.constant 1 : i32
    scf.for %scan3A_1630 = %scan3A_94 to %scan3A_96 step %scan3A_97  : i32 {
      %mul3A_1631 = arith.constant 16 : i32
      %mul3A_1632 = arith.muli %scan3A_1630, %mul3A_1631 : i32
      %get3A = arith.index_cast %mul3A_1632 : i32 to index
      %get3A_1633 = tpu.vector_load %arg6[%get3A] {strides = array<i32>} : memref<1024xi32, #tpu.memory_space<vmem>>, vector<16xi32>,
      %add3A_1634 = arith.constant 1024 : i32
      %add3A_1635 = vector.broadcast %add3A_1634 : i32 to vector<16xi32>
      %add3A_1636 = arith.addi %get3A_1633, %add3A_1635 : vector<16xi32>
      %gather3A = tpu.vector_load_idx %arg5[%add3A_1636] : memref<2048xf32, #tpu.memory_space<vmem>>[vector<16xi32>], vector<16xf32>,
      %mul3A_1637 = arith.constant 16 : i32
      %mul3A_1638 = arith.muli %scan3A_1630, %mul3A_1637 : i32
      %swap3A = arith.constant 1 : i32
      %swap3A_1639 = arith.index_cast %swap3A : i32 to index
      %swap3A_1640 = arith.index_cast %mul3A_1638 : i32 to index
      %swap3A_1641 = tpu.vector_load %arg7[%swap3A_1639, %swap3A_1640] {strides = array<i32>} : memref<2x1024xf32, #tpu.memory_space<vmem>>, vector<16xf32>,
      tpu.vector_store %arg7[%swap3A_1639, %swap3A_1640], %gather3A {strides = array<i32>} : memref<2x1024xf32, #tpu.memory_space<vmem>>, vector<16xf32>,
    }
    %scan3A_98 = arith.constant 64 : i32
    %add3A_99 = arith.constant 1 : i32
    %add3A_100 = arith.addi %mul3A_32, %add3A_99 : i32
    %dma_start3A_101 = arith.constant 1 : i32
    %dma_start3A_102 = arith.constant 0 : i32
    %dma_start3A_103 = tpu.memref_slice %arg7[%dma_start3A_101, %dma_start3A_102] : memref<2x1024xf32, #tpu.memory_space<vmem>> -> memref<1x1024xf32, #tpu.memory_space<vmem>>
    %dma_start3A_104 = tpu.memref_squeeze %dma_start3A_103 : memref<1x1024xf32, #tpu.memory_space<vmem>> -> memref<1024xf32, #tpu.memory_space<vmem>>
    %dma_start3A_105 = arith.constant 0 : i32
    %dma_start3A_106 = tpu.memref_slice %arg4[%select_n3A, %add3A_100, %dma_start3A_105] : memref<16x64x1024xf32, #tpu.memory_space<hbm>> -> memref<1x1x1024xf32, #tpu.memory_space<hbm>>
    %dma_start3A_107 = tpu.memref_squeeze %dma_start3A_106 : memref<1x1x1024xf32, #tpu.memory_space<hbm>> -> memref<1024xf32, #tpu.memory_space<hbm>>
    %dma_start3A_108 = arith.constant 0 : i32
    %dma_start3A_109 = tpu.memref_slice %arg4[%select_n3A, %add3A_100, %dma_start3A_108] : memref<16x64x1024xf32, #tpu.memory_space<hbm>> -> memref<1x1x1024xf32, #tpu.memory_space<hbm>>
    %dma_start3A_110 = tpu.memref_squeeze %dma_start3A_109 : memref<1x1x1024xf32, #tpu.memory_space<hbm>> -> memref<1024xf32, #tpu.memory_space<hbm>>
    %dma_start3A_111 = arith.constant 0 : i32
    %dma_start3A_112 = tpu.memref_slice %arg7[%dma_start3A_101, %dma_start3A_111] : memref<2x1024xf32, #tpu.memory_space<vmem>> -> memref<1x1024xf32, #tpu.memory_space<vmem>>
    %dma_start3A_113 = tpu.memref_squeeze %dma_start3A_112 : memref<1x1024xf32, #tpu.memory_space<vmem>> -> memref<1024xf32, #tpu.memory_space<vmem>>
    tpu.enqueue_dma source(%dma_start3A_113 : memref<1024xf32, #tpu.memory_space<vmem>>) target(%dma_start3A_110 : memref<1024xf32, #tpu.memory_space<hbm>>) target_semaphore(%arg9 : memref<!tpu.dma_semaphore, #tpu.memory_space<semaphore_mem>>)
    %add3A_114 = arith.constant 3 : i32
    %add3A_115 = arith.addi %mul3A_32, %add3A_114 : i32
    %mul3A_116 = arith.constant 1024 : i32
    %mul3A_117 = arith.muli %add3A_115, %mul3A_116 : i32
    %dma_start3A_118 = arith.constant 1024 : i32
    %dma_start3A_119 = tpu.memref_slice %arg5[%dma_start3A_118] : memref<2048xf32, #tpu.memory_space<vmem>> -> memref<1024xf32, #tpu.memory_space<vmem>>
    %dma_start3A_120 = tpu.memref_slice %arg2[%mul3A_117] : memref<65536xf32, #tpu.memory_space<hbm>> -> memref<1024xf32, #tpu.memory_space<hbm>>
    %dma_start3A_121 = arith.constant 1024 : i32
    %dma_start3A_122 = tpu.memref_slice %arg5[%dma_start3A_121] : memref<2048xf32, #tpu.memory_space<vmem>> -> memref<1024xf32, #tpu.memory_space<vmem>>
    %dma_start3A_123 = tpu.memref_slice %arg2[%mul3A_117] : memref<65536xf32, #tpu.memory_space<hbm>> -> memref<1024xf32, #tpu.memory_space<hbm>>
    tpu.enqueue_dma source(%dma_start3A_123 : memref<1024xf32, #tpu.memory_space<hbm>>) target(%dma_start3A_122 : memref<1024xf32, #tpu.memory_space<vmem>>) target_semaphore(%arg8 : memref<!tpu.dma_semaphore, #tpu.memory_space<semaphore_mem>>)
    %dma_wait3A_124 = arith.constant 0 : i32
    %dma_wait3A_125 = tpu.memref_slice %arg5[%dma_wait3A_124] : memref<2048xf32, #tpu.memory_space<vmem>> -> memref<1024xf32, #tpu.memory_space<vmem>>
    %dma_wait3A_126 = tpu.memref_slice %arg2[%mul3A_80] : memref<65536xf32, #tpu.memory_space<hbm>> -> memref<1024xf32, #tpu.memory_space<hbm>>
    %dma_wait3A_127 = arith.constant 0 : i32
    %dma_wait3A_128 = tpu.memref_slice %arg5[%dma_wait3A_127] : memref<2048xf32, #tpu.memory_space<vmem>> -> memref<1024xf32, #tpu.memory_space<vmem>>
    %dma_wait3A_129 = tpu.memref_slice %arg2[%mul3A_80] : memref<65536xf32, #tpu.memory_space<hbm>> -> memref<1024xf32, #tpu.memory_space<hbm>>
    tpu.wait_dma2 semaphore(%arg8 : memref<!tpu.dma_semaphore, #tpu.memory_space<semaphore_mem>>) src(%dma_wait3A_129 : memref<1024xf32, #tpu.memory_space<hbm>>) dst(%dma_wait3A_128 : memref<1024xf32, #tpu.memory_space<vmem>>)
    %dma_wait3A_130 = arith.constant 0 : i32
    %dma_wait3A_131 = arith.constant 0 : i32
    %dma_wait3A_132 = tpu.memref_slice %arg7[%dma_wait3A_130, %dma_wait3A_131] : memref<2x1024xf32, #tpu.memory_space<vmem>> -> memref<1x1024xf32, #tpu.memory_space<vmem>>
    %dma_wait3A_133 = tpu.memref_squeeze %dma_wait3A_132 : memref<1x1024xf32, #tpu.memory_space<vmem>> -> memref<1024xf32, #tpu.memory_space<vmem>>
    %dma_wait3A_134 = arith.constant 0 : i32
    %dma_wait3A_135 = tpu.memref_slice %arg4[%select_n3A, %add3A_63, %dma_wait3A_134] : memref<16x64x1024xf32, #tpu.memory_space<hbm>> -> memref<1x1x1024xf32, #tpu.memory_space<hbm>>
    %dma_wait3A_136 = tpu.memref_squeeze %dma_wait3A_135 : memref<1x1x1024xf32, #tpu.memory_space<hbm>> -> memref<1024xf32, #tpu.memory_space<hbm>>
    %dma_wait3A_137 = arith.constant 0 : i32
    %dma_wait3A_138 = tpu.memref_slice %arg4[%select_n3A, %add3A_63, %dma_wait3A_137] : memref<16x64x1024xf32, #tpu.memory_space<hbm>> -> memref<1x1x1024xf32, #tpu.memory_space<hbm>>
    %dma_wait3A_139 = tpu.memref_squeeze %dma_wait3A_138 : memref<1x1x1024xf32, #tpu.memory_space<hbm>> -> memref<1024xf32, #tpu.memory_space<hbm>>
    %dma_wait3A_140 = arith.constant 0 : i32
    %dma_wait3A_141 = tpu.memref_slice %arg7[%dma_wait3A_130, %dma_wait3A_140] : memref<2x1024xf32, #tpu.memory_space<vmem>> -> memref<1x1024xf32, #tpu.memory_space<vmem>>
    %dma_wait3A_142 = tpu.memref_squeeze %dma_wait3A_141 : memref<1x1024xf32, #tpu.memory_space<vmem>> -> memref<1024xf32, #tpu.memory_space<vmem>>
    tpu.wait_dma2 semaphore(%arg9 : memref<!tpu.dma_semaphore, #tpu.memory_space<semaphore_mem>>) src(%dma_wait3A_142 : memref<1024xf32, #tpu.memory_space<vmem>>) dst(%dma_wait3A_139 : memref<1024xf32, #tpu.memory_space<hbm>>)
    %scan3A_143 = arith.constant 0 : i32
    %scan3A_144 = arith.constant 0 : i32
    %scan3A_145 = arith.constant 64 : i32
    %scan3A_146 = arith.addi %scan3A_144, %scan3A_145 : i32
    %scan3A_147 = arith.constant 1 : i32
    scf.for %scan3A_1630 = %scan3A_144 to %scan3A_146 step %scan3A_147  : i32 {
      %mul3A_1631 = arith.constant 16 : i32
      %mul3A_1632 = arith.muli %scan3A_1630, %mul3A_1631 : i32
      %get3A = arith.index_cast %mul3A_1632 : i32 to index
      %get3A_1633 = tpu.vector_load %arg6[%get3A] {strides = array<i32>} : memref<1024xi32, #tpu.memory_space<vmem>>, vector<16xi32>,
      %add3A_1634 = arith.constant 0 : i32
      %add3A_1635 = vector.broadcast %add3A_1634 : i32 to vector<16xi32>
      %add3A_1636 = arith.addi %get3A_1633, %add3A_1635 : vector<16xi32>
      %gather3A = tpu.vector_load_idx %arg5[%add3A_1636] : memref<2048xf32, #tpu.memory_space<vmem>>[vector<16xi32>], vector<16xf32>,
      %mul3A_1637 = arith.constant 16 : i32
      %mul3A_1638 = arith.muli %scan3A_1630, %mul3A_1637 : i32
      %swap3A = arith.constant 0 : i32
      %swap3A_1639 = arith.index_cast %swap3A : i32 to index
      %swap3A_1640 = arith.index_cast %mul3A_1638 : i32 to index
      %swap3A_1641 = tpu.vector_load %arg7[%swap3A_1639, %swap3A_1640] {strides = array<i32>} : memref<2x1024xf32, #tpu.memory_space<vmem>>, vector<16xf32>,
      tpu.vector_store %arg7[%swap3A_1639, %swap3A_1640], %gather3A {strides = array<i32>} : memref<2x1024xf32, #tpu.memory_space<vmem>>, vector<16xf32>,
    }
    %scan3A_148 = arith.constant 64 : i32
    %add3A_149 = arith.constant 2 : i32
    %add3A_150 = arith.addi %mul3A_32, %add3A_149 : i32
    %dma_start3A_151 = arith.constant 0 : i32
    %dma_start3A_152 = arith.constant 0 : i32
    %dma_start3A_153 = tpu.memref_slice %arg7[%dma_start3A_151, %dma_start3A_152] : memref<2x1024xf32, #tpu.memory_space<vmem>> -> memref<1x1024xf32, #tpu.memory_space<vmem>>
    %dma_start3A_154 = tpu.memref_squeeze %dma_start3A_153 : memref<1x1024xf32, #tpu.memory_space<vmem>> -> memref<1024xf32, #tpu.memory_space<vmem>>
    %dma_start3A_155 = arith.constant 0 : i32
    %dma_start3A_156 = tpu.memref_slice %arg4[%select_n3A, %add3A_150, %dma_start3A_155] : memref<16x64x1024xf32, #tpu.memory_space<hbm>> -> memref<1x1x1024xf32, #tpu.memory_space<hbm>>
    %dma_start3A_157 = tpu.memref_squeeze %dma_start3A_156 : memref<1x1x1024xf32, #tpu.memory_space<hbm>> -> memref<1024xf32, #tpu.memory_space<hbm>>
    %dma_start3A_158 = arith.constant 0 : i32
    %dma_start3A_159 = tpu.memref_slice %arg4[%select_n3A, %add3A_150, %dma_start3A_158] : memref<16x64x1024xf32, #tpu.memory_space<hbm>> -> memref<1x1x1024xf32, #tpu.memory_space<hbm>>
    %dma_start3A_160 = tpu.memref_squeeze %dma_start3A_159 : memref<1x1x1024xf32, #tpu.memory_space<hbm>> -> memref<1024xf32, #tpu.memory_space<hbm>>
    %dma_start3A_161 = arith.constant 0 : i32
    %dma_start3A_162 = tpu.memref_slice %arg7[%dma_start3A_151, %dma_start3A_161] : memref<2x1024xf32, #tpu.memory_space<vmem>> -> memref<1x1024xf32, #tpu.memory_space<vmem>>
    %dma_start3A_163 = tpu.memref_squeeze %dma_start3A_162 : memref<1x1024xf32, #tpu.memory_space<vmem>> -> memref<1024xf32, #tpu.memory_space<vmem>>
    tpu.enqueue_dma source(%dma_start3A_163 : memref<1024xf32, #tpu.memory_space<vmem>>) target(%dma_start3A_160 : memref<1024xf32, #tpu.memory_space<hbm>>) target_semaphore(%arg9 : memref<!tpu.dma_semaphore, #tpu.memory_space<semaphore_mem>>)
    %add3A_164 = arith.constant 4 : i32
    %add3A_165 = arith.addi %mul3A_32, %add3A_164 : i32
    %mul3A_166 = arith.constant 1024 : i32
    %mul3A_167 = arith.muli %add3A_165, %mul3A_166 : i32
    %dma_start3A_168 = arith.constant 0 : i32
    %dma_start3A_169 = tpu.memref_slice %arg5[%dma_start3A_168] : memref<2048xf32, #tpu.memory_space<vmem>> -> memref<1024xf32, #tpu.memory_space<vmem>>
    %dma_start3A_170 = tpu.memref_slice %arg2[%mul3A_167] : memref<65536xf32, #tpu.memory_space<hbm>> -> memref<1024xf32, #tpu.memory_space<hbm>>
    %dma_start3A_171 = arith.constant 0 : i32
    %dma_start3A_172 = tpu.memref_slice %arg5[%dma_start3A_171] : memref<2048xf32, #tpu.memory_space<vmem>> -> memref<1024xf32, #tpu.memory_space<vmem>>
    %dma_start3A_173 = tpu.memref_slice %arg2[%mul3A_167] : memref<65536xf32, #tpu.memory_space<hbm>> -> memref<1024xf32, #tpu.memory_space<hbm>>
    tpu.enqueue_dma source(%dma_start3A_173 : memref<1024xf32, #tpu.memory_space<hbm>>) target(%dma_start3A_172 : memref<1024xf32, #tpu.memory_space<vmem>>) target_semaphore(%arg8 : memref<!tpu.dma_semaphore, #tpu.memory_space<semaphore_mem>>)
    %dma_wait3A_174 = arith.constant 1024 : i32
    %dma_wait3A_175 = tpu.memref_slice %arg5[%dma_wait3A_174] : memref<2048xf32, #tpu.memory_space<vmem>> -> memref<1024xf32, #tpu.memory_space<vmem>>
    %dma_wait3A_176 = tpu.memref_slice %arg2[%mul3A_117] : memref<65536xf32, #tpu.memory_space<hbm>> -> memref<1024xf32, #tpu.memory_space<hbm>>
    %dma_wait3A_177 = arith.constant 1024 : i32
    %dma_wait3A_178 = tpu.memref_slice %arg5[%dma_wait3A_177] : memref<2048xf32, #tpu.memory_space<vmem>> -> memref<1024xf32, #tpu.memory_space<vmem>>
    %dma_wait3A_179 = tpu.memref_slice %arg2[%mul3A_117] : memref<65536xf32, #tpu.memory_space<hbm>> -> memref<1024xf32, #tpu.memory_space<hbm>>
    tpu.wait_dma2 semaphore(%arg8 : memref<!tpu.dma_semaphore, #tpu.memory_space<semaphore_mem>>) src(%dma_wait3A_179 : memref<1024xf32, #tpu.memory_space<hbm>>) dst(%dma_wait3A_178 : memref<1024xf32, #tpu.memory_space<vmem>>)
    %dma_wait3A_180 = arith.constant 1 : i32
    %dma_wait3A_181 = arith.constant 0 : i32
    %dma_wait3A_182 = tpu.memref_slice %arg7[%dma_wait3A_180, %dma_wait3A_181] : memref<2x1024xf32, #tpu.memory_space<vmem>> -> memref<1x1024xf32, #tpu.memory_space<vmem>>
    %dma_wait3A_183 = tpu.memref_squeeze %dma_wait3A_182 : memref<1x1024xf32, #tpu.memory_space<vmem>> -> memref<1024xf32, #tpu.memory_space<vmem>>
    %dma_wait3A_184 = arith.constant 0 : i32
    %dma_wait3A_185 = tpu.memref_slice %arg4[%select_n3A, %add3A_100, %dma_wait3A_184] : memref<16x64x1024xf32, #tpu.memory_space<hbm>> -> memref<1x1x1024xf32, #tpu.memory_space<hbm>>
    %dma_wait3A_186 = tpu.memref_squeeze %dma_wait3A_185 : memref<1x1x1024xf32, #tpu.memory_space<hbm>> -> memref<1024xf32, #tpu.memory_space<hbm>>
    %dma_wait3A_187 = arith.constant 0 : i32
    %dma_wait3A_188 = tpu.memref_slice %arg4[%select_n3A, %add3A_100, %dma_wait3A_187] : memref<16x64x1024xf32, #tpu.memory_space<hbm>> -> memref<1x1x1024xf32, #tpu.memory_space<hbm>>
    %dma_wait3A_189 = tpu.memref_squeeze %dma_wait3A_188 : memref<1x1x1024xf32, #tpu.memory_space<hbm>> -> memref<1024xf32, #tpu.memory_space<hbm>>
    %dma_wait3A_190 = arith.constant 0 : i32
    %dma_wait3A_191 = tpu.memref_slice %arg7[%dma_wait3A_180, %dma_wait3A_190] : memref<2x1024xf32, #tpu.memory_space<vmem>> -> memref<1x1024xf32, #tpu.memory_space<vmem>>
    %dma_wait3A_192 = tpu.memref_squeeze %dma_wait3A_191 : memref<1x1024xf32, #tpu.memory_space<vmem>> -> memref<1024xf32, #tpu.memory_space<vmem>>
    tpu.wait_dma2 semaphore(%arg9 : memref<!tpu.dma_semaphore, #tpu.memory_space<semaphore_mem>>) src(%dma_wait3A_192 : memref<1024xf32, #tpu.memory_space<vmem>>) dst(%dma_wait3A_189 : memref<1024xf32, #tpu.memory_space<hbm>>)
    %scan3A_193 = arith.constant 0 : i32
    %scan3A_194 = arith.constant 0 : i32
    %scan3A_195 = arith.constant 64 : i32
    %scan3A_196 = arith.addi %scan3A_194, %scan3A_195 : i32
    %scan3A_197 = arith.constant 1 : i32
    scf.for %scan3A_1630 = %scan3A_194 to %scan3A_196 step %scan3A_197  : i32 {
      %mul3A_1631 = arith.constant 16 : i32
      %mul3A_1632 = arith.muli %scan3A_1630, %mul3A_1631 : i32
      %get3A = arith.index_cast %mul3A_1632 : i32 to index
      %get3A_1633 = tpu.vector_load %arg6[%get3A] {strides = array<i32>} : memref<1024xi32, #tpu.memory_space<vmem>>, vector<16xi32>,
      %add3A_1634 = arith.constant 1024 : i32
      %add3A_1635 = vector.broadcast %add3A_1634 : i32 to vector<16xi32>
      %add3A_1636 = arith.addi %get3A_1633, %add3A_1635 : vector<16xi32>
      %gather3A = tpu.vector_load_idx %arg5[%add3A_1636] : memref<2048xf32, #tpu.memory_space<vmem>>[vector<16xi32>], vector<16xf32>,
      %mul3A_1637 = arith.constant 16 : i32
      %mul3A_1638 = arith.muli %scan3A_1630, %mul3A_1637 : i32
      %swap3A = arith.constant 1 : i32
      %swap3A_1639 = arith.index_cast %swap3A : i32 to index
      %swap3A_1640 = arith.index_cast %mul3A_1638 : i32 to index
      %swap3A_1641 = tpu.vector_load %arg7[%swap3A_1639, %swap3A_1640] {strides = array<i32>} : memref<2x1024xf32, #tpu.memory_space<vmem>>, vector<16xf32>,
      tpu.vector_store %arg7[%swap3A_1639, %swap3A_1640], %gather3A {strides = array<i32>} : memref<2x1024xf32, #tpu.memory_space<vmem>>, vector<16xf32>,
    }
    %scan3A_198 = arith.constant 64 : i32
    %add3A_199 = arith.constant 3 : i32
    %add3A_200 = arith.addi %mul3A_32, %add3A_199 : i32
    %dma_start3A_201 = arith.constant 1 : i32
    %dma_start3A_202 = arith.constant 0 : i32
    %dma_start3A_203 = tpu.memref_slice %arg7[%dma_start3A_201, %dma_start3A_202] : memref<2x1024xf32, #tpu.memory_space<vmem>> -> memref<1x1024xf32, #tpu.memory_space<vmem>>
    %dma_start3A_204 = tpu.memref_squeeze %dma_start3A_203 : memref<1x1024xf32, #tpu.memory_space<vmem>> -> memref<1024xf32, #tpu.memory_space<vmem>>
    %dma_start3A_205 = arith.constant 0 : i32
    %dma_start3A_206 = tpu.memref_slice %arg4[%select_n3A, %add3A_200, %dma_start3A_205] : memref<16x64x1024xf32, #tpu.memory_space<hbm>> -> memref<1x1x1024xf32, #tpu.memory_space<hbm>>
    %dma_start3A_207 = tpu.memref_squeeze %dma_start3A_206 : memref<1x1x1024xf32, #tpu.memory_space<hbm>> -> memref<1024xf32, #tpu.memory_space<hbm>>
    %dma_start3A_208 = arith.constant 0 : i32
    %dma_start3A_209 = tpu.memref_slice %arg4[%select_n3A, %add3A_200, %dma_start3A_208] : memref<16x64x1024xf32, #tpu.memory_space<hbm>> -> memref<1x1x1024xf32, #tpu.memory_space<hbm>>
    %dma_start3A_210 = tpu.memref_squeeze %dma_start3A_209 : memref<1x1x1024xf32, #tpu.memory_space<hbm>> -> memref<1024xf32, #tpu.memory_space<hbm>>
    %dma_start3A_211 = arith.constant 0 : i32
    %dma_start3A_212 = tpu.memref_slice %arg7[%dma_start3A_201, %dma_start3A_211] : memref<2x1024xf32, #tpu.memory_space<vmem>> -> memref<1x1024xf32, #tpu.memory_space<vmem>>
    %dma_start3A_213 = tpu.memref_squeeze %dma_start3A_212 : memref<1x1024xf32, #tpu.memory_space<vmem>> -> memref<1024xf32, #tpu.memory_space<vmem>>
    tpu.enqueue_dma source(%dma_start3A_213 : memref<1024xf32, #tpu.memory_space<vmem>>) target(%dma_start3A_210 : memref<1024xf32, #tpu.memory_space<hbm>>) target_semaphore(%arg9 : memref<!tpu.dma_semaphore, #tpu.memory_space<semaphore_mem>>)
    %add3A_214 = arith.constant 5 : i32
    %add3A_215 = arith.addi %mul3A_32, %add3A_214 : i32
    %mul3A_216 = arith.constant 1024 : i32
    %mul3A_217 = arith.muli %add3A_215, %mul3A_216 : i32
    %dma_start3A_218 = arith.constant 1024 : i32
    %dma_start3A_219 = tpu.memref_slice %arg5[%dma_start3A_218] : memref<2048xf32, #tpu.memory_space<vmem>> -> memref<1024xf32, #tpu.memory_space<vmem>>
    %dma_start3A_220 = tpu.memref_slice %arg2[%mul3A_217] : memref<65536xf32, #tpu.memory_space<hbm>> -> memref<1024xf32, #tpu.memory_space<hbm>>
    %dma_start3A_221 = arith.constant 1024 : i32
    %dma_start3A_222 = tpu.memref_slice %arg5[%dma_start3A_221] : memref<2048xf32, #tpu.memory_space<vmem>> -> memref<1024xf32, #tpu.memory_space<vmem>>
    %dma_start3A_223 = tpu.memref_slice %arg2[%mul3A_217] : memref<65536xf32, #tpu.memory_space<hbm>> -> memref<1024xf32, #tpu.memory_space<hbm>>
    tpu.enqueue_dma source(%dma_start3A_223 : memref<1024xf32, #tpu.memory_space<hbm>>) target(%dma_start3A_222 : memref<1024xf32, #tpu.memory_space<vmem>>) target_semaphore(%arg8 : memref<!tpu.dma_semaphore, #tpu.memory_space<semaphore_mem>>)
    %dma_wait3A_224 = arith.constant 0 : i32
    %dma_wait3A_225 = tpu.memref_slice %arg5[%dma_wait3A_224] : memref<2048xf32, #tpu.memory_space<vmem>> -> memref<1024xf32, #tpu.memory_space<vmem>>
    %dma_wait3A_226 = tpu.memref_slice %arg2[%mul3A_167] : memref<65536xf32, #tpu.memory_space<hbm>> -> memref<1024xf32, #tpu.memory_space<hbm>>
    %dma_wait3A_227 = arith.constant 0 : i32
    %dma_wait3A_228 = tpu.memref_slice %arg5[%dma_wait3A_227] : memref<2048xf32, #tpu.memory_space<vmem>> -> memref<1024xf32, #tpu.memory_space<vmem>>
    %dma_wait3A_229 = tpu.memref_slice %arg2[%mul3A_167] : memref<65536xf32, #tpu.memory_space<hbm>> -> memref<1024xf32, #tpu.memory_space<hbm>>
    tpu.wait_dma2 semaphore(%arg8 : memref<!tpu.dma_semaphore, #tpu.memory_space<semaphore_mem>>) src(%dma_wait3A_229 : memref<1024xf32, #tpu.memory_space<hbm>>) dst(%dma_wait3A_228 : memref<1024xf32, #tpu.memory_space<vmem>>)
    %dma_wait3A_230 = arith.constant 0 : i32
    %dma_wait3A_231 = arith.constant 0 : i32
    %dma_wait3A_232 = tpu.memref_slice %arg7[%dma_wait3A_230, %dma_wait3A_231] : memref<2x1024xf32, #tpu.memory_space<vmem>> -> memref<1x1024xf32, #tpu.memory_space<vmem>>
    %dma_wait3A_233 = tpu.memref_squeeze %dma_wait3A_232 : memref<1x1024xf32, #tpu.memory_space<vmem>> -> memref<1024xf32, #tpu.memory_space<vmem>>
    %dma_wait3A_234 = arith.constant 0 : i32
    %dma_wait3A_235 = tpu.memref_slice %arg4[%select_n3A, %add3A_150, %dma_wait3A_234] : memref<16x64x1024xf32, #tpu.memory_space<hbm>> -> memref<1x1x1024xf32, #tpu.memory_space<hbm>>
    %dma_wait3A_236 = tpu.memref_squeeze %dma_wait3A_235 : memref<1x1x1024xf32, #tpu.memory_space<hbm>> -> memref<1024xf32, #tpu.memory_space<hbm>>
    %dma_wait3A_237 = arith.constant 0 : i32
    %dma_wait3A_238 = tpu.memref_slice %arg4[%select_n3A, %add3A_150, %dma_wait3A_237] : memref<16x64x1024xf32, #tpu.memory_space<hbm>> -> memref<1x1x1024xf32, #tpu.memory_space<hbm>>
    %dma_wait3A_239 = tpu.memref_squeeze %dma_wait3A_238 : memref<1x1x1024xf32, #tpu.memory_space<hbm>> -> memref<1024xf32, #tpu.memory_space<hbm>>
    %dma_wait3A_240 = arith.constant 0 : i32
    %dma_wait3A_241 = tpu.memref_slice %arg7[%dma_wait3A_230, %dma_wait3A_240] : memref<2x1024xf32, #tpu.memory_space<vmem>> -> memref<1x1024xf32, #tpu.memory_space<vmem>>
    %dma_wait3A_242 = tpu.memref_squeeze %dma_wait3A_241 : memref<1x1024xf32, #tpu.memory_space<vmem>> -> memref<1024xf32, #tpu.memory_space<vmem>>
    tpu.wait_dma2 semaphore(%arg9 : memref<!tpu.dma_semaphore, #tpu.memory_space<semaphore_mem>>) src(%dma_wait3A_242 : memref<1024xf32, #tpu.memory_space<vmem>>) dst(%dma_wait3A_239 : memref<1024xf32, #tpu.memory_space<hbm>>)
    %scan3A_243 = arith.constant 0 : i32
    %scan3A_244 = arith.constant 0 : i32
    %scan3A_245 = arith.constant 64 : i32
    %scan3A_246 = arith.addi %scan3A_244, %scan3A_245 : i32
    %scan3A_247 = arith.constant 1 : i32
    scf.for %scan3A_1630 = %scan3A_244 to %scan3A_246 step %scan3A_247  : i32 {
      %mul3A_1631 = arith.constant 16 : i32
      %mul3A_1632 = arith.muli %scan3A_1630, %mul3A_1631 : i32
      %get3A = arith.index_cast %mul3A_1632 : i32 to index
      %get3A_1633 = tpu.vector_load %arg6[%get3A] {strides = array<i32>} : memref<1024xi32, #tpu.memory_space<vmem>>, vector<16xi32>,
      %add3A_1634 = arith.constant 0 : i32
      %add3A_1635 = vector.broadcast %add3A_1634 : i32 to vector<16xi32>
      %add3A_1636 = arith.addi %get3A_1633, %add3A_1635 : vector<16xi32>
      %gather3A = tpu.vector_load_idx %arg5[%add3A_1636] : memref<2048xf32, #tpu.memory_space<vmem>>[vector<16xi32>], vector<16xf32>,
      %mul3A_1637 = arith.constant 16 : i32
      %mul3A_1638 = arith.muli %scan3A_1630, %mul3A_1637 : i32
      %swap3A = arith.constant 0 : i32
      %swap3A_1639 = arith.index_cast %swap3A : i32 to index
      %swap3A_1640 = arith.index_cast %mul3A_1638 : i32 to index
      %swap3A_1641 = tpu.vector_load %arg7[%swap3A_1639, %swap3A_1640] {strides = array<i32>} : memref<2x1024xf32, #tpu.memory_space<vmem>>, vector<16xf32>,
      tpu.vector_store %arg7[%swap3A_1639, %swap3A_1640], %gather3A {strides = array<i32>} : memref<2x1024xf32, #tpu.memory_space<vmem>>, vector<16xf32>,
    }
    %scan3A_248 = arith.constant 64 : i32
    %add3A_249 = arith.constant 4 : i32
    %add3A_250 = arith.addi %mul3A_32, %add3A_249 : i32
    %dma_start3A_251 = arith.constant 0 : i32
    %dma_start3A_252 = arith.constant 0 : i32
    %dma_start3A_253 = tpu.memref_slice %arg7[%dma_start3A_251, %dma_start3A_252] : memref<2x1024xf32, #tpu.memory_space<vmem>> -> memref<1x1024xf32, #tpu.memory_space<vmem>>
    %dma_start3A_254 = tpu.memref_squeeze %dma_start3A_253 : memref<1x1024xf32, #tpu.memory_space<vmem>> -> memref<1024xf32, #tpu.memory_space<vmem>>
    %dma_start3A_255 = arith.constant 0 : i32
    %dma_start3A_256 = tpu.memref_slice %arg4[%select_n3A, %add3A_250, %dma_start3A_255] : memref<16x64x1024xf32, #tpu.memory_space<hbm>> -> memref<1x1x1024xf32, #tpu.memory_space<hbm>>
    %dma_start3A_257 = tpu.memref_squeeze %dma_start3A_256 : memref<1x1x1024xf32, #tpu.memory_space<hbm>> -> memref<1024xf32, #tpu.memory_space<hbm>>
    %dma_start3A_258 = arith.constant 0 : i32
    %dma_start3A_259 = tpu.memref_slice %arg4[%select_n3A, %add3A_250, %dma_start3A_258] : memref<16x64x1024xf32, #tpu.memory_space<hbm>> -> memref<1x1x1024xf32, #tpu.memory_space<hbm>>
    %dma_start3A_260 = tpu.memref_squeeze %dma_start3A_259 : memref<1x1x1024xf32, #tpu.memory_space<hbm>> -> memref<1024xf32, #tpu.memory_space<hbm>>
    %dma_start3A_261 = arith.constant 0 : i32
    %dma_start3A_262 = tpu.memref_slice %arg7[%dma_start3A_251, %dma_start3A_261] : memref<2x1024xf32, #tpu.memory_space<vmem>> -> memref<1x1024xf32, #tpu.memory_space<vmem>>
    %dma_start3A_263 = tpu.memref_squeeze %dma_start3A_262 : memref<1x1024xf32, #tpu.memory_space<vmem>> -> memref<1024xf32, #tpu.memory_space<vmem>>
    tpu.enqueue_dma source(%dma_start3A_263 : memref<1024xf32, #tpu.memory_space<vmem>>) target(%dma_start3A_260 : memref<1024xf32, #tpu.memory_space<hbm>>) target_semaphore(%arg9 : memref<!tpu.dma_semaphore, #tpu.memory_space<semaphore_mem>>)
    %add3A_264 = arith.constant 6 : i32
    %add3A_265 = arith.addi %mul3A_32, %add3A_264 : i32
    %mul3A_266 = arith.constant 1024 : i32
    %mul3A_267 = arith.muli %add3A_265, %mul3A_266 : i32
    %dma_start3A_268 = arith.constant 0 : i32
    %dma_start3A_269 = tpu.memref_slice %arg5[%dma_start3A_268] : memref<2048xf32, #tpu.memory_space<vmem>> -> memref<1024xf32, #tpu.memory_space<vmem>>
    %dma_start3A_270 = tpu.memref_slice %arg2[%mul3A_267] : memref<65536xf32, #tpu.memory_space<hbm>> -> memref<1024xf32, #tpu.memory_space<hbm>>
    %dma_start3A_271 = arith.constant 0 : i32
    %dma_start3A_272 = tpu.memref_slice %arg5[%dma_start3A_271] : memref<2048xf32, #tpu.memory_space<vmem>> -> memref<1024xf32, #tpu.memory_space<vmem>>
    %dma_start3A_273 = tpu.memref_slice %arg2[%mul3A_267] : memref<65536xf32, #tpu.memory_space<hbm>> -> memref<1024xf32, #tpu.memory_space<hbm>>
    tpu.enqueue_dma source(%dma_start3A_273 : memref<1024xf32, #tpu.memory_space<hbm>>) target(%dma_start3A_272 : memref<1024xf32, #tpu.memory_space<vmem>>) target_semaphore(%arg8 : memref<!tpu.dma_semaphore, #tpu.memory_space<semaphore_mem>>)
    %dma_wait3A_274 = arith.constant 1024 : i32
    %dma_wait3A_275 = tpu.memref_slice %arg5[%dma_wait3A_274] : memref<2048xf32, #tpu.memory_space<vmem>> -> memref<1024xf32, #tpu.memory_space<vmem>>
    %dma_wait3A_276 = tpu.memref_slice %arg2[%mul3A_217] : memref<65536xf32, #tpu.memory_space<hbm>> -> memref<1024xf32, #tpu.memory_space<hbm>>
    %dma_wait3A_277 = arith.constant 1024 : i32
    %dma_wait3A_278 = tpu.memref_slice %arg5[%dma_wait3A_277] : memref<2048xf32, #tpu.memory_space<vmem>> -> memref<1024xf32, #tpu.memory_space<vmem>>
    %dma_wait3A_279 = tpu.memref_slice %arg2[%mul3A_217] : memref<65536xf32, #tpu.memory_space<hbm>> -> memref<1024xf32, #tpu.memory_space<hbm>>
    tpu.wait_dma2 semaphore(%arg8 : memref<!tpu.dma_semaphore, #tpu.memory_space<semaphore_mem>>) src(%dma_wait3A_279 : memref<1024xf32, #tpu.memory_space<hbm>>) dst(%dma_wait3A_278 : memref<1024xf32, #tpu.memory_space<vmem>>)
    %dma_wait3A_280 = arith.constant 1 : i32
    %dma_wait3A_281 = arith.constant 0 : i32
    %dma_wait3A_282 = tpu.memref_slice %arg7[%dma_wait3A_280, %dma_wait3A_281] : memref<2x1024xf32, #tpu.memory_space<vmem>> -> memref<1x1024xf32, #tpu.memory_space<vmem>>
    %dma_wait3A_283 = tpu.memref_squeeze %dma_wait3A_282 : memref<1x1024xf32, #tpu.memory_space<vmem>> -> memref<1024xf32, #tpu.memory_space<vmem>>
    %dma_wait3A_284 = arith.constant 0 : i32
    %dma_wait3A_285 = tpu.memref_slice %arg4[%select_n3A, %add3A_200, %dma_wait3A_284] : memref<16x64x1024xf32, #tpu.memory_space<hbm>> -> memref<1x1x1024xf32, #tpu.memory_space<hbm>>
    %dma_wait3A_286 = tpu.memref_squeeze %dma_wait3A_285 : memref<1x1x1024xf32, #tpu.memory_space<hbm>> -> memref<1024xf32, #tpu.memory_space<hbm>>
    %dma_wait3A_287 = arith.constant 0 : i32
    %dma_wait3A_288 = tpu.memref_slice %arg4[%select_n3A, %add3A_200, %dma_wait3A_287] : memref<16x64x1024xf32, #tpu.memory_space<hbm>> -> memref<1x1x1024xf32, #tpu.memory_space<hbm>>
    %dma_wait3A_289 = tpu.memref_squeeze %dma_wait3A_288 : memref<1x1x1024xf32, #tpu.memory_space<hbm>> -> memref<1024xf32, #tpu.memory_space<hbm>>
    %dma_wait3A_290 = arith.constant 0 : i32
    %dma_wait3A_291 = tpu.memref_slice %arg7[%dma_wait3A_280, %dma_wait3A_290] : memref<2x1024xf32, #tpu.memory_space<vmem>> -> memref<1x1024xf32, #tpu.memory_space<vmem>>
    %dma_wait3A_292 = tpu.memref_squeeze %dma_wait3A_291 : memref<1x1024xf32, #tpu.memory_space<vmem>> -> memref<1024xf32, #tpu.memory_space<vmem>>
    tpu.wait_dma2 semaphore(%arg9 : memref<!tpu.dma_semaphore, #tpu.memory_space<semaphore_mem>>) src(%dma_wait3A_292 : memref<1024xf32, #tpu.memory_space<vmem>>) dst(%dma_wait3A_289 : memref<1024xf32, #tpu.memory_space<hbm>>)
    %scan3A_293 = arith.constant 0 : i32
    %scan3A_294 = arith.constant 0 : i32
    %scan3A_295 = arith.constant 64 : i32
    %scan3A_296 = arith.addi %scan3A_294, %scan3A_295 : i32
    %scan3A_297 = arith.constant 1 : i32
    scf.for %scan3A_1630 = %scan3A_294 to %scan3A_296 step %scan3A_297  : i32 {
      %mul3A_1631 = arith.constant 16 : i32
      %mul3A_1632 = arith.muli %scan3A_1630, %mul3A_1631 : i32
      %get3A = arith.index_cast %mul3A_1632 : i32 to index
      %get3A_1633 = tpu.vector_load %arg6[%get3A] {strides = array<i32>} : memref<1024xi32, #tpu.memory_space<vmem>>, vector<16xi32>,
      %add3A_1634 = arith.constant 1024 : i32
      %add3A_1635 = vector.broadcast %add3A_1634 : i32 to vector<16xi32>
      %add3A_1636 = arith.addi %get3A_1633, %add3A_1635 : vector<16xi32>
      %gather3A = tpu.vector_load_idx %arg5[%add3A_1636] : memref<2048xf32, #tpu.memory_space<vmem>>[vector<16xi32>], vector<16xf32>,
      %mul3A_1637 = arith.constant 16 : i32
      %mul3A_1638 = arith.muli %scan3A_1630, %mul3A_1637 : i32
      %swap3A = arith.constant 1 : i32
      %swap3A_1639 = arith.index_cast %swap3A : i32 to index
      %swap3A_1640 = arith.index_cast %mul3A_1638 : i32 to index
      %swap3A_1641 = tpu.vector_load %arg7[%swap3A_1639, %swap3A_1640] {strides = array<i32>} : memref<2x1024xf32, #tpu.memory_space<vmem>>, vector<16xf32>,
      tpu.vector_store %arg7[%swap3A_1639, %swap3A_1640], %gather3A {strides = array<i32>} : memref<2x1024xf32, #tpu.memory_space<vmem>>, vector<16xf32>,
    }
    %scan3A_298 = arith.constant 64 : i32
    %add3A_299 = arith.constant 5 : i32
    %add3A_300 = arith.addi %mul3A_32, %add3A_299 : i32
    %dma_start3A_301 = arith.constant 1 : i32
    %dma_start3A_302 = arith.constant 0 : i32
    %dma_start3A_303 = tpu.memref_slice %arg7[%dma_start3A_301, %dma_start3A_302] : memref<2x1024xf32, #tpu.memory_space<vmem>> -> memref<1x1024xf32, #tpu.memory_space<vmem>>
    %dma_start3A_304 = tpu.memref_squeeze %dma_start3A_303 : memref<1x1024xf32, #tpu.memory_space<vmem>> -> memref<1024xf32, #tpu.memory_space<vmem>>
    %dma_start3A_305 = arith.constant 0 : i32
    %dma_start3A_306 = tpu.memref_slice %arg4[%select_n3A, %add3A_300, %dma_start3A_305] : memref<16x64x1024xf32, #tpu.memory_space<hbm>> -> memref<1x1x1024xf32, #tpu.memory_space<hbm>>
    %dma_start3A_307 = tpu.memref_squeeze %dma_start3A_306 : memref<1x1x1024xf32, #tpu.memory_space<hbm>> -> memref<1024xf32, #tpu.memory_space<hbm>>
    %dma_start3A_308 = arith.constant 0 : i32
    %dma_start3A_309 = tpu.memref_slice %arg4[%select_n3A, %add3A_300, %dma_start3A_308] : memref<16x64x1024xf32, #tpu.memory_space<hbm>> -> memref<1x1x1024xf32, #tpu.memory_space<hbm>>
    %dma_start3A_310 = tpu.memref_squeeze %dma_start3A_309 : memref<1x1x1024xf32, #tpu.memory_space<hbm>> -> memref<1024xf32, #tpu.memory_space<hbm>>
    %dma_start3A_311 = arith.constant 0 : i32
    %dma_start3A_312 = tpu.memref_slice %arg7[%dma_start3A_301, %dma_start3A_311] : memref<2x1024xf32, #tpu.memory_space<vmem>> -> memref<1x1024xf32, #tpu.memory_space<vmem>>
    %dma_start3A_313 = tpu.memref_squeeze %dma_start3A_312 : memref<1x1024xf32, #tpu.memory_space<vmem>> -> memref<1024xf32, #tpu.memory_space<vmem>>
    tpu.enqueue_dma source(%dma_start3A_313 : memref<1024xf32, #tpu.memory_space<vmem>>) target(%dma_start3A_310 : memref<1024xf32, #tpu.memory_space<hbm>>) target_semaphore(%arg9 : memref<!tpu.dma_semaphore, #tpu.memory_space<semaphore_mem>>)
    %add3A_314 = arith.constant 7 : i32
    %add3A_315 = arith.addi %mul3A_32, %add3A_314 : i32
    %mul3A_316 = arith.constant 1024 : i32
    %mul3A_317 = arith.muli %add3A_315, %mul3A_316 : i32
    %dma_start3A_318 = arith.constant 1024 : i32
    %dma_start3A_319 = tpu.memref_slice %arg5[%dma_start3A_318] : memref<2048xf32, #tpu.memory_space<vmem>> -> memref<1024xf32, #tpu.memory_space<vmem>>
    %dma_start3A_320 = tpu.memref_slice %arg2[%mul3A_317] : memref<65536xf32, #tpu.memory_space<hbm>> -> memref<1024xf32, #tpu.memory_space<hbm>>
    %dma_start3A_321 = arith.constant 1024 : i32
    %dma_start3A_322 = tpu.memref_slice %arg5[%dma_start3A_321] : memref<2048xf32, #tpu.memory_space<vmem>> -> memref<1024xf32, #tpu.memory_space<vmem>>
    %dma_start3A_323 = tpu.memref_slice %arg2[%mul3A_317] : memref<65536xf32, #tpu.memory_space<hbm>> -> memref<1024xf32, #tpu.memory_space<hbm>>
    tpu.enqueue_dma source(%dma_start3A_323 : memref<1024xf32, #tpu.memory_space<hbm>>) target(%dma_start3A_322 : memref<1024xf32, #tpu.memory_space<vmem>>) target_semaphore(%arg8 : memref<!tpu.dma_semaphore, #tpu.memory_space<semaphore_mem>>)
    %dma_wait3A_324 = arith.constant 0 : i32
    %dma_wait3A_325 = tpu.memref_slice %arg5[%dma_wait3A_324] : memref<2048xf32, #tpu.memory_space<vmem>> -> memref<1024xf32, #tpu.memory_space<vmem>>
    %dma_wait3A_326 = tpu.memref_slice %arg2[%mul3A_267] : memref<65536xf32, #tpu.memory_space<hbm>> -> memref<1024xf32, #tpu.memory_space<hbm>>
    %dma_wait3A_327 = arith.constant 0 : i32
    %dma_wait3A_328 = tpu.memref_slice %arg5[%dma_wait3A_327] : memref<2048xf32, #tpu.memory_space<vmem>> -> memref<1024xf32, #tpu.memory_space<vmem>>
    %dma_wait3A_329 = tpu.memref_slice %arg2[%mul3A_267] : memref<65536xf32, #tpu.memory_space<hbm>> -> memref<1024xf32, #tpu.memory_space<hbm>>
    tpu.wait_dma2 semaphore(%arg8 : memref<!tpu.dma_semaphore, #tpu.memory_space<semaphore_mem>>) src(%dma_wait3A_329 : memref<1024xf32, #tpu.memory_space<hbm>>) dst(%dma_wait3A_328 : memref<1024xf32, #tpu.memory_space<vmem>>)
    %dma_wait3A_330 = arith.constant 0 : i32
    %dma_wait3A_331 = arith.constant 0 : i32
    %dma_wait3A_332 = tpu.memref_slice %arg7[%dma_wait3A_330, %dma_wait3A_331] : memref<2x1024xf32, #tpu.memory_space<vmem>> -> memref<1x1024xf32, #tpu.memory_space<vmem>>
    %dma_wait3A_333 = tpu.memref_squeeze %dma_wait3A_332 : memref<1x1024xf32, #tpu.memory_space<vmem>> -> memref<1024xf32, #tpu.memory_space<vmem>>
    %dma_wait3A_334 = arith.constant 0 : i32
    %dma_wait3A_335 = tpu.memref_slice %arg4[%select_n3A, %add3A_250, %dma_wait3A_334] : memref<16x64x1024xf32, #tpu.memory_space<hbm>> -> memref<1x1x1024xf32, #tpu.memory_space<hbm>>
    %dma_wait3A_336 = tpu.memref_squeeze %dma_wait3A_335 : memref<1x1x1024xf32, #tpu.memory_space<hbm>> -> memref<1024xf32, #tpu.memory_space<hbm>>
    %dma_wait3A_337 = arith.constant 0 : i32
    %dma_wait3A_338 = tpu.memref_slice %arg4[%select_n3A, %add3A_250, %dma_wait3A_337] : memref<16x64x1024xf32, #tpu.memory_space<hbm>> -> memref<1x1x1024xf32, #tpu.memory_space<hbm>>
    %dma_wait3A_339 = tpu.memref_squeeze %dma_wait3A_338 : memref<1x1x1024xf32, #tpu.memory_space<hbm>> -> memref<1024xf32, #tpu.memory_space<hbm>>
    %dma_wait3A_340 = arith.constant 0 : i32
    %dma_wait3A_341 = tpu.memref_slice %arg7[%dma_wait3A_330, %dma_wait3A_340] : memref<2x1024xf32, #tpu.memory_space<vmem>> -> memref<1x1024xf32, #tpu.memory_space<vmem>>
    %dma_wait3A_342 = tpu.memref_squeeze %dma_wait3A_341 : memref<1x1024xf32, #tpu.memory_space<vmem>> -> memref<1024xf32, #tpu.memory_space<vmem>>
    tpu.wait_dma2 semaphore(%arg9 : memref<!tpu.dma_semaphore, #tpu.memory_space<semaphore_mem>>) src(%dma_wait3A_342 : memref<1024xf32, #tpu.memory_space<vmem>>) dst(%dma_wait3A_339 : memref<1024xf32, #tpu.memory_space<hbm>>)
    %scan3A_343 = arith.constant 0 : i32
    %scan3A_344 = arith.constant 0 : i32
    %scan3A_345 = arith.constant 64 : i32
    %scan3A_346 = arith.addi %scan3A_344, %scan3A_345 : i32
    %scan3A_347 = arith.constant 1 : i32
    scf.for %scan3A_1630 = %scan3A_344 to %scan3A_346 step %scan3A_347  : i32 {
      %mul3A_1631 = arith.constant 16 : i32
      %mul3A_1632 = arith.muli %scan3A_1630, %mul3A_1631 : i32
      %get3A = arith.index_cast %mul3A_1632 : i32 to index
      %get3A_1633 = tpu.vector_load %arg6[%get3A] {strides = array<i32>} : memref<1024xi32, #tpu.memory_space<vmem>>, vector<16xi32>,
      %add3A_1634 = arith.constant 0 : i32
      %add3A_1635 = vector.broadcast %add3A_1634 : i32 to vector<16xi32>
      %add3A_1636 = arith.addi %get3A_1633, %add3A_1635 : vector<16xi32>
      %gather3A = tpu.vector_load_idx %arg5[%add3A_1636] : memref<2048xf32, #tpu.memory_space<vmem>>[vector<16xi32>], vector<16xf32>,
      %mul3A_1637 = arith.constant 16 : i32
      %mul3A_1638 = arith.muli %scan3A_1630, %mul3A_1637 : i32
      %swap3A = arith.constant 0 : i32
      %swap3A_1639 = arith.index_cast %swap3A : i32 to index
      %swap3A_1640 = arith.index_cast %mul3A_1638 : i32 to index
      %swap3A_1641 = tpu.vector_load %arg7[%swap3A_1639, %swap3A_1640] {strides = array<i32>} : memref<2x1024xf32, #tpu.memory_space<vmem>>, vector<16xf32>,
      tpu.vector_store %arg7[%swap3A_1639, %swap3A_1640], %gather3A {strides = array<i32>} : memref<2x1024xf32, #tpu.memory_space<vmem>>, vector<16xf32>,
    }
    %scan3A_348 = arith.constant 64 : i32
    %add3A_349 = arith.constant 6 : i32
    %add3A_350 = arith.addi %mul3A_32, %add3A_349 : i32
    %dma_start3A_351 = arith.constant 0 : i32
    %dma_start3A_352 = arith.constant 0 : i32
    %dma_start3A_353 = tpu.memref_slice %arg7[%dma_start3A_351, %dma_start3A_352] : memref<2x1024xf32, #tpu.memory_space<vmem>> -> memref<1x1024xf32, #tpu.memory_space<vmem>>
    %dma_start3A_354 = tpu.memref_squeeze %dma_start3A_353 : memref<1x1024xf32, #tpu.memory_space<vmem>> -> memref<1024xf32, #tpu.memory_space<vmem>>
    %dma_start3A_355 = arith.constant 0 : i32
    %dma_start3A_356 = tpu.memref_slice %arg4[%select_n3A, %add3A_350, %dma_start3A_355] : memref<16x64x1024xf32, #tpu.memory_space<hbm>> -> memref<1x1x1024xf32, #tpu.memory_space<hbm>>
    %dma_start3A_357 = tpu.memref_squeeze %dma_start3A_356 : memref<1x1x1024xf32, #tpu.memory_space<hbm>> -> memref<1024xf32, #tpu.memory_space<hbm>>
    %dma_start3A_358 = arith.constant 0 : i32
    %dma_start3A_359 = tpu.memref_slice %arg4[%select_n3A, %add3A_350, %dma_start3A_358] : memref<16x64x1024xf32, #tpu.memory_space<hbm>> -> memref<1x1x1024xf32, #tpu.memory_space<hbm>>
    %dma_start3A_360 = tpu.memref_squeeze %dma_start3A_359 : memref<1x1x1024xf32, #tpu.memory_space<hbm>> -> memref<1024xf32, #tpu.memory_space<hbm>>
    %dma_start3A_361 = arith.constant 0 : i32
    %dma_start3A_362 = tpu.memref_slice %arg7[%dma_start3A_351, %dma_start3A_361] : memref<2x1024xf32, #tpu.memory_space<vmem>> -> memref<1x1024xf32, #tpu.memory_space<vmem>>
    %dma_start3A_363 = tpu.memref_squeeze %dma_start3A_362 : memref<1x1024xf32, #tpu.memory_space<vmem>> -> memref<1024xf32, #tpu.memory_space<vmem>>
    tpu.enqueue_dma source(%dma_start3A_363 : memref<1024xf32, #tpu.memory_space<vmem>>) target(%dma_start3A_360 : memref<1024xf32, #tpu.memory_space<hbm>>) target_semaphore(%arg9 : memref<!tpu.dma_semaphore, #tpu.memory_space<semaphore_mem>>)
    %add3A_364 = arith.constant 8 : i32
    %add3A_365 = arith.addi %mul3A_32, %add3A_364 : i32
    %mul3A_366 = arith.constant 1024 : i32
    %mul3A_367 = arith.muli %add3A_365, %mul3A_366 : i32
    %dma_start3A_368 = arith.constant 0 : i32
    %dma_start3A_369 = tpu.memref_slice %arg5[%dma_start3A_368] : memref<2048xf32, #tpu.memory_space<vmem>> -> memref<1024xf32, #tpu.memory_space<vmem>>
    %dma_start3A_370 = tpu.memref_slice %arg2[%mul3A_367] : memref<65536xf32, #tpu.memory_space<hbm>> -> memref<1024xf32, #tpu.memory_space<hbm>>
    %dma_start3A_371 = arith.constant 0 : i32
    %dma_start3A_372 = tpu.memref_slice %arg5[%dma_start3A_371] : memref<2048xf32, #tpu.memory_space<vmem>> -> memref<1024xf32, #tpu.memory_space<vmem>>
    %dma_start3A_373 = tpu.memref_slice %arg2[%mul3A_367] : memref<65536xf32, #tpu.memory_space<hbm>> -> memref<1024xf32, #tpu.memory_space<hbm>>
    tpu.enqueue_dma source(%dma_start3A_373 : memref<1024xf32, #tpu.memory_space<hbm>>) target(%dma_start3A_372 : memref<1024xf32, #tpu.memory_space<vmem>>) target_semaphore(%arg8 : memref<!tpu.dma_semaphore, #tpu.memory_space<semaphore_mem>>)
    %dma_wait3A_374 = arith.constant 1024 : i32
    %dma_wait3A_375 = tpu.memref_slice %arg5[%dma_wait3A_374] : memref<2048xf32, #tpu.memory_space<vmem>> -> memref<1024xf32, #tpu.memory_space<vmem>>
    %dma_wait3A_376 = tpu.memref_slice %arg2[%mul3A_317] : memref<65536xf32, #tpu.memory_space<hbm>> -> memref<1024xf32, #tpu.memory_space<hbm>>
    %dma_wait3A_377 = arith.constant 1024 : i32
    %dma_wait3A_378 = tpu.memref_slice %arg5[%dma_wait3A_377] : memref<2048xf32, #tpu.memory_space<vmem>> -> memref<1024xf32, #tpu.memory_space<vmem>>
    %dma_wait3A_379 = tpu.memref_slice %arg2[%mul3A_317] : memref<65536xf32, #tpu.memory_space<hbm>> -> memref<1024xf32, #tpu.memory_space<hbm>>
    tpu.wait_dma2 semaphore(%arg8 : memref<!tpu.dma_semaphore, #tpu.memory_space<semaphore_mem>>) src(%dma_wait3A_379 : memref<1024xf32, #tpu.memory_space<hbm>>) dst(%dma_wait3A_378 : memref<1024xf32, #tpu.memory_space<vmem>>)
    %dma_wait3A_380 = arith.constant 1 : i32
    %dma_wait3A_381 = arith.constant 0 : i32
    %dma_wait3A_382 = tpu.memref_slice %arg7[%dma_wait3A_380, %dma_wait3A_381] : memref<2x1024xf32, #tpu.memory_space<vmem>> -> memref<1x1024xf32, #tpu.memory_space<vmem>>
    %dma_wait3A_383 = tpu.memref_squeeze %dma_wait3A_382 : memref<1x1024xf32, #tpu.memory_space<vmem>> -> memref<1024xf32, #tpu.memory_space<vmem>>
    %dma_wait3A_384 = arith.constant 0 : i32
    %dma_wait3A_385 = tpu.memref_slice %arg4[%select_n3A, %add3A_300, %dma_wait3A_384] : memref<16x64x1024xf32, #tpu.memory_space<hbm>> -> memref<1x1x1024xf32, #tpu.memory_space<hbm>>
    %dma_wait3A_386 = tpu.memref_squeeze %dma_wait3A_385 : memref<1x1x1024xf32, #tpu.memory_space<hbm>> -> memref<1024xf32, #tpu.memory_space<hbm>>
    %dma_wait3A_387 = arith.constant 0 : i32
    %dma_wait3A_388 = tpu.memref_slice %arg4[%select_n3A, %add3A_300, %dma_wait3A_387] : memref<16x64x1024xf32, #tpu.memory_space<hbm>> -> memref<1x1x1024xf32, #tpu.memory_space<hbm>>
    %dma_wait3A_389 = tpu.memref_squeeze %dma_wait3A_388 : memref<1x1x1024xf32, #tpu.memory_space<hbm>> -> memref<1024xf32, #tpu.memory_space<hbm>>
    %dma_wait3A_390 = arith.constant 0 : i32
    %dma_wait3A_391 = tpu.memref_slice %arg7[%dma_wait3A_380, %dma_wait3A_390] : memref<2x1024xf32, #tpu.memory_space<vmem>> -> memref<1x1024xf32, #tpu.memory_space<vmem>>
    %dma_wait3A_392 = tpu.memref_squeeze %dma_wait3A_391 : memref<1x1024xf32, #tpu.memory_space<vmem>> -> memref<1024xf32, #tpu.memory_space<vmem>>
    tpu.wait_dma2 semaphore(%arg9 : memref<!tpu.dma_semaphore, #tpu.memory_space<semaphore_mem>>) src(%dma_wait3A_392 : memref<1024xf32, #tpu.memory_space<vmem>>) dst(%dma_wait3A_389 : memref<1024xf32, #tpu.memory_space<hbm>>)
    %scan3A_393 = arith.constant 0 : i32
    %scan3A_394 = arith.constant 0 : i32
    %scan3A_395 = arith.constant 64 : i32
    %scan3A_396 = arith.addi %scan3A_394, %scan3A_395 : i32
    %scan3A_397 = arith.constant 1 : i32
    scf.for %scan3A_1630 = %scan3A_394 to %scan3A_396 step %scan3A_397  : i32 {
      %mul3A_1631 = arith.constant 16 : i32
      %mul3A_1632 = arith.muli %scan3A_1630, %mul3A_1631 : i32
      %get3A = arith.index_cast %mul3A_1632 : i32 to index
      %get3A_1633 = tpu.vector_load %arg6[%get3A] {strides = array<i32>} : memref<1024xi32, #tpu.memory_space<vmem>>, vector<16xi32>,
      %add3A_1634 = arith.constant 1024 : i32
      %add3A_1635 = vector.broadcast %add3A_1634 : i32 to vector<16xi32>
      %add3A_1636 = arith.addi %get3A_1633, %add3A_1635 : vector<16xi32>
      %gather3A = tpu.vector_load_idx %arg5[%add3A_1636] : memref<2048xf32, #tpu.memory_space<vmem>>[vector<16xi32>], vector<16xf32>,
      %mul3A_1637 = arith.constant 16 : i32
      %mul3A_1638 = arith.muli %scan3A_1630, %mul3A_1637 : i32
      %swap3A = arith.constant 1 : i32
      %swap3A_1639 = arith.index_cast %swap3A : i32 to index
      %swap3A_1640 = arith.index_cast %mul3A_1638 : i32 to index
      %swap3A_1641 = tpu.vector_load %arg7[%swap3A_1639, %swap3A_1640] {strides = array<i32>} : memref<2x1024xf32, #tpu.memory_space<vmem>>, vector<16xf32>,
      tpu.vector_store %arg7[%swap3A_1639, %swap3A_1640], %gather3A {strides = array<i32>} : memref<2x1024xf32, #tpu.memory_space<vmem>>, vector<16xf32>,
    }
    %scan3A_398 = arith.constant 64 : i32
    %add3A_399 = arith.constant 7 : i32
    %add3A_400 = arith.addi %mul3A_32, %add3A_399 : i32
    %dma_start3A_401 = arith.constant 1 : i32
    %dma_start3A_402 = arith.constant 0 : i32
    %dma_start3A_403 = tpu.memref_slice %arg7[%dma_start3A_401, %dma_start3A_402] : memref<2x1024xf32, #tpu.memory_space<vmem>> -> memref<1x1024xf32, #tpu.memory_space<vmem>>
    %dma_start3A_404 = tpu.memref_squeeze %dma_start3A_403 : memref<1x1024xf32, #tpu.memory_space<vmem>> -> memref<1024xf32, #tpu.memory_space<vmem>>
    %dma_start3A_405 = arith.constant 0 : i32
    %dma_start3A_406 = tpu.memref_slice %arg4[%select_n3A, %add3A_400, %dma_start3A_405] : memref<16x64x1024xf32, #tpu.memory_space<hbm>> -> memref<1x1x1024xf32, #tpu.memory_space<hbm>>
    %dma_start3A_407 = tpu.memref_squeeze %dma_start3A_406 : memref<1x1x1024xf32, #tpu.memory_space<hbm>> -> memref<1024xf32, #tpu.memory_space<hbm>>
    %dma_start3A_408 = arith.constant 0 : i32
    %dma_start3A_409 = tpu.memref_slice %arg4[%select_n3A, %add3A_400, %dma_start3A_408] : memref<16x64x1024xf32, #tpu.memory_space<hbm>> -> memref<1x1x1024xf32, #tpu.memory_space<hbm>>
    %dma_start3A_410 = tpu.memref_squeeze %dma_start3A_409 : memref<1x1x1024xf32, #tpu.memory_space<hbm>> -> memref<1024xf32, #tpu.memory_space<hbm>>
    %dma_start3A_411 = arith.constant 0 : i32
    %dma_start3A_412 = tpu.memref_slice %arg7[%dma_start3A_401, %dma_start3A_411] : memref<2x1024xf32, #tpu.memory_space<vmem>> -> memref<1x1024xf32, #tpu.memory_space<vmem>>
    %dma_start3A_413 = tpu.memref_squeeze %dma_start3A_412 : memref<1x1024xf32, #tpu.memory_space<vmem>> -> memref<1024xf32, #tpu.memory_space<vmem>>
    tpu.enqueue_dma source(%dma_start3A_413 : memref<1024xf32, #tpu.memory_space<vmem>>) target(%dma_start3A_410 : memref<1024xf32, #tpu.memory_space<hbm>>) target_semaphore(%arg9 : memref<!tpu.dma_semaphore, #tpu.memory_space<semaphore_mem>>)
    %add3A_414 = arith.constant 9 : i32
    %add3A_415 = arith.addi %mul3A_32, %add3A_414 : i32
    %mul3A_416 = arith.constant 1024 : i32
    %mul3A_417 = arith.muli %add3A_415, %mul3A_416 : i32
    %dma_start3A_418 = arith.constant 1024 : i32
    %dma_start3A_419 = tpu.memref_slice %arg5[%dma_start3A_418] : memref<2048xf32, #tpu.memory_space<vmem>> -> memref<1024xf32, #tpu.memory_space<vmem>>
    %dma_start3A_420 = tpu.memref_slice %arg2[%mul3A_417] : memref<65536xf32, #tpu.memory_space<hbm>> -> memref<1024xf32, #tpu.memory_space<hbm>>
    %dma_start3A_421 = arith.constant 1024 : i32
    %dma_start3A_422 = tpu.memref_slice %arg5[%dma_start3A_421] : memref<2048xf32, #tpu.memory_space<vmem>> -> memref<1024xf32, #tpu.memory_space<vmem>>
    %dma_start3A_423 = tpu.memref_slice %arg2[%mul3A_417] : memref<65536xf32, #tpu.memory_space<hbm>> -> memref<1024xf32, #tpu.memory_space<hbm>>
    tpu.enqueue_dma source(%dma_start3A_423 : memref<1024xf32, #tpu.memory_space<hbm>>) target(%dma_start3A_422 : memref<1024xf32, #tpu.memory_space<vmem>>) target_semaphore(%arg8 : memref<!tpu.dma_semaphore, #tpu.memory_space<semaphore_mem>>)
    %dma_wait3A_424 = arith.constant 0 : i32
    %dma_wait3A_425 = tpu.memref_slice %arg5[%dma_wait3A_424] : memref<2048xf32, #tpu.memory_space<vmem>> -> memref<1024xf32, #tpu.memory_space<vmem>>
    %dma_wait3A_426 = tpu.memref_slice %arg2[%mul3A_367] : memref<65536xf32, #tpu.memory_space<hbm>> -> memref<1024xf32, #tpu.memory_space<hbm>>
    %dma_wait3A_427 = arith.constant 0 : i32
    %dma_wait3A_428 = tpu.memref_slice %arg5[%dma_wait3A_427] : memref<2048xf32, #tpu.memory_space<vmem>> -> memref<1024xf32, #tpu.memory_space<vmem>>
    %dma_wait3A_429 = tpu.memref_slice %arg2[%mul3A_367] : memref<65536xf32, #tpu.memory_space<hbm>> -> memref<1024xf32, #tpu.memory_space<hbm>>
    tpu.wait_dma2 semaphore(%arg8 : memref<!tpu.dma_semaphore, #tpu.memory_space<semaphore_mem>>) src(%dma_wait3A_429 : memref<1024xf32, #tpu.memory_space<hbm>>) dst(%dma_wait3A_428 : memref<1024xf32, #tpu.memory_space<vmem>>)
    %dma_wait3A_430 = arith.constant 0 : i32
    %dma_wait3A_431 = arith.constant 0 : i32
    %dma_wait3A_432 = tpu.memref_slice %arg7[%dma_wait3A_430, %dma_wait3A_431] : memref<2x1024xf32, #tpu.memory_space<vmem>> -> memref<1x1024xf32, #tpu.memory_space<vmem>>
    %dma_wait3A_433 = tpu.memref_squeeze %dma_wait3A_432 : memref<1x1024xf32, #tpu.memory_space<vmem>> -> memref<1024xf32, #tpu.memory_space<vmem>>
    %dma_wait3A_434 = arith.constant 0 : i32
    %dma_wait3A_435 = tpu.memref_slice %arg4[%select_n3A, %add3A_350, %dma_wait3A_434] : memref<16x64x1024xf32, #tpu.memory_space<hbm>> -> memref<1x1x1024xf32, #tpu.memory_space<hbm>>
    %dma_wait3A_436 = tpu.memref_squeeze %dma_wait3A_435 : memref<1x1x1024xf32, #tpu.memory_space<hbm>> -> memref<1024xf32, #tpu.memory_space<hbm>>
    %dma_wait3A_437 = arith.constant 0 : i32
    %dma_wait3A_438 = tpu.memref_slice %arg4[%select_n3A, %add3A_350, %dma_wait3A_437] : memref<16x64x1024xf32, #tpu.memory_space<hbm>> -> memref<1x1x1024xf32, #tpu.memory_space<hbm>>
    %dma_wait3A_439 = tpu.memref_squeeze %dma_wait3A_438 : memref<1x1x1024xf32, #tpu.memory_space<hbm>> -> memref<1024xf32, #tpu.memory_space<hbm>>
    %dma_wait3A_440 = arith.constant 0 : i32
    %dma_wait3A_441 = tpu.memref_slice %arg7[%dma_wait3A_430, %dma_wait3A_440] : memref<2x1024xf32, #tpu.memory_space<vmem>> -> memref<1x1024xf32, #tpu.memory_space<vmem>>
    %dma_wait3A_442 = tpu.memref_squeeze %dma_wait3A_441 : memref<1x1024xf32, #tpu.memory_space<vmem>> -> memref<1024xf32, #tpu.memory_space<vmem>>
    tpu.wait_dma2 semaphore(%arg9 : memref<!tpu.dma_semaphore, #tpu.memory_space<semaphore_mem>>) src(%dma_wait3A_442 : memref<1024xf32, #tpu.memory_space<vmem>>) dst(%dma_wait3A_439 : memref<1024xf32, #tpu.memory_space<hbm>>)
    %scan3A_443 = arith.constant 0 : i32
    %scan3A_444 = arith.constant 0 : i32
    %scan3A_445 = arith.constant 64 : i32
    %scan3A_446 = arith.addi %scan3A_444, %scan3A_445 : i32
    %scan3A_447 = arith.constant 1 : i32
    scf.for %scan3A_1630 = %scan3A_444 to %scan3A_446 step %scan3A_447  : i32 {
      %mul3A_1631 = arith.constant 16 : i32
      %mul3A_1632 = arith.muli %scan3A_1630, %mul3A_1631 : i32
      %get3A = arith.index_cast %mul3A_1632 : i32 to index
      %get3A_1633 = tpu.vector_load %arg6[%get3A] {strides = array<i32>} : memref<1024xi32, #tpu.memory_space<vmem>>, vector<16xi32>,
      %add3A_1634 = arith.constant 0 : i32
      %add3A_1635 = vector.broadcast %add3A_1634 : i32 to vector<16xi32>
      %add3A_1636 = arith.addi %get3A_1633, %add3A_1635 : vector<16xi32>
      %gather3A = tpu.vector_load_idx %arg5[%add3A_1636] : memref<2048xf32, #tpu.memory_space<vmem>>[vector<16xi32>], vector<16xf32>,
      %mul3A_1637 = arith.constant 16 : i32
      %mul3A_1638 = arith.muli %scan3A_1630, %mul3A_1637 : i32
      %swap3A = arith.constant 0 : i32
      %swap3A_1639 = arith.index_cast %swap3A : i32 to index
      %swap3A_1640 = arith.index_cast %mul3A_1638 : i32 to index
      %swap3A_1641 = tpu.vector_load %arg7[%swap3A_1639, %swap3A_1640] {strides = array<i32>} : memref<2x1024xf32, #tpu.memory_space<vmem>>, vector<16xf32>,
      tpu.vector_store %arg7[%swap3A_1639, %swap3A_1640], %gather3A {strides = array<i32>} : memref<2x1024xf32, #tpu.memory_space<vmem>>, vector<16xf32>,
    }
    %scan3A_448 = arith.constant 64 : i32
    %add3A_449 = arith.constant 8 : i32
    %add3A_450 = arith.addi %mul3A_32, %add3A_449 : i32
    %dma_start3A_451 = arith.constant 0 : i32
    %dma_start3A_452 = arith.constant 0 : i32
    %dma_start3A_453 = tpu.memref_slice %arg7[%dma_start3A_451, %dma_start3A_452] : memref<2x1024xf32, #tpu.memory_space<vmem>> -> memref<1x1024xf32, #tpu.memory_space<vmem>>
    %dma_start3A_454 = tpu.memref_squeeze %dma_start3A_453 : memref<1x1024xf32, #tpu.memory_space<vmem>> -> memref<1024xf32, #tpu.memory_space<vmem>>
    %dma_start3A_455 = arith.constant 0 : i32
    %dma_start3A_456 = tpu.memref_slice %arg4[%select_n3A, %add3A_450, %dma_start3A_455] : memref<16x64x1024xf32, #tpu.memory_space<hbm>> -> memref<1x1x1024xf32, #tpu.memory_space<hbm>>
    %dma_start3A_457 = tpu.memref_squeeze %dma_start3A_456 : memref<1x1x1024xf32, #tpu.memory_space<hbm>> -> memref<1024xf32, #tpu.memory_space<hbm>>
    %dma_start3A_458 = arith.constant 0 : i32
    %dma_start3A_459 = tpu.memref_slice %arg4[%select_n3A, %add3A_450, %dma_start3A_458] : memref<16x64x1024xf32, #tpu.memory_space<hbm>> -> memref<1x1x1024xf32, #tpu.memory_space<hbm>>
    %dma_start3A_460 = tpu.memref_squeeze %dma_start3A_459 : memref<1x1x1024xf32, #tpu.memory_space<hbm>> -> memref<1024xf32, #tpu.memory_space<hbm>>
    %dma_start3A_461 = arith.constant 0 : i32
    %dma_start3A_462 = tpu.memref_slice %arg7[%dma_start3A_451, %dma_start3A_461] : memref<2x1024xf32, #tpu.memory_space<vmem>> -> memref<1x1024xf32, #tpu.memory_space<vmem>>
    %dma_start3A_463 = tpu.memref_squeeze %dma_start3A_462 : memref<1x1024xf32, #tpu.memory_space<vmem>> -> memref<1024xf32, #tpu.memory_space<vmem>>
    tpu.enqueue_dma source(%dma_start3A_463 : memref<1024xf32, #tpu.memory_space<vmem>>) target(%dma_start3A_460 : memref<1024xf32, #tpu.memory_space<hbm>>) target_semaphore(%arg9 : memref<!tpu.dma_semaphore, #tpu.memory_space<semaphore_mem>>)
    %add3A_464 = arith.constant 10 : i32
    %add3A_465 = arith.addi %mul3A_32, %add3A_464 : i32
    %mul3A_466 = arith.constant 1024 : i32
    %mul3A_467 = arith.muli %add3A_465, %mul3A_466 : i32
    %dma_start3A_468 = arith.constant 0 : i32
    %dma_start3A_469 = tpu.memref_slice %arg5[%dma_start3A_468] : memref<2048xf32, #tpu.memory_space<vmem>> -> memref<1024xf32, #tpu.memory_space<vmem>>
    %dma_start3A_470 = tpu.memref_slice %arg2[%mul3A_467] : memref<65536xf32, #tpu.memory_space<hbm>> -> memref<1024xf32, #tpu.memory_space<hbm>>
    %dma_start3A_471 = arith.constant 0 : i32
    %dma_start3A_472 = tpu.memref_slice %arg5[%dma_start3A_471] : memref<2048xf32, #tpu.memory_space<vmem>> -> memref<1024xf32, #tpu.memory_space<vmem>>
    %dma_start3A_473 = tpu.memref_slice %arg2[%mul3A_467] : memref<65536xf32, #tpu.memory_space<hbm>> -> memref<1024xf32, #tpu.memory_space<hbm>>
    tpu.enqueue_dma source(%dma_start3A_473 : memref<1024xf32, #tpu.memory_space<hbm>>) target(%dma_start3A_472 : memref<1024xf32, #tpu.memory_space<vmem>>) target_semaphore(%arg8 : memref<!tpu.dma_semaphore, #tpu.memory_space<semaphore_mem>>)
    %dma_wait3A_474 = arith.constant 1024 : i32
    %dma_wait3A_475 = tpu.memref_slice %arg5[%dma_wait3A_474] : memref<2048xf32, #tpu.memory_space<vmem>> -> memref<1024xf32, #tpu.memory_space<vmem>>
    %dma_wait3A_476 = tpu.memref_slice %arg2[%mul3A_417] : memref<65536xf32, #tpu.memory_space<hbm>> -> memref<1024xf32, #tpu.memory_space<hbm>>
    %dma_wait3A_477 = arith.constant 1024 : i32
    %dma_wait3A_478 = tpu.memref_slice %arg5[%dma_wait3A_477] : memref<2048xf32, #tpu.memory_space<vmem>> -> memref<1024xf32, #tpu.memory_space<vmem>>
    %dma_wait3A_479 = tpu.memref_slice %arg2[%mul3A_417] : memref<65536xf32, #tpu.memory_space<hbm>> -> memref<1024xf32, #tpu.memory_space<hbm>>
    tpu.wait_dma2 semaphore(%arg8 : memref<!tpu.dma_semaphore, #tpu.memory_space<semaphore_mem>>) src(%dma_wait3A_479 : memref<1024xf32, #tpu.memory_space<hbm>>) dst(%dma_wait3A_478 : memref<1024xf32, #tpu.memory_space<vmem>>)
    %dma_wait3A_480 = arith.constant 1 : i32
    %dma_wait3A_481 = arith.constant 0 : i32
    %dma_wait3A_482 = tpu.memref_slice %arg7[%dma_wait3A_480, %dma_wait3A_481] : memref<2x1024xf32, #tpu.memory_space<vmem>> -> memref<1x1024xf32, #tpu.memory_space<vmem>>
    %dma_wait3A_483 = tpu.memref_squeeze %dma_wait3A_482 : memref<1x1024xf32, #tpu.memory_space<vmem>> -> memref<1024xf32, #tpu.memory_space<vmem>>
    %dma_wait3A_484 = arith.constant 0 : i32
    %dma_wait3A_485 = tpu.memref_slice %arg4[%select_n3A, %add3A_400, %dma_wait3A_484] : memref<16x64x1024xf32, #tpu.memory_space<hbm>> -> memref<1x1x1024xf32, #tpu.memory_space<hbm>>
    %dma_wait3A_486 = tpu.memref_squeeze %dma_wait3A_485 : memref<1x1x1024xf32, #tpu.memory_space<hbm>> -> memref<1024xf32, #tpu.memory_space<hbm>>
    %dma_wait3A_487 = arith.constant 0 : i32
    %dma_wait3A_488 = tpu.memref_slice %arg4[%select_n3A, %add3A_400, %dma_wait3A_487] : memref<16x64x1024xf32, #tpu.memory_space<hbm>> -> memref<1x1x1024xf32, #tpu.memory_space<hbm>>
    %dma_wait3A_489 = tpu.memref_squeeze %dma_wait3A_488 : memref<1x1x1024xf32, #tpu.memory_space<hbm>> -> memref<1024xf32, #tpu.memory_space<hbm>>
    %dma_wait3A_490 = arith.constant 0 : i32
    %dma_wait3A_491 = tpu.memref_slice %arg7[%dma_wait3A_480, %dma_wait3A_490] : memref<2x1024xf32, #tpu.memory_space<vmem>> -> memref<1x1024xf32, #tpu.memory_space<vmem>>
    %dma_wait3A_492 = tpu.memref_squeeze %dma_wait3A_491 : memref<1x1024xf32, #tpu.memory_space<vmem>> -> memref<1024xf32, #tpu.memory_space<vmem>>
    tpu.wait_dma2 semaphore(%arg9 : memref<!tpu.dma_semaphore, #tpu.memory_space<semaphore_mem>>) src(%dma_wait3A_492 : memref<1024xf32, #tpu.memory_space<vmem>>) dst(%dma_wait3A_489 : memref<1024xf32, #tpu.memory_space<hbm>>)
    %scan3A_493 = arith.constant 0 : i32
    %scan3A_494 = arith.constant 0 : i32
    %scan3A_495 = arith.constant 64 : i32
    %scan3A_496 = arith.addi %scan3A_494, %scan3A_495 : i32
    %scan3A_497 = arith.constant 1 : i32
    scf.for %scan3A_1630 = %scan3A_494 to %scan3A_496 step %scan3A_497  : i32 {
      %mul3A_1631 = arith.constant 16 : i32
      %mul3A_1632 = arith.muli %scan3A_1630, %mul3A_1631 : i32
      %get3A = arith.index_cast %mul3A_1632 : i32 to index
      %get3A_1633 = tpu.vector_load %arg6[%get3A] {strides = array<i32>} : memref<1024xi32, #tpu.memory_space<vmem>>, vector<16xi32>,
      %add3A_1634 = arith.constant 1024 : i32
      %add3A_1635 = vector.broadcast %add3A_1634 : i32 to vector<16xi32>
      %add3A_1636 = arith.addi %get3A_1633, %add3A_1635 : vector<16xi32>
      %gather3A = tpu.vector_load_idx %arg5[%add3A_1636] : memref<2048xf32, #tpu.memory_space<vmem>>[vector<16xi32>], vector<16xf32>,
      %mul3A_1637 = arith.constant 16 : i32
      %mul3A_1638 = arith.muli %scan3A_1630, %mul3A_1637 : i32
      %swap3A = arith.constant 1 : i32
      %swap3A_1639 = arith.index_cast %swap3A : i32 to index
      %swap3A_1640 = arith.index_cast %mul3A_1638 : i32 to index
      %swap3A_1641 = tpu.vector_load %arg7[%swap3A_1639, %swap3A_1640] {strides = array<i32>} : memref<2x1024xf32, #tpu.memory_space<vmem>>, vector<16xf32>,
      tpu.vector_store %arg7[%swap3A_1639, %swap3A_1640], %gather3A {strides = array<i32>} : memref<2x1024xf32, #tpu.memory_space<vmem>>, vector<16xf32>,
    }
    %scan3A_498 = arith.constant 64 : i32
    %add3A_499 = arith.constant 9 : i32
    %add3A_500 = arith.addi %mul3A_32, %add3A_499 : i32
    %dma_start3A_501 = arith.constant 1 : i32
    %dma_start3A_502 = arith.constant 0 : i32
    %dma_start3A_503 = tpu.memref_slice %arg7[%dma_start3A_501, %dma_start3A_502] : memref<2x1024xf32, #tpu.memory_space<vmem>> -> memref<1x1024xf32, #tpu.memory_space<vmem>>
    %dma_start3A_504 = tpu.memref_squeeze %dma_start3A_503 : memref<1x1024xf32, #tpu.memory_space<vmem>> -> memref<1024xf32, #tpu.memory_space<vmem>>
    %dma_start3A_505 = arith.constant 0 : i32
    %dma_start3A_506 = tpu.memref_slice %arg4[%select_n3A, %add3A_500, %dma_start3A_505] : memref<16x64x1024xf32, #tpu.memory_space<hbm>> -> memref<1x1x1024xf32, #tpu.memory_space<hbm>>
    %dma_start3A_507 = tpu.memref_squeeze %dma_start3A_506 : memref<1x1x1024xf32, #tpu.memory_space<hbm>> -> memref<1024xf32, #tpu.memory_space<hbm>>
    %dma_start3A_508 = arith.constant 0 : i32
    %dma_start3A_509 = tpu.memref_slice %arg4[%select_n3A, %add3A_500, %dma_start3A_508] : memref<16x64x1024xf32, #tpu.memory_space<hbm>> -> memref<1x1x1024xf32, #tpu.memory_space<hbm>>
    %dma_start3A_510 = tpu.memref_squeeze %dma_start3A_509 : memref<1x1x1024xf32, #tpu.memory_space<hbm>> -> memref<1024xf32, #tpu.memory_space<hbm>>
    %dma_start3A_511 = arith.constant 0 : i32
    %dma_start3A_512 = tpu.memref_slice %arg7[%dma_start3A_501, %dma_start3A_511] : memref<2x1024xf32, #tpu.memory_space<vmem>> -> memref<1x1024xf32, #tpu.memory_space<vmem>>
    %dma_start3A_513 = tpu.memref_squeeze %dma_start3A_512 : memref<1x1024xf32, #tpu.memory_space<vmem>> -> memref<1024xf32, #tpu.memory_space<vmem>>
    tpu.enqueue_dma source(%dma_start3A_513 : memref<1024xf32, #tpu.memory_space<vmem>>) target(%dma_start3A_510 : memref<1024xf32, #tpu.memory_space<hbm>>) target_semaphore(%arg9 : memref<!tpu.dma_semaphore, #tpu.memory_space<semaphore_mem>>)
    %add3A_514 = arith.constant 11 : i32
    %add3A_515 = arith.addi %mul3A_32, %add3A_514 : i32
    %mul3A_516 = arith.constant 1024 : i32
    %mul3A_517 = arith.muli %add3A_515, %mul3A_516 : i32
    %dma_start3A_518 = arith.constant 1024 : i32
    %dma_start3A_519 = tpu.memref_slice %arg5[%dma_start3A_518] : memref<2048xf32, #tpu.memory_space<vmem>> -> memref<1024xf32, #tpu.memory_space<vmem>>
    %dma_start3A_520 = tpu.memref_slice %arg2[%mul3A_517] : memref<65536xf32, #tpu.memory_space<hbm>> -> memref<1024xf32, #tpu.memory_space<hbm>>
    %dma_start3A_521 = arith.constant 1024 : i32
    %dma_start3A_522 = tpu.memref_slice %arg5[%dma_start3A_521] : memref<2048xf32, #tpu.memory_space<vmem>> -> memref<1024xf32, #tpu.memory_space<vmem>>
    %dma_start3A_523 = tpu.memref_slice %arg2[%mul3A_517] : memref<65536xf32, #tpu.memory_space<hbm>> -> memref<1024xf32, #tpu.memory_space<hbm>>
    tpu.enqueue_dma source(%dma_start3A_523 : memref<1024xf32, #tpu.memory_space<hbm>>) target(%dma_start3A_522 : memref<1024xf32, #tpu.memory_space<vmem>>) target_semaphore(%arg8 : memref<!tpu.dma_semaphore, #tpu.memory_space<semaphore_mem>>)
    %dma_wait3A_524 = arith.constant 0 : i32
    %dma_wait3A_525 = tpu.memref_slice %arg5[%dma_wait3A_524] : memref<2048xf32, #tpu.memory_space<vmem>> -> memref<1024xf32, #tpu.memory_space<vmem>>
    %dma_wait3A_526 = tpu.memref_slice %arg2[%mul3A_467] : memref<65536xf32, #tpu.memory_space<hbm>> -> memref<1024xf32, #tpu.memory_space<hbm>>
    %dma_wait3A_527 = arith.constant 0 : i32
    %dma_wait3A_528 = tpu.memref_slice %arg5[%dma_wait3A_527] : memref<2048xf32, #tpu.memory_space<vmem>> -> memref<1024xf32, #tpu.memory_space<vmem>>
    %dma_wait3A_529 = tpu.memref_slice %arg2[%mul3A_467] : memref<65536xf32, #tpu.memory_space<hbm>> -> memref<1024xf32, #tpu.memory_space<hbm>>
    tpu.wait_dma2 semaphore(%arg8 : memref<!tpu.dma_semaphore, #tpu.memory_space<semaphore_mem>>) src(%dma_wait3A_529 : memref<1024xf32, #tpu.memory_space<hbm>>) dst(%dma_wait3A_528 : memref<1024xf32, #tpu.memory_space<vmem>>)
    %dma_wait3A_530 = arith.constant 0 : i32
    %dma_wait3A_531 = arith.constant 0 : i32
    %dma_wait3A_532 = tpu.memref_slice %arg7[%dma_wait3A_530, %dma_wait3A_531] : memref<2x1024xf32, #tpu.memory_space<vmem>> -> memref<1x1024xf32, #tpu.memory_space<vmem>>
    %dma_wait3A_533 = tpu.memref_squeeze %dma_wait3A_532 : memref<1x1024xf32, #tpu.memory_space<vmem>> -> memref<1024xf32, #tpu.memory_space<vmem>>
    %dma_wait3A_534 = arith.constant 0 : i32
    %dma_wait3A_535 = tpu.memref_slice %arg4[%select_n3A, %add3A_450, %dma_wait3A_534] : memref<16x64x1024xf32, #tpu.memory_space<hbm>> -> memref<1x1x1024xf32, #tpu.memory_space<hbm>>
    %dma_wait3A_536 = tpu.memref_squeeze %dma_wait3A_535 : memref<1x1x1024xf32, #tpu.memory_space<hbm>> -> memref<1024xf32, #tpu.memory_space<hbm>>
    %dma_wait3A_537 = arith.constant 0 : i32
    %dma_wait3A_538 = tpu.memref_slice %arg4[%select_n3A, %add3A_450, %dma_wait3A_537] : memref<16x64x1024xf32, #tpu.memory_space<hbm>> -> memref<1x1x1024xf32, #tpu.memory_space<hbm>>
    %dma_wait3A_539 = tpu.memref_squeeze %dma_wait3A_538 : memref<1x1x1024xf32, #tpu.memory_space<hbm>> -> memref<1024xf32, #tpu.memory_space<hbm>>
    %dma_wait3A_540 = arith.constant 0 : i32
    %dma_wait3A_541 = tpu.memref_slice %arg7[%dma_wait3A_530, %dma_wait3A_540] : memref<2x1024xf32, #tpu.memory_space<vmem>> -> memref<1x1024xf32, #tpu.memory_space<vmem>>
    %dma_wait3A_542 = tpu.memref_squeeze %dma_wait3A_541 : memref<1x1024xf32, #tpu.memory_space<vmem>> -> memref<1024xf32, #tpu.memory_space<vmem>>
    tpu.wait_dma2 semaphore(%arg9 : memref<!tpu.dma_semaphore, #tpu.memory_space<semaphore_mem>>) src(%dma_wait3A_542 : memref<1024xf32, #tpu.memory_space<vmem>>) dst(%dma_wait3A_539 : memref<1024xf32, #tpu.memory_space<hbm>>)
    %scan3A_543 = arith.constant 0 : i32
    %scan3A_544 = arith.constant 0 : i32
    %scan3A_545 = arith.constant 64 : i32
    %scan3A_546 = arith.addi %scan3A_544, %scan3A_545 : i32
    %scan3A_547 = arith.constant 1 : i32
    scf.for %scan3A_1630 = %scan3A_544 to %scan3A_546 step %scan3A_547  : i32 {
      %mul3A_1631 = arith.constant 16 : i32
      %mul3A_1632 = arith.muli %scan3A_1630, %mul3A_1631 : i32
      %get3A = arith.index_cast %mul3A_1632 : i32 to index
      %get3A_1633 = tpu.vector_load %arg6[%get3A] {strides = array<i32>} : memref<1024xi32, #tpu.memory_space<vmem>>, vector<16xi32>,
      %add3A_1634 = arith.constant 0 : i32
      %add3A_1635 = vector.broadcast %add3A_1634 : i32 to vector<16xi32>
      %add3A_1636 = arith.addi %get3A_1633, %add3A_1635 : vector<16xi32>
      %gather3A = tpu.vector_load_idx %arg5[%add3A_1636] : memref<2048xf32, #tpu.memory_space<vmem>>[vector<16xi32>], vector<16xf32>,
      %mul3A_1637 = arith.constant 16 : i32
      %mul3A_1638 = arith.muli %scan3A_1630, %mul3A_1637 : i32
      %swap3A = arith.constant 0 : i32
      %swap3A_1639 = arith.index_cast %swap3A : i32 to index
      %swap3A_1640 = arith.index_cast %mul3A_1638 : i32 to index
      %swap3A_1641 = tpu.vector_load %arg7[%swap3A_1639, %swap3A_1640] {strides = array<i32>} : memref<2x1024xf32, #tpu.memory_space<vmem>>, vector<16xf32>,
      tpu.vector_store %arg7[%swap3A_1639, %swap3A_1640], %gather3A {strides = array<i32>} : memref<2x1024xf32, #tpu.memory_space<vmem>>, vector<16xf32>,
    }
    %scan3A_548 = arith.constant 64 : i32
    %add3A_549 = arith.constant 10 : i32
    %add3A_550 = arith.addi %mul3A_32, %add3A_549 : i32
    %dma_start3A_551 = arith.constant 0 : i32
    %dma_start3A_552 = arith.constant 0 : i32
    %dma_start3A_553 = tpu.memref_slice %arg7[%dma_start3A_551, %dma_start3A_552] : memref<2x1024xf32, #tpu.memory_space<vmem>> -> memref<1x1024xf32, #tpu.memory_space<vmem>>
    %dma_start3A_554 = tpu.memref_squeeze %dma_start3A_553 : memref<1x1024xf32, #tpu.memory_space<vmem>> -> memref<1024xf32, #tpu.memory_space<vmem>>
    %dma_start3A_555 = arith.constant 0 : i32
    %dma_start3A_556 = tpu.memref_slice %arg4[%select_n3A, %add3A_550, %dma_start3A_555] : memref<16x64x1024xf32, #tpu.memory_space<hbm>> -> memref<1x1x1024xf32, #tpu.memory_space<hbm>>
    %dma_start3A_557 = tpu.memref_squeeze %dma_start3A_556 : memref<1x1x1024xf32, #tpu.memory_space<hbm>> -> memref<1024xf32, #tpu.memory_space<hbm>>
    %dma_start3A_558 = arith.constant 0 : i32
    %dma_start3A_559 = tpu.memref_slice %arg4[%select_n3A, %add3A_550, %dma_start3A_558] : memref<16x64x1024xf32, #tpu.memory_space<hbm>> -> memref<1x1x1024xf32, #tpu.memory_space<hbm>>
    %dma_start3A_560 = tpu.memref_squeeze %dma_start3A_559 : memref<1x1x1024xf32, #tpu.memory_space<hbm>> -> memref<1024xf32, #tpu.memory_space<hbm>>
    %dma_start3A_561 = arith.constant 0 : i32
    %dma_start3A_562 = tpu.memref_slice %arg7[%dma_start3A_551, %dma_start3A_561] : memref<2x1024xf32, #tpu.memory_space<vmem>> -> memref<1x1024xf32, #tpu.memory_space<vmem>>
    %dma_start3A_563 = tpu.memref_squeeze %dma_start3A_562 : memref<1x1024xf32, #tpu.memory_space<vmem>> -> memref<1024xf32, #tpu.memory_space<vmem>>
    tpu.enqueue_dma source(%dma_start3A_563 : memref<1024xf32, #tpu.memory_space<vmem>>) target(%dma_start3A_560 : memref<1024xf32, #tpu.memory_space<hbm>>) target_semaphore(%arg9 : memref<!tpu.dma_semaphore, #tpu.memory_space<semaphore_mem>>)
    %add3A_564 = arith.constant 12 : i32
    %add3A_565 = arith.addi %mul3A_32, %add3A_564 : i32
    %mul3A_566 = arith.constant 1024 : i32
    %mul3A_567 = arith.muli %add3A_565, %mul3A_566 : i32
    %dma_start3A_568 = arith.constant 0 : i32
    %dma_start3A_569 = tpu.memref_slice %arg5[%dma_start3A_568] : memref<2048xf32, #tpu.memory_space<vmem>> -> memref<1024xf32, #tpu.memory_space<vmem>>
    %dma_start3A_570 = tpu.memref_slice %arg2[%mul3A_567] : memref<65536xf32, #tpu.memory_space<hbm>> -> memref<1024xf32, #tpu.memory_space<hbm>>
    %dma_start3A_571 = arith.constant 0 : i32
    %dma_start3A_572 = tpu.memref_slice %arg5[%dma_start3A_571] : memref<2048xf32, #tpu.memory_space<vmem>> -> memref<1024xf32, #tpu.memory_space<vmem>>
    %dma_start3A_573 = tpu.memref_slice %arg2[%mul3A_567] : memref<65536xf32, #tpu.memory_space<hbm>> -> memref<1024xf32, #tpu.memory_space<hbm>>
    tpu.enqueue_dma source(%dma_start3A_573 : memref<1024xf32, #tpu.memory_space<hbm>>) target(%dma_start3A_572 : memref<1024xf32, #tpu.memory_space<vmem>>) target_semaphore(%arg8 : memref<!tpu.dma_semaphore, #tpu.memory_space<semaphore_mem>>)
    %dma_wait3A_574 = arith.constant 1024 : i32
    %dma_wait3A_575 = tpu.memref_slice %arg5[%dma_wait3A_574] : memref<2048xf32, #tpu.memory_space<vmem>> -> memref<1024xf32, #tpu.memory_space<vmem>>
    %dma_wait3A_576 = tpu.memref_slice %arg2[%mul3A_517] : memref<65536xf32, #tpu.memory_space<hbm>> -> memref<1024xf32, #tpu.memory_space<hbm>>
    %dma_wait3A_577 = arith.constant 1024 : i32
    %dma_wait3A_578 = tpu.memref_slice %arg5[%dma_wait3A_577] : memref<2048xf32, #tpu.memory_space<vmem>> -> memref<1024xf32, #tpu.memory_space<vmem>>
    %dma_wait3A_579 = tpu.memref_slice %arg2[%mul3A_517] : memref<65536xf32, #tpu.memory_space<hbm>> -> memref<1024xf32, #tpu.memory_space<hbm>>
    tpu.wait_dma2 semaphore(%arg8 : memref<!tpu.dma_semaphore, #tpu.memory_space<semaphore_mem>>) src(%dma_wait3A_579 : memref<1024xf32, #tpu.memory_space<hbm>>) dst(%dma_wait3A_578 : memref<1024xf32, #tpu.memory_space<vmem>>)
    %dma_wait3A_580 = arith.constant 1 : i32
    %dma_wait3A_581 = arith.constant 0 : i32
    %dma_wait3A_582 = tpu.memref_slice %arg7[%dma_wait3A_580, %dma_wait3A_581] : memref<2x1024xf32, #tpu.memory_space<vmem>> -> memref<1x1024xf32, #tpu.memory_space<vmem>>
    %dma_wait3A_583 = tpu.memref_squeeze %dma_wait3A_582 : memref<1x1024xf32, #tpu.memory_space<vmem>> -> memref<1024xf32, #tpu.memory_space<vmem>>
    %dma_wait3A_584 = arith.constant 0 : i32
    %dma_wait3A_585 = tpu.memref_slice %arg4[%select_n3A, %add3A_500, %dma_wait3A_584] : memref<16x64x1024xf32, #tpu.memory_space<hbm>> -> memref<1x1x1024xf32, #tpu.memory_space<hbm>>
    %dma_wait3A_586 = tpu.memref_squeeze %dma_wait3A_585 : memref<1x1x1024xf32, #tpu.memory_space<hbm>> -> memref<1024xf32, #tpu.memory_space<hbm>>
    %dma_wait3A_587 = arith.constant 0 : i32
    %dma_wait3A_588 = tpu.memref_slice %arg4[%select_n3A, %add3A_500, %dma_wait3A_587] : memref<16x64x1024xf32, #tpu.memory_space<hbm>> -> memref<1x1x1024xf32, #tpu.memory_space<hbm>>
    %dma_wait3A_589 = tpu.memref_squeeze %dma_wait3A_588 : memref<1x1x1024xf32, #tpu.memory_space<hbm>> -> memref<1024xf32, #tpu.memory_space<hbm>>
    %dma_wait3A_590 = arith.constant 0 : i32
    %dma_wait3A_591 = tpu.memref_slice %arg7[%dma_wait3A_580, %dma_wait3A_590] : memref<2x1024xf32, #tpu.memory_space<vmem>> -> memref<1x1024xf32, #tpu.memory_space<vmem>>
    %dma_wait3A_592 = tpu.memref_squeeze %dma_wait3A_591 : memref<1x1024xf32, #tpu.memory_space<vmem>> -> memref<1024xf32, #tpu.memory_space<vmem>>
    tpu.wait_dma2 semaphore(%arg9 : memref<!tpu.dma_semaphore, #tpu.memory_space<semaphore_mem>>) src(%dma_wait3A_592 : memref<1024xf32, #tpu.memory_space<vmem>>) dst(%dma_wait3A_589 : memref<1024xf32, #tpu.memory_space<hbm>>)
    %scan3A_593 = arith.constant 0 : i32
    %scan3A_594 = arith.constant 0 : i32
    %scan3A_595 = arith.constant 64 : i32
    %scan3A_596 = arith.addi %scan3A_594, %scan3A_595 : i32
    %scan3A_597 = arith.constant 1 : i32
    scf.for %scan3A_1630 = %scan3A_594 to %scan3A_596 step %scan3A_597  : i32 {
      %mul3A_1631 = arith.constant 16 : i32
      %mul3A_1632 = arith.muli %scan3A_1630, %mul3A_1631 : i32
      %get3A = arith.index_cast %mul3A_1632 : i32 to index
      %get3A_1633 = tpu.vector_load %arg6[%get3A] {strides = array<i32>} : memref<1024xi32, #tpu.memory_space<vmem>>, vector<16xi32>,
      %add3A_1634 = arith.constant 1024 : i32
      %add3A_1635 = vector.broadcast %add3A_1634 : i32 to vector<16xi32>
      %add3A_1636 = arith.addi %get3A_1633, %add3A_1635 : vector<16xi32>
      %gather3A = tpu.vector_load_idx %arg5[%add3A_1636] : memref<2048xf32, #tpu.memory_space<vmem>>[vector<16xi32>], vector<16xf32>,
      %mul3A_1637 = arith.constant 16 : i32
      %mul3A_1638 = arith.muli %scan3A_1630, %mul3A_1637 : i32
      %swap3A = arith.constant 1 : i32
      %swap3A_1639 = arith.index_cast %swap3A : i32 to index
      %swap3A_1640 = arith.index_cast %mul3A_1638 : i32 to index
      %swap3A_1641 = tpu.vector_load %arg7[%swap3A_1639, %swap3A_1640] {strides = array<i32>} : memref<2x1024xf32, #tpu.memory_space<vmem>>, vector<16xf32>,
      tpu.vector_store %arg7[%swap3A_1639, %swap3A_1640], %gather3A {strides = array<i32>} : memref<2x1024xf32, #tpu.memory_space<vmem>>, vector<16xf32>,
    }
    %scan3A_598 = arith.constant 64 : i32
    %add3A_599 = arith.constant 11 : i32
    %add3A_600 = arith.addi %mul3A_32, %add3A_599 : i32
    %dma_start3A_601 = arith.constant 1 : i32
    %dma_start3A_602 = arith.constant 0 : i32
    %dma_start3A_603 = tpu.memref_slice %arg7[%dma_start3A_601, %dma_start3A_602] : memref<2x1024xf32, #tpu.memory_space<vmem>> -> memref<1x1024xf32, #tpu.memory_space<vmem>>
    %dma_start3A_604 = tpu.memref_squeeze %dma_start3A_603 : memref<1x1024xf32, #tpu.memory_space<vmem>> -> memref<1024xf32, #tpu.memory_space<vmem>>
    %dma_start3A_605 = arith.constant 0 : i32
    %dma_start3A_606 = tpu.memref_slice %arg4[%select_n3A, %add3A_600, %dma_start3A_605] : memref<16x64x1024xf32, #tpu.memory_space<hbm>> -> memref<1x1x1024xf32, #tpu.memory_space<hbm>>
    %dma_start3A_607 = tpu.memref_squeeze %dma_start3A_606 : memref<1x1x1024xf32, #tpu.memory_space<hbm>> -> memref<1024xf32, #tpu.memory_space<hbm>>
    %dma_start3A_608 = arith.constant 0 : i32
    %dma_start3A_609 = tpu.memref_slice %arg4[%select_n3A, %add3A_600, %dma_start3A_608] : memref<16x64x1024xf32, #tpu.memory_space<hbm>> -> memref<1x1x1024xf32, #tpu.memory_space<hbm>>
    %dma_start3A_610 = tpu.memref_squeeze %dma_start3A_609 : memref<1x1x1024xf32, #tpu.memory_space<hbm>> -> memref<1024xf32, #tpu.memory_space<hbm>>
    %dma_start3A_611 = arith.constant 0 : i32
    %dma_start3A_612 = tpu.memref_slice %arg7[%dma_start3A_601, %dma_start3A_611] : memref<2x1024xf32, #tpu.memory_space<vmem>> -> memref<1x1024xf32, #tpu.memory_space<vmem>>
    %dma_start3A_613 = tpu.memref_squeeze %dma_start3A_612 : memref<1x1024xf32, #tpu.memory_space<vmem>> -> memref<1024xf32, #tpu.memory_space<vmem>>
    tpu.enqueue_dma source(%dma_start3A_613 : memref<1024xf32, #tpu.memory_space<vmem>>) target(%dma_start3A_610 : memref<1024xf32, #tpu.memory_space<hbm>>) target_semaphore(%arg9 : memref<!tpu.dma_semaphore, #tpu.memory_space<semaphore_mem>>)
    %add3A_614 = arith.constant 13 : i32
    %add3A_615 = arith.addi %mul3A_32, %add3A_614 : i32
    %mul3A_616 = arith.constant 1024 : i32
    %mul3A_617 = arith.muli %add3A_615, %mul3A_616 : i32
    %dma_start3A_618 = arith.constant 1024 : i32
    %dma_start3A_619 = tpu.memref_slice %arg5[%dma_start3A_618] : memref<2048xf32, #tpu.memory_space<vmem>> -> memref<1024xf32, #tpu.memory_space<vmem>>
    %dma_start3A_620 = tpu.memref_slice %arg2[%mul3A_617] : memref<65536xf32, #tpu.memory_space<hbm>> -> memref<1024xf32, #tpu.memory_space<hbm>>
    %dma_start3A_621 = arith.constant 1024 : i32
    %dma_start3A_622 = tpu.memref_slice %arg5[%dma_start3A_621] : memref<2048xf32, #tpu.memory_space<vmem>> -> memref<1024xf32, #tpu.memory_space<vmem>>
    %dma_start3A_623 = tpu.memref_slice %arg2[%mul3A_617] : memref<65536xf32, #tpu.memory_space<hbm>> -> memref<1024xf32, #tpu.memory_space<hbm>>
    tpu.enqueue_dma source(%dma_start3A_623 : memref<1024xf32, #tpu.memory_space<hbm>>) target(%dma_start3A_622 : memref<1024xf32, #tpu.memory_space<vmem>>) target_semaphore(%arg8 : memref<!tpu.dma_semaphore, #tpu.memory_space<semaphore_mem>>)
    %dma_wait3A_624 = arith.constant 0 : i32
    %dma_wait3A_625 = tpu.memref_slice %arg5[%dma_wait3A_624] : memref<2048xf32, #tpu.memory_space<vmem>> -> memref<1024xf32, #tpu.memory_space<vmem>>
    %dma_wait3A_626 = tpu.memref_slice %arg2[%mul3A_567] : memref<65536xf32, #tpu.memory_space<hbm>> -> memref<1024xf32, #tpu.memory_space<hbm>>
    %dma_wait3A_627 = arith.constant 0 : i32
    %dma_wait3A_628 = tpu.memref_slice %arg5[%dma_wait3A_627] : memref<2048xf32, #tpu.memory_space<vmem>> -> memref<1024xf32, #tpu.memory_space<vmem>>
    %dma_wait3A_629 = tpu.memref_slice %arg2[%mul3A_567] : memref<65536xf32, #tpu.memory_space<hbm>> -> memref<1024xf32, #tpu.memory_space<hbm>>
    tpu.wait_dma2 semaphore(%arg8 : memref<!tpu.dma_semaphore, #tpu.memory_space<semaphore_mem>>) src(%dma_wait3A_629 : memref<1024xf32, #tpu.memory_space<hbm>>) dst(%dma_wait3A_628 : memref<1024xf32, #tpu.memory_space<vmem>>)
    %dma_wait3A_630 = arith.constant 0 : i32
    %dma_wait3A_631 = arith.constant 0 : i32
    %dma_wait3A_632 = tpu.memref_slice %arg7[%dma_wait3A_630, %dma_wait3A_631] : memref<2x1024xf32, #tpu.memory_space<vmem>> -> memref<1x1024xf32, #tpu.memory_space<vmem>>
    %dma_wait3A_633 = tpu.memref_squeeze %dma_wait3A_632 : memref<1x1024xf32, #tpu.memory_space<vmem>> -> memref<1024xf32, #tpu.memory_space<vmem>>
    %dma_wait3A_634 = arith.constant 0 : i32
    %dma_wait3A_635 = tpu.memref_slice %arg4[%select_n3A, %add3A_550, %dma_wait3A_634] : memref<16x64x1024xf32, #tpu.memory_space<hbm>> -> memref<1x1x1024xf32, #tpu.memory_space<hbm>>
    %dma_wait3A_636 = tpu.memref_squeeze %dma_wait3A_635 : memref<1x1x1024xf32, #tpu.memory_space<hbm>> -> memref<1024xf32, #tpu.memory_space<hbm>>
    %dma_wait3A_637 = arith.constant 0 : i32
    %dma_wait3A_638 = tpu.memref_slice %arg4[%select_n3A, %add3A_550, %dma_wait3A_637] : memref<16x64x1024xf32, #tpu.memory_space<hbm>> -> memref<1x1x1024xf32, #tpu.memory_space<hbm>>
    %dma_wait3A_639 = tpu.memref_squeeze %dma_wait3A_638 : memref<1x1x1024xf32, #tpu.memory_space<hbm>> -> memref<1024xf32, #tpu.memory_space<hbm>>
    %dma_wait3A_640 = arith.constant 0 : i32
    %dma_wait3A_641 = tpu.memref_slice %arg7[%dma_wait3A_630, %dma_wait3A_640] : memref<2x1024xf32, #tpu.memory_space<vmem>> -> memref<1x1024xf32, #tpu.memory_space<vmem>>
    %dma_wait3A_642 = tpu.memref_squeeze %dma_wait3A_641 : memref<1x1024xf32, #tpu.memory_space<vmem>> -> memref<1024xf32, #tpu.memory_space<vmem>>
    tpu.wait_dma2 semaphore(%arg9 : memref<!tpu.dma_semaphore, #tpu.memory_space<semaphore_mem>>) src(%dma_wait3A_642 : memref<1024xf32, #tpu.memory_space<vmem>>) dst(%dma_wait3A_639 : memref<1024xf32, #tpu.memory_space<hbm>>)
    %scan3A_643 = arith.constant 0 : i32
    %scan3A_644 = arith.constant 0 : i32
    %scan3A_645 = arith.constant 64 : i32
    %scan3A_646 = arith.addi %scan3A_644, %scan3A_645 : i32
    %scan3A_647 = arith.constant 1 : i32
    scf.for %scan3A_1630 = %scan3A_644 to %scan3A_646 step %scan3A_647  : i32 {
      %mul3A_1631 = arith.constant 16 : i32
      %mul3A_1632 = arith.muli %scan3A_1630, %mul3A_1631 : i32
      %get3A = arith.index_cast %mul3A_1632 : i32 to index
      %get3A_1633 = tpu.vector_load %arg6[%get3A] {strides = array<i32>} : memref<1024xi32, #tpu.memory_space<vmem>>, vector<16xi32>,
      %add3A_1634 = arith.constant 0 : i32
      %add3A_1635 = vector.broadcast %add3A_1634 : i32 to vector<16xi32>
      %add3A_1636 = arith.addi %get3A_1633, %add3A_1635 : vector<16xi32>
      %gather3A = tpu.vector_load_idx %arg5[%add3A_1636] : memref<2048xf32, #tpu.memory_space<vmem>>[vector<16xi32>], vector<16xf32>,
      %mul3A_1637 = arith.constant 16 : i32
      %mul3A_1638 = arith.muli %scan3A_1630, %mul3A_1637 : i32
      %swap3A = arith.constant 0 : i32
      %swap3A_1639 = arith.index_cast %swap3A : i32 to index
      %swap3A_1640 = arith.index_cast %mul3A_1638 : i32 to index
      %swap3A_1641 = tpu.vector_load %arg7[%swap3A_1639, %swap3A_1640] {strides = array<i32>} : memref<2x1024xf32, #tpu.memory_space<vmem>>, vector<16xf32>,
      tpu.vector_store %arg7[%swap3A_1639, %swap3A_1640], %gather3A {strides = array<i32>} : memref<2x1024xf32, #tpu.memory_space<vmem>>, vector<16xf32>,
    }
    %scan3A_648 = arith.constant 64 : i32
    %add3A_649 = arith.constant 12 : i32
    %add3A_650 = arith.addi %mul3A_32, %add3A_649 : i32
    %dma_start3A_651 = arith.constant 0 : i32
    %dma_start3A_652 = arith.constant 0 : i32
    %dma_start3A_653 = tpu.memref_slice %arg7[%dma_start3A_651, %dma_start3A_652] : memref<2x1024xf32, #tpu.memory_space<vmem>> -> memref<1x1024xf32, #tpu.memory_space<vmem>>
    %dma_start3A_654 = tpu.memref_squeeze %dma_start3A_653 : memref<1x1024xf32, #tpu.memory_space<vmem>> -> memref<1024xf32, #tpu.memory_space<vmem>>
    %dma_start3A_655 = arith.constant 0 : i32
    %dma_start3A_656 = tpu.memref_slice %arg4[%select_n3A, %add3A_650, %dma_start3A_655] : memref<16x64x1024xf32, #tpu.memory_space<hbm>> -> memref<1x1x1024xf32, #tpu.memory_space<hbm>>
    %dma_start3A_657 = tpu.memref_squeeze %dma_start3A_656 : memref<1x1x1024xf32, #tpu.memory_space<hbm>> -> memref<1024xf32, #tpu.memory_space<hbm>>
    %dma_start3A_658 = arith.constant 0 : i32
    %dma_start3A_659 = tpu.memref_slice %arg4[%select_n3A, %add3A_650, %dma_start3A_658] : memref<16x64x1024xf32, #tpu.memory_space<hbm>> -> memref<1x1x1024xf32, #tpu.memory_space<hbm>>
    %dma_start3A_660 = tpu.memref_squeeze %dma_start3A_659 : memref<1x1x1024xf32, #tpu.memory_space<hbm>> -> memref<1024xf32, #tpu.memory_space<hbm>>
    %dma_start3A_661 = arith.constant 0 : i32
    %dma_start3A_662 = tpu.memref_slice %arg7[%dma_start3A_651, %dma_start3A_661] : memref<2x1024xf32, #tpu.memory_space<vmem>> -> memref<1x1024xf32, #tpu.memory_space<vmem>>
    %dma_start3A_663 = tpu.memref_squeeze %dma_start3A_662 : memref<1x1024xf32, #tpu.memory_space<vmem>> -> memref<1024xf32, #tpu.memory_space<vmem>>
    tpu.enqueue_dma source(%dma_start3A_663 : memref<1024xf32, #tpu.memory_space<vmem>>) target(%dma_start3A_660 : memref<1024xf32, #tpu.memory_space<hbm>>) target_semaphore(%arg9 : memref<!tpu.dma_semaphore, #tpu.memory_space<semaphore_mem>>)
    %add3A_664 = arith.constant 14 : i32
    %add3A_665 = arith.addi %mul3A_32, %add3A_664 : i32
    %mul3A_666 = arith.constant 1024 : i32
    %mul3A_667 = arith.muli %add3A_665, %mul3A_666 : i32
    %dma_start3A_668 = arith.constant 0 : i32
    %dma_start3A_669 = tpu.memref_slice %arg5[%dma_start3A_668] : memref<2048xf32, #tpu.memory_space<vmem>> -> memref<1024xf32, #tpu.memory_space<vmem>>
    %dma_start3A_670 = tpu.memref_slice %arg2[%mul3A_667] : memref<65536xf32, #tpu.memory_space<hbm>> -> memref<1024xf32, #tpu.memory_space<hbm>>
    %dma_start3A_671 = arith.constant 0 : i32
    %dma_start3A_672 = tpu.memref_slice %arg5[%dma_start3A_671] : memref<2048xf32, #tpu.memory_space<vmem>> -> memref<1024xf32, #tpu.memory_space<vmem>>
    %dma_start3A_673 = tpu.memref_slice %arg2[%mul3A_667] : memref<65536xf32, #tpu.memory_space<hbm>> -> memref<1024xf32, #tpu.memory_space<hbm>>
    tpu.enqueue_dma source(%dma_start3A_673 : memref<1024xf32, #tpu.memory_space<hbm>>) target(%dma_start3A_672 : memref<1024xf32, #tpu.memory_space<vmem>>) target_semaphore(%arg8 : memref<!tpu.dma_semaphore, #tpu.memory_space<semaphore_mem>>)
    %dma_wait3A_674 = arith.constant 1024 : i32
    %dma_wait3A_675 = tpu.memref_slice %arg5[%dma_wait3A_674] : memref<2048xf32, #tpu.memory_space<vmem>> -> memref<1024xf32, #tpu.memory_space<vmem>>
    %dma_wait3A_676 = tpu.memref_slice %arg2[%mul3A_617] : memref<65536xf32, #tpu.memory_space<hbm>> -> memref<1024xf32, #tpu.memory_space<hbm>>
    %dma_wait3A_677 = arith.constant 1024 : i32
    %dma_wait3A_678 = tpu.memref_slice %arg5[%dma_wait3A_677] : memref<2048xf32, #tpu.memory_space<vmem>> -> memref<1024xf32, #tpu.memory_space<vmem>>
    %dma_wait3A_679 = tpu.memref_slice %arg2[%mul3A_617] : memref<65536xf32, #tpu.memory_space<hbm>> -> memref<1024xf32, #tpu.memory_space<hbm>>
    tpu.wait_dma2 semaphore(%arg8 : memref<!tpu.dma_semaphore, #tpu.memory_space<semaphore_mem>>) src(%dma_wait3A_679 : memref<1024xf32, #tpu.memory_space<hbm>>) dst(%dma_wait3A_678 : memref<1024xf32, #tpu.memory_space<vmem>>)
    %dma_wait3A_680 = arith.constant 1 : i32
    %dma_wait3A_681 = arith.constant 0 : i32
    %dma_wait3A_682 = tpu.memref_slice %arg7[%dma_wait3A_680, %dma_wait3A_681] : memref<2x1024xf32, #tpu.memory_space<vmem>> -> memref<1x1024xf32, #tpu.memory_space<vmem>>
    %dma_wait3A_683 = tpu.memref_squeeze %dma_wait3A_682 : memref<1x1024xf32, #tpu.memory_space<vmem>> -> memref<1024xf32, #tpu.memory_space<vmem>>
    %dma_wait3A_684 = arith.constant 0 : i32
    %dma_wait3A_685 = tpu.memref_slice %arg4[%select_n3A, %add3A_600, %dma_wait3A_684] : memref<16x64x1024xf32, #tpu.memory_space<hbm>> -> memref<1x1x1024xf32, #tpu.memory_space<hbm>>
    %dma_wait3A_686 = tpu.memref_squeeze %dma_wait3A_685 : memref<1x1x1024xf32, #tpu.memory_space<hbm>> -> memref<1024xf32, #tpu.memory_space<hbm>>
    %dma_wait3A_687 = arith.constant 0 : i32
    %dma_wait3A_688 = tpu.memref_slice %arg4[%select_n3A, %add3A_600, %dma_wait3A_687] : memref<16x64x1024xf32, #tpu.memory_space<hbm>> -> memref<1x1x1024xf32, #tpu.memory_space<hbm>>
    %dma_wait3A_689 = tpu.memref_squeeze %dma_wait3A_688 : memref<1x1x1024xf32, #tpu.memory_space<hbm>> -> memref<1024xf32, #tpu.memory_space<hbm>>
    %dma_wait3A_690 = arith.constant 0 : i32
    %dma_wait3A_691 = tpu.memref_slice %arg7[%dma_wait3A_680, %dma_wait3A_690] : memref<2x1024xf32, #tpu.memory_space<vmem>> -> memref<1x1024xf32, #tpu.memory_space<vmem>>
    %dma_wait3A_692 = tpu.memref_squeeze %dma_wait3A_691 : memref<1x1024xf32, #tpu.memory_space<vmem>> -> memref<1024xf32, #tpu.memory_space<vmem>>
    tpu.wait_dma2 semaphore(%arg9 : memref<!tpu.dma_semaphore, #tpu.memory_space<semaphore_mem>>) src(%dma_wait3A_692 : memref<1024xf32, #tpu.memory_space<vmem>>) dst(%dma_wait3A_689 : memref<1024xf32, #tpu.memory_space<hbm>>)
    %scan3A_693 = arith.constant 0 : i32
    %scan3A_694 = arith.constant 0 : i32
    %scan3A_695 = arith.constant 64 : i32
    %scan3A_696 = arith.addi %scan3A_694, %scan3A_695 : i32
    %scan3A_697 = arith.constant 1 : i32
    scf.for %scan3A_1630 = %scan3A_694 to %scan3A_696 step %scan3A_697  : i32 {
      %mul3A_1631 = arith.constant 16 : i32
      %mul3A_1632 = arith.muli %scan3A_1630, %mul3A_1631 : i32
      %get3A = arith.index_cast %mul3A_1632 : i32 to index
      %get3A_1633 = tpu.vector_load %arg6[%get3A] {strides = array<i32>} : memref<1024xi32, #tpu.memory_space<vmem>>, vector<16xi32>,
      %add3A_1634 = arith.constant 1024 : i32
      %add3A_1635 = vector.broadcast %add3A_1634 : i32 to vector<16xi32>
      %add3A_1636 = arith.addi %get3A_1633, %add3A_1635 : vector<16xi32>
      %gather3A = tpu.vector_load_idx %arg5[%add3A_1636] : memref<2048xf32, #tpu.memory_space<vmem>>[vector<16xi32>], vector<16xf32>,
      %mul3A_1637 = arith.constant 16 : i32
      %mul3A_1638 = arith.muli %scan3A_1630, %mul3A_1637 : i32
      %swap3A = arith.constant 1 : i32
      %swap3A_1639 = arith.index_cast %swap3A : i32 to index
      %swap3A_1640 = arith.index_cast %mul3A_1638 : i32 to index
      %swap3A_1641 = tpu.vector_load %arg7[%swap3A_1639, %swap3A_1640] {strides = array<i32>} : memref<2x1024xf32, #tpu.memory_space<vmem>>, vector<16xf32>,
      tpu.vector_store %arg7[%swap3A_1639, %swap3A_1640], %gather3A {strides = array<i32>} : memref<2x1024xf32, #tpu.memory_space<vmem>>, vector<16xf32>,
    }
    %scan3A_698 = arith.constant 64 : i32
    %add3A_699 = arith.constant 13 : i32
    %add3A_700 = arith.addi %mul3A_32, %add3A_699 : i32
    %dma_start3A_701 = arith.constant 1 : i32
    %dma_start3A_702 = arith.constant 0 : i32
    %dma_start3A_703 = tpu.memref_slice %arg7[%dma_start3A_701, %dma_start3A_702] : memref<2x1024xf32, #tpu.memory_space<vmem>> -> memref<1x1024xf32, #tpu.memory_space<vmem>>
    %dma_start3A_704 = tpu.memref_squeeze %dma_start3A_703 : memref<1x1024xf32, #tpu.memory_space<vmem>> -> memref<1024xf32, #tpu.memory_space<vmem>>
    %dma_start3A_705 = arith.constant 0 : i32
    %dma_start3A_706 = tpu.memref_slice %arg4[%select_n3A, %add3A_700, %dma_start3A_705] : memref<16x64x1024xf32, #tpu.memory_space<hbm>> -> memref<1x1x1024xf32, #tpu.memory_space<hbm>>
    %dma_start3A_707 = tpu.memref_squeeze %dma_start3A_706 : memref<1x1x1024xf32, #tpu.memory_space<hbm>> -> memref<1024xf32, #tpu.memory_space<hbm>>
    %dma_start3A_708 = arith.constant 0 : i32
    %dma_start3A_709 = tpu.memref_slice %arg4[%select_n3A, %add3A_700, %dma_start3A_708] : memref<16x64x1024xf32, #tpu.memory_space<hbm>> -> memref<1x1x1024xf32, #tpu.memory_space<hbm>>
    %dma_start3A_710 = tpu.memref_squeeze %dma_start3A_709 : memref<1x1x1024xf32, #tpu.memory_space<hbm>> -> memref<1024xf32, #tpu.memory_space<hbm>>
    %dma_start3A_711 = arith.constant 0 : i32
    %dma_start3A_712 = tpu.memref_slice %arg7[%dma_start3A_701, %dma_start3A_711] : memref<2x1024xf32, #tpu.memory_space<vmem>> -> memref<1x1024xf32, #tpu.memory_space<vmem>>
    %dma_start3A_713 = tpu.memref_squeeze %dma_start3A_712 : memref<1x1024xf32, #tpu.memory_space<vmem>> -> memref<1024xf32, #tpu.memory_space<vmem>>
    tpu.enqueue_dma source(%dma_start3A_713 : memref<1024xf32, #tpu.memory_space<vmem>>) target(%dma_start3A_710 : memref<1024xf32, #tpu.memory_space<hbm>>) target_semaphore(%arg9 : memref<!tpu.dma_semaphore, #tpu.memory_space<semaphore_mem>>)
    %add3A_714 = arith.constant 15 : i32
    %add3A_715 = arith.addi %mul3A_32, %add3A_714 : i32
    %mul3A_716 = arith.constant 1024 : i32
    %mul3A_717 = arith.muli %add3A_715, %mul3A_716 : i32
    %dma_start3A_718 = arith.constant 1024 : i32
    %dma_start3A_719 = tpu.memref_slice %arg5[%dma_start3A_718] : memref<2048xf32, #tpu.memory_space<vmem>> -> memref<1024xf32, #tpu.memory_space<vmem>>
    %dma_start3A_720 = tpu.memref_slice %arg2[%mul3A_717] : memref<65536xf32, #tpu.memory_space<hbm>> -> memref<1024xf32, #tpu.memory_space<hbm>>
    %dma_start3A_721 = arith.constant 1024 : i32
    %dma_start3A_722 = tpu.memref_slice %arg5[%dma_start3A_721] : memref<2048xf32, #tpu.memory_space<vmem>> -> memref<1024xf32, #tpu.memory_space<vmem>>
    %dma_start3A_723 = tpu.memref_slice %arg2[%mul3A_717] : memref<65536xf32, #tpu.memory_space<hbm>> -> memref<1024xf32, #tpu.memory_space<hbm>>
    tpu.enqueue_dma source(%dma_start3A_723 : memref<1024xf32, #tpu.memory_space<hbm>>) target(%dma_start3A_722 : memref<1024xf32, #tpu.memory_space<vmem>>) target_semaphore(%arg8 : memref<!tpu.dma_semaphore, #tpu.memory_space<semaphore_mem>>)
    %dma_wait3A_724 = arith.constant 0 : i32
    %dma_wait3A_725 = tpu.memref_slice %arg5[%dma_wait3A_724] : memref<2048xf32, #tpu.memory_space<vmem>> -> memref<1024xf32, #tpu.memory_space<vmem>>
    %dma_wait3A_726 = tpu.memref_slice %arg2[%mul3A_667] : memref<65536xf32, #tpu.memory_space<hbm>> -> memref<1024xf32, #tpu.memory_space<hbm>>
    %dma_wait3A_727 = arith.constant 0 : i32
    %dma_wait3A_728 = tpu.memref_slice %arg5[%dma_wait3A_727] : memref<2048xf32, #tpu.memory_space<vmem>> -> memref<1024xf32, #tpu.memory_space<vmem>>
    %dma_wait3A_729 = tpu.memref_slice %arg2[%mul3A_667] : memref<65536xf32, #tpu.memory_space<hbm>> -> memref<1024xf32, #tpu.memory_space<hbm>>
    tpu.wait_dma2 semaphore(%arg8 : memref<!tpu.dma_semaphore, #tpu.memory_space<semaphore_mem>>) src(%dma_wait3A_729 : memref<1024xf32, #tpu.memory_space<hbm>>) dst(%dma_wait3A_728 : memref<1024xf32, #tpu.memory_space<vmem>>)
    %dma_wait3A_730 = arith.constant 0 : i32
    %dma_wait3A_731 = arith.constant 0 : i32
    %dma_wait3A_732 = tpu.memref_slice %arg7[%dma_wait3A_730, %dma_wait3A_731] : memref<2x1024xf32, #tpu.memory_space<vmem>> -> memref<1x1024xf32, #tpu.memory_space<vmem>>
    %dma_wait3A_733 = tpu.memref_squeeze %dma_wait3A_732 : memref<1x1024xf32, #tpu.memory_space<vmem>> -> memref<1024xf32, #tpu.memory_space<vmem>>
    %dma_wait3A_734 = arith.constant 0 : i32
    %dma_wait3A_735 = tpu.memref_slice %arg4[%select_n3A, %add3A_650, %dma_wait3A_734] : memref<16x64x1024xf32, #tpu.memory_space<hbm>> -> memref<1x1x1024xf32, #tpu.memory_space<hbm>>
    %dma_wait3A_736 = tpu.memref_squeeze %dma_wait3A_735 : memref<1x1x1024xf32, #tpu.memory_space<hbm>> -> memref<1024xf32, #tpu.memory_space<hbm>>
    %dma_wait3A_737 = arith.constant 0 : i32
    %dma_wait3A_738 = tpu.memref_slice %arg4[%select_n3A, %add3A_650, %dma_wait3A_737] : memref<16x64x1024xf32, #tpu.memory_space<hbm>> -> memref<1x1x1024xf32, #tpu.memory_space<hbm>>
    %dma_wait3A_739 = tpu.memref_squeeze %dma_wait3A_738 : memref<1x1x1024xf32, #tpu.memory_space<hbm>> -> memref<1024xf32, #tpu.memory_space<hbm>>
    %dma_wait3A_740 = arith.constant 0 : i32
    %dma_wait3A_741 = tpu.memref_slice %arg7[%dma_wait3A_730, %dma_wait3A_740] : memref<2x1024xf32, #tpu.memory_space<vmem>> -> memref<1x1024xf32, #tpu.memory_space<vmem>>
    %dma_wait3A_742 = tpu.memref_squeeze %dma_wait3A_741 : memref<1x1024xf32, #tpu.memory_space<vmem>> -> memref<1024xf32, #tpu.memory_space<vmem>>
    tpu.wait_dma2 semaphore(%arg9 : memref<!tpu.dma_semaphore, #tpu.memory_space<semaphore_mem>>) src(%dma_wait3A_742 : memref<1024xf32, #tpu.memory_space<vmem>>) dst(%dma_wait3A_739 : memref<1024xf32, #tpu.memory_space<hbm>>)
    %scan3A_743 = arith.constant 0 : i32
    %scan3A_744 = arith.constant 0 : i32
    %scan3A_745 = arith.constant 64 : i32
    %scan3A_746 = arith.addi %scan3A_744, %scan3A_745 : i32
    %scan3A_747 = arith.constant 1 : i32
    scf.for %scan3A_1630 = %scan3A_744 to %scan3A_746 step %scan3A_747  : i32 {
      %mul3A_1631 = arith.constant 16 : i32
      %mul3A_1632 = arith.muli %scan3A_1630, %mul3A_1631 : i32
      %get3A = arith.index_cast %mul3A_1632 : i32 to index
      %get3A_1633 = tpu.vector_load %arg6[%get3A] {strides = array<i32>} : memref<1024xi32, #tpu.memory_space<vmem>>, vector<16xi32>,
      %add3A_1634 = arith.constant 0 : i32
      %add3A_1635 = vector.broadcast %add3A_1634 : i32 to vector<16xi32>
      %add3A_1636 = arith.addi %get3A_1633, %add3A_1635 : vector<16xi32>
      %gather3A = tpu.vector_load_idx %arg5[%add3A_1636] : memref<2048xf32, #tpu.memory_space<vmem>>[vector<16xi32>], vector<16xf32>,
      %mul3A_1637 = arith.constant 16 : i32
      %mul3A_1638 = arith.muli %scan3A_1630, %mul3A_1637 : i32
      %swap3A = arith.constant 0 : i32
      %swap3A_1639 = arith.index_cast %swap3A : i32 to index
      %swap3A_1640 = arith.index_cast %mul3A_1638 : i32 to index
      %swap3A_1641 = tpu.vector_load %arg7[%swap3A_1639, %swap3A_1640] {strides = array<i32>} : memref<2x1024xf32, #tpu.memory_space<vmem>>, vector<16xf32>,
      tpu.vector_store %arg7[%swap3A_1639, %swap3A_1640], %gather3A {strides = array<i32>} : memref<2x1024xf32, #tpu.memory_space<vmem>>, vector<16xf32>,
    }
    %scan3A_748 = arith.constant 64 : i32
    %add3A_749 = arith.constant 14 : i32
    %add3A_750 = arith.addi %mul3A_32, %add3A_749 : i32
    %dma_start3A_751 = arith.constant 0 : i32
    %dma_start3A_752 = arith.constant 0 : i32
    %dma_start3A_753 = tpu.memref_slice %arg7[%dma_start3A_751, %dma_start3A_752] : memref<2x1024xf32, #tpu.memory_space<vmem>> -> memref<1x1024xf32, #tpu.memory_space<vmem>>
    %dma_start3A_754 = tpu.memref_squeeze %dma_start3A_753 : memref<1x1024xf32, #tpu.memory_space<vmem>> -> memref<1024xf32, #tpu.memory_space<vmem>>
    %dma_start3A_755 = arith.constant 0 : i32
    %dma_start3A_756 = tpu.memref_slice %arg4[%select_n3A, %add3A_750, %dma_start3A_755] : memref<16x64x1024xf32, #tpu.memory_space<hbm>> -> memref<1x1x1024xf32, #tpu.memory_space<hbm>>
    %dma_start3A_757 = tpu.memref_squeeze %dma_start3A_756 : memref<1x1x1024xf32, #tpu.memory_space<hbm>> -> memref<1024xf32, #tpu.memory_space<hbm>>
    %dma_start3A_758 = arith.constant 0 : i32
    %dma_start3A_759 = tpu.memref_slice %arg4[%select_n3A, %add3A_750, %dma_start3A_758] : memref<16x64x1024xf32, #tpu.memory_space<hbm>> -> memref<1x1x1024xf32, #tpu.memory_space<hbm>>
    %dma_start3A_760 = tpu.memref_squeeze %dma_start3A_759 : memref<1x1x1024xf32, #tpu.memory_space<hbm>> -> memref<1024xf32, #tpu.memory_space<hbm>>
    %dma_start3A_761 = arith.constant 0 : i32
    %dma_start3A_762 = tpu.memref_slice %arg7[%dma_start3A_751, %dma_start3A_761] : memref<2x1024xf32, #tpu.memory_space<vmem>> -> memref<1x1024xf32, #tpu.memory_space<vmem>>
    %dma_start3A_763 = tpu.memref_squeeze %dma_start3A_762 : memref<1x1024xf32, #tpu.memory_space<vmem>> -> memref<1024xf32, #tpu.memory_space<vmem>>
    tpu.enqueue_dma source(%dma_start3A_763 : memref<1024xf32, #tpu.memory_space<vmem>>) target(%dma_start3A_760 : memref<1024xf32, #tpu.memory_space<hbm>>) target_semaphore(%arg9 : memref<!tpu.dma_semaphore, #tpu.memory_space<semaphore_mem>>)
    %add3A_764 = arith.constant 16 : i32
    %add3A_765 = arith.addi %mul3A_32, %add3A_764 : i32
    %mul3A_766 = arith.constant 1024 : i32
    %mul3A_767 = arith.muli %add3A_765, %mul3A_766 : i32
    %dma_start3A_768 = arith.constant 0 : i32
    %dma_start3A_769 = tpu.memref_slice %arg5[%dma_start3A_768] : memref<2048xf32, #tpu.memory_space<vmem>> -> memref<1024xf32, #tpu.memory_space<vmem>>
    %dma_start3A_770 = tpu.memref_slice %arg2[%mul3A_767] : memref<65536xf32, #tpu.memory_space<hbm>> -> memref<1024xf32, #tpu.memory_space<hbm>>
    %dma_start3A_771 = arith.constant 0 : i32
    %dma_start3A_772 = tpu.memref_slice %arg5[%dma_start3A_771] : memref<2048xf32, #tpu.memory_space<vmem>> -> memref<1024xf32, #tpu.memory_space<vmem>>
    %dma_start3A_773 = tpu.memref_slice %arg2[%mul3A_767] : memref<65536xf32, #tpu.memory_space<hbm>> -> memref<1024xf32, #tpu.memory_space<hbm>>
    tpu.enqueue_dma source(%dma_start3A_773 : memref<1024xf32, #tpu.memory_space<hbm>>) target(%dma_start3A_772 : memref<1024xf32, #tpu.memory_space<vmem>>) target_semaphore(%arg8 : memref<!tpu.dma_semaphore, #tpu.memory_space<semaphore_mem>>)
    %dma_wait3A_774 = arith.constant 1024 : i32
    %dma_wait3A_775 = tpu.memref_slice %arg5[%dma_wait3A_774] : memref<2048xf32, #tpu.memory_space<vmem>> -> memref<1024xf32, #tpu.memory_space<vmem>>
    %dma_wait3A_776 = tpu.memref_slice %arg2[%mul3A_717] : memref<65536xf32, #tpu.memory_space<hbm>> -> memref<1024xf32, #tpu.memory_space<hbm>>
    %dma_wait3A_777 = arith.constant 1024 : i32
    %dma_wait3A_778 = tpu.memref_slice %arg5[%dma_wait3A_777] : memref<2048xf32, #tpu.memory_space<vmem>> -> memref<1024xf32, #tpu.memory_space<vmem>>
    %dma_wait3A_779 = tpu.memref_slice %arg2[%mul3A_717] : memref<65536xf32, #tpu.memory_space<hbm>> -> memref<1024xf32, #tpu.memory_space<hbm>>
    tpu.wait_dma2 semaphore(%arg8 : memref<!tpu.dma_semaphore, #tpu.memory_space<semaphore_mem>>) src(%dma_wait3A_779 : memref<1024xf32, #tpu.memory_space<hbm>>) dst(%dma_wait3A_778 : memref<1024xf32, #tpu.memory_space<vmem>>)
    %dma_wait3A_780 = arith.constant 1 : i32
    %dma_wait3A_781 = arith.constant 0 : i32
    %dma_wait3A_782 = tpu.memref_slice %arg7[%dma_wait3A_780, %dma_wait3A_781] : memref<2x1024xf32, #tpu.memory_space<vmem>> -> memref<1x1024xf32, #tpu.memory_space<vmem>>
    %dma_wait3A_783 = tpu.memref_squeeze %dma_wait3A_782 : memref<1x1024xf32, #tpu.memory_space<vmem>> -> memref<1024xf32, #tpu.memory_space<vmem>>
    %dma_wait3A_784 = arith.constant 0 : i32
    %dma_wait3A_785 = tpu.memref_slice %arg4[%select_n3A, %add3A_700, %dma_wait3A_784] : memref<16x64x1024xf32, #tpu.memory_space<hbm>> -> memref<1x1x1024xf32, #tpu.memory_space<hbm>>
    %dma_wait3A_786 = tpu.memref_squeeze %dma_wait3A_785 : memref<1x1x1024xf32, #tpu.memory_space<hbm>> -> memref<1024xf32, #tpu.memory_space<hbm>>
    %dma_wait3A_787 = arith.constant 0 : i32
    %dma_wait3A_788 = tpu.memref_slice %arg4[%select_n3A, %add3A_700, %dma_wait3A_787] : memref<16x64x1024xf32, #tpu.memory_space<hbm>> -> memref<1x1x1024xf32, #tpu.memory_space<hbm>>
    %dma_wait3A_789 = tpu.memref_squeeze %dma_wait3A_788 : memref<1x1x1024xf32, #tpu.memory_space<hbm>> -> memref<1024xf32, #tpu.memory_space<hbm>>
    %dma_wait3A_790 = arith.constant 0 : i32
    %dma_wait3A_791 = tpu.memref_slice %arg7[%dma_wait3A_780, %dma_wait3A_790] : memref<2x1024xf32, #tpu.memory_space<vmem>> -> memref<1x1024xf32, #tpu.memory_space<vmem>>
    %dma_wait3A_792 = tpu.memref_squeeze %dma_wait3A_791 : memref<1x1024xf32, #tpu.memory_space<vmem>> -> memref<1024xf32, #tpu.memory_space<vmem>>
    tpu.wait_dma2 semaphore(%arg9 : memref<!tpu.dma_semaphore, #tpu.memory_space<semaphore_mem>>) src(%dma_wait3A_792 : memref<1024xf32, #tpu.memory_space<vmem>>) dst(%dma_wait3A_789 : memref<1024xf32, #tpu.memory_space<hbm>>)
    %scan3A_793 = arith.constant 0 : i32
    %scan3A_794 = arith.constant 0 : i32
    %scan3A_795 = arith.constant 64 : i32
    %scan3A_796 = arith.addi %scan3A_794, %scan3A_795 : i32
    %scan3A_797 = arith.constant 1 : i32
    scf.for %scan3A_1630 = %scan3A_794 to %scan3A_796 step %scan3A_797  : i32 {
      %mul3A_1631 = arith.constant 16 : i32
      %mul3A_1632 = arith.muli %scan3A_1630, %mul3A_1631 : i32
      %get3A = arith.index_cast %mul3A_1632 : i32 to index
      %get3A_1633 = tpu.vector_load %arg6[%get3A] {strides = array<i32>} : memref<1024xi32, #tpu.memory_space<vmem>>, vector<16xi32>,
      %add3A_1634 = arith.constant 1024 : i32
      %add3A_1635 = vector.broadcast %add3A_1634 : i32 to vector<16xi32>
      %add3A_1636 = arith.addi %get3A_1633, %add3A_1635 : vector<16xi32>
      %gather3A = tpu.vector_load_idx %arg5[%add3A_1636] : memref<2048xf32, #tpu.memory_space<vmem>>[vector<16xi32>], vector<16xf32>,
      %mul3A_1637 = arith.constant 16 : i32
      %mul3A_1638 = arith.muli %scan3A_1630, %mul3A_1637 : i32
      %swap3A = arith.constant 1 : i32
      %swap3A_1639 = arith.index_cast %swap3A : i32 to index
      %swap3A_1640 = arith.index_cast %mul3A_1638 : i32 to index
      %swap3A_1641 = tpu.vector_load %arg7[%swap3A_1639, %swap3A_1640] {strides = array<i32>} : memref<2x1024xf32, #tpu.memory_space<vmem>>, vector<16xf32>,
      tpu.vector_store %arg7[%swap3A_1639, %swap3A_1640], %gather3A {strides = array<i32>} : memref<2x1024xf32, #tpu.memory_space<vmem>>, vector<16xf32>,
    }
    %scan3A_798 = arith.constant 64 : i32
    %add3A_799 = arith.constant 15 : i32
    %add3A_800 = arith.addi %mul3A_32, %add3A_799 : i32
    %dma_start3A_801 = arith.constant 1 : i32
    %dma_start3A_802 = arith.constant 0 : i32
    %dma_start3A_803 = tpu.memref_slice %arg7[%dma_start3A_801, %dma_start3A_802] : memref<2x1024xf32, #tpu.memory_space<vmem>> -> memref<1x1024xf32, #tpu.memory_space<vmem>>
    %dma_start3A_804 = tpu.memref_squeeze %dma_start3A_803 : memref<1x1024xf32, #tpu.memory_space<vmem>> -> memref<1024xf32, #tpu.memory_space<vmem>>
    %dma_start3A_805 = arith.constant 0 : i32
    %dma_start3A_806 = tpu.memref_slice %arg4[%select_n3A, %add3A_800, %dma_start3A_805] : memref<16x64x1024xf32, #tpu.memory_space<hbm>> -> memref<1x1x1024xf32, #tpu.memory_space<hbm>>
    %dma_start3A_807 = tpu.memref_squeeze %dma_start3A_806 : memref<1x1x1024xf32, #tpu.memory_space<hbm>> -> memref<1024xf32, #tpu.memory_space<hbm>>
    %dma_start3A_808 = arith.constant 0 : i32
    %dma_start3A_809 = tpu.memref_slice %arg4[%select_n3A, %add3A_800, %dma_start3A_808] : memref<16x64x1024xf32, #tpu.memory_space<hbm>> -> memref<1x1x1024xf32, #tpu.memory_space<hbm>>
    %dma_start3A_810 = tpu.memref_squeeze %dma_start3A_809 : memref<1x1x1024xf32, #tpu.memory_space<hbm>> -> memref<1024xf32, #tpu.memory_space<hbm>>
    %dma_start3A_811 = arith.constant 0 : i32
    %dma_start3A_812 = tpu.memref_slice %arg7[%dma_start3A_801, %dma_start3A_811] : memref<2x1024xf32, #tpu.memory_space<vmem>> -> memref<1x1024xf32, #tpu.memory_space<vmem>>
    %dma_start3A_813 = tpu.memref_squeeze %dma_start3A_812 : memref<1x1024xf32, #tpu.memory_space<vmem>> -> memref<1024xf32, #tpu.memory_space<vmem>>
    tpu.enqueue_dma source(%dma_start3A_813 : memref<1024xf32, #tpu.memory_space<vmem>>) target(%dma_start3A_810 : memref<1024xf32, #tpu.memory_space<hbm>>) target_semaphore(%arg9 : memref<!tpu.dma_semaphore, #tpu.memory_space<semaphore_mem>>)
    %add3A_814 = arith.constant 17 : i32
    %add3A_815 = arith.addi %mul3A_32, %add3A_814 : i32
    %mul3A_816 = arith.constant 1024 : i32
    %mul3A_817 = arith.muli %add3A_815, %mul3A_816 : i32
    %dma_start3A_818 = arith.constant 1024 : i32
    %dma_start3A_819 = tpu.memref_slice %arg5[%dma_start3A_818] : memref<2048xf32, #tpu.memory_space<vmem>> -> memref<1024xf32, #tpu.memory_space<vmem>>
    %dma_start3A_820 = tpu.memref_slice %arg2[%mul3A_817] : memref<65536xf32, #tpu.memory_space<hbm>> -> memref<1024xf32, #tpu.memory_space<hbm>>
    %dma_start3A_821 = arith.constant 1024 : i32
    %dma_start3A_822 = tpu.memref_slice %arg5[%dma_start3A_821] : memref<2048xf32, #tpu.memory_space<vmem>> -> memref<1024xf32, #tpu.memory_space<vmem>>
    %dma_start3A_823 = tpu.memref_slice %arg2[%mul3A_817] : memref<65536xf32, #tpu.memory_space<hbm>> -> memref<1024xf32, #tpu.memory_space<hbm>>
    tpu.enqueue_dma source(%dma_start3A_823 : memref<1024xf32, #tpu.memory_space<hbm>>) target(%dma_start3A_822 : memref<1024xf32, #tpu.memory_space<vmem>>) target_semaphore(%arg8 : memref<!tpu.dma_semaphore, #tpu.memory_space<semaphore_mem>>)
    %dma_wait3A_824 = arith.constant 0 : i32
    %dma_wait3A_825 = tpu.memref_slice %arg5[%dma_wait3A_824] : memref<2048xf32, #tpu.memory_space<vmem>> -> memref<1024xf32, #tpu.memory_space<vmem>>
    %dma_wait3A_826 = tpu.memref_slice %arg2[%mul3A_767] : memref<65536xf32, #tpu.memory_space<hbm>> -> memref<1024xf32, #tpu.memory_space<hbm>>
    %dma_wait3A_827 = arith.constant 0 : i32
    %dma_wait3A_828 = tpu.memref_slice %arg5[%dma_wait3A_827] : memref<2048xf32, #tpu.memory_space<vmem>> -> memref<1024xf32, #tpu.memory_space<vmem>>
    %dma_wait3A_829 = tpu.memref_slice %arg2[%mul3A_767] : memref<65536xf32, #tpu.memory_space<hbm>> -> memref<1024xf32, #tpu.memory_space<hbm>>
    tpu.wait_dma2 semaphore(%arg8 : memref<!tpu.dma_semaphore, #tpu.memory_space<semaphore_mem>>) src(%dma_wait3A_829 : memref<1024xf32, #tpu.memory_space<hbm>>) dst(%dma_wait3A_828 : memref<1024xf32, #tpu.memory_space<vmem>>)
    %dma_wait3A_830 = arith.constant 0 : i32
    %dma_wait3A_831 = arith.constant 0 : i32
    %dma_wait3A_832 = tpu.memref_slice %arg7[%dma_wait3A_830, %dma_wait3A_831] : memref<2x1024xf32, #tpu.memory_space<vmem>> -> memref<1x1024xf32, #tpu.memory_space<vmem>>
    %dma_wait3A_833 = tpu.memref_squeeze %dma_wait3A_832 : memref<1x1024xf32, #tpu.memory_space<vmem>> -> memref<1024xf32, #tpu.memory_space<vmem>>
    %dma_wait3A_834 = arith.constant 0 : i32
    %dma_wait3A_835 = tpu.memref_slice %arg4[%select_n3A, %add3A_750, %dma_wait3A_834] : memref<16x64x1024xf32, #tpu.memory_space<hbm>> -> memref<1x1x1024xf32, #tpu.memory_space<hbm>>
    %dma_wait3A_836 = tpu.memref_squeeze %dma_wait3A_835 : memref<1x1x1024xf32, #tpu.memory_space<hbm>> -> memref<1024xf32, #tpu.memory_space<hbm>>
    %dma_wait3A_837 = arith.constant 0 : i32
    %dma_wait3A_838 = tpu.memref_slice %arg4[%select_n3A, %add3A_750, %dma_wait3A_837] : memref<16x64x1024xf32, #tpu.memory_space<hbm>> -> memref<1x1x1024xf32, #tpu.memory_space<hbm>>
    %dma_wait3A_839 = tpu.memref_squeeze %dma_wait3A_838 : memref<1x1x1024xf32, #tpu.memory_space<hbm>> -> memref<1024xf32, #tpu.memory_space<hbm>>
    %dma_wait3A_840 = arith.constant 0 : i32
    %dma_wait3A_841 = tpu.memref_slice %arg7[%dma_wait3A_830, %dma_wait3A_840] : memref<2x1024xf32, #tpu.memory_space<vmem>> -> memref<1x1024xf32, #tpu.memory_space<vmem>>
    %dma_wait3A_842 = tpu.memref_squeeze %dma_wait3A_841 : memref<1x1024xf32, #tpu.memory_space<vmem>> -> memref<1024xf32, #tpu.memory_space<vmem>>
    tpu.wait_dma2 semaphore(%arg9 : memref<!tpu.dma_semaphore, #tpu.memory_space<semaphore_mem>>) src(%dma_wait3A_842 : memref<1024xf32, #tpu.memory_space<vmem>>) dst(%dma_wait3A_839 : memref<1024xf32, #tpu.memory_space<hbm>>)
    %scan3A_843 = arith.constant 0 : i32
    %scan3A_844 = arith.constant 0 : i32
    %scan3A_845 = arith.constant 64 : i32
    %scan3A_846 = arith.addi %scan3A_844, %scan3A_845 : i32
    %scan3A_847 = arith.constant 1 : i32
    scf.for %scan3A_1630 = %scan3A_844 to %scan3A_846 step %scan3A_847  : i32 {
      %mul3A_1631 = arith.constant 16 : i32
      %mul3A_1632 = arith.muli %scan3A_1630, %mul3A_1631 : i32
      %get3A = arith.index_cast %mul3A_1632 : i32 to index
      %get3A_1633 = tpu.vector_load %arg6[%get3A] {strides = array<i32>} : memref<1024xi32, #tpu.memory_space<vmem>>, vector<16xi32>,
      %add3A_1634 = arith.constant 0 : i32
      %add3A_1635 = vector.broadcast %add3A_1634 : i32 to vector<16xi32>
      %add3A_1636 = arith.addi %get3A_1633, %add3A_1635 : vector<16xi32>
      %gather3A = tpu.vector_load_idx %arg5[%add3A_1636] : memref<2048xf32, #tpu.memory_space<vmem>>[vector<16xi32>], vector<16xf32>,
      %mul3A_1637 = arith.constant 16 : i32
      %mul3A_1638 = arith.muli %scan3A_1630, %mul3A_1637 : i32
      %swap3A = arith.constant 0 : i32
      %swap3A_1639 = arith.index_cast %swap3A : i32 to index
      %swap3A_1640 = arith.index_cast %mul3A_1638 : i32 to index
      %swap3A_1641 = tpu.vector_load %arg7[%swap3A_1639, %swap3A_1640] {strides = array<i32>} : memref<2x1024xf32, #tpu.memory_space<vmem>>, vector<16xf32>,
      tpu.vector_store %arg7[%swap3A_1639, %swap3A_1640], %gather3A {strides = array<i32>} : memref<2x1024xf32, #tpu.memory_space<vmem>>, vector<16xf32>,
    }
    %scan3A_848 = arith.constant 64 : i32
    %add3A_849 = arith.constant 16 : i32
    %add3A_850 = arith.addi %mul3A_32, %add3A_849 : i32
    %dma_start3A_851 = arith.constant 0 : i32
    %dma_start3A_852 = arith.constant 0 : i32
    %dma_start3A_853 = tpu.memref_slice %arg7[%dma_start3A_851, %dma_start3A_852] : memref<2x1024xf32, #tpu.memory_space<vmem>> -> memref<1x1024xf32, #tpu.memory_space<vmem>>
    %dma_start3A_854 = tpu.memref_squeeze %dma_start3A_853 : memref<1x1024xf32, #tpu.memory_space<vmem>> -> memref<1024xf32, #tpu.memory_space<vmem>>
    %dma_start3A_855 = arith.constant 0 : i32
    %dma_start3A_856 = tpu.memref_slice %arg4[%select_n3A, %add3A_850, %dma_start3A_855] : memref<16x64x1024xf32, #tpu.memory_space<hbm>> -> memref<1x1x1024xf32, #tpu.memory_space<hbm>>
    %dma_start3A_857 = tpu.memref_squeeze %dma_start3A_856 : memref<1x1x1024xf32, #tpu.memory_space<hbm>> -> memref<1024xf32, #tpu.memory_space<hbm>>
    %dma_start3A_858 = arith.constant 0 : i32
    %dma_start3A_859 = tpu.memref_slice %arg4[%select_n3A, %add3A_850, %dma_start3A_858] : memref<16x64x1024xf32, #tpu.memory_space<hbm>> -> memref<1x1x1024xf32, #tpu.memory_space<hbm>>
    %dma_start3A_860 = tpu.memref_squeeze %dma_start3A_859 : memref<1x1x1024xf32, #tpu.memory_space<hbm>> -> memref<1024xf32, #tpu.memory_space<hbm>>
    %dma_start3A_861 = arith.constant 0 : i32
    %dma_start3A_862 = tpu.memref_slice %arg7[%dma_start3A_851, %dma_start3A_861] : memref<2x1024xf32, #tpu.memory_space<vmem>> -> memref<1x1024xf32, #tpu.memory_space<vmem>>
    %dma_start3A_863 = tpu.memref_squeeze %dma_start3A_862 : memref<1x1024xf32, #tpu.memory_space<vmem>> -> memref<1024xf32, #tpu.memory_space<vmem>>
    tpu.enqueue_dma source(%dma_start3A_863 : memref<1024xf32, #tpu.memory_space<vmem>>) target(%dma_start3A_860 : memref<1024xf32, #tpu.memory_space<hbm>>) target_semaphore(%arg9 : memref<!tpu.dma_semaphore, #tpu.memory_space<semaphore_mem>>)
    %add3A_864 = arith.constant 18 : i32
    %add3A_865 = arith.addi %mul3A_32, %add3A_864 : i32
    %mul3A_866 = arith.constant 1024 : i32
    %mul3A_867 = arith.muli %add3A_865, %mul3A_866 : i32
    %dma_start3A_868 = arith.constant 0 : i32
    %dma_start3A_869 = tpu.memref_slice %arg5[%dma_start3A_868] : memref<2048xf32, #tpu.memory_space<vmem>> -> memref<1024xf32, #tpu.memory_space<vmem>>
    %dma_start3A_870 = tpu.memref_slice %arg2[%mul3A_867] : memref<65536xf32, #tpu.memory_space<hbm>> -> memref<1024xf32, #tpu.memory_space<hbm>>
    %dma_start3A_871 = arith.constant 0 : i32
    %dma_start3A_872 = tpu.memref_slice %arg5[%dma_start3A_871] : memref<2048xf32, #tpu.memory_space<vmem>> -> memref<1024xf32, #tpu.memory_space<vmem>>
    %dma_start3A_873 = tpu.memref_slice %arg2[%mul3A_867] : memref<65536xf32, #tpu.memory_space<hbm>> -> memref<1024xf32, #tpu.memory_space<hbm>>
    tpu.enqueue_dma source(%dma_start3A_873 : memref<1024xf32, #tpu.memory_space<hbm>>) target(%dma_start3A_872 : memref<1024xf32, #tpu.memory_space<vmem>>) target_semaphore(%arg8 : memref<!tpu.dma_semaphore, #tpu.memory_space<semaphore_mem>>)
    %dma_wait3A_874 = arith.constant 1024 : i32
    %dma_wait3A_875 = tpu.memref_slice %arg5[%dma_wait3A_874] : memref<2048xf32, #tpu.memory_space<vmem>> -> memref<1024xf32, #tpu.memory_space<vmem>>
    %dma_wait3A_876 = tpu.memref_slice %arg2[%mul3A_817] : memref<65536xf32, #tpu.memory_space<hbm>> -> memref<1024xf32, #tpu.memory_space<hbm>>
    %dma_wait3A_877 = arith.constant 1024 : i32
    %dma_wait3A_878 = tpu.memref_slice %arg5[%dma_wait3A_877] : memref<2048xf32, #tpu.memory_space<vmem>> -> memref<1024xf32, #tpu.memory_space<vmem>>
    %dma_wait3A_879 = tpu.memref_slice %arg2[%mul3A_817] : memref<65536xf32, #tpu.memory_space<hbm>> -> memref<1024xf32, #tpu.memory_space<hbm>>
    tpu.wait_dma2 semaphore(%arg8 : memref<!tpu.dma_semaphore, #tpu.memory_space<semaphore_mem>>) src(%dma_wait3A_879 : memref<1024xf32, #tpu.memory_space<hbm>>) dst(%dma_wait3A_878 : memref<1024xf32, #tpu.memory_space<vmem>>)
    %dma_wait3A_880 = arith.constant 1 : i32
    %dma_wait3A_881 = arith.constant 0 : i32
    %dma_wait3A_882 = tpu.memref_slice %arg7[%dma_wait3A_880, %dma_wait3A_881] : memref<2x1024xf32, #tpu.memory_space<vmem>> -> memref<1x1024xf32, #tpu.memory_space<vmem>>
    %dma_wait3A_883 = tpu.memref_squeeze %dma_wait3A_882 : memref<1x1024xf32, #tpu.memory_space<vmem>> -> memref<1024xf32, #tpu.memory_space<vmem>>
    %dma_wait3A_884 = arith.constant 0 : i32
    %dma_wait3A_885 = tpu.memref_slice %arg4[%select_n3A, %add3A_800, %dma_wait3A_884] : memref<16x64x1024xf32, #tpu.memory_space<hbm>> -> memref<1x1x1024xf32, #tpu.memory_space<hbm>>
    %dma_wait3A_886 = tpu.memref_squeeze %dma_wait3A_885 : memref<1x1x1024xf32, #tpu.memory_space<hbm>> -> memref<1024xf32, #tpu.memory_space<hbm>>
    %dma_wait3A_887 = arith.constant 0 : i32
    %dma_wait3A_888 = tpu.memref_slice %arg4[%select_n3A, %add3A_800, %dma_wait3A_887] : memref<16x64x1024xf32, #tpu.memory_space<hbm>> -> memref<1x1x1024xf32, #tpu.memory_space<hbm>>
    %dma_wait3A_889 = tpu.memref_squeeze %dma_wait3A_888 : memref<1x1x1024xf32, #tpu.memory_space<hbm>> -> memref<1024xf32, #tpu.memory_space<hbm>>
    %dma_wait3A_890 = arith.constant 0 : i32
    %dma_wait3A_891 = tpu.memref_slice %arg7[%dma_wait3A_880, %dma_wait3A_890] : memref<2x1024xf32, #tpu.memory_space<vmem>> -> memref<1x1024xf32, #tpu.memory_space<vmem>>
    %dma_wait3A_892 = tpu.memref_squeeze %dma_wait3A_891 : memref<1x1024xf32, #tpu.memory_space<vmem>> -> memref<1024xf32, #tpu.memory_space<vmem>>
    tpu.wait_dma2 semaphore(%arg9 : memref<!tpu.dma_semaphore, #tpu.memory_space<semaphore_mem>>) src(%dma_wait3A_892 : memref<1024xf32, #tpu.memory_space<vmem>>) dst(%dma_wait3A_889 : memref<1024xf32, #tpu.memory_space<hbm>>)
    %scan3A_893 = arith.constant 0 : i32
    %scan3A_894 = arith.constant 0 : i32
    %scan3A_895 = arith.constant 64 : i32
    %scan3A_896 = arith.addi %scan3A_894, %scan3A_895 : i32
    %scan3A_897 = arith.constant 1 : i32
    scf.for %scan3A_1630 = %scan3A_894 to %scan3A_896 step %scan3A_897  : i32 {
      %mul3A_1631 = arith.constant 16 : i32
      %mul3A_1632 = arith.muli %scan3A_1630, %mul3A_1631 : i32
      %get3A = arith.index_cast %mul3A_1632 : i32 to index
      %get3A_1633 = tpu.vector_load %arg6[%get3A] {strides = array<i32>} : memref<1024xi32, #tpu.memory_space<vmem>>, vector<16xi32>,
      %add3A_1634 = arith.constant 1024 : i32
      %add3A_1635 = vector.broadcast %add3A_1634 : i32 to vector<16xi32>
      %add3A_1636 = arith.addi %get3A_1633, %add3A_1635 : vector<16xi32>
      %gather3A = tpu.vector_load_idx %arg5[%add3A_1636] : memref<2048xf32, #tpu.memory_space<vmem>>[vector<16xi32>], vector<16xf32>,
      %mul3A_1637 = arith.constant 16 : i32
      %mul3A_1638 = arith.muli %scan3A_1630, %mul3A_1637 : i32
      %swap3A = arith.constant 1 : i32
      %swap3A_1639 = arith.index_cast %swap3A : i32 to index
      %swap3A_1640 = arith.index_cast %mul3A_1638 : i32 to index
      %swap3A_1641 = tpu.vector_load %arg7[%swap3A_1639, %swap3A_1640] {strides = array<i32>} : memref<2x1024xf32, #tpu.memory_space<vmem>>, vector<16xf32>,
      tpu.vector_store %arg7[%swap3A_1639, %swap3A_1640], %gather3A {strides = array<i32>} : memref<2x1024xf32, #tpu.memory_space<vmem>>, vector<16xf32>,
    }
    %scan3A_898 = arith.constant 64 : i32
    %add3A_899 = arith.constant 17 : i32
    %add3A_900 = arith.addi %mul3A_32, %add3A_899 : i32
    %dma_start3A_901 = arith.constant 1 : i32
    %dma_start3A_902 = arith.constant 0 : i32
    %dma_start3A_903 = tpu.memref_slice %arg7[%dma_start3A_901, %dma_start3A_902] : memref<2x1024xf32, #tpu.memory_space<vmem>> -> memref<1x1024xf32, #tpu.memory_space<vmem>>
    %dma_start3A_904 = tpu.memref_squeeze %dma_start3A_903 : memref<1x1024xf32, #tpu.memory_space<vmem>> -> memref<1024xf32, #tpu.memory_space<vmem>>
    %dma_start3A_905 = arith.constant 0 : i32
    %dma_start3A_906 = tpu.memref_slice %arg4[%select_n3A, %add3A_900, %dma_start3A_905] : memref<16x64x1024xf32, #tpu.memory_space<hbm>> -> memref<1x1x1024xf32, #tpu.memory_space<hbm>>
    %dma_start3A_907 = tpu.memref_squeeze %dma_start3A_906 : memref<1x1x1024xf32, #tpu.memory_space<hbm>> -> memref<1024xf32, #tpu.memory_space<hbm>>
    %dma_start3A_908 = arith.constant 0 : i32
    %dma_start3A_909 = tpu.memref_slice %arg4[%select_n3A, %add3A_900, %dma_start3A_908] : memref<16x64x1024xf32, #tpu.memory_space<hbm>> -> memref<1x1x1024xf32, #tpu.memory_space<hbm>>
    %dma_start3A_910 = tpu.memref_squeeze %dma_start3A_909 : memref<1x1x1024xf32, #tpu.memory_space<hbm>> -> memref<1024xf32, #tpu.memory_space<hbm>>
    %dma_start3A_911 = arith.constant 0 : i32
    %dma_start3A_912 = tpu.memref_slice %arg7[%dma_start3A_901, %dma_start3A_911] : memref<2x1024xf32, #tpu.memory_space<vmem>> -> memref<1x1024xf32, #tpu.memory_space<vmem>>
    %dma_start3A_913 = tpu.memref_squeeze %dma_start3A_912 : memref<1x1024xf32, #tpu.memory_space<vmem>> -> memref<1024xf32, #tpu.memory_space<vmem>>
    tpu.enqueue_dma source(%dma_start3A_913 : memref<1024xf32, #tpu.memory_space<vmem>>) target(%dma_start3A_910 : memref<1024xf32, #tpu.memory_space<hbm>>) target_semaphore(%arg9 : memref<!tpu.dma_semaphore, #tpu.memory_space<semaphore_mem>>)
    %add3A_914 = arith.constant 19 : i32
    %add3A_915 = arith.addi %mul3A_32, %add3A_914 : i32
    %mul3A_916 = arith.constant 1024 : i32
    %mul3A_917 = arith.muli %add3A_915, %mul3A_916 : i32
    %dma_start3A_918 = arith.constant 1024 : i32
    %dma_start3A_919 = tpu.memref_slice %arg5[%dma_start3A_918] : memref<2048xf32, #tpu.memory_space<vmem>> -> memref<1024xf32, #tpu.memory_space<vmem>>
    %dma_start3A_920 = tpu.memref_slice %arg2[%mul3A_917] : memref<65536xf32, #tpu.memory_space<hbm>> -> memref<1024xf32, #tpu.memory_space<hbm>>
    %dma_start3A_921 = arith.constant 1024 : i32
    %dma_start3A_922 = tpu.memref_slice %arg5[%dma_start3A_921] : memref<2048xf32, #tpu.memory_space<vmem>> -> memref<1024xf32, #tpu.memory_space<vmem>>
    %dma_start3A_923 = tpu.memref_slice %arg2[%mul3A_917] : memref<65536xf32, #tpu.memory_space<hbm>> -> memref<1024xf32, #tpu.memory_space<hbm>>
    tpu.enqueue_dma source(%dma_start3A_923 : memref<1024xf32, #tpu.memory_space<hbm>>) target(%dma_start3A_922 : memref<1024xf32, #tpu.memory_space<vmem>>) target_semaphore(%arg8 : memref<!tpu.dma_semaphore, #tpu.memory_space<semaphore_mem>>)
    %dma_wait3A_924 = arith.constant 0 : i32
    %dma_wait3A_925 = tpu.memref_slice %arg5[%dma_wait3A_924] : memref<2048xf32, #tpu.memory_space<vmem>> -> memref<1024xf32, #tpu.memory_space<vmem>>
    %dma_wait3A_926 = tpu.memref_slice %arg2[%mul3A_867] : memref<65536xf32, #tpu.memory_space<hbm>> -> memref<1024xf32, #tpu.memory_space<hbm>>
    %dma_wait3A_927 = arith.constant 0 : i32
    %dma_wait3A_928 = tpu.memref_slice %arg5[%dma_wait3A_927] : memref<2048xf32, #tpu.memory_space<vmem>> -> memref<1024xf32, #tpu.memory_space<vmem>>
    %dma_wait3A_929 = tpu.memref_slice %arg2[%mul3A_867] : memref<65536xf32, #tpu.memory_space<hbm>> -> memref<1024xf32, #tpu.memory_space<hbm>>
    tpu.wait_dma2 semaphore(%arg8 : memref<!tpu.dma_semaphore, #tpu.memory_space<semaphore_mem>>) src(%dma_wait3A_929 : memref<1024xf32, #tpu.memory_space<hbm>>) dst(%dma_wait3A_928 : memref<1024xf32, #tpu.memory_space<vmem>>)
    %dma_wait3A_930 = arith.constant 0 : i32
    %dma_wait3A_931 = arith.constant 0 : i32
    %dma_wait3A_932 = tpu.memref_slice %arg7[%dma_wait3A_930, %dma_wait3A_931] : memref<2x1024xf32, #tpu.memory_space<vmem>> -> memref<1x1024xf32, #tpu.memory_space<vmem>>
    %dma_wait3A_933 = tpu.memref_squeeze %dma_wait3A_932 : memref<1x1024xf32, #tpu.memory_space<vmem>> -> memref<1024xf32, #tpu.memory_space<vmem>>
    %dma_wait3A_934 = arith.constant 0 : i32
    %dma_wait3A_935 = tpu.memref_slice %arg4[%select_n3A, %add3A_850, %dma_wait3A_934] : memref<16x64x1024xf32, #tpu.memory_space<hbm>> -> memref<1x1x1024xf32, #tpu.memory_space<hbm>>
    %dma_wait3A_936 = tpu.memref_squeeze %dma_wait3A_935 : memref<1x1x1024xf32, #tpu.memory_space<hbm>> -> memref<1024xf32, #tpu.memory_space<hbm>>
    %dma_wait3A_937 = arith.constant 0 : i32
    %dma_wait3A_938 = tpu.memref_slice %arg4[%select_n3A, %add3A_850, %dma_wait3A_937] : memref<16x64x1024xf32, #tpu.memory_space<hbm>> -> memref<1x1x1024xf32, #tpu.memory_space<hbm>>
    %dma_wait3A_939 = tpu.memref_squeeze %dma_wait3A_938 : memref<1x1x1024xf32, #tpu.memory_space<hbm>> -> memref<1024xf32, #tpu.memory_space<hbm>>
    %dma_wait3A_940 = arith.constant 0 : i32
    %dma_wait3A_941 = tpu.memref_slice %arg7[%dma_wait3A_930, %dma_wait3A_940] : memref<2x1024xf32, #tpu.memory_space<vmem>> -> memref<1x1024xf32, #tpu.memory_space<vmem>>
    %dma_wait3A_942 = tpu.memref_squeeze %dma_wait3A_941 : memref<1x1024xf32, #tpu.memory_space<vmem>> -> memref<1024xf32, #tpu.memory_space<vmem>>
    tpu.wait_dma2 semaphore(%arg9 : memref<!tpu.dma_semaphore, #tpu.memory_space<semaphore_mem>>) src(%dma_wait3A_942 : memref<1024xf32, #tpu.memory_space<vmem>>) dst(%dma_wait3A_939 : memref<1024xf32, #tpu.memory_space<hbm>>)
    %scan3A_943 = arith.constant 0 : i32
    %scan3A_944 = arith.constant 0 : i32
    %scan3A_945 = arith.constant 64 : i32
    %scan3A_946 = arith.addi %scan3A_944, %scan3A_945 : i32
    %scan3A_947 = arith.constant 1 : i32
    scf.for %scan3A_1630 = %scan3A_944 to %scan3A_946 step %scan3A_947  : i32 {
      %mul3A_1631 = arith.constant 16 : i32
      %mul3A_1632 = arith.muli %scan3A_1630, %mul3A_1631 : i32
      %get3A = arith.index_cast %mul3A_1632 : i32 to index
      %get3A_1633 = tpu.vector_load %arg6[%get3A] {strides = array<i32>} : memref<1024xi32, #tpu.memory_space<vmem>>, vector<16xi32>,
      %add3A_1634 = arith.constant 0 : i32
      %add3A_1635 = vector.broadcast %add3A_1634 : i32 to vector<16xi32>
      %add3A_1636 = arith.addi %get3A_1633, %add3A_1635 : vector<16xi32>
      %gather3A = tpu.vector_load_idx %arg5[%add3A_1636] : memref<2048xf32, #tpu.memory_space<vmem>>[vector<16xi32>], vector<16xf32>,
      %mul3A_1637 = arith.constant 16 : i32
      %mul3A_1638 = arith.muli %scan3A_1630, %mul3A_1637 : i32
      %swap3A = arith.constant 0 : i32
      %swap3A_1639 = arith.index_cast %swap3A : i32 to index
      %swap3A_1640 = arith.index_cast %mul3A_1638 : i32 to index
      %swap3A_1641 = tpu.vector_load %arg7[%swap3A_1639, %swap3A_1640] {strides = array<i32>} : memref<2x1024xf32, #tpu.memory_space<vmem>>, vector<16xf32>,
      tpu.vector_store %arg7[%swap3A_1639, %swap3A_1640], %gather3A {strides = array<i32>} : memref<2x1024xf32, #tpu.memory_space<vmem>>, vector<16xf32>,
    }
    %scan3A_948 = arith.constant 64 : i32
    %add3A_949 = arith.constant 18 : i32
    %add3A_950 = arith.addi %mul3A_32, %add3A_949 : i32
    %dma_start3A_951 = arith.constant 0 : i32
    %dma_start3A_952 = arith.constant 0 : i32
    %dma_start3A_953 = tpu.memref_slice %arg7[%dma_start3A_951, %dma_start3A_952] : memref<2x1024xf32, #tpu.memory_space<vmem>> -> memref<1x1024xf32, #tpu.memory_space<vmem>>
    %dma_start3A_954 = tpu.memref_squeeze %dma_start3A_953 : memref<1x1024xf32, #tpu.memory_space<vmem>> -> memref<1024xf32, #tpu.memory_space<vmem>>
    %dma_start3A_955 = arith.constant 0 : i32
    %dma_start3A_956 = tpu.memref_slice %arg4[%select_n3A, %add3A_950, %dma_start3A_955] : memref<16x64x1024xf32, #tpu.memory_space<hbm>> -> memref<1x1x1024xf32, #tpu.memory_space<hbm>>
    %dma_start3A_957 = tpu.memref_squeeze %dma_start3A_956 : memref<1x1x1024xf32, #tpu.memory_space<hbm>> -> memref<1024xf32, #tpu.memory_space<hbm>>
    %dma_start3A_958 = arith.constant 0 : i32
    %dma_start3A_959 = tpu.memref_slice %arg4[%select_n3A, %add3A_950, %dma_start3A_958] : memref<16x64x1024xf32, #tpu.memory_space<hbm>> -> memref<1x1x1024xf32, #tpu.memory_space<hbm>>
    %dma_start3A_960 = tpu.memref_squeeze %dma_start3A_959 : memref<1x1x1024xf32, #tpu.memory_space<hbm>> -> memref<1024xf32, #tpu.memory_space<hbm>>
    %dma_start3A_961 = arith.constant 0 : i32
    %dma_start3A_962 = tpu.memref_slice %arg7[%dma_start3A_951, %dma_start3A_961] : memref<2x1024xf32, #tpu.memory_space<vmem>> -> memref<1x1024xf32, #tpu.memory_space<vmem>>
    %dma_start3A_963 = tpu.memref_squeeze %dma_start3A_962 : memref<1x1024xf32, #tpu.memory_space<vmem>> -> memref<1024xf32, #tpu.memory_space<vmem>>
    tpu.enqueue_dma source(%dma_start3A_963 : memref<1024xf32, #tpu.memory_space<vmem>>) target(%dma_start3A_960 : memref<1024xf32, #tpu.memory_space<hbm>>) target_semaphore(%arg9 : memref<!tpu.dma_semaphore, #tpu.memory_space<semaphore_mem>>)
    %add3A_964 = arith.constant 20 : i32
    %add3A_965 = arith.addi %mul3A_32, %add3A_964 : i32
    %mul3A_966 = arith.constant 1024 : i32
    %mul3A_967 = arith.muli %add3A_965, %mul3A_966 : i32
    %dma_start3A_968 = arith.constant 0 : i32
    %dma_start3A_969 = tpu.memref_slice %arg5[%dma_start3A_968] : memref<2048xf32, #tpu.memory_space<vmem>> -> memref<1024xf32, #tpu.memory_space<vmem>>
    %dma_start3A_970 = tpu.memref_slice %arg2[%mul3A_967] : memref<65536xf32, #tpu.memory_space<hbm>> -> memref<1024xf32, #tpu.memory_space<hbm>>
    %dma_start3A_971 = arith.constant 0 : i32
    %dma_start3A_972 = tpu.memref_slice %arg5[%dma_start3A_971] : memref<2048xf32, #tpu.memory_space<vmem>> -> memref<1024xf32, #tpu.memory_space<vmem>>
    %dma_start3A_973 = tpu.memref_slice %arg2[%mul3A_967] : memref<65536xf32, #tpu.memory_space<hbm>> -> memref<1024xf32, #tpu.memory_space<hbm>>
    tpu.enqueue_dma source(%dma_start3A_973 : memref<1024xf32, #tpu.memory_space<hbm>>) target(%dma_start3A_972 : memref<1024xf32, #tpu.memory_space<vmem>>) target_semaphore(%arg8 : memref<!tpu.dma_semaphore, #tpu.memory_space<semaphore_mem>>)
    %dma_wait3A_974 = arith.constant 1024 : i32
    %dma_wait3A_975 = tpu.memref_slice %arg5[%dma_wait3A_974] : memref<2048xf32, #tpu.memory_space<vmem>> -> memref<1024xf32, #tpu.memory_space<vmem>>
    %dma_wait3A_976 = tpu.memref_slice %arg2[%mul3A_917] : memref<65536xf32, #tpu.memory_space<hbm>> -> memref<1024xf32, #tpu.memory_space<hbm>>
    %dma_wait3A_977 = arith.constant 1024 : i32
    %dma_wait3A_978 = tpu.memref_slice %arg5[%dma_wait3A_977] : memref<2048xf32, #tpu.memory_space<vmem>> -> memref<1024xf32, #tpu.memory_space<vmem>>
    %dma_wait3A_979 = tpu.memref_slice %arg2[%mul3A_917] : memref<65536xf32, #tpu.memory_space<hbm>> -> memref<1024xf32, #tpu.memory_space<hbm>>
    tpu.wait_dma2 semaphore(%arg8 : memref<!tpu.dma_semaphore, #tpu.memory_space<semaphore_mem>>) src(%dma_wait3A_979 : memref<1024xf32, #tpu.memory_space<hbm>>) dst(%dma_wait3A_978 : memref<1024xf32, #tpu.memory_space<vmem>>)
    %dma_wait3A_980 = arith.constant 1 : i32
    %dma_wait3A_981 = arith.constant 0 : i32
    %dma_wait3A_982 = tpu.memref_slice %arg7[%dma_wait3A_980, %dma_wait3A_981] : memref<2x1024xf32, #tpu.memory_space<vmem>> -> memref<1x1024xf32, #tpu.memory_space<vmem>>
    %dma_wait3A_983 = tpu.memref_squeeze %dma_wait3A_982 : memref<1x1024xf32, #tpu.memory_space<vmem>> -> memref<1024xf32, #tpu.memory_space<vmem>>
    %dma_wait3A_984 = arith.constant 0 : i32
    %dma_wait3A_985 = tpu.memref_slice %arg4[%select_n3A, %add3A_900, %dma_wait3A_984] : memref<16x64x1024xf32, #tpu.memory_space<hbm>> -> memref<1x1x1024xf32, #tpu.memory_space<hbm>>
    %dma_wait3A_986 = tpu.memref_squeeze %dma_wait3A_985 : memref<1x1x1024xf32, #tpu.memory_space<hbm>> -> memref<1024xf32, #tpu.memory_space<hbm>>
    %dma_wait3A_987 = arith.constant 0 : i32
    %dma_wait3A_988 = tpu.memref_slice %arg4[%select_n3A, %add3A_900, %dma_wait3A_987] : memref<16x64x1024xf32, #tpu.memory_space<hbm>> -> memref<1x1x1024xf32, #tpu.memory_space<hbm>>
    %dma_wait3A_989 = tpu.memref_squeeze %dma_wait3A_988 : memref<1x1x1024xf32, #tpu.memory_space<hbm>> -> memref<1024xf32, #tpu.memory_space<hbm>>
    %dma_wait3A_990 = arith.constant 0 : i32
    %dma_wait3A_991 = tpu.memref_slice %arg7[%dma_wait3A_980, %dma_wait3A_990] : memref<2x1024xf32, #tpu.memory_space<vmem>> -> memref<1x1024xf32, #tpu.memory_space<vmem>>
    %dma_wait3A_992 = tpu.memref_squeeze %dma_wait3A_991 : memref<1x1024xf32, #tpu.memory_space<vmem>> -> memref<1024xf32, #tpu.memory_space<vmem>>
    tpu.wait_dma2 semaphore(%arg9 : memref<!tpu.dma_semaphore, #tpu.memory_space<semaphore_mem>>) src(%dma_wait3A_992 : memref<1024xf32, #tpu.memory_space<vmem>>) dst(%dma_wait3A_989 : memref<1024xf32, #tpu.memory_space<hbm>>)
    %scan3A_993 = arith.constant 0 : i32
    %scan3A_994 = arith.constant 0 : i32
    %scan3A_995 = arith.constant 64 : i32
    %scan3A_996 = arith.addi %scan3A_994, %scan3A_995 : i32
    %scan3A_997 = arith.constant 1 : i32
    scf.for %scan3A_1630 = %scan3A_994 to %scan3A_996 step %scan3A_997  : i32 {
      %mul3A_1631 = arith.constant 16 : i32
      %mul3A_1632 = arith.muli %scan3A_1630, %mul3A_1631 : i32
      %get3A = arith.index_cast %mul3A_1632 : i32 to index
      %get3A_1633 = tpu.vector_load %arg6[%get3A] {strides = array<i32>} : memref<1024xi32, #tpu.memory_space<vmem>>, vector<16xi32>,
      %add3A_1634 = arith.constant 1024 : i32
      %add3A_1635 = vector.broadcast %add3A_1634 : i32 to vector<16xi32>
      %add3A_1636 = arith.addi %get3A_1633, %add3A_1635 : vector<16xi32>
      %gather3A = tpu.vector_load_idx %arg5[%add3A_1636] : memref<2048xf32, #tpu.memory_space<vmem>>[vector<16xi32>], vector<16xf32>,
      %mul3A_1637 = arith.constant 16 : i32
      %mul3A_1638 = arith.muli %scan3A_1630, %mul3A_1637 : i32
      %swap3A = arith.constant 1 : i32
      %swap3A_1639 = arith.index_cast %swap3A : i32 to index
      %swap3A_1640 = arith.index_cast %mul3A_1638 : i32 to index
      %swap3A_1641 = tpu.vector_load %arg7[%swap3A_1639, %swap3A_1640] {strides = array<i32>} : memref<2x1024xf32, #tpu.memory_space<vmem>>, vector<16xf32>,
      tpu.vector_store %arg7[%swap3A_1639, %swap3A_1640], %gather3A {strides = array<i32>} : memref<2x1024xf32, #tpu.memory_space<vmem>>, vector<16xf32>,
    }
    %scan3A_998 = arith.constant 64 : i32
    %add3A_999 = arith.constant 19 : i32
    %add3A_1000 = arith.addi %mul3A_32, %add3A_999 : i32
    %dma_start3A_1001 = arith.constant 1 : i32
    %dma_start3A_1002 = arith.constant 0 : i32
    %dma_start3A_1003 = tpu.memref_slice %arg7[%dma_start3A_1001, %dma_start3A_1002] : memref<2x1024xf32, #tpu.memory_space<vmem>> -> memref<1x1024xf32, #tpu.memory_space<vmem>>
    %dma_start3A_1004 = tpu.memref_squeeze %dma_start3A_1003 : memref<1x1024xf32, #tpu.memory_space<vmem>> -> memref<1024xf32, #tpu.memory_space<vmem>>
    %dma_start3A_1005 = arith.constant 0 : i32
    %dma_start3A_1006 = tpu.memref_slice %arg4[%select_n3A, %add3A_1000, %dma_start3A_1005] : memref<16x64x1024xf32, #tpu.memory_space<hbm>> -> memref<1x1x1024xf32, #tpu.memory_space<hbm>>
    %dma_start3A_1007 = tpu.memref_squeeze %dma_start3A_1006 : memref<1x1x1024xf32, #tpu.memory_space<hbm>> -> memref<1024xf32, #tpu.memory_space<hbm>>
    %dma_start3A_1008 = arith.constant 0 : i32
    %dma_start3A_1009 = tpu.memref_slice %arg4[%select_n3A, %add3A_1000, %dma_start3A_1008] : memref<16x64x1024xf32, #tpu.memory_space<hbm>> -> memref<1x1x1024xf32, #tpu.memory_space<hbm>>
    %dma_start3A_1010 = tpu.memref_squeeze %dma_start3A_1009 : memref<1x1x1024xf32, #tpu.memory_space<hbm>> -> memref<1024xf32, #tpu.memory_space<hbm>>
    %dma_start3A_1011 = arith.constant 0 : i32
    %dma_start3A_1012 = tpu.memref_slice %arg7[%dma_start3A_1001, %dma_start3A_1011] : memref<2x1024xf32, #tpu.memory_space<vmem>> -> memref<1x1024xf32, #tpu.memory_space<vmem>>
    %dma_start3A_1013 = tpu.memref_squeeze %dma_start3A_1012 : memref<1x1024xf32, #tpu.memory_space<vmem>> -> memref<1024xf32, #tpu.memory_space<vmem>>
    tpu.enqueue_dma source(%dma_start3A_1013 : memref<1024xf32, #tpu.memory_space<vmem>>) target(%dma_start3A_1010 : memref<1024xf32, #tpu.memory_space<hbm>>) target_semaphore(%arg9 : memref<!tpu.dma_semaphore, #tpu.memory_space<semaphore_mem>>)
    %add3A_1014 = arith.constant 21 : i32
    %add3A_1015 = arith.addi %mul3A_32, %add3A_1014 : i32
    %mul3A_1016 = arith.constant 1024 : i32
    %mul3A_1017 = arith.muli %add3A_1015, %mul3A_1016 : i32
    %dma_start3A_1018 = arith.constant 1024 : i32
    %dma_start3A_1019 = tpu.memref_slice %arg5[%dma_start3A_1018] : memref<2048xf32, #tpu.memory_space<vmem>> -> memref<1024xf32, #tpu.memory_space<vmem>>
    %dma_start3A_1020 = tpu.memref_slice %arg2[%mul3A_1017] : memref<65536xf32, #tpu.memory_space<hbm>> -> memref<1024xf32, #tpu.memory_space<hbm>>
    %dma_start3A_1021 = arith.constant 1024 : i32
    %dma_start3A_1022 = tpu.memref_slice %arg5[%dma_start3A_1021] : memref<2048xf32, #tpu.memory_space<vmem>> -> memref<1024xf32, #tpu.memory_space<vmem>>
    %dma_start3A_1023 = tpu.memref_slice %arg2[%mul3A_1017] : memref<65536xf32, #tpu.memory_space<hbm>> -> memref<1024xf32, #tpu.memory_space<hbm>>
    tpu.enqueue_dma source(%dma_start3A_1023 : memref<1024xf32, #tpu.memory_space<hbm>>) target(%dma_start3A_1022 : memref<1024xf32, #tpu.memory_space<vmem>>) target_semaphore(%arg8 : memref<!tpu.dma_semaphore, #tpu.memory_space<semaphore_mem>>)
    %dma_wait3A_1024 = arith.constant 0 : i32
    %dma_wait3A_1025 = tpu.memref_slice %arg5[%dma_wait3A_1024] : memref<2048xf32, #tpu.memory_space<vmem>> -> memref<1024xf32, #tpu.memory_space<vmem>>
    %dma_wait3A_1026 = tpu.memref_slice %arg2[%mul3A_967] : memref<65536xf32, #tpu.memory_space<hbm>> -> memref<1024xf32, #tpu.memory_space<hbm>>
    %dma_wait3A_1027 = arith.constant 0 : i32
    %dma_wait3A_1028 = tpu.memref_slice %arg5[%dma_wait3A_1027] : memref<2048xf32, #tpu.memory_space<vmem>> -> memref<1024xf32, #tpu.memory_space<vmem>>
    %dma_wait3A_1029 = tpu.memref_slice %arg2[%mul3A_967] : memref<65536xf32, #tpu.memory_space<hbm>> -> memref<1024xf32, #tpu.memory_space<hbm>>
    tpu.wait_dma2 semaphore(%arg8 : memref<!tpu.dma_semaphore, #tpu.memory_space<semaphore_mem>>) src(%dma_wait3A_1029 : memref<1024xf32, #tpu.memory_space<hbm>>) dst(%dma_wait3A_1028 : memref<1024xf32, #tpu.memory_space<vmem>>)
    %dma_wait3A_1030 = arith.constant 0 : i32
    %dma_wait3A_1031 = arith.constant 0 : i32
    %dma_wait3A_1032 = tpu.memref_slice %arg7[%dma_wait3A_1030, %dma_wait3A_1031] : memref<2x1024xf32, #tpu.memory_space<vmem>> -> memref<1x1024xf32, #tpu.memory_space<vmem>>
    %dma_wait3A_1033 = tpu.memref_squeeze %dma_wait3A_1032 : memref<1x1024xf32, #tpu.memory_space<vmem>> -> memref<1024xf32, #tpu.memory_space<vmem>>
    %dma_wait3A_1034 = arith.constant 0 : i32
    %dma_wait3A_1035 = tpu.memref_slice %arg4[%select_n3A, %add3A_950, %dma_wait3A_1034] : memref<16x64x1024xf32, #tpu.memory_space<hbm>> -> memref<1x1x1024xf32, #tpu.memory_space<hbm>>
    %dma_wait3A_1036 = tpu.memref_squeeze %dma_wait3A_1035 : memref<1x1x1024xf32, #tpu.memory_space<hbm>> -> memref<1024xf32, #tpu.memory_space<hbm>>
    %dma_wait3A_1037 = arith.constant 0 : i32
    %dma_wait3A_1038 = tpu.memref_slice %arg4[%select_n3A, %add3A_950, %dma_wait3A_1037] : memref<16x64x1024xf32, #tpu.memory_space<hbm>> -> memref<1x1x1024xf32, #tpu.memory_space<hbm>>
    %dma_wait3A_1039 = tpu.memref_squeeze %dma_wait3A_1038 : memref<1x1x1024xf32, #tpu.memory_space<hbm>> -> memref<1024xf32, #tpu.memory_space<hbm>>
    %dma_wait3A_1040 = arith.constant 0 : i32
    %dma_wait3A_1041 = tpu.memref_slice %arg7[%dma_wait3A_1030, %dma_wait3A_1040] : memref<2x1024xf32, #tpu.memory_space<vmem>> -> memref<1x1024xf32, #tpu.memory_space<vmem>>
    %dma_wait3A_1042 = tpu.memref_squeeze %dma_wait3A_1041 : memref<1x1024xf32, #tpu.memory_space<vmem>> -> memref<1024xf32, #tpu.memory_space<vmem>>
    tpu.wait_dma2 semaphore(%arg9 : memref<!tpu.dma_semaphore, #tpu.memory_space<semaphore_mem>>) src(%dma_wait3A_1042 : memref<1024xf32, #tpu.memory_space<vmem>>) dst(%dma_wait3A_1039 : memref<1024xf32, #tpu.memory_space<hbm>>)
    %scan3A_1043 = arith.constant 0 : i32
    %scan3A_1044 = arith.constant 0 : i32
    %scan3A_1045 = arith.constant 64 : i32
    %scan3A_1046 = arith.addi %scan3A_1044, %scan3A_1045 : i32
    %scan3A_1047 = arith.constant 1 : i32
    scf.for %scan3A_1630 = %scan3A_1044 to %scan3A_1046 step %scan3A_1047  : i32 {
      %mul3A_1631 = arith.constant 16 : i32
      %mul3A_1632 = arith.muli %scan3A_1630, %mul3A_1631 : i32
      %get3A = arith.index_cast %mul3A_1632 : i32 to index
      %get3A_1633 = tpu.vector_load %arg6[%get3A] {strides = array<i32>} : memref<1024xi32, #tpu.memory_space<vmem>>, vector<16xi32>,
      %add3A_1634 = arith.constant 0 : i32
      %add3A_1635 = vector.broadcast %add3A_1634 : i32 to vector<16xi32>
      %add3A_1636 = arith.addi %get3A_1633, %add3A_1635 : vector<16xi32>
      %gather3A = tpu.vector_load_idx %arg5[%add3A_1636] : memref<2048xf32, #tpu.memory_space<vmem>>[vector<16xi32>], vector<16xf32>,
      %mul3A_1637 = arith.constant 16 : i32
      %mul3A_1638 = arith.muli %scan3A_1630, %mul3A_1637 : i32
      %swap3A = arith.constant 0 : i32
      %swap3A_1639 = arith.index_cast %swap3A : i32 to index
      %swap3A_1640 = arith.index_cast %mul3A_1638 : i32 to index
      %swap3A_1641 = tpu.vector_load %arg7[%swap3A_1639, %swap3A_1640] {strides = array<i32>} : memref<2x1024xf32, #tpu.memory_space<vmem>>, vector<16xf32>,
      tpu.vector_store %arg7[%swap3A_1639, %swap3A_1640], %gather3A {strides = array<i32>} : memref<2x1024xf32, #tpu.memory_space<vmem>>, vector<16xf32>,
    }
    %scan3A_1048 = arith.constant 64 : i32
    %add3A_1049 = arith.constant 20 : i32
    %add3A_1050 = arith.addi %mul3A_32, %add3A_1049 : i32
    %dma_start3A_1051 = arith.constant 0 : i32
    %dma_start3A_1052 = arith.constant 0 : i32
    %dma_start3A_1053 = tpu.memref_slice %arg7[%dma_start3A_1051, %dma_start3A_1052] : memref<2x1024xf32, #tpu.memory_space<vmem>> -> memref<1x1024xf32, #tpu.memory_space<vmem>>
    %dma_start3A_1054 = tpu.memref_squeeze %dma_start3A_1053 : memref<1x1024xf32, #tpu.memory_space<vmem>> -> memref<1024xf32, #tpu.memory_space<vmem>>
    %dma_start3A_1055 = arith.constant 0 : i32
    %dma_start3A_1056 = tpu.memref_slice %arg4[%select_n3A, %add3A_1050, %dma_start3A_1055] : memref<16x64x1024xf32, #tpu.memory_space<hbm>> -> memref<1x1x1024xf32, #tpu.memory_space<hbm>>
    %dma_start3A_1057 = tpu.memref_squeeze %dma_start3A_1056 : memref<1x1x1024xf32, #tpu.memory_space<hbm>> -> memref<1024xf32, #tpu.memory_space<hbm>>
    %dma_start3A_1058 = arith.constant 0 : i32
    %dma_start3A_1059 = tpu.memref_slice %arg4[%select_n3A, %add3A_1050, %dma_start3A_1058] : memref<16x64x1024xf32, #tpu.memory_space<hbm>> -> memref<1x1x1024xf32, #tpu.memory_space<hbm>>
    %dma_start3A_1060 = tpu.memref_squeeze %dma_start3A_1059 : memref<1x1x1024xf32, #tpu.memory_space<hbm>> -> memref<1024xf32, #tpu.memory_space<hbm>>
    %dma_start3A_1061 = arith.constant 0 : i32
    %dma_start3A_1062 = tpu.memref_slice %arg7[%dma_start3A_1051, %dma_start3A_1061] : memref<2x1024xf32, #tpu.memory_space<vmem>> -> memref<1x1024xf32, #tpu.memory_space<vmem>>
    %dma_start3A_1063 = tpu.memref_squeeze %dma_start3A_1062 : memref<1x1024xf32, #tpu.memory_space<vmem>> -> memref<1024xf32, #tpu.memory_space<vmem>>
    tpu.enqueue_dma source(%dma_start3A_1063 : memref<1024xf32, #tpu.memory_space<vmem>>) target(%dma_start3A_1060 : memref<1024xf32, #tpu.memory_space<hbm>>) target_semaphore(%arg9 : memref<!tpu.dma_semaphore, #tpu.memory_space<semaphore_mem>>)
    %add3A_1064 = arith.constant 22 : i32
    %add3A_1065 = arith.addi %mul3A_32, %add3A_1064 : i32
    %mul3A_1066 = arith.constant 1024 : i32
    %mul3A_1067 = arith.muli %add3A_1065, %mul3A_1066 : i32
    %dma_start3A_1068 = arith.constant 0 : i32
    %dma_start3A_1069 = tpu.memref_slice %arg5[%dma_start3A_1068] : memref<2048xf32, #tpu.memory_space<vmem>> -> memref<1024xf32, #tpu.memory_space<vmem>>
    %dma_start3A_1070 = tpu.memref_slice %arg2[%mul3A_1067] : memref<65536xf32, #tpu.memory_space<hbm>> -> memref<1024xf32, #tpu.memory_space<hbm>>
    %dma_start3A_1071 = arith.constant 0 : i32
    %dma_start3A_1072 = tpu.memref_slice %arg5[%dma_start3A_1071] : memref<2048xf32, #tpu.memory_space<vmem>> -> memref<1024xf32, #tpu.memory_space<vmem>>
    %dma_start3A_1073 = tpu.memref_slice %arg2[%mul3A_1067] : memref<65536xf32, #tpu.memory_space<hbm>> -> memref<1024xf32, #tpu.memory_space<hbm>>
    tpu.enqueue_dma source(%dma_start3A_1073 : memref<1024xf32, #tpu.memory_space<hbm>>) target(%dma_start3A_1072 : memref<1024xf32, #tpu.memory_space<vmem>>) target_semaphore(%arg8 : memref<!tpu.dma_semaphore, #tpu.memory_space<semaphore_mem>>)
    %dma_wait3A_1074 = arith.constant 1024 : i32
    %dma_wait3A_1075 = tpu.memref_slice %arg5[%dma_wait3A_1074] : memref<2048xf32, #tpu.memory_space<vmem>> -> memref<1024xf32, #tpu.memory_space<vmem>>
    %dma_wait3A_1076 = tpu.memref_slice %arg2[%mul3A_1017] : memref<65536xf32, #tpu.memory_space<hbm>> -> memref<1024xf32, #tpu.memory_space<hbm>>
    %dma_wait3A_1077 = arith.constant 1024 : i32
    %dma_wait3A_1078 = tpu.memref_slice %arg5[%dma_wait3A_1077] : memref<2048xf32, #tpu.memory_space<vmem>> -> memref<1024xf32, #tpu.memory_space<vmem>>
    %dma_wait3A_1079 = tpu.memref_slice %arg2[%mul3A_1017] : memref<65536xf32, #tpu.memory_space<hbm>> -> memref<1024xf32, #tpu.memory_space<hbm>>
    tpu.wait_dma2 semaphore(%arg8 : memref<!tpu.dma_semaphore, #tpu.memory_space<semaphore_mem>>) src(%dma_wait3A_1079 : memref<1024xf32, #tpu.memory_space<hbm>>) dst(%dma_wait3A_1078 : memref<1024xf32, #tpu.memory_space<vmem>>)
    %dma_wait3A_1080 = arith.constant 1 : i32
    %dma_wait3A_1081 = arith.constant 0 : i32
    %dma_wait3A_1082 = tpu.memref_slice %arg7[%dma_wait3A_1080, %dma_wait3A_1081] : memref<2x1024xf32, #tpu.memory_space<vmem>> -> memref<1x1024xf32, #tpu.memory_space<vmem>>
    %dma_wait3A_1083 = tpu.memref_squeeze %dma_wait3A_1082 : memref<1x1024xf32, #tpu.memory_space<vmem>> -> memref<1024xf32, #tpu.memory_space<vmem>>
    %dma_wait3A_1084 = arith.constant 0 : i32
    %dma_wait3A_1085 = tpu.memref_slice %arg4[%select_n3A, %add3A_1000, %dma_wait3A_1084] : memref<16x64x1024xf32, #tpu.memory_space<hbm>> -> memref<1x1x1024xf32, #tpu.memory_space<hbm>>
    %dma_wait3A_1086 = tpu.memref_squeeze %dma_wait3A_1085 : memref<1x1x1024xf32, #tpu.memory_space<hbm>> -> memref<1024xf32, #tpu.memory_space<hbm>>
    %dma_wait3A_1087 = arith.constant 0 : i32
    %dma_wait3A_1088 = tpu.memref_slice %arg4[%select_n3A, %add3A_1000, %dma_wait3A_1087] : memref<16x64x1024xf32, #tpu.memory_space<hbm>> -> memref<1x1x1024xf32, #tpu.memory_space<hbm>>
    %dma_wait3A_1089 = tpu.memref_squeeze %dma_wait3A_1088 : memref<1x1x1024xf32, #tpu.memory_space<hbm>> -> memref<1024xf32, #tpu.memory_space<hbm>>
    %dma_wait3A_1090 = arith.constant 0 : i32
    %dma_wait3A_1091 = tpu.memref_slice %arg7[%dma_wait3A_1080, %dma_wait3A_1090] : memref<2x1024xf32, #tpu.memory_space<vmem>> -> memref<1x1024xf32, #tpu.memory_space<vmem>>
    %dma_wait3A_1092 = tpu.memref_squeeze %dma_wait3A_1091 : memref<1x1024xf32, #tpu.memory_space<vmem>> -> memref<1024xf32, #tpu.memory_space<vmem>>
    tpu.wait_dma2 semaphore(%arg9 : memref<!tpu.dma_semaphore, #tpu.memory_space<semaphore_mem>>) src(%dma_wait3A_1092 : memref<1024xf32, #tpu.memory_space<vmem>>) dst(%dma_wait3A_1089 : memref<1024xf32, #tpu.memory_space<hbm>>)
    %scan3A_1093 = arith.constant 0 : i32
    %scan3A_1094 = arith.constant 0 : i32
    %scan3A_1095 = arith.constant 64 : i32
    %scan3A_1096 = arith.addi %scan3A_1094, %scan3A_1095 : i32
    %scan3A_1097 = arith.constant 1 : i32
    scf.for %scan3A_1630 = %scan3A_1094 to %scan3A_1096 step %scan3A_1097  : i32 {
      %mul3A_1631 = arith.constant 16 : i32
      %mul3A_1632 = arith.muli %scan3A_1630, %mul3A_1631 : i32
      %get3A = arith.index_cast %mul3A_1632 : i32 to index
      %get3A_1633 = tpu.vector_load %arg6[%get3A] {strides = array<i32>} : memref<1024xi32, #tpu.memory_space<vmem>>, vector<16xi32>,
      %add3A_1634 = arith.constant 1024 : i32
      %add3A_1635 = vector.broadcast %add3A_1634 : i32 to vector<16xi32>
      %add3A_1636 = arith.addi %get3A_1633, %add3A_1635 : vector<16xi32>
      %gather3A = tpu.vector_load_idx %arg5[%add3A_1636] : memref<2048xf32, #tpu.memory_space<vmem>>[vector<16xi32>], vector<16xf32>,
      %mul3A_1637 = arith.constant 16 : i32
      %mul3A_1638 = arith.muli %scan3A_1630, %mul3A_1637 : i32
      %swap3A = arith.constant 1 : i32
      %swap3A_1639 = arith.index_cast %swap3A : i32 to index
      %swap3A_1640 = arith.index_cast %mul3A_1638 : i32 to index
      %swap3A_1641 = tpu.vector_load %arg7[%swap3A_1639, %swap3A_1640] {strides = array<i32>} : memref<2x1024xf32, #tpu.memory_space<vmem>>, vector<16xf32>,
      tpu.vector_store %arg7[%swap3A_1639, %swap3A_1640], %gather3A {strides = array<i32>} : memref<2x1024xf32, #tpu.memory_space<vmem>>, vector<16xf32>,
    }
    %scan3A_1098 = arith.constant 64 : i32
    %add3A_1099 = arith.constant 21 : i32
    %add3A_1100 = arith.addi %mul3A_32, %add3A_1099 : i32
    %dma_start3A_1101 = arith.constant 1 : i32
    %dma_start3A_1102 = arith.constant 0 : i32
    %dma_start3A_1103 = tpu.memref_slice %arg7[%dma_start3A_1101, %dma_start3A_1102] : memref<2x1024xf32, #tpu.memory_space<vmem>> -> memref<1x1024xf32, #tpu.memory_space<vmem>>
    %dma_start3A_1104 = tpu.memref_squeeze %dma_start3A_1103 : memref<1x1024xf32, #tpu.memory_space<vmem>> -> memref<1024xf32, #tpu.memory_space<vmem>>
    %dma_start3A_1105 = arith.constant 0 : i32
    %dma_start3A_1106 = tpu.memref_slice %arg4[%select_n3A, %add3A_1100, %dma_start3A_1105] : memref<16x64x1024xf32, #tpu.memory_space<hbm>> -> memref<1x1x1024xf32, #tpu.memory_space<hbm>>
    %dma_start3A_1107 = tpu.memref_squeeze %dma_start3A_1106 : memref<1x1x1024xf32, #tpu.memory_space<hbm>> -> memref<1024xf32, #tpu.memory_space<hbm>>
    %dma_start3A_1108 = arith.constant 0 : i32
    %dma_start3A_1109 = tpu.memref_slice %arg4[%select_n3A, %add3A_1100, %dma_start3A_1108] : memref<16x64x1024xf32, #tpu.memory_space<hbm>> -> memref<1x1x1024xf32, #tpu.memory_space<hbm>>
    %dma_start3A_1110 = tpu.memref_squeeze %dma_start3A_1109 : memref<1x1x1024xf32, #tpu.memory_space<hbm>> -> memref<1024xf32, #tpu.memory_space<hbm>>
    %dma_start3A_1111 = arith.constant 0 : i32
    %dma_start3A_1112 = tpu.memref_slice %arg7[%dma_start3A_1101, %dma_start3A_1111] : memref<2x1024xf32, #tpu.memory_space<vmem>> -> memref<1x1024xf32, #tpu.memory_space<vmem>>
    %dma_start3A_1113 = tpu.memref_squeeze %dma_start3A_1112 : memref<1x1024xf32, #tpu.memory_space<vmem>> -> memref<1024xf32, #tpu.memory_space<vmem>>
    tpu.enqueue_dma source(%dma_start3A_1113 : memref<1024xf32, #tpu.memory_space<vmem>>) target(%dma_start3A_1110 : memref<1024xf32, #tpu.memory_space<hbm>>) target_semaphore(%arg9 : memref<!tpu.dma_semaphore, #tpu.memory_space<semaphore_mem>>)
    %add3A_1114 = arith.constant 23 : i32
    %add3A_1115 = arith.addi %mul3A_32, %add3A_1114 : i32
    %mul3A_1116 = arith.constant 1024 : i32
    %mul3A_1117 = arith.muli %add3A_1115, %mul3A_1116 : i32
    %dma_start3A_1118 = arith.constant 1024 : i32
    %dma_start3A_1119 = tpu.memref_slice %arg5[%dma_start3A_1118] : memref<2048xf32, #tpu.memory_space<vmem>> -> memref<1024xf32, #tpu.memory_space<vmem>>
    %dma_start3A_1120 = tpu.memref_slice %arg2[%mul3A_1117] : memref<65536xf32, #tpu.memory_space<hbm>> -> memref<1024xf32, #tpu.memory_space<hbm>>
    %dma_start3A_1121 = arith.constant 1024 : i32
    %dma_start3A_1122 = tpu.memref_slice %arg5[%dma_start3A_1121] : memref<2048xf32, #tpu.memory_space<vmem>> -> memref<1024xf32, #tpu.memory_space<vmem>>
    %dma_start3A_1123 = tpu.memref_slice %arg2[%mul3A_1117] : memref<65536xf32, #tpu.memory_space<hbm>> -> memref<1024xf32, #tpu.memory_space<hbm>>
    tpu.enqueue_dma source(%dma_start3A_1123 : memref<1024xf32, #tpu.memory_space<hbm>>) target(%dma_start3A_1122 : memref<1024xf32, #tpu.memory_space<vmem>>) target_semaphore(%arg8 : memref<!tpu.dma_semaphore, #tpu.memory_space<semaphore_mem>>)
    %dma_wait3A_1124 = arith.constant 0 : i32
    %dma_wait3A_1125 = tpu.memref_slice %arg5[%dma_wait3A_1124] : memref<2048xf32, #tpu.memory_space<vmem>> -> memref<1024xf32, #tpu.memory_space<vmem>>
    %dma_wait3A_1126 = tpu.memref_slice %arg2[%mul3A_1067] : memref<65536xf32, #tpu.memory_space<hbm>> -> memref<1024xf32, #tpu.memory_space<hbm>>
    %dma_wait3A_1127 = arith.constant 0 : i32
    %dma_wait3A_1128 = tpu.memref_slice %arg5[%dma_wait3A_1127] : memref<2048xf32, #tpu.memory_space<vmem>> -> memref<1024xf32, #tpu.memory_space<vmem>>
    %dma_wait3A_1129 = tpu.memref_slice %arg2[%mul3A_1067] : memref<65536xf32, #tpu.memory_space<hbm>> -> memref<1024xf32, #tpu.memory_space<hbm>>
    tpu.wait_dma2 semaphore(%arg8 : memref<!tpu.dma_semaphore, #tpu.memory_space<semaphore_mem>>) src(%dma_wait3A_1129 : memref<1024xf32, #tpu.memory_space<hbm>>) dst(%dma_wait3A_1128 : memref<1024xf32, #tpu.memory_space<vmem>>)
    %dma_wait3A_1130 = arith.constant 0 : i32
    %dma_wait3A_1131 = arith.constant 0 : i32
    %dma_wait3A_1132 = tpu.memref_slice %arg7[%dma_wait3A_1130, %dma_wait3A_1131] : memref<2x1024xf32, #tpu.memory_space<vmem>> -> memref<1x1024xf32, #tpu.memory_space<vmem>>
    %dma_wait3A_1133 = tpu.memref_squeeze %dma_wait3A_1132 : memref<1x1024xf32, #tpu.memory_space<vmem>> -> memref<1024xf32, #tpu.memory_space<vmem>>
    %dma_wait3A_1134 = arith.constant 0 : i32
    %dma_wait3A_1135 = tpu.memref_slice %arg4[%select_n3A, %add3A_1050, %dma_wait3A_1134] : memref<16x64x1024xf32, #tpu.memory_space<hbm>> -> memref<1x1x1024xf32, #tpu.memory_space<hbm>>
    %dma_wait3A_1136 = tpu.memref_squeeze %dma_wait3A_1135 : memref<1x1x1024xf32, #tpu.memory_space<hbm>> -> memref<1024xf32, #tpu.memory_space<hbm>>
    %dma_wait3A_1137 = arith.constant 0 : i32
    %dma_wait3A_1138 = tpu.memref_slice %arg4[%select_n3A, %add3A_1050, %dma_wait3A_1137] : memref<16x64x1024xf32, #tpu.memory_space<hbm>> -> memref<1x1x1024xf32, #tpu.memory_space<hbm>>
    %dma_wait3A_1139 = tpu.memref_squeeze %dma_wait3A_1138 : memref<1x1x1024xf32, #tpu.memory_space<hbm>> -> memref<1024xf32, #tpu.memory_space<hbm>>
    %dma_wait3A_1140 = arith.constant 0 : i32
    %dma_wait3A_1141 = tpu.memref_slice %arg7[%dma_wait3A_1130, %dma_wait3A_1140] : memref<2x1024xf32, #tpu.memory_space<vmem>> -> memref<1x1024xf32, #tpu.memory_space<vmem>>
    %dma_wait3A_1142 = tpu.memref_squeeze %dma_wait3A_1141 : memref<1x1024xf32, #tpu.memory_space<vmem>> -> memref<1024xf32, #tpu.memory_space<vmem>>
    tpu.wait_dma2 semaphore(%arg9 : memref<!tpu.dma_semaphore, #tpu.memory_space<semaphore_mem>>) src(%dma_wait3A_1142 : memref<1024xf32, #tpu.memory_space<vmem>>) dst(%dma_wait3A_1139 : memref<1024xf32, #tpu.memory_space<hbm>>)
    %scan3A_1143 = arith.constant 0 : i32
    %scan3A_1144 = arith.constant 0 : i32
    %scan3A_1145 = arith.constant 64 : i32
    %scan3A_1146 = arith.addi %scan3A_1144, %scan3A_1145 : i32
    %scan3A_1147 = arith.constant 1 : i32
    scf.for %scan3A_1630 = %scan3A_1144 to %scan3A_1146 step %scan3A_1147  : i32 {
      %mul3A_1631 = arith.constant 16 : i32
      %mul3A_1632 = arith.muli %scan3A_1630, %mul3A_1631 : i32
      %get3A = arith.index_cast %mul3A_1632 : i32 to index
      %get3A_1633 = tpu.vector_load %arg6[%get3A] {strides = array<i32>} : memref<1024xi32, #tpu.memory_space<vmem>>, vector<16xi32>,
      %add3A_1634 = arith.constant 0 : i32
      %add3A_1635 = vector.broadcast %add3A_1634 : i32 to vector<16xi32>
      %add3A_1636 = arith.addi %get3A_1633, %add3A_1635 : vector<16xi32>
      %gather3A = tpu.vector_load_idx %arg5[%add3A_1636] : memref<2048xf32, #tpu.memory_space<vmem>>[vector<16xi32>], vector<16xf32>,
      %mul3A_1637 = arith.constant 16 : i32
      %mul3A_1638 = arith.muli %scan3A_1630, %mul3A_1637 : i32
      %swap3A = arith.constant 0 : i32
      %swap3A_1639 = arith.index_cast %swap3A : i32 to index
      %swap3A_1640 = arith.index_cast %mul3A_1638 : i32 to index
      %swap3A_1641 = tpu.vector_load %arg7[%swap3A_1639, %swap3A_1640] {strides = array<i32>} : memref<2x1024xf32, #tpu.memory_space<vmem>>, vector<16xf32>,
      tpu.vector_store %arg7[%swap3A_1639, %swap3A_1640], %gather3A {strides = array<i32>} : memref<2x1024xf32, #tpu.memory_space<vmem>>, vector<16xf32>,
    }
    %scan3A_1148 = arith.constant 64 : i32
    %add3A_1149 = arith.constant 22 : i32
    %add3A_1150 = arith.addi %mul3A_32, %add3A_1149 : i32
    %dma_start3A_1151 = arith.constant 0 : i32
    %dma_start3A_1152 = arith.constant 0 : i32
    %dma_start3A_1153 = tpu.memref_slice %arg7[%dma_start3A_1151, %dma_start3A_1152] : memref<2x1024xf32, #tpu.memory_space<vmem>> -> memref<1x1024xf32, #tpu.memory_space<vmem>>
    %dma_start3A_1154 = tpu.memref_squeeze %dma_start3A_1153 : memref<1x1024xf32, #tpu.memory_space<vmem>> -> memref<1024xf32, #tpu.memory_space<vmem>>
    %dma_start3A_1155 = arith.constant 0 : i32
    %dma_start3A_1156 = tpu.memref_slice %arg4[%select_n3A, %add3A_1150, %dma_start3A_1155] : memref<16x64x1024xf32, #tpu.memory_space<hbm>> -> memref<1x1x1024xf32, #tpu.memory_space<hbm>>
    %dma_start3A_1157 = tpu.memref_squeeze %dma_start3A_1156 : memref<1x1x1024xf32, #tpu.memory_space<hbm>> -> memref<1024xf32, #tpu.memory_space<hbm>>
    %dma_start3A_1158 = arith.constant 0 : i32
    %dma_start3A_1159 = tpu.memref_slice %arg4[%select_n3A, %add3A_1150, %dma_start3A_1158] : memref<16x64x1024xf32, #tpu.memory_space<hbm>> -> memref<1x1x1024xf32, #tpu.memory_space<hbm>>
    %dma_start3A_1160 = tpu.memref_squeeze %dma_start3A_1159 : memref<1x1x1024xf32, #tpu.memory_space<hbm>> -> memref<1024xf32, #tpu.memory_space<hbm>>
    %dma_start3A_1161 = arith.constant 0 : i32
    %dma_start3A_1162 = tpu.memref_slice %arg7[%dma_start3A_1151, %dma_start3A_1161] : memref<2x1024xf32, #tpu.memory_space<vmem>> -> memref<1x1024xf32, #tpu.memory_space<vmem>>
    %dma_start3A_1163 = tpu.memref_squeeze %dma_start3A_1162 : memref<1x1024xf32, #tpu.memory_space<vmem>> -> memref<1024xf32, #tpu.memory_space<vmem>>
    tpu.enqueue_dma source(%dma_start3A_1163 : memref<1024xf32, #tpu.memory_space<vmem>>) target(%dma_start3A_1160 : memref<1024xf32, #tpu.memory_space<hbm>>) target_semaphore(%arg9 : memref<!tpu.dma_semaphore, #tpu.memory_space<semaphore_mem>>)
    %add3A_1164 = arith.constant 24 : i32
    %add3A_1165 = arith.addi %mul3A_32, %add3A_1164 : i32
    %mul3A_1166 = arith.constant 1024 : i32
    %mul3A_1167 = arith.muli %add3A_1165, %mul3A_1166 : i32
    %dma_start3A_1168 = arith.constant 0 : i32
    %dma_start3A_1169 = tpu.memref_slice %arg5[%dma_start3A_1168] : memref<2048xf32, #tpu.memory_space<vmem>> -> memref<1024xf32, #tpu.memory_space<vmem>>
    %dma_start3A_1170 = tpu.memref_slice %arg2[%mul3A_1167] : memref<65536xf32, #tpu.memory_space<hbm>> -> memref<1024xf32, #tpu.memory_space<hbm>>
    %dma_start3A_1171 = arith.constant 0 : i32
    %dma_start3A_1172 = tpu.memref_slice %arg5[%dma_start3A_1171] : memref<2048xf32, #tpu.memory_space<vmem>> -> memref<1024xf32, #tpu.memory_space<vmem>>
    %dma_start3A_1173 = tpu.memref_slice %arg2[%mul3A_1167] : memref<65536xf32, #tpu.memory_space<hbm>> -> memref<1024xf32, #tpu.memory_space<hbm>>
    tpu.enqueue_dma source(%dma_start3A_1173 : memref<1024xf32, #tpu.memory_space<hbm>>) target(%dma_start3A_1172 : memref<1024xf32, #tpu.memory_space<vmem>>) target_semaphore(%arg8 : memref<!tpu.dma_semaphore, #tpu.memory_space<semaphore_mem>>)
    %dma_wait3A_1174 = arith.constant 1024 : i32
    %dma_wait3A_1175 = tpu.memref_slice %arg5[%dma_wait3A_1174] : memref<2048xf32, #tpu.memory_space<vmem>> -> memref<1024xf32, #tpu.memory_space<vmem>>
    %dma_wait3A_1176 = tpu.memref_slice %arg2[%mul3A_1117] : memref<65536xf32, #tpu.memory_space<hbm>> -> memref<1024xf32, #tpu.memory_space<hbm>>
    %dma_wait3A_1177 = arith.constant 1024 : i32
    %dma_wait3A_1178 = tpu.memref_slice %arg5[%dma_wait3A_1177] : memref<2048xf32, #tpu.memory_space<vmem>> -> memref<1024xf32, #tpu.memory_space<vmem>>
    %dma_wait3A_1179 = tpu.memref_slice %arg2[%mul3A_1117] : memref<65536xf32, #tpu.memory_space<hbm>> -> memref<1024xf32, #tpu.memory_space<hbm>>
    tpu.wait_dma2 semaphore(%arg8 : memref<!tpu.dma_semaphore, #tpu.memory_space<semaphore_mem>>) src(%dma_wait3A_1179 : memref<1024xf32, #tpu.memory_space<hbm>>) dst(%dma_wait3A_1178 : memref<1024xf32, #tpu.memory_space<vmem>>)
    %dma_wait3A_1180 = arith.constant 1 : i32
    %dma_wait3A_1181 = arith.constant 0 : i32
    %dma_wait3A_1182 = tpu.memref_slice %arg7[%dma_wait3A_1180, %dma_wait3A_1181] : memref<2x1024xf32, #tpu.memory_space<vmem>> -> memref<1x1024xf32, #tpu.memory_space<vmem>>
    %dma_wait3A_1183 = tpu.memref_squeeze %dma_wait3A_1182 : memref<1x1024xf32, #tpu.memory_space<vmem>> -> memref<1024xf32, #tpu.memory_space<vmem>>
    %dma_wait3A_1184 = arith.constant 0 : i32
    %dma_wait3A_1185 = tpu.memref_slice %arg4[%select_n3A, %add3A_1100, %dma_wait3A_1184] : memref<16x64x1024xf32, #tpu.memory_space<hbm>> -> memref<1x1x1024xf32, #tpu.memory_space<hbm>>
    %dma_wait3A_1186 = tpu.memref_squeeze %dma_wait3A_1185 : memref<1x1x1024xf32, #tpu.memory_space<hbm>> -> memref<1024xf32, #tpu.memory_space<hbm>>
    %dma_wait3A_1187 = arith.constant 0 : i32
    %dma_wait3A_1188 = tpu.memref_slice %arg4[%select_n3A, %add3A_1100, %dma_wait3A_1187] : memref<16x64x1024xf32, #tpu.memory_space<hbm>> -> memref<1x1x1024xf32, #tpu.memory_space<hbm>>
    %dma_wait3A_1189 = tpu.memref_squeeze %dma_wait3A_1188 : memref<1x1x1024xf32, #tpu.memory_space<hbm>> -> memref<1024xf32, #tpu.memory_space<hbm>>
    %dma_wait3A_1190 = arith.constant 0 : i32
    %dma_wait3A_1191 = tpu.memref_slice %arg7[%dma_wait3A_1180, %dma_wait3A_1190] : memref<2x1024xf32, #tpu.memory_space<vmem>> -> memref<1x1024xf32, #tpu.memory_space<vmem>>
    %dma_wait3A_1192 = tpu.memref_squeeze %dma_wait3A_1191 : memref<1x1024xf32, #tpu.memory_space<vmem>> -> memref<1024xf32, #tpu.memory_space<vmem>>
    tpu.wait_dma2 semaphore(%arg9 : memref<!tpu.dma_semaphore, #tpu.memory_space<semaphore_mem>>) src(%dma_wait3A_1192 : memref<1024xf32, #tpu.memory_space<vmem>>) dst(%dma_wait3A_1189 : memref<1024xf32, #tpu.memory_space<hbm>>)
    %scan3A_1193 = arith.constant 0 : i32
    %scan3A_1194 = arith.constant 0 : i32
    %scan3A_1195 = arith.constant 64 : i32
    %scan3A_1196 = arith.addi %scan3A_1194, %scan3A_1195 : i32
    %scan3A_1197 = arith.constant 1 : i32
    scf.for %scan3A_1630 = %scan3A_1194 to %scan3A_1196 step %scan3A_1197  : i32 {
      %mul3A_1631 = arith.constant 16 : i32
      %mul3A_1632 = arith.muli %scan3A_1630, %mul3A_1631 : i32
      %get3A = arith.index_cast %mul3A_1632 : i32 to index
      %get3A_1633 = tpu.vector_load %arg6[%get3A] {strides = array<i32>} : memref<1024xi32, #tpu.memory_space<vmem>>, vector<16xi32>,
      %add3A_1634 = arith.constant 1024 : i32
      %add3A_1635 = vector.broadcast %add3A_1634 : i32 to vector<16xi32>
      %add3A_1636 = arith.addi %get3A_1633, %add3A_1635 : vector<16xi32>
      %gather3A = tpu.vector_load_idx %arg5[%add3A_1636] : memref<2048xf32, #tpu.memory_space<vmem>>[vector<16xi32>], vector<16xf32>,
      %mul3A_1637 = arith.constant 16 : i32
      %mul3A_1638 = arith.muli %scan3A_1630, %mul3A_1637 : i32
      %swap3A = arith.constant 1 : i32
      %swap3A_1639 = arith.index_cast %swap3A : i32 to index
      %swap3A_1640 = arith.index_cast %mul3A_1638 : i32 to index
      %swap3A_1641 = tpu.vector_load %arg7[%swap3A_1639, %swap3A_1640] {strides = array<i32>} : memref<2x1024xf32, #tpu.memory_space<vmem>>, vector<16xf32>,
      tpu.vector_store %arg7[%swap3A_1639, %swap3A_1640], %gather3A {strides = array<i32>} : memref<2x1024xf32, #tpu.memory_space<vmem>>, vector<16xf32>,
    }
    %scan3A_1198 = arith.constant 64 : i32
    %add3A_1199 = arith.constant 23 : i32
    %add3A_1200 = arith.addi %mul3A_32, %add3A_1199 : i32
    %dma_start3A_1201 = arith.constant 1 : i32
    %dma_start3A_1202 = arith.constant 0 : i32
    %dma_start3A_1203 = tpu.memref_slice %arg7[%dma_start3A_1201, %dma_start3A_1202] : memref<2x1024xf32, #tpu.memory_space<vmem>> -> memref<1x1024xf32, #tpu.memory_space<vmem>>
    %dma_start3A_1204 = tpu.memref_squeeze %dma_start3A_1203 : memref<1x1024xf32, #tpu.memory_space<vmem>> -> memref<1024xf32, #tpu.memory_space<vmem>>
    %dma_start3A_1205 = arith.constant 0 : i32
    %dma_start3A_1206 = tpu.memref_slice %arg4[%select_n3A, %add3A_1200, %dma_start3A_1205] : memref<16x64x1024xf32, #tpu.memory_space<hbm>> -> memref<1x1x1024xf32, #tpu.memory_space<hbm>>
    %dma_start3A_1207 = tpu.memref_squeeze %dma_start3A_1206 : memref<1x1x1024xf32, #tpu.memory_space<hbm>> -> memref<1024xf32, #tpu.memory_space<hbm>>
    %dma_start3A_1208 = arith.constant 0 : i32
    %dma_start3A_1209 = tpu.memref_slice %arg4[%select_n3A, %add3A_1200, %dma_start3A_1208] : memref<16x64x1024xf32, #tpu.memory_space<hbm>> -> memref<1x1x1024xf32, #tpu.memory_space<hbm>>
    %dma_start3A_1210 = tpu.memref_squeeze %dma_start3A_1209 : memref<1x1x1024xf32, #tpu.memory_space<hbm>> -> memref<1024xf32, #tpu.memory_space<hbm>>
    %dma_start3A_1211 = arith.constant 0 : i32
    %dma_start3A_1212 = tpu.memref_slice %arg7[%dma_start3A_1201, %dma_start3A_1211] : memref<2x1024xf32, #tpu.memory_space<vmem>> -> memref<1x1024xf32, #tpu.memory_space<vmem>>
    %dma_start3A_1213 = tpu.memref_squeeze %dma_start3A_1212 : memref<1x1024xf32, #tpu.memory_space<vmem>> -> memref<1024xf32, #tpu.memory_space<vmem>>
    tpu.enqueue_dma source(%dma_start3A_1213 : memref<1024xf32, #tpu.memory_space<vmem>>) target(%dma_start3A_1210 : memref<1024xf32, #tpu.memory_space<hbm>>) target_semaphore(%arg9 : memref<!tpu.dma_semaphore, #tpu.memory_space<semaphore_mem>>)
    %add3A_1214 = arith.constant 25 : i32
    %add3A_1215 = arith.addi %mul3A_32, %add3A_1214 : i32
    %mul3A_1216 = arith.constant 1024 : i32
    %mul3A_1217 = arith.muli %add3A_1215, %mul3A_1216 : i32
    %dma_start3A_1218 = arith.constant 1024 : i32
    %dma_start3A_1219 = tpu.memref_slice %arg5[%dma_start3A_1218] : memref<2048xf32, #tpu.memory_space<vmem>> -> memref<1024xf32, #tpu.memory_space<vmem>>
    %dma_start3A_1220 = tpu.memref_slice %arg2[%mul3A_1217] : memref<65536xf32, #tpu.memory_space<hbm>> -> memref<1024xf32, #tpu.memory_space<hbm>>
    %dma_start3A_1221 = arith.constant 1024 : i32
    %dma_start3A_1222 = tpu.memref_slice %arg5[%dma_start3A_1221] : memref<2048xf32, #tpu.memory_space<vmem>> -> memref<1024xf32, #tpu.memory_space<vmem>>
    %dma_start3A_1223 = tpu.memref_slice %arg2[%mul3A_1217] : memref<65536xf32, #tpu.memory_space<hbm>> -> memref<1024xf32, #tpu.memory_space<hbm>>
    tpu.enqueue_dma source(%dma_start3A_1223 : memref<1024xf32, #tpu.memory_space<hbm>>) target(%dma_start3A_1222 : memref<1024xf32, #tpu.memory_space<vmem>>) target_semaphore(%arg8 : memref<!tpu.dma_semaphore, #tpu.memory_space<semaphore_mem>>)
    %dma_wait3A_1224 = arith.constant 0 : i32
    %dma_wait3A_1225 = tpu.memref_slice %arg5[%dma_wait3A_1224] : memref<2048xf32, #tpu.memory_space<vmem>> -> memref<1024xf32, #tpu.memory_space<vmem>>
    %dma_wait3A_1226 = tpu.memref_slice %arg2[%mul3A_1167] : memref<65536xf32, #tpu.memory_space<hbm>> -> memref<1024xf32, #tpu.memory_space<hbm>>
    %dma_wait3A_1227 = arith.constant 0 : i32
    %dma_wait3A_1228 = tpu.memref_slice %arg5[%dma_wait3A_1227] : memref<2048xf32, #tpu.memory_space<vmem>> -> memref<1024xf32, #tpu.memory_space<vmem>>
    %dma_wait3A_1229 = tpu.memref_slice %arg2[%mul3A_1167] : memref<65536xf32, #tpu.memory_space<hbm>> -> memref<1024xf32, #tpu.memory_space<hbm>>
    tpu.wait_dma2 semaphore(%arg8 : memref<!tpu.dma_semaphore, #tpu.memory_space<semaphore_mem>>) src(%dma_wait3A_1229 : memref<1024xf32, #tpu.memory_space<hbm>>) dst(%dma_wait3A_1228 : memref<1024xf32, #tpu.memory_space<vmem>>)
    %dma_wait3A_1230 = arith.constant 0 : i32
    %dma_wait3A_1231 = arith.constant 0 : i32
    %dma_wait3A_1232 = tpu.memref_slice %arg7[%dma_wait3A_1230, %dma_wait3A_1231] : memref<2x1024xf32, #tpu.memory_space<vmem>> -> memref<1x1024xf32, #tpu.memory_space<vmem>>
    %dma_wait3A_1233 = tpu.memref_squeeze %dma_wait3A_1232 : memref<1x1024xf32, #tpu.memory_space<vmem>> -> memref<1024xf32, #tpu.memory_space<vmem>>
    %dma_wait3A_1234 = arith.constant 0 : i32
    %dma_wait3A_1235 = tpu.memref_slice %arg4[%select_n3A, %add3A_1150, %dma_wait3A_1234] : memref<16x64x1024xf32, #tpu.memory_space<hbm>> -> memref<1x1x1024xf32, #tpu.memory_space<hbm>>
    %dma_wait3A_1236 = tpu.memref_squeeze %dma_wait3A_1235 : memref<1x1x1024xf32, #tpu.memory_space<hbm>> -> memref<1024xf32, #tpu.memory_space<hbm>>
    %dma_wait3A_1237 = arith.constant 0 : i32
    %dma_wait3A_1238 = tpu.memref_slice %arg4[%select_n3A, %add3A_1150, %dma_wait3A_1237] : memref<16x64x1024xf32, #tpu.memory_space<hbm>> -> memref<1x1x1024xf32, #tpu.memory_space<hbm>>
    %dma_wait3A_1239 = tpu.memref_squeeze %dma_wait3A_1238 : memref<1x1x1024xf32, #tpu.memory_space<hbm>> -> memref<1024xf32, #tpu.memory_space<hbm>>
    %dma_wait3A_1240 = arith.constant 0 : i32
    %dma_wait3A_1241 = tpu.memref_slice %arg7[%dma_wait3A_1230, %dma_wait3A_1240] : memref<2x1024xf32, #tpu.memory_space<vmem>> -> memref<1x1024xf32, #tpu.memory_space<vmem>>
    %dma_wait3A_1242 = tpu.memref_squeeze %dma_wait3A_1241 : memref<1x1024xf32, #tpu.memory_space<vmem>> -> memref<1024xf32, #tpu.memory_space<vmem>>
    tpu.wait_dma2 semaphore(%arg9 : memref<!tpu.dma_semaphore, #tpu.memory_space<semaphore_mem>>) src(%dma_wait3A_1242 : memref<1024xf32, #tpu.memory_space<vmem>>) dst(%dma_wait3A_1239 : memref<1024xf32, #tpu.memory_space<hbm>>)
    %scan3A_1243 = arith.constant 0 : i32
    %scan3A_1244 = arith.constant 0 : i32
    %scan3A_1245 = arith.constant 64 : i32
    %scan3A_1246 = arith.addi %scan3A_1244, %scan3A_1245 : i32
    %scan3A_1247 = arith.constant 1 : i32
    scf.for %scan3A_1630 = %scan3A_1244 to %scan3A_1246 step %scan3A_1247  : i32 {
      %mul3A_1631 = arith.constant 16 : i32
      %mul3A_1632 = arith.muli %scan3A_1630, %mul3A_1631 : i32
      %get3A = arith.index_cast %mul3A_1632 : i32 to index
      %get3A_1633 = tpu.vector_load %arg6[%get3A] {strides = array<i32>} : memref<1024xi32, #tpu.memory_space<vmem>>, vector<16xi32>,
      %add3A_1634 = arith.constant 0 : i32
      %add3A_1635 = vector.broadcast %add3A_1634 : i32 to vector<16xi32>
      %add3A_1636 = arith.addi %get3A_1633, %add3A_1635 : vector<16xi32>
      %gather3A = tpu.vector_load_idx %arg5[%add3A_1636] : memref<2048xf32, #tpu.memory_space<vmem>>[vector<16xi32>], vector<16xf32>,
      %mul3A_1637 = arith.constant 16 : i32
      %mul3A_1638 = arith.muli %scan3A_1630, %mul3A_1637 : i32
      %swap3A = arith.constant 0 : i32
      %swap3A_1639 = arith.index_cast %swap3A : i32 to index
      %swap3A_1640 = arith.index_cast %mul3A_1638 : i32 to index
      %swap3A_1641 = tpu.vector_load %arg7[%swap3A_1639, %swap3A_1640] {strides = array<i32>} : memref<2x1024xf32, #tpu.memory_space<vmem>>, vector<16xf32>,
      tpu.vector_store %arg7[%swap3A_1639, %swap3A_1640], %gather3A {strides = array<i32>} : memref<2x1024xf32, #tpu.memory_space<vmem>>, vector<16xf32>,
    }
    %scan3A_1248 = arith.constant 64 : i32
    %add3A_1249 = arith.constant 24 : i32
    %add3A_1250 = arith.addi %mul3A_32, %add3A_1249 : i32
    %dma_start3A_1251 = arith.constant 0 : i32
    %dma_start3A_1252 = arith.constant 0 : i32
    %dma_start3A_1253 = tpu.memref_slice %arg7[%dma_start3A_1251, %dma_start3A_1252] : memref<2x1024xf32, #tpu.memory_space<vmem>> -> memref<1x1024xf32, #tpu.memory_space<vmem>>
    %dma_start3A_1254 = tpu.memref_squeeze %dma_start3A_1253 : memref<1x1024xf32, #tpu.memory_space<vmem>> -> memref<1024xf32, #tpu.memory_space<vmem>>
    %dma_start3A_1255 = arith.constant 0 : i32
    %dma_start3A_1256 = tpu.memref_slice %arg4[%select_n3A, %add3A_1250, %dma_start3A_1255] : memref<16x64x1024xf32, #tpu.memory_space<hbm>> -> memref<1x1x1024xf32, #tpu.memory_space<hbm>>
    %dma_start3A_1257 = tpu.memref_squeeze %dma_start3A_1256 : memref<1x1x1024xf32, #tpu.memory_space<hbm>> -> memref<1024xf32, #tpu.memory_space<hbm>>
    %dma_start3A_1258 = arith.constant 0 : i32
    %dma_start3A_1259 = tpu.memref_slice %arg4[%select_n3A, %add3A_1250, %dma_start3A_1258] : memref<16x64x1024xf32, #tpu.memory_space<hbm>> -> memref<1x1x1024xf32, #tpu.memory_space<hbm>>
    %dma_start3A_1260 = tpu.memref_squeeze %dma_start3A_1259 : memref<1x1x1024xf32, #tpu.memory_space<hbm>> -> memref<1024xf32, #tpu.memory_space<hbm>>
    %dma_start3A_1261 = arith.constant 0 : i32
    %dma_start3A_1262 = tpu.memref_slice %arg7[%dma_start3A_1251, %dma_start3A_1261] : memref<2x1024xf32, #tpu.memory_space<vmem>> -> memref<1x1024xf32, #tpu.memory_space<vmem>>
    %dma_start3A_1263 = tpu.memref_squeeze %dma_start3A_1262 : memref<1x1024xf32, #tpu.memory_space<vmem>> -> memref<1024xf32, #tpu.memory_space<vmem>>
    tpu.enqueue_dma source(%dma_start3A_1263 : memref<1024xf32, #tpu.memory_space<vmem>>) target(%dma_start3A_1260 : memref<1024xf32, #tpu.memory_space<hbm>>) target_semaphore(%arg9 : memref<!tpu.dma_semaphore, #tpu.memory_space<semaphore_mem>>)
    %add3A_1264 = arith.constant 26 : i32
    %add3A_1265 = arith.addi %mul3A_32, %add3A_1264 : i32
    %mul3A_1266 = arith.constant 1024 : i32
    %mul3A_1267 = arith.muli %add3A_1265, %mul3A_1266 : i32
    %dma_start3A_1268 = arith.constant 0 : i32
    %dma_start3A_1269 = tpu.memref_slice %arg5[%dma_start3A_1268] : memref<2048xf32, #tpu.memory_space<vmem>> -> memref<1024xf32, #tpu.memory_space<vmem>>
    %dma_start3A_1270 = tpu.memref_slice %arg2[%mul3A_1267] : memref<65536xf32, #tpu.memory_space<hbm>> -> memref<1024xf32, #tpu.memory_space<hbm>>
    %dma_start3A_1271 = arith.constant 0 : i32
    %dma_start3A_1272 = tpu.memref_slice %arg5[%dma_start3A_1271] : memref<2048xf32, #tpu.memory_space<vmem>> -> memref<1024xf32, #tpu.memory_space<vmem>>
    %dma_start3A_1273 = tpu.memref_slice %arg2[%mul3A_1267] : memref<65536xf32, #tpu.memory_space<hbm>> -> memref<1024xf32, #tpu.memory_space<hbm>>
    tpu.enqueue_dma source(%dma_start3A_1273 : memref<1024xf32, #tpu.memory_space<hbm>>) target(%dma_start3A_1272 : memref<1024xf32, #tpu.memory_space<vmem>>) target_semaphore(%arg8 : memref<!tpu.dma_semaphore, #tpu.memory_space<semaphore_mem>>)
    %dma_wait3A_1274 = arith.constant 1024 : i32
    %dma_wait3A_1275 = tpu.memref_slice %arg5[%dma_wait3A_1274] : memref<2048xf32, #tpu.memory_space<vmem>> -> memref<1024xf32, #tpu.memory_space<vmem>>
    %dma_wait3A_1276 = tpu.memref_slice %arg2[%mul3A_1217] : memref<65536xf32, #tpu.memory_space<hbm>> -> memref<1024xf32, #tpu.memory_space<hbm>>
    %dma_wait3A_1277 = arith.constant 1024 : i32
    %dma_wait3A_1278 = tpu.memref_slice %arg5[%dma_wait3A_1277] : memref<2048xf32, #tpu.memory_space<vmem>> -> memref<1024xf32, #tpu.memory_space<vmem>>
    %dma_wait3A_1279 = tpu.memref_slice %arg2[%mul3A_1217] : memref<65536xf32, #tpu.memory_space<hbm>> -> memref<1024xf32, #tpu.memory_space<hbm>>
    tpu.wait_dma2 semaphore(%arg8 : memref<!tpu.dma_semaphore, #tpu.memory_space<semaphore_mem>>) src(%dma_wait3A_1279 : memref<1024xf32, #tpu.memory_space<hbm>>) dst(%dma_wait3A_1278 : memref<1024xf32, #tpu.memory_space<vmem>>)
    %dma_wait3A_1280 = arith.constant 1 : i32
    %dma_wait3A_1281 = arith.constant 0 : i32
    %dma_wait3A_1282 = tpu.memref_slice %arg7[%dma_wait3A_1280, %dma_wait3A_1281] : memref<2x1024xf32, #tpu.memory_space<vmem>> -> memref<1x1024xf32, #tpu.memory_space<vmem>>
    %dma_wait3A_1283 = tpu.memref_squeeze %dma_wait3A_1282 : memref<1x1024xf32, #tpu.memory_space<vmem>> -> memref<1024xf32, #tpu.memory_space<vmem>>
    %dma_wait3A_1284 = arith.constant 0 : i32
    %dma_wait3A_1285 = tpu.memref_slice %arg4[%select_n3A, %add3A_1200, %dma_wait3A_1284] : memref<16x64x1024xf32, #tpu.memory_space<hbm>> -> memref<1x1x1024xf32, #tpu.memory_space<hbm>>
    %dma_wait3A_1286 = tpu.memref_squeeze %dma_wait3A_1285 : memref<1x1x1024xf32, #tpu.memory_space<hbm>> -> memref<1024xf32, #tpu.memory_space<hbm>>
    %dma_wait3A_1287 = arith.constant 0 : i32
    %dma_wait3A_1288 = tpu.memref_slice %arg4[%select_n3A, %add3A_1200, %dma_wait3A_1287] : memref<16x64x1024xf32, #tpu.memory_space<hbm>> -> memref<1x1x1024xf32, #tpu.memory_space<hbm>>
    %dma_wait3A_1289 = tpu.memref_squeeze %dma_wait3A_1288 : memref<1x1x1024xf32, #tpu.memory_space<hbm>> -> memref<1024xf32, #tpu.memory_space<hbm>>
    %dma_wait3A_1290 = arith.constant 0 : i32
    %dma_wait3A_1291 = tpu.memref_slice %arg7[%dma_wait3A_1280, %dma_wait3A_1290] : memref<2x1024xf32, #tpu.memory_space<vmem>> -> memref<1x1024xf32, #tpu.memory_space<vmem>>
    %dma_wait3A_1292 = tpu.memref_squeeze %dma_wait3A_1291 : memref<1x1024xf32, #tpu.memory_space<vmem>> -> memref<1024xf32, #tpu.memory_space<vmem>>
    tpu.wait_dma2 semaphore(%arg9 : memref<!tpu.dma_semaphore, #tpu.memory_space<semaphore_mem>>) src(%dma_wait3A_1292 : memref<1024xf32, #tpu.memory_space<vmem>>) dst(%dma_wait3A_1289 : memref<1024xf32, #tpu.memory_space<hbm>>)
    %scan3A_1293 = arith.constant 0 : i32
    %scan3A_1294 = arith.constant 0 : i32
    %scan3A_1295 = arith.constant 64 : i32
    %scan3A_1296 = arith.addi %scan3A_1294, %scan3A_1295 : i32
    %scan3A_1297 = arith.constant 1 : i32
    scf.for %scan3A_1630 = %scan3A_1294 to %scan3A_1296 step %scan3A_1297  : i32 {
      %mul3A_1631 = arith.constant 16 : i32
      %mul3A_1632 = arith.muli %scan3A_1630, %mul3A_1631 : i32
      %get3A = arith.index_cast %mul3A_1632 : i32 to index
      %get3A_1633 = tpu.vector_load %arg6[%get3A] {strides = array<i32>} : memref<1024xi32, #tpu.memory_space<vmem>>, vector<16xi32>,
      %add3A_1634 = arith.constant 1024 : i32
      %add3A_1635 = vector.broadcast %add3A_1634 : i32 to vector<16xi32>
      %add3A_1636 = arith.addi %get3A_1633, %add3A_1635 : vector<16xi32>
      %gather3A = tpu.vector_load_idx %arg5[%add3A_1636] : memref<2048xf32, #tpu.memory_space<vmem>>[vector<16xi32>], vector<16xf32>,
      %mul3A_1637 = arith.constant 16 : i32
      %mul3A_1638 = arith.muli %scan3A_1630, %mul3A_1637 : i32
      %swap3A = arith.constant 1 : i32
      %swap3A_1639 = arith.index_cast %swap3A : i32 to index
      %swap3A_1640 = arith.index_cast %mul3A_1638 : i32 to index
      %swap3A_1641 = tpu.vector_load %arg7[%swap3A_1639, %swap3A_1640] {strides = array<i32>} : memref<2x1024xf32, #tpu.memory_space<vmem>>, vector<16xf32>,
      tpu.vector_store %arg7[%swap3A_1639, %swap3A_1640], %gather3A {strides = array<i32>} : memref<2x1024xf32, #tpu.memory_space<vmem>>, vector<16xf32>,
    }
    %scan3A_1298 = arith.constant 64 : i32
    %add3A_1299 = arith.constant 25 : i32
    %add3A_1300 = arith.addi %mul3A_32, %add3A_1299 : i32
    %dma_start3A_1301 = arith.constant 1 : i32
    %dma_start3A_1302 = arith.constant 0 : i32
    %dma_start3A_1303 = tpu.memref_slice %arg7[%dma_start3A_1301, %dma_start3A_1302] : memref<2x1024xf32, #tpu.memory_space<vmem>> -> memref<1x1024xf32, #tpu.memory_space<vmem>>
    %dma_start3A_1304 = tpu.memref_squeeze %dma_start3A_1303 : memref<1x1024xf32, #tpu.memory_space<vmem>> -> memref<1024xf32, #tpu.memory_space<vmem>>
    %dma_start3A_1305 = arith.constant 0 : i32
    %dma_start3A_1306 = tpu.memref_slice %arg4[%select_n3A, %add3A_1300, %dma_start3A_1305] : memref<16x64x1024xf32, #tpu.memory_space<hbm>> -> memref<1x1x1024xf32, #tpu.memory_space<hbm>>
    %dma_start3A_1307 = tpu.memref_squeeze %dma_start3A_1306 : memref<1x1x1024xf32, #tpu.memory_space<hbm>> -> memref<1024xf32, #tpu.memory_space<hbm>>
    %dma_start3A_1308 = arith.constant 0 : i32
    %dma_start3A_1309 = tpu.memref_slice %arg4[%select_n3A, %add3A_1300, %dma_start3A_1308] : memref<16x64x1024xf32, #tpu.memory_space<hbm>> -> memref<1x1x1024xf32, #tpu.memory_space<hbm>>
    %dma_start3A_1310 = tpu.memref_squeeze %dma_start3A_1309 : memref<1x1x1024xf32, #tpu.memory_space<hbm>> -> memref<1024xf32, #tpu.memory_space<hbm>>
    %dma_start3A_1311 = arith.constant 0 : i32
    %dma_start3A_1312 = tpu.memref_slice %arg7[%dma_start3A_1301, %dma_start3A_1311] : memref<2x1024xf32, #tpu.memory_space<vmem>> -> memref<1x1024xf32, #tpu.memory_space<vmem>>
    %dma_start3A_1313 = tpu.memref_squeeze %dma_start3A_1312 : memref<1x1024xf32, #tpu.memory_space<vmem>> -> memref<1024xf32, #tpu.memory_space<vmem>>
    tpu.enqueue_dma source(%dma_start3A_1313 : memref<1024xf32, #tpu.memory_space<vmem>>) target(%dma_start3A_1310 : memref<1024xf32, #tpu.memory_space<hbm>>) target_semaphore(%arg9 : memref<!tpu.dma_semaphore, #tpu.memory_space<semaphore_mem>>)
    %add3A_1314 = arith.constant 27 : i32
    %add3A_1315 = arith.addi %mul3A_32, %add3A_1314 : i32
    %mul3A_1316 = arith.constant 1024 : i32
    %mul3A_1317 = arith.muli %add3A_1315, %mul3A_1316 : i32
    %dma_start3A_1318 = arith.constant 1024 : i32
    %dma_start3A_1319 = tpu.memref_slice %arg5[%dma_start3A_1318] : memref<2048xf32, #tpu.memory_space<vmem>> -> memref<1024xf32, #tpu.memory_space<vmem>>
    %dma_start3A_1320 = tpu.memref_slice %arg2[%mul3A_1317] : memref<65536xf32, #tpu.memory_space<hbm>> -> memref<1024xf32, #tpu.memory_space<hbm>>
    %dma_start3A_1321 = arith.constant 1024 : i32
    %dma_start3A_1322 = tpu.memref_slice %arg5[%dma_start3A_1321] : memref<2048xf32, #tpu.memory_space<vmem>> -> memref<1024xf32, #tpu.memory_space<vmem>>
    %dma_start3A_1323 = tpu.memref_slice %arg2[%mul3A_1317] : memref<65536xf32, #tpu.memory_space<hbm>> -> memref<1024xf32, #tpu.memory_space<hbm>>
    tpu.enqueue_dma source(%dma_start3A_1323 : memref<1024xf32, #tpu.memory_space<hbm>>) target(%dma_start3A_1322 : memref<1024xf32, #tpu.memory_space<vmem>>) target_semaphore(%arg8 : memref<!tpu.dma_semaphore, #tpu.memory_space<semaphore_mem>>)
    %dma_wait3A_1324 = arith.constant 0 : i32
    %dma_wait3A_1325 = tpu.memref_slice %arg5[%dma_wait3A_1324] : memref<2048xf32, #tpu.memory_space<vmem>> -> memref<1024xf32, #tpu.memory_space<vmem>>
    %dma_wait3A_1326 = tpu.memref_slice %arg2[%mul3A_1267] : memref<65536xf32, #tpu.memory_space<hbm>> -> memref<1024xf32, #tpu.memory_space<hbm>>
    %dma_wait3A_1327 = arith.constant 0 : i32
    %dma_wait3A_1328 = tpu.memref_slice %arg5[%dma_wait3A_1327] : memref<2048xf32, #tpu.memory_space<vmem>> -> memref<1024xf32, #tpu.memory_space<vmem>>
    %dma_wait3A_1329 = tpu.memref_slice %arg2[%mul3A_1267] : memref<65536xf32, #tpu.memory_space<hbm>> -> memref<1024xf32, #tpu.memory_space<hbm>>
    tpu.wait_dma2 semaphore(%arg8 : memref<!tpu.dma_semaphore, #tpu.memory_space<semaphore_mem>>) src(%dma_wait3A_1329 : memref<1024xf32, #tpu.memory_space<hbm>>) dst(%dma_wait3A_1328 : memref<1024xf32, #tpu.memory_space<vmem>>)
    %dma_wait3A_1330 = arith.constant 0 : i32
    %dma_wait3A_1331 = arith.constant 0 : i32
    %dma_wait3A_1332 = tpu.memref_slice %arg7[%dma_wait3A_1330, %dma_wait3A_1331] : memref<2x1024xf32, #tpu.memory_space<vmem>> -> memref<1x1024xf32, #tpu.memory_space<vmem>>
    %dma_wait3A_1333 = tpu.memref_squeeze %dma_wait3A_1332 : memref<1x1024xf32, #tpu.memory_space<vmem>> -> memref<1024xf32, #tpu.memory_space<vmem>>
    %dma_wait3A_1334 = arith.constant 0 : i32
    %dma_wait3A_1335 = tpu.memref_slice %arg4[%select_n3A, %add3A_1250, %dma_wait3A_1334] : memref<16x64x1024xf32, #tpu.memory_space<hbm>> -> memref<1x1x1024xf32, #tpu.memory_space<hbm>>
    %dma_wait3A_1336 = tpu.memref_squeeze %dma_wait3A_1335 : memref<1x1x1024xf32, #tpu.memory_space<hbm>> -> memref<1024xf32, #tpu.memory_space<hbm>>
    %dma_wait3A_1337 = arith.constant 0 : i32
    %dma_wait3A_1338 = tpu.memref_slice %arg4[%select_n3A, %add3A_1250, %dma_wait3A_1337] : memref<16x64x1024xf32, #tpu.memory_space<hbm>> -> memref<1x1x1024xf32, #tpu.memory_space<hbm>>
    %dma_wait3A_1339 = tpu.memref_squeeze %dma_wait3A_1338 : memref<1x1x1024xf32, #tpu.memory_space<hbm>> -> memref<1024xf32, #tpu.memory_space<hbm>>
    %dma_wait3A_1340 = arith.constant 0 : i32
    %dma_wait3A_1341 = tpu.memref_slice %arg7[%dma_wait3A_1330, %dma_wait3A_1340] : memref<2x1024xf32, #tpu.memory_space<vmem>> -> memref<1x1024xf32, #tpu.memory_space<vmem>>
    %dma_wait3A_1342 = tpu.memref_squeeze %dma_wait3A_1341 : memref<1x1024xf32, #tpu.memory_space<vmem>> -> memref<1024xf32, #tpu.memory_space<vmem>>
    tpu.wait_dma2 semaphore(%arg9 : memref<!tpu.dma_semaphore, #tpu.memory_space<semaphore_mem>>) src(%dma_wait3A_1342 : memref<1024xf32, #tpu.memory_space<vmem>>) dst(%dma_wait3A_1339 : memref<1024xf32, #tpu.memory_space<hbm>>)
    %scan3A_1343 = arith.constant 0 : i32
    %scan3A_1344 = arith.constant 0 : i32
    %scan3A_1345 = arith.constant 64 : i32
    %scan3A_1346 = arith.addi %scan3A_1344, %scan3A_1345 : i32
    %scan3A_1347 = arith.constant 1 : i32
    scf.for %scan3A_1630 = %scan3A_1344 to %scan3A_1346 step %scan3A_1347  : i32 {
      %mul3A_1631 = arith.constant 16 : i32
      %mul3A_1632 = arith.muli %scan3A_1630, %mul3A_1631 : i32
      %get3A = arith.index_cast %mul3A_1632 : i32 to index
      %get3A_1633 = tpu.vector_load %arg6[%get3A] {strides = array<i32>} : memref<1024xi32, #tpu.memory_space<vmem>>, vector<16xi32>,
      %add3A_1634 = arith.constant 0 : i32
      %add3A_1635 = vector.broadcast %add3A_1634 : i32 to vector<16xi32>
      %add3A_1636 = arith.addi %get3A_1633, %add3A_1635 : vector<16xi32>
      %gather3A = tpu.vector_load_idx %arg5[%add3A_1636] : memref<2048xf32, #tpu.memory_space<vmem>>[vector<16xi32>], vector<16xf32>,
      %mul3A_1637 = arith.constant 16 : i32
      %mul3A_1638 = arith.muli %scan3A_1630, %mul3A_1637 : i32
      %swap3A = arith.constant 0 : i32
      %swap3A_1639 = arith.index_cast %swap3A : i32 to index
      %swap3A_1640 = arith.index_cast %mul3A_1638 : i32 to index
      %swap3A_1641 = tpu.vector_load %arg7[%swap3A_1639, %swap3A_1640] {strides = array<i32>} : memref<2x1024xf32, #tpu.memory_space<vmem>>, vector<16xf32>,
      tpu.vector_store %arg7[%swap3A_1639, %swap3A_1640], %gather3A {strides = array<i32>} : memref<2x1024xf32, #tpu.memory_space<vmem>>, vector<16xf32>,
    }
    %scan3A_1348 = arith.constant 64 : i32
    %add3A_1349 = arith.constant 26 : i32
    %add3A_1350 = arith.addi %mul3A_32, %add3A_1349 : i32
    %dma_start3A_1351 = arith.constant 0 : i32
    %dma_start3A_1352 = arith.constant 0 : i32
    %dma_start3A_1353 = tpu.memref_slice %arg7[%dma_start3A_1351, %dma_start3A_1352] : memref<2x1024xf32, #tpu.memory_space<vmem>> -> memref<1x1024xf32, #tpu.memory_space<vmem>>
    %dma_start3A_1354 = tpu.memref_squeeze %dma_start3A_1353 : memref<1x1024xf32, #tpu.memory_space<vmem>> -> memref<1024xf32, #tpu.memory_space<vmem>>
    %dma_start3A_1355 = arith.constant 0 : i32
    %dma_start3A_1356 = tpu.memref_slice %arg4[%select_n3A, %add3A_1350, %dma_start3A_1355] : memref<16x64x1024xf32, #tpu.memory_space<hbm>> -> memref<1x1x1024xf32, #tpu.memory_space<hbm>>
    %dma_start3A_1357 = tpu.memref_squeeze %dma_start3A_1356 : memref<1x1x1024xf32, #tpu.memory_space<hbm>> -> memref<1024xf32, #tpu.memory_space<hbm>>
    %dma_start3A_1358 = arith.constant 0 : i32
    %dma_start3A_1359 = tpu.memref_slice %arg4[%select_n3A, %add3A_1350, %dma_start3A_1358] : memref<16x64x1024xf32, #tpu.memory_space<hbm>> -> memref<1x1x1024xf32, #tpu.memory_space<hbm>>
    %dma_start3A_1360 = tpu.memref_squeeze %dma_start3A_1359 : memref<1x1x1024xf32, #tpu.memory_space<hbm>> -> memref<1024xf32, #tpu.memory_space<hbm>>
    %dma_start3A_1361 = arith.constant 0 : i32
    %dma_start3A_1362 = tpu.memref_slice %arg7[%dma_start3A_1351, %dma_start3A_1361] : memref<2x1024xf32, #tpu.memory_space<vmem>> -> memref<1x1024xf32, #tpu.memory_space<vmem>>
    %dma_start3A_1363 = tpu.memref_squeeze %dma_start3A_1362 : memref<1x1024xf32, #tpu.memory_space<vmem>> -> memref<1024xf32, #tpu.memory_space<vmem>>
    tpu.enqueue_dma source(%dma_start3A_1363 : memref<1024xf32, #tpu.memory_space<vmem>>) target(%dma_start3A_1360 : memref<1024xf32, #tpu.memory_space<hbm>>) target_semaphore(%arg9 : memref<!tpu.dma_semaphore, #tpu.memory_space<semaphore_mem>>)
    %add3A_1364 = arith.constant 28 : i32
    %add3A_1365 = arith.addi %mul3A_32, %add3A_1364 : i32
    %mul3A_1366 = arith.constant 1024 : i32
    %mul3A_1367 = arith.muli %add3A_1365, %mul3A_1366 : i32
    %dma_start3A_1368 = arith.constant 0 : i32
    %dma_start3A_1369 = tpu.memref_slice %arg5[%dma_start3A_1368] : memref<2048xf32, #tpu.memory_space<vmem>> -> memref<1024xf32, #tpu.memory_space<vmem>>
    %dma_start3A_1370 = tpu.memref_slice %arg2[%mul3A_1367] : memref<65536xf32, #tpu.memory_space<hbm>> -> memref<1024xf32, #tpu.memory_space<hbm>>
    %dma_start3A_1371 = arith.constant 0 : i32
    %dma_start3A_1372 = tpu.memref_slice %arg5[%dma_start3A_1371] : memref<2048xf32, #tpu.memory_space<vmem>> -> memref<1024xf32, #tpu.memory_space<vmem>>
    %dma_start3A_1373 = tpu.memref_slice %arg2[%mul3A_1367] : memref<65536xf32, #tpu.memory_space<hbm>> -> memref<1024xf32, #tpu.memory_space<hbm>>
    tpu.enqueue_dma source(%dma_start3A_1373 : memref<1024xf32, #tpu.memory_space<hbm>>) target(%dma_start3A_1372 : memref<1024xf32, #tpu.memory_space<vmem>>) target_semaphore(%arg8 : memref<!tpu.dma_semaphore, #tpu.memory_space<semaphore_mem>>)
    %dma_wait3A_1374 = arith.constant 1024 : i32
    %dma_wait3A_1375 = tpu.memref_slice %arg5[%dma_wait3A_1374] : memref<2048xf32, #tpu.memory_space<vmem>> -> memref<1024xf32, #tpu.memory_space<vmem>>
    %dma_wait3A_1376 = tpu.memref_slice %arg2[%mul3A_1317] : memref<65536xf32, #tpu.memory_space<hbm>> -> memref<1024xf32, #tpu.memory_space<hbm>>
    %dma_wait3A_1377 = arith.constant 1024 : i32
    %dma_wait3A_1378 = tpu.memref_slice %arg5[%dma_wait3A_1377] : memref<2048xf32, #tpu.memory_space<vmem>> -> memref<1024xf32, #tpu.memory_space<vmem>>
    %dma_wait3A_1379 = tpu.memref_slice %arg2[%mul3A_1317] : memref<65536xf32, #tpu.memory_space<hbm>> -> memref<1024xf32, #tpu.memory_space<hbm>>
    tpu.wait_dma2 semaphore(%arg8 : memref<!tpu.dma_semaphore, #tpu.memory_space<semaphore_mem>>) src(%dma_wait3A_1379 : memref<1024xf32, #tpu.memory_space<hbm>>) dst(%dma_wait3A_1378 : memref<1024xf32, #tpu.memory_space<vmem>>)
    %dma_wait3A_1380 = arith.constant 1 : i32
    %dma_wait3A_1381 = arith.constant 0 : i32
    %dma_wait3A_1382 = tpu.memref_slice %arg7[%dma_wait3A_1380, %dma_wait3A_1381] : memref<2x1024xf32, #tpu.memory_space<vmem>> -> memref<1x1024xf32, #tpu.memory_space<vmem>>
    %dma_wait3A_1383 = tpu.memref_squeeze %dma_wait3A_1382 : memref<1x1024xf32, #tpu.memory_space<vmem>> -> memref<1024xf32, #tpu.memory_space<vmem>>
    %dma_wait3A_1384 = arith.constant 0 : i32
    %dma_wait3A_1385 = tpu.memref_slice %arg4[%select_n3A, %add3A_1300, %dma_wait3A_1384] : memref<16x64x1024xf32, #tpu.memory_space<hbm>> -> memref<1x1x1024xf32, #tpu.memory_space<hbm>>
    %dma_wait3A_1386 = tpu.memref_squeeze %dma_wait3A_1385 : memref<1x1x1024xf32, #tpu.memory_space<hbm>> -> memref<1024xf32, #tpu.memory_space<hbm>>
    %dma_wait3A_1387 = arith.constant 0 : i32
    %dma_wait3A_1388 = tpu.memref_slice %arg4[%select_n3A, %add3A_1300, %dma_wait3A_1387] : memref<16x64x1024xf32, #tpu.memory_space<hbm>> -> memref<1x1x1024xf32, #tpu.memory_space<hbm>>
    %dma_wait3A_1389 = tpu.memref_squeeze %dma_wait3A_1388 : memref<1x1x1024xf32, #tpu.memory_space<hbm>> -> memref<1024xf32, #tpu.memory_space<hbm>>
    %dma_wait3A_1390 = arith.constant 0 : i32
    %dma_wait3A_1391 = tpu.memref_slice %arg7[%dma_wait3A_1380, %dma_wait3A_1390] : memref<2x1024xf32, #tpu.memory_space<vmem>> -> memref<1x1024xf32, #tpu.memory_space<vmem>>
    %dma_wait3A_1392 = tpu.memref_squeeze %dma_wait3A_1391 : memref<1x1024xf32, #tpu.memory_space<vmem>> -> memref<1024xf32, #tpu.memory_space<vmem>>
    tpu.wait_dma2 semaphore(%arg9 : memref<!tpu.dma_semaphore, #tpu.memory_space<semaphore_mem>>) src(%dma_wait3A_1392 : memref<1024xf32, #tpu.memory_space<vmem>>) dst(%dma_wait3A_1389 : memref<1024xf32, #tpu.memory_space<hbm>>)
    %scan3A_1393 = arith.constant 0 : i32
    %scan3A_1394 = arith.constant 0 : i32
    %scan3A_1395 = arith.constant 64 : i32
    %scan3A_1396 = arith.addi %scan3A_1394, %scan3A_1395 : i32
    %scan3A_1397 = arith.constant 1 : i32
    scf.for %scan3A_1630 = %scan3A_1394 to %scan3A_1396 step %scan3A_1397  : i32 {
      %mul3A_1631 = arith.constant 16 : i32
      %mul3A_1632 = arith.muli %scan3A_1630, %mul3A_1631 : i32
      %get3A = arith.index_cast %mul3A_1632 : i32 to index
      %get3A_1633 = tpu.vector_load %arg6[%get3A] {strides = array<i32>} : memref<1024xi32, #tpu.memory_space<vmem>>, vector<16xi32>,
      %add3A_1634 = arith.constant 1024 : i32
      %add3A_1635 = vector.broadcast %add3A_1634 : i32 to vector<16xi32>
      %add3A_1636 = arith.addi %get3A_1633, %add3A_1635 : vector<16xi32>
      %gather3A = tpu.vector_load_idx %arg5[%add3A_1636] : memref<2048xf32, #tpu.memory_space<vmem>>[vector<16xi32>], vector<16xf32>,
      %mul3A_1637 = arith.constant 16 : i32
      %mul3A_1638 = arith.muli %scan3A_1630, %mul3A_1637 : i32
      %swap3A = arith.constant 1 : i32
      %swap3A_1639 = arith.index_cast %swap3A : i32 to index
      %swap3A_1640 = arith.index_cast %mul3A_1638 : i32 to index
      %swap3A_1641 = tpu.vector_load %arg7[%swap3A_1639, %swap3A_1640] {strides = array<i32>} : memref<2x1024xf32, #tpu.memory_space<vmem>>, vector<16xf32>,
      tpu.vector_store %arg7[%swap3A_1639, %swap3A_1640], %gather3A {strides = array<i32>} : memref<2x1024xf32, #tpu.memory_space<vmem>>, vector<16xf32>,
    }
    %scan3A_1398 = arith.constant 64 : i32
    %add3A_1399 = arith.constant 27 : i32
    %add3A_1400 = arith.addi %mul3A_32, %add3A_1399 : i32
    %dma_start3A_1401 = arith.constant 1 : i32
    %dma_start3A_1402 = arith.constant 0 : i32
    %dma_start3A_1403 = tpu.memref_slice %arg7[%dma_start3A_1401, %dma_start3A_1402] : memref<2x1024xf32, #tpu.memory_space<vmem>> -> memref<1x1024xf32, #tpu.memory_space<vmem>>
    %dma_start3A_1404 = tpu.memref_squeeze %dma_start3A_1403 : memref<1x1024xf32, #tpu.memory_space<vmem>> -> memref<1024xf32, #tpu.memory_space<vmem>>
    %dma_start3A_1405 = arith.constant 0 : i32
    %dma_start3A_1406 = tpu.memref_slice %arg4[%select_n3A, %add3A_1400, %dma_start3A_1405] : memref<16x64x1024xf32, #tpu.memory_space<hbm>> -> memref<1x1x1024xf32, #tpu.memory_space<hbm>>
    %dma_start3A_1407 = tpu.memref_squeeze %dma_start3A_1406 : memref<1x1x1024xf32, #tpu.memory_space<hbm>> -> memref<1024xf32, #tpu.memory_space<hbm>>
    %dma_start3A_1408 = arith.constant 0 : i32
    %dma_start3A_1409 = tpu.memref_slice %arg4[%select_n3A, %add3A_1400, %dma_start3A_1408] : memref<16x64x1024xf32, #tpu.memory_space<hbm>> -> memref<1x1x1024xf32, #tpu.memory_space<hbm>>
    %dma_start3A_1410 = tpu.memref_squeeze %dma_start3A_1409 : memref<1x1x1024xf32, #tpu.memory_space<hbm>> -> memref<1024xf32, #tpu.memory_space<hbm>>
    %dma_start3A_1411 = arith.constant 0 : i32
    %dma_start3A_1412 = tpu.memref_slice %arg7[%dma_start3A_1401, %dma_start3A_1411] : memref<2x1024xf32, #tpu.memory_space<vmem>> -> memref<1x1024xf32, #tpu.memory_space<vmem>>
    %dma_start3A_1413 = tpu.memref_squeeze %dma_start3A_1412 : memref<1x1024xf32, #tpu.memory_space<vmem>> -> memref<1024xf32, #tpu.memory_space<vmem>>
    tpu.enqueue_dma source(%dma_start3A_1413 : memref<1024xf32, #tpu.memory_space<vmem>>) target(%dma_start3A_1410 : memref<1024xf32, #tpu.memory_space<hbm>>) target_semaphore(%arg9 : memref<!tpu.dma_semaphore, #tpu.memory_space<semaphore_mem>>)
    %add3A_1414 = arith.constant 29 : i32
    %add3A_1415 = arith.addi %mul3A_32, %add3A_1414 : i32
    %mul3A_1416 = arith.constant 1024 : i32
    %mul3A_1417 = arith.muli %add3A_1415, %mul3A_1416 : i32
    %dma_start3A_1418 = arith.constant 1024 : i32
    %dma_start3A_1419 = tpu.memref_slice %arg5[%dma_start3A_1418] : memref<2048xf32, #tpu.memory_space<vmem>> -> memref<1024xf32, #tpu.memory_space<vmem>>
    %dma_start3A_1420 = tpu.memref_slice %arg2[%mul3A_1417] : memref<65536xf32, #tpu.memory_space<hbm>> -> memref<1024xf32, #tpu.memory_space<hbm>>
    %dma_start3A_1421 = arith.constant 1024 : i32
    %dma_start3A_1422 = tpu.memref_slice %arg5[%dma_start3A_1421] : memref<2048xf32, #tpu.memory_space<vmem>> -> memref<1024xf32, #tpu.memory_space<vmem>>
    %dma_start3A_1423 = tpu.memref_slice %arg2[%mul3A_1417] : memref<65536xf32, #tpu.memory_space<hbm>> -> memref<1024xf32, #tpu.memory_space<hbm>>
    tpu.enqueue_dma source(%dma_start3A_1423 : memref<1024xf32, #tpu.memory_space<hbm>>) target(%dma_start3A_1422 : memref<1024xf32, #tpu.memory_space<vmem>>) target_semaphore(%arg8 : memref<!tpu.dma_semaphore, #tpu.memory_space<semaphore_mem>>)
    %dma_wait3A_1424 = arith.constant 0 : i32
    %dma_wait3A_1425 = tpu.memref_slice %arg5[%dma_wait3A_1424] : memref<2048xf32, #tpu.memory_space<vmem>> -> memref<1024xf32, #tpu.memory_space<vmem>>
    %dma_wait3A_1426 = tpu.memref_slice %arg2[%mul3A_1367] : memref<65536xf32, #tpu.memory_space<hbm>> -> memref<1024xf32, #tpu.memory_space<hbm>>
    %dma_wait3A_1427 = arith.constant 0 : i32
    %dma_wait3A_1428 = tpu.memref_slice %arg5[%dma_wait3A_1427] : memref<2048xf32, #tpu.memory_space<vmem>> -> memref<1024xf32, #tpu.memory_space<vmem>>
    %dma_wait3A_1429 = tpu.memref_slice %arg2[%mul3A_1367] : memref<65536xf32, #tpu.memory_space<hbm>> -> memref<1024xf32, #tpu.memory_space<hbm>>
    tpu.wait_dma2 semaphore(%arg8 : memref<!tpu.dma_semaphore, #tpu.memory_space<semaphore_mem>>) src(%dma_wait3A_1429 : memref<1024xf32, #tpu.memory_space<hbm>>) dst(%dma_wait3A_1428 : memref<1024xf32, #tpu.memory_space<vmem>>)
    %dma_wait3A_1430 = arith.constant 0 : i32
    %dma_wait3A_1431 = arith.constant 0 : i32
    %dma_wait3A_1432 = tpu.memref_slice %arg7[%dma_wait3A_1430, %dma_wait3A_1431] : memref<2x1024xf32, #tpu.memory_space<vmem>> -> memref<1x1024xf32, #tpu.memory_space<vmem>>
    %dma_wait3A_1433 = tpu.memref_squeeze %dma_wait3A_1432 : memref<1x1024xf32, #tpu.memory_space<vmem>> -> memref<1024xf32, #tpu.memory_space<vmem>>
    %dma_wait3A_1434 = arith.constant 0 : i32
    %dma_wait3A_1435 = tpu.memref_slice %arg4[%select_n3A, %add3A_1350, %dma_wait3A_1434] : memref<16x64x1024xf32, #tpu.memory_space<hbm>> -> memref<1x1x1024xf32, #tpu.memory_space<hbm>>
    %dma_wait3A_1436 = tpu.memref_squeeze %dma_wait3A_1435 : memref<1x1x1024xf32, #tpu.memory_space<hbm>> -> memref<1024xf32, #tpu.memory_space<hbm>>
    %dma_wait3A_1437 = arith.constant 0 : i32
    %dma_wait3A_1438 = tpu.memref_slice %arg4[%select_n3A, %add3A_1350, %dma_wait3A_1437] : memref<16x64x1024xf32, #tpu.memory_space<hbm>> -> memref<1x1x1024xf32, #tpu.memory_space<hbm>>
    %dma_wait3A_1439 = tpu.memref_squeeze %dma_wait3A_1438 : memref<1x1x1024xf32, #tpu.memory_space<hbm>> -> memref<1024xf32, #tpu.memory_space<hbm>>
    %dma_wait3A_1440 = arith.constant 0 : i32
    %dma_wait3A_1441 = tpu.memref_slice %arg7[%dma_wait3A_1430, %dma_wait3A_1440] : memref<2x1024xf32, #tpu.memory_space<vmem>> -> memref<1x1024xf32, #tpu.memory_space<vmem>>
    %dma_wait3A_1442 = tpu.memref_squeeze %dma_wait3A_1441 : memref<1x1024xf32, #tpu.memory_space<vmem>> -> memref<1024xf32, #tpu.memory_space<vmem>>
    tpu.wait_dma2 semaphore(%arg9 : memref<!tpu.dma_semaphore, #tpu.memory_space<semaphore_mem>>) src(%dma_wait3A_1442 : memref<1024xf32, #tpu.memory_space<vmem>>) dst(%dma_wait3A_1439 : memref<1024xf32, #tpu.memory_space<hbm>>)
    %scan3A_1443 = arith.constant 0 : i32
    %scan3A_1444 = arith.constant 0 : i32
    %scan3A_1445 = arith.constant 64 : i32
    %scan3A_1446 = arith.addi %scan3A_1444, %scan3A_1445 : i32
    %scan3A_1447 = arith.constant 1 : i32
    scf.for %scan3A_1630 = %scan3A_1444 to %scan3A_1446 step %scan3A_1447  : i32 {
      %mul3A_1631 = arith.constant 16 : i32
      %mul3A_1632 = arith.muli %scan3A_1630, %mul3A_1631 : i32
      %get3A = arith.index_cast %mul3A_1632 : i32 to index
      %get3A_1633 = tpu.vector_load %arg6[%get3A] {strides = array<i32>} : memref<1024xi32, #tpu.memory_space<vmem>>, vector<16xi32>,
      %add3A_1634 = arith.constant 0 : i32
      %add3A_1635 = vector.broadcast %add3A_1634 : i32 to vector<16xi32>
      %add3A_1636 = arith.addi %get3A_1633, %add3A_1635 : vector<16xi32>
      %gather3A = tpu.vector_load_idx %arg5[%add3A_1636] : memref<2048xf32, #tpu.memory_space<vmem>>[vector<16xi32>], vector<16xf32>,
      %mul3A_1637 = arith.constant 16 : i32
      %mul3A_1638 = arith.muli %scan3A_1630, %mul3A_1637 : i32
      %swap3A = arith.constant 0 : i32
      %swap3A_1639 = arith.index_cast %swap3A : i32 to index
      %swap3A_1640 = arith.index_cast %mul3A_1638 : i32 to index
      %swap3A_1641 = tpu.vector_load %arg7[%swap3A_1639, %swap3A_1640] {strides = array<i32>} : memref<2x1024xf32, #tpu.memory_space<vmem>>, vector<16xf32>,
      tpu.vector_store %arg7[%swap3A_1639, %swap3A_1640], %gather3A {strides = array<i32>} : memref<2x1024xf32, #tpu.memory_space<vmem>>, vector<16xf32>,
    }
    %scan3A_1448 = arith.constant 64 : i32
    %add3A_1449 = arith.constant 28 : i32
    %add3A_1450 = arith.addi %mul3A_32, %add3A_1449 : i32
    %dma_start3A_1451 = arith.constant 0 : i32
    %dma_start3A_1452 = arith.constant 0 : i32
    %dma_start3A_1453 = tpu.memref_slice %arg7[%dma_start3A_1451, %dma_start3A_1452] : memref<2x1024xf32, #tpu.memory_space<vmem>> -> memref<1x1024xf32, #tpu.memory_space<vmem>>
    %dma_start3A_1454 = tpu.memref_squeeze %dma_start3A_1453 : memref<1x1024xf32, #tpu.memory_space<vmem>> -> memref<1024xf32, #tpu.memory_space<vmem>>
    %dma_start3A_1455 = arith.constant 0 : i32
    %dma_start3A_1456 = tpu.memref_slice %arg4[%select_n3A, %add3A_1450, %dma_start3A_1455] : memref<16x64x1024xf32, #tpu.memory_space<hbm>> -> memref<1x1x1024xf32, #tpu.memory_space<hbm>>
    %dma_start3A_1457 = tpu.memref_squeeze %dma_start3A_1456 : memref<1x1x1024xf32, #tpu.memory_space<hbm>> -> memref<1024xf32, #tpu.memory_space<hbm>>
    %dma_start3A_1458 = arith.constant 0 : i32
    %dma_start3A_1459 = tpu.memref_slice %arg4[%select_n3A, %add3A_1450, %dma_start3A_1458] : memref<16x64x1024xf32, #tpu.memory_space<hbm>> -> memref<1x1x1024xf32, #tpu.memory_space<hbm>>
    %dma_start3A_1460 = tpu.memref_squeeze %dma_start3A_1459 : memref<1x1x1024xf32, #tpu.memory_space<hbm>> -> memref<1024xf32, #tpu.memory_space<hbm>>
    %dma_start3A_1461 = arith.constant 0 : i32
    %dma_start3A_1462 = tpu.memref_slice %arg7[%dma_start3A_1451, %dma_start3A_1461] : memref<2x1024xf32, #tpu.memory_space<vmem>> -> memref<1x1024xf32, #tpu.memory_space<vmem>>
    %dma_start3A_1463 = tpu.memref_squeeze %dma_start3A_1462 : memref<1x1024xf32, #tpu.memory_space<vmem>> -> memref<1024xf32, #tpu.memory_space<vmem>>
    tpu.enqueue_dma source(%dma_start3A_1463 : memref<1024xf32, #tpu.memory_space<vmem>>) target(%dma_start3A_1460 : memref<1024xf32, #tpu.memory_space<hbm>>) target_semaphore(%arg9 : memref<!tpu.dma_semaphore, #tpu.memory_space<semaphore_mem>>)
    %add3A_1464 = arith.constant 30 : i32
    %add3A_1465 = arith.addi %mul3A_32, %add3A_1464 : i32
    %mul3A_1466 = arith.constant 1024 : i32
    %mul3A_1467 = arith.muli %add3A_1465, %mul3A_1466 : i32
    %dma_start3A_1468 = arith.constant 0 : i32
    %dma_start3A_1469 = tpu.memref_slice %arg5[%dma_start3A_1468] : memref<2048xf32, #tpu.memory_space<vmem>> -> memref<1024xf32, #tpu.memory_space<vmem>>
    %dma_start3A_1470 = tpu.memref_slice %arg2[%mul3A_1467] : memref<65536xf32, #tpu.memory_space<hbm>> -> memref<1024xf32, #tpu.memory_space<hbm>>
    %dma_start3A_1471 = arith.constant 0 : i32
    %dma_start3A_1472 = tpu.memref_slice %arg5[%dma_start3A_1471] : memref<2048xf32, #tpu.memory_space<vmem>> -> memref<1024xf32, #tpu.memory_space<vmem>>
    %dma_start3A_1473 = tpu.memref_slice %arg2[%mul3A_1467] : memref<65536xf32, #tpu.memory_space<hbm>> -> memref<1024xf32, #tpu.memory_space<hbm>>
    tpu.enqueue_dma source(%dma_start3A_1473 : memref<1024xf32, #tpu.memory_space<hbm>>) target(%dma_start3A_1472 : memref<1024xf32, #tpu.memory_space<vmem>>) target_semaphore(%arg8 : memref<!tpu.dma_semaphore, #tpu.memory_space<semaphore_mem>>)
    %dma_wait3A_1474 = arith.constant 1024 : i32
    %dma_wait3A_1475 = tpu.memref_slice %arg5[%dma_wait3A_1474] : memref<2048xf32, #tpu.memory_space<vmem>> -> memref<1024xf32, #tpu.memory_space<vmem>>
    %dma_wait3A_1476 = tpu.memref_slice %arg2[%mul3A_1417] : memref<65536xf32, #tpu.memory_space<hbm>> -> memref<1024xf32, #tpu.memory_space<hbm>>
    %dma_wait3A_1477 = arith.constant 1024 : i32
    %dma_wait3A_1478 = tpu.memref_slice %arg5[%dma_wait3A_1477] : memref<2048xf32, #tpu.memory_space<vmem>> -> memref<1024xf32, #tpu.memory_space<vmem>>
    %dma_wait3A_1479 = tpu.memref_slice %arg2[%mul3A_1417] : memref<65536xf32, #tpu.memory_space<hbm>> -> memref<1024xf32, #tpu.memory_space<hbm>>
    tpu.wait_dma2 semaphore(%arg8 : memref<!tpu.dma_semaphore, #tpu.memory_space<semaphore_mem>>) src(%dma_wait3A_1479 : memref<1024xf32, #tpu.memory_space<hbm>>) dst(%dma_wait3A_1478 : memref<1024xf32, #tpu.memory_space<vmem>>)
    %dma_wait3A_1480 = arith.constant 1 : i32
    %dma_wait3A_1481 = arith.constant 0 : i32
    %dma_wait3A_1482 = tpu.memref_slice %arg7[%dma_wait3A_1480, %dma_wait3A_1481] : memref<2x1024xf32, #tpu.memory_space<vmem>> -> memref<1x1024xf32, #tpu.memory_space<vmem>>
    %dma_wait3A_1483 = tpu.memref_squeeze %dma_wait3A_1482 : memref<1x1024xf32, #tpu.memory_space<vmem>> -> memref<1024xf32, #tpu.memory_space<vmem>>
    %dma_wait3A_1484 = arith.constant 0 : i32
    %dma_wait3A_1485 = tpu.memref_slice %arg4[%select_n3A, %add3A_1400, %dma_wait3A_1484] : memref<16x64x1024xf32, #tpu.memory_space<hbm>> -> memref<1x1x1024xf32, #tpu.memory_space<hbm>>
    %dma_wait3A_1486 = tpu.memref_squeeze %dma_wait3A_1485 : memref<1x1x1024xf32, #tpu.memory_space<hbm>> -> memref<1024xf32, #tpu.memory_space<hbm>>
    %dma_wait3A_1487 = arith.constant 0 : i32
    %dma_wait3A_1488 = tpu.memref_slice %arg4[%select_n3A, %add3A_1400, %dma_wait3A_1487] : memref<16x64x1024xf32, #tpu.memory_space<hbm>> -> memref<1x1x1024xf32, #tpu.memory_space<hbm>>
    %dma_wait3A_1489 = tpu.memref_squeeze %dma_wait3A_1488 : memref<1x1x1024xf32, #tpu.memory_space<hbm>> -> memref<1024xf32, #tpu.memory_space<hbm>>
    %dma_wait3A_1490 = arith.constant 0 : i32
    %dma_wait3A_1491 = tpu.memref_slice %arg7[%dma_wait3A_1480, %dma_wait3A_1490] : memref<2x1024xf32, #tpu.memory_space<vmem>> -> memref<1x1024xf32, #tpu.memory_space<vmem>>
    %dma_wait3A_1492 = tpu.memref_squeeze %dma_wait3A_1491 : memref<1x1024xf32, #tpu.memory_space<vmem>> -> memref<1024xf32, #tpu.memory_space<vmem>>
    tpu.wait_dma2 semaphore(%arg9 : memref<!tpu.dma_semaphore, #tpu.memory_space<semaphore_mem>>) src(%dma_wait3A_1492 : memref<1024xf32, #tpu.memory_space<vmem>>) dst(%dma_wait3A_1489 : memref<1024xf32, #tpu.memory_space<hbm>>)
    %scan3A_1493 = arith.constant 0 : i32
    %scan3A_1494 = arith.constant 0 : i32
    %scan3A_1495 = arith.constant 64 : i32
    %scan3A_1496 = arith.addi %scan3A_1494, %scan3A_1495 : i32
    %scan3A_1497 = arith.constant 1 : i32
    scf.for %scan3A_1630 = %scan3A_1494 to %scan3A_1496 step %scan3A_1497  : i32 {
      %mul3A_1631 = arith.constant 16 : i32
      %mul3A_1632 = arith.muli %scan3A_1630, %mul3A_1631 : i32
      %get3A = arith.index_cast %mul3A_1632 : i32 to index
      %get3A_1633 = tpu.vector_load %arg6[%get3A] {strides = array<i32>} : memref<1024xi32, #tpu.memory_space<vmem>>, vector<16xi32>,
      %add3A_1634 = arith.constant 1024 : i32
      %add3A_1635 = vector.broadcast %add3A_1634 : i32 to vector<16xi32>
      %add3A_1636 = arith.addi %get3A_1633, %add3A_1635 : vector<16xi32>
      %gather3A = tpu.vector_load_idx %arg5[%add3A_1636] : memref<2048xf32, #tpu.memory_space<vmem>>[vector<16xi32>], vector<16xf32>,
      %mul3A_1637 = arith.constant 16 : i32
      %mul3A_1638 = arith.muli %scan3A_1630, %mul3A_1637 : i32
      %swap3A = arith.constant 1 : i32
      %swap3A_1639 = arith.index_cast %swap3A : i32 to index
      %swap3A_1640 = arith.index_cast %mul3A_1638 : i32 to index
      %swap3A_1641 = tpu.vector_load %arg7[%swap3A_1639, %swap3A_1640] {strides = array<i32>} : memref<2x1024xf32, #tpu.memory_space<vmem>>, vector<16xf32>,
      tpu.vector_store %arg7[%swap3A_1639, %swap3A_1640], %gather3A {strides = array<i32>} : memref<2x1024xf32, #tpu.memory_space<vmem>>, vector<16xf32>,
    }
    %scan3A_1498 = arith.constant 64 : i32
    %add3A_1499 = arith.constant 29 : i32
    %add3A_1500 = arith.addi %mul3A_32, %add3A_1499 : i32
    %dma_start3A_1501 = arith.constant 1 : i32
    %dma_start3A_1502 = arith.constant 0 : i32
    %dma_start3A_1503 = tpu.memref_slice %arg7[%dma_start3A_1501, %dma_start3A_1502] : memref<2x1024xf32, #tpu.memory_space<vmem>> -> memref<1x1024xf32, #tpu.memory_space<vmem>>
    %dma_start3A_1504 = tpu.memref_squeeze %dma_start3A_1503 : memref<1x1024xf32, #tpu.memory_space<vmem>> -> memref<1024xf32, #tpu.memory_space<vmem>>
    %dma_start3A_1505 = arith.constant 0 : i32
    %dma_start3A_1506 = tpu.memref_slice %arg4[%select_n3A, %add3A_1500, %dma_start3A_1505] : memref<16x64x1024xf32, #tpu.memory_space<hbm>> -> memref<1x1x1024xf32, #tpu.memory_space<hbm>>
    %dma_start3A_1507 = tpu.memref_squeeze %dma_start3A_1506 : memref<1x1x1024xf32, #tpu.memory_space<hbm>> -> memref<1024xf32, #tpu.memory_space<hbm>>
    %dma_start3A_1508 = arith.constant 0 : i32
    %dma_start3A_1509 = tpu.memref_slice %arg4[%select_n3A, %add3A_1500, %dma_start3A_1508] : memref<16x64x1024xf32, #tpu.memory_space<hbm>> -> memref<1x1x1024xf32, #tpu.memory_space<hbm>>
    %dma_start3A_1510 = tpu.memref_squeeze %dma_start3A_1509 : memref<1x1x1024xf32, #tpu.memory_space<hbm>> -> memref<1024xf32, #tpu.memory_space<hbm>>
    %dma_start3A_1511 = arith.constant 0 : i32
    %dma_start3A_1512 = tpu.memref_slice %arg7[%dma_start3A_1501, %dma_start3A_1511] : memref<2x1024xf32, #tpu.memory_space<vmem>> -> memref<1x1024xf32, #tpu.memory_space<vmem>>
    %dma_start3A_1513 = tpu.memref_squeeze %dma_start3A_1512 : memref<1x1024xf32, #tpu.memory_space<vmem>> -> memref<1024xf32, #tpu.memory_space<vmem>>
    tpu.enqueue_dma source(%dma_start3A_1513 : memref<1024xf32, #tpu.memory_space<vmem>>) target(%dma_start3A_1510 : memref<1024xf32, #tpu.memory_space<hbm>>) target_semaphore(%arg9 : memref<!tpu.dma_semaphore, #tpu.memory_space<semaphore_mem>>)
    %add3A_1514 = arith.constant 31 : i32
    %add3A_1515 = arith.addi %mul3A_32, %add3A_1514 : i32
    %mul3A_1516 = arith.constant 1024 : i32
    %mul3A_1517 = arith.muli %add3A_1515, %mul3A_1516 : i32
    %dma_start3A_1518 = arith.constant 1024 : i32
    %dma_start3A_1519 = tpu.memref_slice %arg5[%dma_start3A_1518] : memref<2048xf32, #tpu.memory_space<vmem>> -> memref<1024xf32, #tpu.memory_space<vmem>>
    %dma_start3A_1520 = tpu.memref_slice %arg2[%mul3A_1517] : memref<65536xf32, #tpu.memory_space<hbm>> -> memref<1024xf32, #tpu.memory_space<hbm>>
    %dma_start3A_1521 = arith.constant 1024 : i32
    %dma_start3A_1522 = tpu.memref_slice %arg5[%dma_start3A_1521] : memref<2048xf32, #tpu.memory_space<vmem>> -> memref<1024xf32, #tpu.memory_space<vmem>>
    %dma_start3A_1523 = tpu.memref_slice %arg2[%mul3A_1517] : memref<65536xf32, #tpu.memory_space<hbm>> -> memref<1024xf32, #tpu.memory_space<hbm>>
    tpu.enqueue_dma source(%dma_start3A_1523 : memref<1024xf32, #tpu.memory_space<hbm>>) target(%dma_start3A_1522 : memref<1024xf32, #tpu.memory_space<vmem>>) target_semaphore(%arg8 : memref<!tpu.dma_semaphore, #tpu.memory_space<semaphore_mem>>)
    %dma_wait3A_1524 = arith.constant 0 : i32
    %dma_wait3A_1525 = tpu.memref_slice %arg5[%dma_wait3A_1524] : memref<2048xf32, #tpu.memory_space<vmem>> -> memref<1024xf32, #tpu.memory_space<vmem>>
    %dma_wait3A_1526 = tpu.memref_slice %arg2[%mul3A_1467] : memref<65536xf32, #tpu.memory_space<hbm>> -> memref<1024xf32, #tpu.memory_space<hbm>>
    %dma_wait3A_1527 = arith.constant 0 : i32
    %dma_wait3A_1528 = tpu.memref_slice %arg5[%dma_wait3A_1527] : memref<2048xf32, #tpu.memory_space<vmem>> -> memref<1024xf32, #tpu.memory_space<vmem>>
    %dma_wait3A_1529 = tpu.memref_slice %arg2[%mul3A_1467] : memref<65536xf32, #tpu.memory_space<hbm>> -> memref<1024xf32, #tpu.memory_space<hbm>>
    tpu.wait_dma2 semaphore(%arg8 : memref<!tpu.dma_semaphore, #tpu.memory_space<semaphore_mem>>) src(%dma_wait3A_1529 : memref<1024xf32, #tpu.memory_space<hbm>>) dst(%dma_wait3A_1528 : memref<1024xf32, #tpu.memory_space<vmem>>)
    %dma_wait3A_1530 = arith.constant 0 : i32
    %dma_wait3A_1531 = arith.constant 0 : i32
    %dma_wait3A_1532 = tpu.memref_slice %arg7[%dma_wait3A_1530, %dma_wait3A_1531] : memref<2x1024xf32, #tpu.memory_space<vmem>> -> memref<1x1024xf32, #tpu.memory_space<vmem>>
    %dma_wait3A_1533 = tpu.memref_squeeze %dma_wait3A_1532 : memref<1x1024xf32, #tpu.memory_space<vmem>> -> memref<1024xf32, #tpu.memory_space<vmem>>
    %dma_wait3A_1534 = arith.constant 0 : i32
    %dma_wait3A_1535 = tpu.memref_slice %arg4[%select_n3A, %add3A_1450, %dma_wait3A_1534] : memref<16x64x1024xf32, #tpu.memory_space<hbm>> -> memref<1x1x1024xf32, #tpu.memory_space<hbm>>
    %dma_wait3A_1536 = tpu.memref_squeeze %dma_wait3A_1535 : memref<1x1x1024xf32, #tpu.memory_space<hbm>> -> memref<1024xf32, #tpu.memory_space<hbm>>
    %dma_wait3A_1537 = arith.constant 0 : i32
    %dma_wait3A_1538 = tpu.memref_slice %arg4[%select_n3A, %add3A_1450, %dma_wait3A_1537] : memref<16x64x1024xf32, #tpu.memory_space<hbm>> -> memref<1x1x1024xf32, #tpu.memory_space<hbm>>
    %dma_wait3A_1539 = tpu.memref_squeeze %dma_wait3A_1538 : memref<1x1x1024xf32, #tpu.memory_space<hbm>> -> memref<1024xf32, #tpu.memory_space<hbm>>
    %dma_wait3A_1540 = arith.constant 0 : i32
    %dma_wait3A_1541 = tpu.memref_slice %arg7[%dma_wait3A_1530, %dma_wait3A_1540] : memref<2x1024xf32, #tpu.memory_space<vmem>> -> memref<1x1024xf32, #tpu.memory_space<vmem>>
    %dma_wait3A_1542 = tpu.memref_squeeze %dma_wait3A_1541 : memref<1x1024xf32, #tpu.memory_space<vmem>> -> memref<1024xf32, #tpu.memory_space<vmem>>
    tpu.wait_dma2 semaphore(%arg9 : memref<!tpu.dma_semaphore, #tpu.memory_space<semaphore_mem>>) src(%dma_wait3A_1542 : memref<1024xf32, #tpu.memory_space<vmem>>) dst(%dma_wait3A_1539 : memref<1024xf32, #tpu.memory_space<hbm>>)
    %scan3A_1543 = arith.constant 0 : i32
    %scan3A_1544 = arith.constant 0 : i32
    %scan3A_1545 = arith.constant 64 : i32
    %scan3A_1546 = arith.addi %scan3A_1544, %scan3A_1545 : i32
    %scan3A_1547 = arith.constant 1 : i32
    scf.for %scan3A_1630 = %scan3A_1544 to %scan3A_1546 step %scan3A_1547  : i32 {
      %mul3A_1631 = arith.constant 16 : i32
      %mul3A_1632 = arith.muli %scan3A_1630, %mul3A_1631 : i32
      %get3A = arith.index_cast %mul3A_1632 : i32 to index
      %get3A_1633 = tpu.vector_load %arg6[%get3A] {strides = array<i32>} : memref<1024xi32, #tpu.memory_space<vmem>>, vector<16xi32>,
      %add3A_1634 = arith.constant 0 : i32
      %add3A_1635 = vector.broadcast %add3A_1634 : i32 to vector<16xi32>
      %add3A_1636 = arith.addi %get3A_1633, %add3A_1635 : vector<16xi32>
      %gather3A = tpu.vector_load_idx %arg5[%add3A_1636] : memref<2048xf32, #tpu.memory_space<vmem>>[vector<16xi32>], vector<16xf32>,
      %mul3A_1637 = arith.constant 16 : i32
      %mul3A_1638 = arith.muli %scan3A_1630, %mul3A_1637 : i32
      %swap3A = arith.constant 0 : i32
      %swap3A_1639 = arith.index_cast %swap3A : i32 to index
      %swap3A_1640 = arith.index_cast %mul3A_1638 : i32 to index
      %swap3A_1641 = tpu.vector_load %arg7[%swap3A_1639, %swap3A_1640] {strides = array<i32>} : memref<2x1024xf32, #tpu.memory_space<vmem>>, vector<16xf32>,
      tpu.vector_store %arg7[%swap3A_1639, %swap3A_1640], %gather3A {strides = array<i32>} : memref<2x1024xf32, #tpu.memory_space<vmem>>, vector<16xf32>,
    }
    %scan3A_1548 = arith.constant 64 : i32
    %add3A_1549 = arith.constant 30 : i32
    %add3A_1550 = arith.addi %mul3A_32, %add3A_1549 : i32
    %dma_start3A_1551 = arith.constant 0 : i32
    %dma_start3A_1552 = arith.constant 0 : i32
    %dma_start3A_1553 = tpu.memref_slice %arg7[%dma_start3A_1551, %dma_start3A_1552] : memref<2x1024xf32, #tpu.memory_space<vmem>> -> memref<1x1024xf32, #tpu.memory_space<vmem>>
    %dma_start3A_1554 = tpu.memref_squeeze %dma_start3A_1553 : memref<1x1024xf32, #tpu.memory_space<vmem>> -> memref<1024xf32, #tpu.memory_space<vmem>>
    %dma_start3A_1555 = arith.constant 0 : i32
    %dma_start3A_1556 = tpu.memref_slice %arg4[%select_n3A, %add3A_1550, %dma_start3A_1555] : memref<16x64x1024xf32, #tpu.memory_space<hbm>> -> memref<1x1x1024xf32, #tpu.memory_space<hbm>>
    %dma_start3A_1557 = tpu.memref_squeeze %dma_start3A_1556 : memref<1x1x1024xf32, #tpu.memory_space<hbm>> -> memref<1024xf32, #tpu.memory_space<hbm>>
    %dma_start3A_1558 = arith.constant 0 : i32
    %dma_start3A_1559 = tpu.memref_slice %arg4[%select_n3A, %add3A_1550, %dma_start3A_1558] : memref<16x64x1024xf32, #tpu.memory_space<hbm>> -> memref<1x1x1024xf32, #tpu.memory_space<hbm>>
    %dma_start3A_1560 = tpu.memref_squeeze %dma_start3A_1559 : memref<1x1x1024xf32, #tpu.memory_space<hbm>> -> memref<1024xf32, #tpu.memory_space<hbm>>
    %dma_start3A_1561 = arith.constant 0 : i32
    %dma_start3A_1562 = tpu.memref_slice %arg7[%dma_start3A_1551, %dma_start3A_1561] : memref<2x1024xf32, #tpu.memory_space<vmem>> -> memref<1x1024xf32, #tpu.memory_space<vmem>>
    %dma_start3A_1563 = tpu.memref_squeeze %dma_start3A_1562 : memref<1x1024xf32, #tpu.memory_space<vmem>> -> memref<1024xf32, #tpu.memory_space<vmem>>
    tpu.enqueue_dma source(%dma_start3A_1563 : memref<1024xf32, #tpu.memory_space<vmem>>) target(%dma_start3A_1560 : memref<1024xf32, #tpu.memory_space<hbm>>) target_semaphore(%arg9 : memref<!tpu.dma_semaphore, #tpu.memory_space<semaphore_mem>>)
    %dma_wait3A_1564 = arith.constant 1024 : i32
    %dma_wait3A_1565 = tpu.memref_slice %arg5[%dma_wait3A_1564] : memref<2048xf32, #tpu.memory_space<vmem>> -> memref<1024xf32, #tpu.memory_space<vmem>>
    %dma_wait3A_1566 = tpu.memref_slice %arg2[%mul3A_1517] : memref<65536xf32, #tpu.memory_space<hbm>> -> memref<1024xf32, #tpu.memory_space<hbm>>
    %dma_wait3A_1567 = arith.constant 1024 : i32
    %dma_wait3A_1568 = tpu.memref_slice %arg5[%dma_wait3A_1567] : memref<2048xf32, #tpu.memory_space<vmem>> -> memref<1024xf32, #tpu.memory_space<vmem>>
    %dma_wait3A_1569 = tpu.memref_slice %arg2[%mul3A_1517] : memref<65536xf32, #tpu.memory_space<hbm>> -> memref<1024xf32, #tpu.memory_space<hbm>>
    tpu.wait_dma2 semaphore(%arg8 : memref<!tpu.dma_semaphore, #tpu.memory_space<semaphore_mem>>) src(%dma_wait3A_1569 : memref<1024xf32, #tpu.memory_space<hbm>>) dst(%dma_wait3A_1568 : memref<1024xf32, #tpu.memory_space<vmem>>)
    %dma_wait3A_1570 = arith.constant 1 : i32
    %dma_wait3A_1571 = arith.constant 0 : i32
    %dma_wait3A_1572 = tpu.memref_slice %arg7[%dma_wait3A_1570, %dma_wait3A_1571] : memref<2x1024xf32, #tpu.memory_space<vmem>> -> memref<1x1024xf32, #tpu.memory_space<vmem>>
    %dma_wait3A_1573 = tpu.memref_squeeze %dma_wait3A_1572 : memref<1x1024xf32, #tpu.memory_space<vmem>> -> memref<1024xf32, #tpu.memory_space<vmem>>
    %dma_wait3A_1574 = arith.constant 0 : i32
    %dma_wait3A_1575 = tpu.memref_slice %arg4[%select_n3A, %add3A_1500, %dma_wait3A_1574] : memref<16x64x1024xf32, #tpu.memory_space<hbm>> -> memref<1x1x1024xf32, #tpu.memory_space<hbm>>
    %dma_wait3A_1576 = tpu.memref_squeeze %dma_wait3A_1575 : memref<1x1x1024xf32, #tpu.memory_space<hbm>> -> memref<1024xf32, #tpu.memory_space<hbm>>
    %dma_wait3A_1577 = arith.constant 0 : i32
    %dma_wait3A_1578 = tpu.memref_slice %arg4[%select_n3A, %add3A_1500, %dma_wait3A_1577] : memref<16x64x1024xf32, #tpu.memory_space<hbm>> -> memref<1x1x1024xf32, #tpu.memory_space<hbm>>
    %dma_wait3A_1579 = tpu.memref_squeeze %dma_wait3A_1578 : memref<1x1x1024xf32, #tpu.memory_space<hbm>> -> memref<1024xf32, #tpu.memory_space<hbm>>
    %dma_wait3A_1580 = arith.constant 0 : i32
    %dma_wait3A_1581 = tpu.memref_slice %arg7[%dma_wait3A_1570, %dma_wait3A_1580] : memref<2x1024xf32, #tpu.memory_space<vmem>> -> memref<1x1024xf32, #tpu.memory_space<vmem>>
    %dma_wait3A_1582 = tpu.memref_squeeze %dma_wait3A_1581 : memref<1x1024xf32, #tpu.memory_space<vmem>> -> memref<1024xf32, #tpu.memory_space<vmem>>
    tpu.wait_dma2 semaphore(%arg9 : memref<!tpu.dma_semaphore, #tpu.memory_space<semaphore_mem>>) src(%dma_wait3A_1582 : memref<1024xf32, #tpu.memory_space<vmem>>) dst(%dma_wait3A_1579 : memref<1024xf32, #tpu.memory_space<hbm>>)
    %scan3A_1583 = arith.constant 0 : i32
    %scan3A_1584 = arith.constant 0 : i32
    %scan3A_1585 = arith.constant 64 : i32
    %scan3A_1586 = arith.addi %scan3A_1584, %scan3A_1585 : i32
    %scan3A_1587 = arith.constant 1 : i32
    scf.for %scan3A_1630 = %scan3A_1584 to %scan3A_1586 step %scan3A_1587  : i32 {
      %mul3A_1631 = arith.constant 16 : i32
      %mul3A_1632 = arith.muli %scan3A_1630, %mul3A_1631 : i32
      %get3A = arith.index_cast %mul3A_1632 : i32 to index
      %get3A_1633 = tpu.vector_load %arg6[%get3A] {strides = array<i32>} : memref<1024xi32, #tpu.memory_space<vmem>>, vector<16xi32>,
      %add3A_1634 = arith.constant 1024 : i32
      %add3A_1635 = vector.broadcast %add3A_1634 : i32 to vector<16xi32>
      %add3A_1636 = arith.addi %get3A_1633, %add3A_1635 : vector<16xi32>
      %gather3A = tpu.vector_load_idx %arg5[%add3A_1636] : memref<2048xf32, #tpu.memory_space<vmem>>[vector<16xi32>], vector<16xf32>,
      %mul3A_1637 = arith.constant 16 : i32
      %mul3A_1638 = arith.muli %scan3A_1630, %mul3A_1637 : i32
      %swap3A = arith.constant 1 : i32
      %swap3A_1639 = arith.index_cast %swap3A : i32 to index
      %swap3A_1640 = arith.index_cast %mul3A_1638 : i32 to index
      %swap3A_1641 = tpu.vector_load %arg7[%swap3A_1639, %swap3A_1640] {strides = array<i32>} : memref<2x1024xf32, #tpu.memory_space<vmem>>, vector<16xf32>,
      tpu.vector_store %arg7[%swap3A_1639, %swap3A_1640], %gather3A {strides = array<i32>} : memref<2x1024xf32, #tpu.memory_space<vmem>>, vector<16xf32>,
    }
    %scan3A_1588 = arith.constant 64 : i32
    %add3A_1589 = arith.constant 31 : i32
    %add3A_1590 = arith.addi %mul3A_32, %add3A_1589 : i32
    %dma_start3A_1591 = arith.constant 1 : i32
    %dma_start3A_1592 = arith.constant 0 : i32
    %dma_start3A_1593 = tpu.memref_slice %arg7[%dma_start3A_1591, %dma_start3A_1592] : memref<2x1024xf32, #tpu.memory_space<vmem>> -> memref<1x1024xf32, #tpu.memory_space<vmem>>
    %dma_start3A_1594 = tpu.memref_squeeze %dma_start3A_1593 : memref<1x1024xf32, #tpu.memory_space<vmem>> -> memref<1024xf32, #tpu.memory_space<vmem>>
    %dma_start3A_1595 = arith.constant 0 : i32
    %dma_start3A_1596 = tpu.memref_slice %arg4[%select_n3A, %add3A_1590, %dma_start3A_1595] : memref<16x64x1024xf32, #tpu.memory_space<hbm>> -> memref<1x1x1024xf32, #tpu.memory_space<hbm>>
    %dma_start3A_1597 = tpu.memref_squeeze %dma_start3A_1596 : memref<1x1x1024xf32, #tpu.memory_space<hbm>> -> memref<1024xf32, #tpu.memory_space<hbm>>
    %dma_start3A_1598 = arith.constant 0 : i32
    %dma_start3A_1599 = tpu.memref_slice %arg4[%select_n3A, %add3A_1590, %dma_start3A_1598] : memref<16x64x1024xf32, #tpu.memory_space<hbm>> -> memref<1x1x1024xf32, #tpu.memory_space<hbm>>
    %dma_start3A_1600 = tpu.memref_squeeze %dma_start3A_1599 : memref<1x1x1024xf32, #tpu.memory_space<hbm>> -> memref<1024xf32, #tpu.memory_space<hbm>>
    %dma_start3A_1601 = arith.constant 0 : i32
    %dma_start3A_1602 = tpu.memref_slice %arg7[%dma_start3A_1591, %dma_start3A_1601] : memref<2x1024xf32, #tpu.memory_space<vmem>> -> memref<1x1024xf32, #tpu.memory_space<vmem>>
    %dma_start3A_1603 = tpu.memref_squeeze %dma_start3A_1602 : memref<1x1024xf32, #tpu.memory_space<vmem>> -> memref<1024xf32, #tpu.memory_space<vmem>>
    tpu.enqueue_dma source(%dma_start3A_1603 : memref<1024xf32, #tpu.memory_space<vmem>>) target(%dma_start3A_1600 : memref<1024xf32, #tpu.memory_space<hbm>>) target_semaphore(%arg9 : memref<!tpu.dma_semaphore, #tpu.memory_space<semaphore_mem>>)
    %dma_wait3A_1604 = arith.constant 0 : i32
    %dma_wait3A_1605 = arith.constant 0 : i32
    %dma_wait3A_1606 = tpu.memref_slice %arg7[%dma_wait3A_1604, %dma_wait3A_1605] : memref<2x1024xf32, #tpu.memory_space<vmem>> -> memref<1x1024xf32, #tpu.memory_space<vmem>>
    %dma_wait3A_1607 = tpu.memref_squeeze %dma_wait3A_1606 : memref<1x1024xf32, #tpu.memory_space<vmem>> -> memref<1024xf32, #tpu.memory_space<vmem>>
    %dma_wait3A_1608 = arith.constant 0 : i32
    %dma_wait3A_1609 = tpu.memref_slice %arg4[%select_n3A, %add3A_1550, %dma_wait3A_1608] : memref<16x64x1024xf32, #tpu.memory_space<hbm>> -> memref<1x1x1024xf32, #tpu.memory_space<hbm>>
    %dma_wait3A_1610 = tpu.memref_squeeze %dma_wait3A_1609 : memref<1x1x1024xf32, #tpu.memory_space<hbm>> -> memref<1024xf32, #tpu.memory_space<hbm>>
    %dma_wait3A_1611 = arith.constant 0 : i32
    %dma_wait3A_1612 = tpu.memref_slice %arg4[%select_n3A, %add3A_1550, %dma_wait3A_1611] : memref<16x64x1024xf32, #tpu.memory_space<hbm>> -> memref<1x1x1024xf32, #tpu.memory_space<hbm>>
    %dma_wait3A_1613 = tpu.memref_squeeze %dma_wait3A_1612 : memref<1x1x1024xf32, #tpu.memory_space<hbm>> -> memref<1024xf32, #tpu.memory_space<hbm>>
    %dma_wait3A_1614 = arith.constant 0 : i32
    %dma_wait3A_1615 = tpu.memref_slice %arg7[%dma_wait3A_1604, %dma_wait3A_1614] : memref<2x1024xf32, #tpu.memory_space<vmem>> -> memref<1x1024xf32, #tpu.memory_space<vmem>>
    %dma_wait3A_1616 = tpu.memref_squeeze %dma_wait3A_1615 : memref<1x1024xf32, #tpu.memory_space<vmem>> -> memref<1024xf32, #tpu.memory_space<vmem>>
    tpu.wait_dma2 semaphore(%arg9 : memref<!tpu.dma_semaphore, #tpu.memory_space<semaphore_mem>>) src(%dma_wait3A_1616 : memref<1024xf32, #tpu.memory_space<vmem>>) dst(%dma_wait3A_1613 : memref<1024xf32, #tpu.memory_space<hbm>>)
    %dma_wait3A_1617 = arith.constant 1 : i32
    %dma_wait3A_1618 = arith.constant 0 : i32
    %dma_wait3A_1619 = tpu.memref_slice %arg7[%dma_wait3A_1617, %dma_wait3A_1618] : memref<2x1024xf32, #tpu.memory_space<vmem>> -> memref<1x1024xf32, #tpu.memory_space<vmem>>
    %dma_wait3A_1620 = tpu.memref_squeeze %dma_wait3A_1619 : memref<1x1024xf32, #tpu.memory_space<vmem>> -> memref<1024xf32, #tpu.memory_space<vmem>>
    %dma_wait3A_1621 = arith.constant 0 : i32
    %dma_wait3A_1622 = tpu.memref_slice %arg4[%select_n3A, %add3A_1590, %dma_wait3A_1621] : memref<16x64x1024xf32, #tpu.memory_space<hbm>> -> memref<1x1x1024xf32, #tpu.memory_space<hbm>>
    %dma_wait3A_1623 = tpu.memref_squeeze %dma_wait3A_1622 : memref<1x1x1024xf32, #tpu.memory_space<hbm>> -> memref<1024xf32, #tpu.memory_space<hbm>>
    %dma_wait3A_1624 = arith.constant 0 : i32
    %dma_wait3A_1625 = tpu.memref_slice %arg4[%select_n3A, %add3A_1590, %dma_wait3A_1624] : memref<16x64x1024xf32, #tpu.memory_space<hbm>> -> memref<1x1x1024xf32, #tpu.memory_space<hbm>>
    %dma_wait3A_1626 = tpu.memref_squeeze %dma_wait3A_1625 : memref<1x1x1024xf32, #tpu.memory_space<hbm>> -> memref<1024xf32, #tpu.memory_space<hbm>>
    %dma_wait3A_1627 = arith.constant 0 : i32
    %dma_wait3A_1628 = tpu.memref_slice %arg7[%dma_wait3A_1617, %dma_wait3A_1627] : memref<2x1024xf32, #tpu.memory_space<vmem>> -> memref<1x1024xf32, #tpu.memory_space<vmem>>
    %dma_wait3A_1629 = tpu.memref_squeeze %dma_wait3A_1628 : memref<1x1024xf32, #tpu.memory_space<vmem>> -> memref<1024xf32, #tpu.memory_space<vmem>>
    tpu.wait_dma2 semaphore(%arg9 : memref<!tpu.dma_semaphore, #tpu.memory_space<semaphore_mem>>) src(%dma_wait3A_1629 : memref<1024xf32, #tpu.memory_space<vmem>>) dst(%dma_wait3A_1626 : memref<1024xf32, #tpu.memory_space<hbm>>)
    return
  }
}

module attributes {stable_mosaic.version = 14 : i64} {
  func.func @_tc_body(%arg0: i32, %arg1: memref<1024x64xf32, #tpu.memory_space<vmem>>, %arg2: memref<1024x1xf32, #tpu.memory_space<vmem>>, %arg3: memref<1024x64xf32, #tpu.memory_space<vmem>>, %arg4: memref<1x1024xf32, #tpu.memory_space<vmem>>, %arg5: memref<1024x1xi32, #tpu.memory_space<vmem>>, %arg6: memref<1x1xf32, #tpu.memory_space<vmem>>) attributes {dimension_semantics = [#tpu.dimension_semantics<arbitrary>], iteration_bounds = array<i64: 16>, scalar_prefetch = 0 : i64, scratch_operands = 0 : i64, tpu.core_type = #tpu.core_type<tc>, window_params = [{transform_indices = @transform_0, window_bounds = array<i64: 1024, 64>}, {transform_indices = @transform_1, window_bounds = array<i64: 1024, 1>}, {pipeline_mode = #tpu.pipeline_mode<synchronous>, transform_indices = @transform_2, window_bounds = array<i64: 1024, 64>}, {pipeline_mode = #tpu.pipeline_mode<synchronous>, transform_indices = @transform_3, window_bounds = array<i64: 1, 1024>}, {transform_indices = @transform_4, window_bounds = array<i64: 1024, 1>}, {pipeline_mode = #tpu.pipeline_mode<synchronous>, transform_indices = @transform_5, window_bounds = array<i64: 1, 1>}]} {
    %get3A = arith.constant 0 : index
    %get3A_0 = arith.constant 0 : index
    %get3A_1 = vector.load %arg1[%get3A, %get3A_0] : memref<1024x64xf32, #tpu.memory_space<vmem>>, vector<1024x64xf32>
    %get3A_2 = arith.constant 0 : index
    %get3A_3 = arith.constant 0 : index
    %get3A_4 = vector.load %arg3[%get3A_2, %get3A_3] : memref<1024x64xf32, #tpu.memory_space<vmem>>, vector<1024x64xf32>
    %get3A_5 = arith.constant 0 : index
    %get3A_6 = arith.constant 0 : index
    %get3A_7 = vector.load %arg2[%get3A_5, %get3A_6] : memref<1024x1xf32, #tpu.memory_space<vmem>>, vector<1024x1xf32>
    %get3A_8 = arith.constant 0 : index
    %get3A_9 = arith.constant 0 : index
    %get3A_10 = vector.load %arg4[%get3A_8, %get3A_9] : memref<1x1024xf32, #tpu.memory_space<vmem>>, vector<1x1024xf32>
    %add3A = arith.addf %get3A_1, %get3A_1 : vector<1024x64xf32>
    %dot_general3A = arith.constant dense<0.000000e+00> : vector<1024x1024xf32>
    %dot_general3A_11 = tpu.matmul %add3A, %get3A_4, %dot_general3A {dimension_numbers = #tpu.dot_dimension_numbers<[1], [1], [0], [0], [0, 0, 1, 0], [], []>, transpose_lhs_hint = false} : vector<1024x64xf32>, vector<1024x64xf32>, vector<1024x1024xf32> -> vector<1024x1024xf32>
    %add3A_12 = vector.broadcast %get3A_7 : vector<1024x1xf32> to vector<1024x1024xf32>
    %add3A_13 = vector.broadcast %get3A_10 : vector<1x1024xf32> to vector<1024x1024xf32>
    %add3A_14 = arith.addf %add3A_12, %add3A_13 : vector<1024x1024xf32>
    %sub3A = arith.subf %add3A_14, %dot_general3A_11 : vector<1024x1024xf32>
    %reduce_min3A = arith.constant dense<0x7F800000> : vector<1024xf32>
    %reduce_min3A_15 = vector.multi_reduction <minimumf>, %sub3A, %reduce_min3A [1] : vector<1024x1024xf32> to vector<1024xf32>
    %broadcast_in_dim3A = vector.shape_cast %reduce_min3A_15 : vector<1024xf32> to vector<1024x1xf32>
    %iota3A = tpu.iota {dimensions = array<i32: 1>} : vector<1024x1024xi32>
    %convert_element_type3A = arith.sitofp %iota3A : vector<1024x1024xi32> to vector<1024x1024xf32>
    %eq3A = vector.broadcast %broadcast_in_dim3A : vector<1024x1xf32> to vector<1024x1024xf32>
    %eq3A_16 = arith.cmpf oeq, %sub3A, %eq3A : vector<1024x1024xf32>
    %jit3A = arith.constant 1.024000e+03 : f32
    %broadcast_in_dim3A_17 = vector.broadcast %jit3A : f32 to vector<1024x1024xf32>
    %select_n3A = arith.select %eq3A_16, %convert_element_type3A, %broadcast_in_dim3A_17 : vector<1024x1024xi1>, vector<1024x1024xf32>
    %reduce_min3A_18 = arith.constant dense<0x7F800000> : vector<1024xf32>
    %reduce_min3A_19 = vector.multi_reduction <minimumf>, %select_n3A, %reduce_min3A_18 [1] : vector<1024x1024xf32> to vector<1024xf32>
    %broadcast_in_dim3A_20 = vector.shape_cast %reduce_min3A_19 : vector<1024xf32> to vector<1024x1xf32>
    %convert_element_type3A_21 = arith.fptosi %broadcast_in_dim3A_20 : vector<1024x1xf32> to vector<1024x1xi32>
    %swap3A = arith.constant 0 : index
    %swap3A_22 = arith.constant 0 : index
    %swap3A_23 = vector.load %arg5[%swap3A, %swap3A_22] : memref<1024x1xi32, #tpu.memory_space<vmem>>, vector<1024x1xi32>
    tpu.vector_store %arg5[%swap3A, %swap3A_22], %convert_element_type3A_21 {strides = array<i32>} : memref<1024x1xi32, #tpu.memory_space<vmem>>, vector<1024x1xi32>,
    %reduce_sum3A = vector.shape_cast %broadcast_in_dim3A : vector<1024x1xf32> to vector<1x1024x1xf32>
    %reduce_sum3A_24 = arith.constant dense<0.000000e+00> : vector<1xf32>
    %reduce_sum3A_25 = vector.multi_reduction <add>, %reduce_sum3A, %reduce_sum3A_24 [1, 2] : vector<1x1024x1xf32> to vector<1xf32>
    %reduce_sum3A_26 = vector.shape_cast %reduce_sum3A_25 : vector<1xf32> to vector<1x1x1xf32>
    %reduce_sum3A_27 = vector.extract %reduce_sum3A_26[0, 0, 0] : f32 from vector<1x1x1xf32>
    %broadcast_in_dim3A_28 = vector.broadcast %reduce_sum3A_27 : f32 to vector<1x1xf32>
    %eq3A_29 = arith.constant 0 : i32
    %eq3A_30 = arith.cmpi eq, %arg0, %eq3A_29 : i32
    %convert_element_type3A_31 = arith.extui %eq3A_30 : i1 to i32
    %cond3A = arith.constant 0 : i32
    %cond3A_32 = arith.cmpi ne, %convert_element_type3A_31, %cond3A : i32
    scf.if %cond3A_32 {
      %broadcast_in_dim3A_40 = arith.constant 0.000000e+00 : f32
      %broadcast_in_dim3A_41 = vector.broadcast %broadcast_in_dim3A_40 : f32 to vector<1x1xf32>
      %swap3A_42 = arith.constant 0 : index
      %swap3A_43 = arith.constant 0 : index
      %swap3A_44 = vector.load %arg6[%swap3A_42, %swap3A_43] : memref<1x1xf32, #tpu.memory_space<vmem>>, vector<1x1xf32>
      tpu.vector_store %arg6[%swap3A_42, %swap3A_43], %broadcast_in_dim3A_41 {strides = array<i32>} : memref<1x1xf32, #tpu.memory_space<vmem>>, vector<1x1xf32>,
    } else {
    }
    %get3A_33 = arith.constant 0 : index
    %get3A_34 = arith.constant 0 : index
    %get3A_35 = vector.load %arg6[%get3A_33, %get3A_34] : memref<1x1xf32, #tpu.memory_space<vmem>>, vector<1x1xf32>
    %add3A_36 = arith.addf %get3A_35, %broadcast_in_dim3A_28 : vector<1x1xf32>
    %swap3A_37 = arith.constant 0 : index
    %swap3A_38 = arith.constant 0 : index
    %swap3A_39 = vector.load %arg6[%swap3A_37, %swap3A_38] : memref<1x1xf32, #tpu.memory_space<vmem>>, vector<1x1xf32>
    tpu.vector_store %arg6[%swap3A_37, %swap3A_38], %add3A_36 {strides = array<i32>} : memref<1x1xf32, #tpu.memory_space<vmem>>, vector<1x1xf32>,
    return
  }
  func.func @transform_0(%arg0: i32) -> (i32, i32) {
    %c0_i32 = arith.constant 0 : i32
    %c0_i32_0 = arith.constant 0 : i32
    return %arg0, %c0_i32 : i32, i32
  }
  func.func @transform_1(%arg0: i32) -> (i32, i32) {
    %c0_i32 = arith.constant 0 : i32
    %c0_i32_0 = arith.constant 0 : i32
    return %arg0, %c0_i32 : i32, i32
  }
  func.func @transform_2(%arg0: i32) -> (i32, i32) {
    %c0_i32 = arith.constant 0 : i32
    %c0_i32_0 = arith.constant 0 : i32
    %c0_i32_1 = arith.constant 0 : i32
    return %c0_i32, %c0_i32_0 : i32, i32
  }
  func.func @transform_3(%arg0: i32) -> (i32, i32) {
    %c0_i32 = arith.constant 0 : i32
    %c0_i32_0 = arith.constant 0 : i32
    %c0_i32_1 = arith.constant 0 : i32
    return %c0_i32, %c0_i32_0 : i32, i32
  }
  func.func @transform_4(%arg0: i32) -> (i32, i32) {
    %c0_i32 = arith.constant 0 : i32
    %c0_i32_0 = arith.constant 0 : i32
    return %arg0, %c0_i32 : i32, i32
  }
  func.func @transform_5(%arg0: i32) -> (i32, i32) {
    %c0_i32 = arith.constant 0 : i32
    %c0_i32_0 = arith.constant 0 : i32
    %c0_i32_1 = arith.constant 0 : i32
    return %c0_i32, %c0_i32_0 : i32, i32
  }
}

</mosaic_0001>

<sc_bundles>
// kernel: kernel.4.cloned.1.call-start
scs
__scs_entry_jumppad:
0x0: {  	(pc) =	sbr.rel $0x88, $3  }
0x1: {  	(tag) =	ssettag $0x0;
	lr =	simm.s32 $0x1  }
0x2: {  	[smem:$0x3F9F] =	sst lr;
	_ =	strace $0xD0000000  }
0x3: {  	_ = 	snop  }
0x4: {  	_ = 	snop  }
0x5: {  	_ = 	snop  }
0x6: {  	_ = 	snop  }
0x7: {  	_ = 	snop  }
__scs_overlays_trampoline_lowered:
0x8: {  	[smem:$0x3FAE] =	sst s0  }
0x9: {  	[smem:$0x3FAF] =	sst s1  }
0xa: {  	[smem:$0x3FB0] =	sst s2  }
0xb: {  	[smem:$0x3FB1] =	sst s3  }
0xc: {  	[smem:$0x3FB2] =	sst s4  }
0xd: {  	[smem:$0x3FB3] =	sst s5  }
0xe: {  	[smem:$0x3FB4] =	sst s6  }
0xf: {  	[smem:$0x3FB5] =	sst s7  }
0x10: {  	[smem:$0x3FB6] =	sst s8  }
0x11: {  	[smem:$0x3FB7] =	sst s9;
	s0 =	simm.s32 @!p0 $0x0  }
0x12: {  	s1 =	sld [smem:$0x3F9D];
	s0 =	simm.s32 @p0 $0x1  }
0x13: {  	[smem:$0x3FB8] =	sst s0;
	s0 =	simm.s32 @!p1 $0x0  }
0x14: {  	s2 =	sld [smem:$0x3F9C];
	s0 =	simm.s32 @p1 $0x1  }
0x15: {  	[smem:$0x3FB9] =	sst s0;
	s0 =	simm.s32 @!p2 $0x0  }
0x16: {  	s3 =	sld [smem:$0x3FDB];
	s0 =	simm.s32 @p2 $0x1  }
0x17: {  	s4 =	simm.s32 $0x1BF5;
	[smem:$0x3FBB] =	sst s0  }
0x18: {  	s0 =	sld [smem:$0x3F9E];
	_ =	swait.ge [sflag:s4], $0x0  }
0x19: {  	s7 =	sld [smem:$0x3F9F]  }
0x1a: {  	s8 =	sadd.s32 $0xFFFFE003, lr  }
0x1b: {  	s9 =	sadd.s32 $0xFFFFFEF7, lr;
	s5 =	simm.s32 $0xFFFFFFFF;
	p2 =	slt.u32 s8, $0xFFFFF086  }
0x1c: {  	p1 =	slt.u32 s9, $0xF7A;
	s5 =	simm.s32 @!p2 $0x0  }
0x1d: {  	s5 =	simm.s32 @p1 $0x1;
	p0 =	seq.s32 s7, s2  }
0x1e: {  	s7 =	smul.u32 @!p0 $0xF7A, s2;
	p2 =	seq.s32 @!p0 s5, $0x0  }
0x1f: {  	s9 =	smul.u32 $0xF7A, s1;
	s8 =	simm.s32 @!p0 $0x1BF5;
	p2 =	por !p2, p0  }
0x20: {  	[sflag:s8] =	ssyncset.s32 @!p0 $0xFFFFF086;
	s6 =	sadd.s32 @!p0 s3, s7;
	s7 =	simm.s32 @!p0 $0x108  }
0x21: {  	s3 =	sadd.s32 s3, s9;
	s6 =	sadd.s32 @!p0 $0x88, s6;
	s7 =	simm.s32 @p2 $0x1082  }
0x22: {  	[simem:s7], [sflag:s8] =	dma.local @!p0 [hbm:s6], $0xF7A  }
0x23: {  	s9 =	sor.u32 $0xD0000000, s2;
	s6 =	simm.s32 $0x108;
	_ =	swait.ge @!p0 [sflag:s8], $0x0  }
0x24: {  	s3 =	sadd.s32 $0x88, s3;
	s6 =	simm.s32 @!p1 $0x1082;
	[sflag:s4] =	ssyncset.s32 $0xFFFFF086  }
0x25: {  	[simem:s6], [sflag:s4] =	dma.local [hbm:s3], $0xF7A  }
0x26: {  	[smem:$0x3F9F] =	sst s1;
	(tag) =	ssettag s2;
	_ =	strace s9  }
0x27: {  	s1 =	sld [smem:$0x3FAF]  }
0x28: {  	s2 =	sld [smem:$0x3FB0]  }
0x29: {  	s4 =	sld [smem:$0x3FB2]  }
0x2a: {  	p0 =	seq.s32 s5, $0x0;
	s5 =	sld [smem:$0x3FB3]  }
0x2b: {  	s6 =	sld [smem:$0x3FB4]  }
0x2c: {  	s7 =	sld [smem:$0x3FB5]  }
0x2d: {  	s3 =	simm.s32 $0x108;
	s8 =	sld [smem:$0x3FB6]  }
0x2e: {  	s3 =	simm.s32 @!p0 $0x1082;
	s9 =	sld [smem:$0x3FB7]  }
0x2f: {  	lr =	sadd.s32 s0, s3;
	s0 =	sld [smem:$0x3FAE]  }
0x30: {  	s3 =	sld [smem:$0x3FB1]  }
0x31: {  	[smem:$0x3FBA] =	sst s10  }
0x32: {  	s10 =	sld [smem:$0x3FB8];
	_ =	sdelay $0x3  }
0x33: {  	p0 =	seq.s32 s10, $0x1;
	s10 =	sld [smem:$0x3FBA];
	_ =	sdelay $0x3  }
0x34: {  	[smem:$0x3FBA] =	sst s10  }
0x35: {  	s10 =	sld [smem:$0x3FB9];
	_ =	sdelay $0x3  }
0x36: {  	p1 =	seq.s32 s10, $0x1;
	s10 =	sld [smem:$0x3FBA];
	_ =	sdelay $0x3  }
0x37: {  	[smem:$0x3FBA] =	sst s10  }
0x38: {  	s10 =	sld [smem:$0x3FBB]  }
0x39: {  	_ = 	snop;
	(pc) =	sbr.ind lr, $3  }
0x3a: {  	_ = 	snop  }
0x3b: {  	_ = 	snop  }
0x3c: {  	p2 =	seq.s32 s10, $0x1;
	s10 =	sld [smem:$0x3FBA]  }
0x3d: {  	_ =	shalt  }
0x3e: {  	_ =	shalt  }
0x3f: {  	_ =	shalt  }
0x40: {  	_ =	shalt  }
0x41: {  	_ =	shalt  }
0x42: {  	_ =	shalt  }
0x43: {  	_ =	shalt  }
0x44: {  	_ =	shalt  }
0x45: {  	_ =	shalt  }
0x46: {  	_ =	shalt  }
0x47: {  	_ =	shalt  }
0x48: {  	_ =	shalt  }
0x49: {  	_ =	shalt  }
0x4a: {  	_ =	shalt  }
0x4b: {  	_ =	shalt  }
0x4c: {  	_ =	shalt  }
0x4d: {  	_ =	shalt  }
0x4e: {  	_ =	shalt  }
0x4f: {  	_ =	shalt  }
0x50: {  	_ =	shalt  }
0x51: {  	_ =	shalt  }
0x52: {  	_ =	shalt  }
0x53: {  	_ =	shalt  }
0x54: {  	_ =	shalt  }
0x55: {  	_ =	shalt  }
0x56: {  	_ =	shalt  }
0x57: {  	_ =	shalt  }
0x58: {  	_ =	shalt  }
0x59: {  	_ =	shalt  }
0x5a: {  	_ =	shalt  }
0x5b: {  	_ =	shalt  }
0x5c: {  	_ =	shalt  }
0x5d: {  	_ =	shalt  }
0x5e: {  	_ =	shalt  }
0x5f: {  	_ =	shalt  }
0x60: {  	_ =	shalt  }
0x61: {  	_ =	shalt  }
0x62: {  	_ =	shalt  }
0x63: {  	_ =	shalt  }
0x64: {  	_ =	shalt  }
0x65: {  	_ =	shalt  }
0x66: {  	_ =	shalt  }
0x67: {  	_ =	shalt  }
0x68: {  	_ =	shalt  }
0x69: {  	_ =	shalt  }
0x6a: {  	_ =	shalt  }
0x6b: {  	_ =	shalt  }
0x6c: {  	_ =	shalt  }
0x6d: {  	_ =	shalt  }
0x6e: {  	_ =	shalt  }
0x6f: {  	_ =	shalt  }
0x70: {  	_ =	shalt  }
0x71: {  	_ =	shalt  }
0x72: {  	_ =	shalt  }
0x73: {  	_ =	shalt  }
0x74: {  	_ =	shalt  }
0x75: {  	_ =	shalt  }
0x76: {  	_ =	shalt  }
0x77: {  	_ =	shalt  }
0x78: {  	_ =	shalt  }
0x79: {  	_ =	shalt  }
0x7a: {  	_ =	shalt  }
0x7b: {  	_ =	shalt  }
0x7c: {  	_ =	shalt  }
0x7d: {  	_ =	shalt  }
0x7e: {  	_ =	shalt  }
0x7f: {  	_ =	shalt  }
0x80: {  	_ =	shalt  }
0x81: {  	_ =	shalt  }
0x82: {  	_ =	shalt  }
0x83: {  	_ =	shalt  }
0x84: {  	_ =	shalt  }
0x85: {  	_ =	shalt  }
0x86: {  	_ =	shalt  }
0x87: {  	_ =	shalt  }
.Lfunc_end0:
.L_simem_size_0:
called_computation_lowered:
.L_overlay_start_0:
0x88: {  	s2 =	sld [smem:$0x3FD9]  }
0x89: {  	s3 =	sld [smem:$0x3FFE];
	_ =	sdelay $0x1  }
0x8a: {  	s1 =	srdreg.scid  }
0x8b: {  	s0 =	sand.u32 $0x1, s1  }
0x8c: {  	s14 =	sshll.u32 s0, $0xA;
	s2 =	sadd.s32 s3, s2  }
0x8d: {  	s2 =	sadd.s32 s2, s14  }
0x8e: {  	[smem:$0x3FC6] =	sst s2  }
0x8f: {  	_ = 	snop  }
0x90: {  	s2 =	sld [smem:$0x3FD0];
	_ =	sdelay $0x2  }
0x91: {  	s15 =	simm.s32 $0xA;
	s4 =	simm.s32 $0x10  }
0x92: {  	[smem:s4], [sflag:s15] =	dma.local [hbm:s2], $0x1  }
0x93: {  	_ =	swait.eq [sflag:s15], $0x1  }
0x94: {  	[sflag:s15] =	ssyncset.done $0x0  }
0x95: {  	s16 =	sld [smem:$0x10];
	[sflag:s15] =	ssyncadd.s32 $0xFFFFFFFF  }
0x96: {  	s17 =	sld [smem:$0x13];
	(tm) =	ssettm $0x1  }
0x97: {  	s18 =	sld [smem:$0x3FFB];
	_ =	sdelay $0x3  }
0x98: {  	_ =	strace s18  }
0x99: {  	s4 =	sld [smem:$0x3FFC];
	_ =	sdelay $0x3  }
0x9a: {  	_ =	strace s4  }
0x9b: {  	s4 =	sld [smem:$0x3FFD];
	_ =	sdelay $0x3  }
0x9c: {  	_ =	strace s4  }
0x9d: {  	_ =	strace $0x8FFFFFFF  }
0x9e: {  	s19 =	sld [smem:$0x3FDB];
	_ =	sdelay $0x1  }
0x9f: {  	s5 =	simm.s32 $_scs_section_size  }
0xa0: {  	s6 =	simm.s32 $_size__tile_overlayer_lowered;
	s7 =	simm.s32 $_tile_overlayer_lowered  }
0xa1: {  	s22 =	simm.s32 $0x1BFF;
	s21 =	sshll.u32 s7, $0x1;
	s4 =	sadd.s32 s5, s19  }
0xa2: {  	s8 =	simm.s32 $0x0;
	s20 =	sshll.u32 s6, $0x1;
	s6 =	sadd.s32 s21, s4  }
0xa3: {  	[timem:s8], [sflag:s22] =	dma.local [hbm:s6], s20  }
0xa4: {  	_ =	swait.ge [sflag:s22], s20  }
0xa5: {  	s5 =	ssub.s32 $0x0, s20;
	[sflag:s22] =	ssyncset.done $0x0  }
0xa6: {  	[sflag:s22] =	ssyncadd.s32 s5;
	_ =	sdelay $0x1  }
0xa7: {  	s23 =	simm.s32 $0x1B8B  }
0xa8: {  	_ =	swait.ge [sflag:s23], $0x1  }
0xa9: {  	[sflag:s23] =	ssyncset.done $0x0  }
0xaa: {  	s25 =	simm.s32 $0x1B8E;
	s24 =	sld [smem:$0x3FFE];
	[sflag:s23] =	ssyncadd.s32 $0xFFFFFFFF  }
0xab: {  	s26 =	simm.s32 $execute0_lowered;
	[smem:$0x3FD2] =	sst s25  }
0xac: {  	s6 =	sshll.u32 s26, $0x1;
	_ =	strace $0x80000046;
	[dreg:$0x1] =	wrdreg $0xFFFFFFFF  }
0xad: {  	s28 =	simm.s32 $_size_execute0_lowered;
	s4 =	sadd.s32 s4, s6;
	[dreg:$0x0] =	wrdreg $0x0  }
0xae: {  	s6 =	sshll.u32 s28, $0x1;
	[dreg:$0x2] =	wrdreg s4  }
0xaf: {  	[dreg:$0x3] =	wrdreg s6  }
0xb0: {  	[dreg:$0x4] =	wrdreg $0xC0  }
0xb1: {  	_ =	task [dreg:s8], $0x5FFFF  }
0xb2: {  	[dreg:$0x1] =	wrdreg $0xFFFFFFFF  }
0xb3: {  	[dreg:$0x0] =	wrdreg $0x60  }
0xb4: {  	[dreg:$0x2] =	wrdreg s24  }
0xb5: {  	[dreg:$0x3] =	wrdreg s17  }
0xb6: {  	[dreg:$0x4] =	wrdreg s16  }
0xb7: {  	[dreg:$0x5] =	wrdreg $0x9  }
0xb8: {  	_ =	task.clear_ibuf [dreg:s8], $0x6FFFF;
	_ =	strace $0x90000046  }
0xb9: {  	s29 =	simm.s32 $0x9;
	_ =	strace $0x80000048  }
0xba: {  	_ =	swait.ge [sflag:s29], $0x1  }
0xbb: {  	[sflag:s29] =	ssyncadd.s32 $0xFFFFFFFF  }
0xbc: {  	_ =	strace $0x90000048  }
0xbd: {  	_ =	sfence  }
0xbe: {  	s30 =	sld [smem:$0x0];
	_ =	sdelay $0x2  }
0xbf: {  	s31 =	sshll.u32 s1, $0xD;
	s1 =	sshrl.u32 s1, $0x2  }
0xc0: {  	s3 =	sand.u32 $0x4000, s31;
	s1 =	sadd.s32 s1, s30  }
0xc1: {  	s0 =	sor.u32 s3, s0;
	s1 =	sshll.u32 s1, $0x11  }
0xc2: {  	s0 =	sor.u32 s1, s0  }
0xc3: {  	s0 =	sadd.s32 $0x8F2B, s0  }
0xc4: {  	[sflag:s0] =	ssyncadd.remote.s32 $0x1  }
0xc5: {  	_ =	sfence.sel $0xFFFF  }
0xc6: {  	[dreg:$0x0] =	wrdreg $0xFFFFFFFF;
	(pc) =	sbr.abs _section_cstart, $3  }
0xc7: {  	[dreg:$0x1] =	wrdreg $0xFFFFFFFF  }
0xc8: {  	_ =	task.clear_ibuf [dreg:s8], $0x2FFFF;
	_ =	strace $0x9FFFFFFF  }
0xc9: {  	(tm) =	ssettm $0x7FFFFFFF  }
tec
execute0_lowered:
.L_overlay_start_1:
0x0: {  	(tag) =	ssettag $0x1  }
0x1: {  	s0 =	srdreg.scid  }
0x2: {  	s2 =	stileid.u32;
	s3 =	rddreg [dreg:$0x0];
	s1 =	sand.u32 $0x1, s0  }
0x3: {  	s6 =	rddreg [dreg:$0x1];
	s0 =	sor.u32 s1, s2;
	p1 =	seq.s32 s1, $0x1  }
0x4: {  	s5 =	ssub.s32 $0x2, s1;
	s23 =	sshll.u32 s1, $0x5;
	s10 =	sshll.u32 s1, $0xC  }
0x5: {  	s29 =	sshllo.u32 s1, $0x5;
	p0 =	seq.s32 s0, $0x0;
	s0 =	simm.s32 $0x1  }
0x6: {  	s7 =	sshrl.u32 s5, $0x1;
	s12 =	sadd.s32 s3, s10;
	s31 =	sor.u32 $0xA, s23  }
0x7: {  	s10 =	sor.u32 $0xB, s23;
	s8 =	sor.u32 $0x10, s23;
	p0 =	por !p0, !p1  }
0x8: {  	s28 =	sor.u32 $0x1C, s23;
	s9 =	ssub.s32 s5, s7;
	p0 =	por !p0, !p0  }
0x9: {  	s7 =	sor.u32 $0x9, s23;
	s14 =	sshll.u32 s31, $0x7;
	s0 =	simm.s32 @!p0 $0x0  }
0xa: {  	s15 =	sshll.u32 s10, $0x7;
	s5 =	sor.u32 $0xE, s23;
	s2 =	ssub.s32 s2, s0  }
0xb: {  	s20 =	sshll.u32 s8, $0x7;
	s0 =	sshll.u32 s2, $0xA;
	s4 =	sshll.u32 s2, $0x7  }
0xc: {  	s10 =	sshll.u32 s10, $0xA;
	s0 =	sand.u32 $0xFFFFE000, s0;
	s4 =	sand.u32 $0x380, s4  }
0xd: {  	[smem:$0x7F5] =	sst s9;
	s13 =	sshll.u32 s7, $0x7;
	s0 =	sor.u32 s4, s0  }
0xe: {  	s18 =	sshll.u32 s5, $0x7;
	s30 =	sshll.u32 s2, $0x10;
	s0 =	sshrl.u32 s0, $0x3  }
0xf: {  	s2 =	sshll.u32 s1, $0xF;
	s4 =	sor.u32 $0x8, s23;
	s0 =	sadd.s32 s6, s0  }
0x10: {  	s11 =	sshll.u32 s4, $0x7;
	s6 =	sor.u32 $0xD, s23;
	[dreg:$0x4] =	wrdreg s0  }
0x11: {  	s0 =	sadd.s32 s3, s11;
	s11 =	sor.u32 $0xC, s23;
	s17 =	sshll.u32 s6, $0x7  }
0x12: {  	[dreg:$0x6] =	wrdreg s0;
	s0 =	sadd.s32 s3, s13;
	s16 =	sshll.u32 s11, $0x7  }
0x13: {  	s13 =	sor.u32 $0xF, s23;
	[dreg:$0x7] =	wrdreg s0;
	s0 =	sadd.s32 s3, s14  }
0x14: {  	s19 =	sshll.u32 s13, $0x7;
	s14 =	sor.u32 $0x11, s23;
	[dreg:$0x8] =	wrdreg s0  }
0x15: {  	s0 =	sadd.s32 s3, s15;
	s21 =	sshll.u32 s14, $0x7;
	s15 =	sor.u32 $0x12, s23  }
0x16: {  	s14 =	sshll.u32 s14, $0xA;
	[dreg:$0x9] =	wrdreg s0;
	s0 =	sadd.s32 s3, s16  }
0x17: {  	s22 =	sshll.u32 s15, $0x7;
	s16 =	sor.u32 $0x13, s23;
	[dreg:$0xa] =	wrdreg s0  }
0x18: {  	s0 =	sadd.s32 s3, s17;
	s24 =	sshll.u32 s16, $0x7;
	s17 =	sor.u32 $0x14, s23  }
0x19: {  	[dreg:$0xb] =	wrdreg s0;
	s0 =	sadd.s32 s3, s18;
	s25 =	sshll.u32 s17, $0x7  }
0x1a: {  	s18 =	sor.u32 $0x15, s23;
	[dreg:$0xc] =	wrdreg s0;
	s0 =	sadd.s32 s3, s19  }
0x1b: {  	s26 =	sshll.u32 s18, $0x7;
	[dreg:$0xd] =	wrdreg s0;
	s0 =	sadd.s32 s3, s20  }
0x1c: {  	s19 =	sor.u32 $0x16, s23;
	[dreg:$0xe] =	wrdreg s0;
	s0 =	sadd.s32 s3, s21  }
0x1d: {  	s9 =	sshll.u32 s19, $0x7;
	[dreg:$0xf] =	wrdreg s0;
	s0 =	sadd.s32 s3, s22  }
0x1e: {  	s20 =	sor.u32 $0x17, s23;
	[dreg:$0x10] =	wrdreg s0;
	s0 =	sadd.s32 s3, s24  }
0x1f: {  	s19 =	sshll.u32 s19, $0xA;
	[dreg:$0x11] =	wrdreg s0;
	s0 =	sadd.s32 s3, s25  }
0x20: {  	s21 =	sshll.u32 s20, $0x7;
	[dreg:$0x12] =	wrdreg s0;
	s0 =	sadd.s32 s3, s26  }
0x21: {  	s25 =	sor.u32 $0x19, s23;
	[dreg:$0x13] =	wrdreg s0;
	s0 =	sadd.s32 s3, s9  }
0x22: {  	s24 =	sshll.u32 s25, $0x7;
	s9 =	sor.u32 $0x18, s23;
	[dreg:$0x14] =	wrdreg s0  }
0x23: {  	s0 =	sadd.s32 s3, s21;
	s22 =	sshll.u32 s9, $0x7;
	s21 =	sor.u32 $0x1A, s23  }
0x24: {  	s9 =	sshll.u32 s9, $0xA;
	[dreg:$0x15] =	wrdreg s0;
	s0 =	sadd.s32 s3, s22  }
0x25: {  	s26 =	sshll.u32 s21, $0x7;
	s9 =	sor.u32 s9, s30;
	s21 =	sshll.u32 s21, $0xA  }
0x26: {  	[dreg:$0x16] =	wrdreg s0;
	s0 =	sadd.s32 s3, s24;
	s24 =	sor.u32 $0x1B, s23  }
0x27: {  	[dreg:$0x17] =	wrdreg s0;
	s0 =	sadd.s32 s3, s26;
	s22 =	sshll.u32 s24, $0x7  }
0x28: {  	s26 =	sshll.u32 s28, $0x7;
	s24 =	sshll.u32 s24, $0xA;
	[dreg:$0x18] =	wrdreg s0  }
0x29: {  	s0 =	sadd.s32 s3, s22;
	s22 =	sor.u32 $0x1D, s23;
	s23 =	sor.u32 $0x1E, s23  }
0x2a: {  	[dreg:$0x19] =	wrdreg s0;
	s0 =	sadd.s32 s3, s26;
	s26 =	sshll.u32 s22, $0x7  }
0x2b: {  	[dreg:$0x1a] =	wrdreg s0;
	s0 =	sadd.s32 s3, s26;
	s26 =	sshll.u32 s23, $0x7  }
0x2c: {  	s24 =	sand.u32 $0xE000, s24;
	[dreg:$0x1b] =	wrdreg s0;
	s0 =	sadd.s32 s3, s26  }
0x2d: {  	s22 =	sshll.u32 s22, $0xA;
	s26 =	simm.s32 $0x0;
	[dreg:$0x1c] =	wrdreg s0  }
0x2e: {  	s23 =	sshll.u32 s23, $0xA;
	s0 =	sshll.u32 s29, $0x7;
	[smem:$0x7FF] =	sst s26  }
0x2f: {  	s0 =	sadd.s32 s3, s0;
	s3 =	sshll.u32 s4, $0xA;
	s4 =	sshll.u32 s7, $0xA  }
0x30: {  	s7 =	sor.u32 s2, s30;
	[dreg:$0x1d] =	wrdreg s0;
	s1 =	sor.u32 s3, s30  }
0x31: {  	s3 =	sand.u32 $0xA000, s4;
	s4 =	sshll.u32 s31, $0xA;
	[smem:$0x7ED] =	sst s1  }
0x32: {  	s0 =	sor.u32 s3, s30;
	s2 =	sand.u32 $0xA000, s4;
	s3 =	sand.u32 $0xA000, s10  }
0x33: {  	s1 =	sshll.u32 s11, $0xA;
	s4 =	sshll.u32 s6, $0xA;
	s6 =	sshll.u32 s5, $0xA  }
0x34: {  	s11 =	sor.u32 s2, s30;
	s10 =	sor.u32 s3, s30;
	s3 =	sand.u32 $0xA000, s1  }
0x35: {  	s2 =	sand.u32 $0xA000, s4;
	s1 =	sshll.u32 s13, $0xA;
	s13 =	sshll.u32 s8, $0xA  }
0x36: {  	s0 =	sshrl.u32 s0, $0x3;
	s31 =	sor.u32 s3, s30;
	s3 =	sand.u32 $0xA000, s6  }
0x37: {  	s5 =	sor.u32 s2, s30;
	s6 =	sand.u32 $0xA000, s1;
	s4 =	sor.u32 s13, s30  }
0x38: {  	s1 =	sshll.u32 s15, $0xA;
	s13 =	sshll.u32 s16, $0xA;
	s3 =	sor.u32 s3, s30  }
0x39: {  	s2 =	sor.u32 s6, s30;
	s6 =	sand.u32 $0xC000, s14;
	s8 =	sand.u32 $0xC000, s1  }
0x3a: {  	s16 =	sand.u32 $0xC000, s13;
	s1 =	sshll.u32 s17, $0xA;
	s13 =	sshll.u32 s18, $0xA  }
0x3b: {  	s14 =	sor.u32 s6, s30;
	s15 =	sor.u32 s8, s30;
	s16 =	sor.u32 s16, s30  }
0x3c: {  	s8 =	sand.u32 $0xC000, s1;
	s18 =	sand.u32 $0xC000, s13;
	s13 =	sand.u32 $0xC000, s19  }
0x3d: {  	s17 =	sor.u32 s8, s30;
	s1 =	sor.u32 s18, s30;
	s18 =	sshll.u32 s20, $0xA  }
0x3e: {  	s8 =	sor.u32 s13, s30;
	s20 =	sshll.u32 s25, $0xA;
	s25 =	sshll.u32 s28, $0xA  }
0x3f: {  	s19 =	sand.u32 $0xC000, s18;
	s13 =	sand.u32 $0xE000, s20;
	s25 =	sand.u32 $0xE000, s25  }
0x40: {  	s20 =	sor.u32 s24, s30;
	s6 =	sor.u32 s19, s30;
	s18 =	sor.u32 s13, s30  }
0x41: {  	s13 =	sand.u32 $0xE000, s21;
	s19 =	sor.u32 s25, s30;
	s25 =	sshll.u32 s29, $0xA  }
0x42: {  	s21 =	sor.u32 s13, s30;
	s13 =	sand.u32 $0xE000, s22;
	s22 =	sand.u32 $0xE000, s23  }
0x43: {  	s25 =	sand.u32 $0xE000, s25;
	s23 =	sor.u32 s22, s30;
	s22 =	rddreg [dreg:$0x2]  }
0x44: {  	s24 =	sor.u32 s13, s30;
	s13 =	sor.u32 s25, s30;
	s25 =	sadd.s32 $0x10, s22  }
0x45: {  	s28 =	sshrl.u32 s7, $0x3;
	s7 =	sshrl.u32 s18, $0x3;
	s0 =	sadd.s32 s0, s25  }
0x46: {  	s3 =	sshrl.u32 s3, $0x3;
	s18 =	sadd.s32 s7, s25;
	[dreg:$0x1e] =	wrdreg s0  }
0x47: {  	s14 =	sshrl.u32 s14, $0x3;
	s7 =	sadd.s32 s28, s25;
	[smem:$0x7DB] =	sst s18  }
0x48: {  	s2 =	sshrl.u32 s2, $0x3;
	s0 =	sadd.s32 s14, s25;
	[smem:$0x7DC] =	sst s7  }
0x49: {  	s14 =	sshrl.u32 s11, $0x3;
	s18 =	sshrl.u32 s15, $0x3;
	s25 =	sadd.s32 $0x20, s22  }
0x4a: {  	s11 =	sshrl.u32 s21, $0x3;
	[dreg:$0x1f] =	wrdreg s0;
	s0 =	sadd.s32 s14, s25  }
0x4b: {  	s21 =	sshrl.u32 s16, $0x3;
	s7 =	sadd.s32 s18, s25;
	[smem:$0x7DD] =	sst s0  }
0x4c: {  	s15 =	sadd.s32 s28, s25;
	s18 =	sshrl.u32 s10, $0x3;
	[smem:$0x7DE] =	sst s7  }
0x4d: {  	s0 =	sadd.s32 s11, s25;
	[smem:$0x7E0] =	sst s15;
	s25 =	sshrl.u32 s20, $0x3  }
0x4e: {  	s7 =	sadd.s32 $0x30, s22;
	s20 =	sadd.s32 $0x40, s22;
	[smem:$0x7DF] =	sst s0  }
0x4f: {  	s0 =	sadd.s32 s18, s7;
	s10 =	sadd.s32 s21, s7;
	s15 =	sadd.s32 s25, s7  }
0x50: {  	s16 =	sadd.s32 s28, s7;
	s18 =	sshrl.u32 s31, $0x3;
	s21 =	sshrl.u32 s17, $0x3  }
0x51: {  	s25 =	sshrl.u32 s19, $0x3;
	s14 =	sadd.s32 s28, s20;
	[smem:$0x7E1] =	sst s0  }
0x52: {  	s17 =	sadd.s32 $0x50, s22;
	s19 =	sshrl.u32 s24, $0x3;
	[smem:$0x7E2] =	sst s10  }
0x53: {  	s24 =	sshrl.u32 s4, $0x3;
	s7 =	sadd.s32 $0x60, s22;
	[smem:$0x7E3] =	sst s15  }
0x54: {  	s31 =	simm.s32 $0x1;
	[smem:$0x7E4] =	sst s16;
	s0 =	sadd.s32 s18, s20  }
0x55: {  	s11 =	sadd.s32 s25, s20;
	[smem:$0x7E8] =	sst s14;
	s15 =	sshrl.u32 s5, $0x3  }
0x56: {  	s16 =	sshrl.u32 s1, $0x3;
	s25 =	sshrl.u32 s9, $0x3;
	[smem:$0x7E5] =	sst s0  }
0x57: {  	s5 =	sadd.s32 s22, s28;
	s9 =	sadd.s32 $0x70, s22;
	[smem:$0x7E7] =	sst s11  }
0x58: {  	s3 =	sadd.s32 s3, s7;
	s0 =	sadd.s32 s21, s20;
	s21 =	sld [smem:$0x7ED]  }
0x59: {  	s10 =	sshrl.u32 s8, $0x3;
	s1 =	simm.s32 $0xC00;
	[smem:$0x7F1] =	sst s5  }
0x5a: {  	s8 =	simm.s32 $0x1200;
	s18 =	sadd.s32 s16, s17;
	[smem:$0x7F2] =	sst s3  }
0x5b: {  	s20 =	sadd.s32 s28, s17;
	s4 =	sadd.s32 s22, s25;
	[smem:$0x7E6] =	sst s0  }
0x5c: {  	s11 =	sshrl.u32 s23, $0x3;
	s3 =	sadd.s32 s10, s7;
	[smem:$0x7EA] =	sst s18  }
0x5d: {  	s25 =	sadd.s32 s28, s7;
	s28 =	sadd.s32 s28, s9;
	[smem:$0x7EC] =	sst s20  }
0x5e: {  	s2 =	sadd.s32 s2, s9;
	s16 =	sshrl.u32 s13, $0x3;
	[smem:$0x7F0] =	sst s4  }
0x5f: {  	s23 =	sadd.s32 $0x300, s12;
	s0 =	sadd.s32 s15, s17;
	[smem:$0x7F3] =	sst s3  }
0x60: {  	s5 =	simm.s32 $0xF00;
	[smem:$0x7E9] =	sst s0;
	s0 =	sadd.s32 s19, s17  }
0x61: {  	s14 =	sadd.s32 s11, s7;
	[smem:$0x7EB] =	sst s0;
	s0 =	sshrl.u32 s21, $0x3  }
0x62: {  	s10 =	simm.s32 $0xC80;
	[smem:$0x7F4] =	sst s14;
	s0 =	sadd.s32 s22, s0  }
0x63: {  	s13 =	simm.s32 $0xF80;
	[smem:$0x7EE] =	sst s0;
	s0 =	sadd.s32 s22, s24  }
0x64: {  	s15 =	sshrl.u32 s6, $0x3;
	s18 =	sadd.s32 $0x80, s12;
	[smem:$0x7EF] =	sst s0  }
0x65: {  	s19 =	sadd.s32 $0x100, s12;
	_ =	strace $0x80000047;
	[smem:$0x7F7] =	sst s18  }
0x66: {  	s30 =	sadd.s32 s16, s9;
	s20 =	sadd.s32 $0x180, s12;
	[smem:$0x7F8] =	sst s19  }
0x67: {  	s3 =	simm.s32 $0xD00;
	s21 =	sadd.s32 $0x200, s12;
	[smem:$0x7F9] =	sst s20  }
0x68: {  	s4 =	simm.s32 $0xE00;
	s22 =	sadd.s32 $0x280, s12;
	[smem:$0x7FA] =	sst s21  }
0x69: {  	s6 =	simm.s32 $0x1000;
	s7 =	simm.s32 $0x1100;
	[smem:$0x7FB] =	sst s22  }
0x6a: {  	s11 =	simm.s32 $0xD80;
	s16 =	simm.s32 $0x1280;
	[smem:$0x7FC] =	sst s23  }
0x6b: {  	s29 =	sadd.s32 s15, s9;
	s9 =	simm.s32 $0x1300;
	s17 =	sld [smem:$0x7F5]  }
0x6c: {  	s14 =	simm.s32 $0x1080;
	s24 =	sadd.s32 $0x380, s12;
	[dreg:$0x5] =	wrdreg s12  }
0x6d: {  	s15 =	simm.s32 $0x1180;
	[smem:$0x7FD] =	sst s24;
	s12 =	simm.s32 $0xE80  }
0x6e: {  	s18 =	simm.s32 $0x2;
	s20 =	simm.s32 $0x0;
	s0 =	smax.u32 s17, $0x1  }
0x6f: {  	s17 =	simm.s32 $0x1380;
	[smem:$0x7F6] =	sst s0;
	s0 =	simm.s32 $0x400  }
.LBB2_1:
0x70: {  	[smem:$0x7DA] =	sst s20;
	s19 =	simm.s32 $0x800  }
0x71: {  	s23 =	rddreg [dreg:$0x4];
	s21 =	simm.s32 $0x80;
	s24 =	simm.s32 $0x3  }
0x72: {  	[tilespmem:s19], [sflag:$0x3] =	stream.strided.gather [hbm4b:s23+s21], $0x400, s0, s21, $0x38;
	[tilespmem:$0x1400] =	vst v63  }
0x73: {  	_ =	swait.ge [sflag:s24], $0x400  }
0x74: {  	[sflag:s24] =	ssyncset.done $0x0;
	s21 =	rddreg [dreg:$0x5]  }
0x75: {  	s22 =	sld [smem:$0x7F7];
	[sflag:s24] =	ssyncadd.s32 $0xFFFFFC00  }
0x76: {  	[tilespmem:s26], [sflag:$0x1] =	stream.linear.gather [hbm4b:s21+s26], $0x400, $0x38;
	[tilespmem:$0x1400] =	vst v63  }
0x77: {  	_ = 	snop  }
0x78: {  	[tilespmem:s0], [sflag:$0x1] =	stream.linear.gather [hbm4b:s22+s26], $0x400, $0x38;
	[tilespmem:$0x1400] =	vst v63  }
0x79: {  	_ =	swait.ge [sflag:s31], $0x400  }
0x7a: {  	[sflag:s31] =	ssyncset.done $0x0  }
0x7b: {  	[sflag:s31] =	ssyncadd.s32 $0xFFFFFC00  }
0x7c: {  	v0 =	vld [tilespmem:s19+$0x0];
	_ =	sdelay $0x7  }
0x7d: {  	v0 =	vld.idx.msk [tilespmem:v0+s26+$0x0], $0xffff;
	_ =	sdelay $0x2  }
0x7e: {  	s23 =	sand.u32 $0x70, s26;
	s24 =	sand.u32 $0x700, s26  }
0x7f: {  	s19 =	sor.u32 s23, s24  }
0x80: {  	s20 =	simm.s32 $0x810;
	[tilespmem:s19+$0xC00] =	vst v0  }
0x81: {  	s21 =	simm.s32 $0x0;
	s22 =	simm.s32 $0x20;
	s19 =	simm.s32 $0x10;
	v0 =	vld [tilespmem:s20+$0x0]  }
.LBB2_2:
0x82: {  	p0 =	sne.s32 s22, $0x3F0;
	_ =	sdelay $0x6  }
0x83: {  	v0 =	vld.idx.msk [tilespmem:v0+s26+$0x0], $0xffff;
	_ =	sdelay $0x2  }
.Ltmp0:
0x84: {  	s21 =	sadd.s32 $0x20, s21;
	(pc) =	sbr.rel @p0 .LBB2_2-.Ltmp0, $4  }
0x85: {  	s23 =	sand.u32 $0x70, s19;
	s19 =	smov.u32 s22;
	s24 =	sand.u32 $0x700, s21  }
0x86: {  	s23 =	sor.u32 s23, s24  }
0x87: {  	s20 =	sadd.s32 $0x10, s20;
	[tilespmem:s23+$0xC00] =	vst v0  }
0x88: {  	s22 =	sadd.s32 $0x10, s22;
	v0 =	vld [tilespmem:s20+$0x0]  }
0x89: {  	_ =	sdelay $0x7  }
0x8a: {  	v0 =	vld.idx.msk [tilespmem:v0+s26+$0x0], $0xffff;
	_ =	sdelay $0x1  }
0x8b: {  	s20 =	sadd.s32 $0x20, s21  }
0x8c: {  	s19 =	sand.u32 $0x70, s19;
	s21 =	sld [smem:$0x7F1];
	s20 =	sand.u32 $0x700, s20  }
0x8d: {  	s19 =	sor.u32 s19, s20  }
0x8e: {  	[tilespmem:s19+$0xC00] =	vst v0;
	s19 =	simm.s32 $0x0  }
0x8f: {  	[hbm4b:s21+s19] =	stream.linear.scatter [tilespmem:s1], [sflag:$0x2], $0x80, $0x38;
	[tilespmem:$0x1400] =	vst v63  }
0x90: {  	s24 =	sadd.s32 $0x80, s21  }
0x91: {  	[hbm4b:s24+s19] =	stream.linear.scatter [tilespmem:s3], [sflag:$0x2], $0x80, $0x38;
	[tilespmem:$0x1400] =	vst v63  }
0x92: {  	s22 =	sadd.s32 $0x100, s21  }
0x93: {  	[hbm4b:s22+s19] =	stream.linear.scatter [tilespmem:s4], [sflag:$0x2], $0x80, $0x38;
	[tilespmem:$0x1400] =	vst v63  }
0x94: {  	s23 =	sadd.s32 $0x180, s21  }
0x95: {  	[hbm4b:s23+s19] =	stream.linear.scatter [tilespmem:s5], [sflag:$0x2], $0x80, $0x38;
	[tilespmem:$0x1400] =	vst v63  }
0x96: {  	s24 =	sadd.s32 $0x200, s21  }
0x97: {  	[hbm4b:s24+s19] =	stream.linear.scatter [tilespmem:s6], [sflag:$0x2], $0x80, $0x38;
	[tilespmem:$0x1400] =	vst v63  }
0x98: {  	s22 =	sadd.s32 $0x280, s21  }
0x99: {  	[hbm4b:s22+s19] =	stream.linear.scatter [tilespmem:s7], [sflag:$0x2], $0x80, $0x38;
	[tilespmem:$0x1400] =	vst v63  }
0x9a: {  	s23 =	sadd.s32 $0x300, s21  }
0x9b: {  	[hbm4b:s23+s19] =	stream.linear.scatter [tilespmem:s8], [sflag:$0x2], $0x80, $0x38;
	[tilespmem:$0x1400] =	vst v63  }
0x9c: {  	s24 =	sadd.s32 $0x380, s21;
	s21 =	sld [smem:$0x7F8]  }
0x9d: {  	[hbm4b:s24+s19] =	stream.linear.scatter [tilespmem:s9], [sflag:$0x2], $0x80, $0x38;
	[tilespmem:$0x1400] =	vst v63  }
0x9e: {  	_ = 	snop  }
0x9f: {  	[tilespmem:s19], [sflag:$0x1] =	stream.linear.gather [hbm4b:s21+s19], $0x400, $0x38;
	[tilespmem:$0x1400] =	vst v63  }
0xa0: {  	_ =	swait.ge [sflag:s31], $0x400  }
0xa1: {  	[sflag:s31] =	ssyncset.done $0x0  }
0xa2: {  	s22 =	simm.s32 $0x800;
	[sflag:s31] =	ssyncadd.s32 $0xFFFFFC00  }
0xa3: {  	v0 =	vld [tilespmem:s22+$0x0];
	_ =	sdelay $0x4  }
0xa4: {  	v0 =	vadd.s32 $0x400, v0;
	_ =	sdelay $0x4  }
0xa5: {  	v0 =	vld.idx.msk [tilespmem:v0+s26+$0x0], $0xffff;
	_ =	sdelay $0x2  }
0xa6: {  	s23 =	sand.u32 $0x70, s19;
	s24 =	sand.u32 $0x700, s19  }
0xa7: {  	s20 =	sor.u32 s23, s24  }
0xa8: {  	s21 =	simm.s32 $0x810;
	[tilespmem:s20+$0xC80] =	vst v0  }
0xa9: {  	s22 =	simm.s32 $0x20;
	s20 =	simm.s32 $0x10;
	v0 =	vld [tilespmem:s21+$0x0]  }
.LBB2_4:
0xaa: {  	p0 =	sne.s32 s22, $0x3F0;
	_ =	sdelay $0x3  }
0xab: {  	v0 =	vadd.s32 $0x400, v0;
	_ =	sdelay $0x4  }
0xac: {  	v0 =	vld.idx.msk [tilespmem:v0+s26+$0x0], $0xffff;
	_ =	sdelay $0x2  }
.Ltmp1:
0xad: {  	s19 =	sadd.s32 $0x20, s19;
	(pc) =	sbr.rel @p0 .LBB2_4-.Ltmp1, $4  }
0xae: {  	s23 =	sand.u32 $0x70, s20;
	s20 =	smov.u32 s22;
	s24 =	sand.u32 $0x700, s19  }
0xaf: {  	s23 =	sor.u32 s23, s24  }
0xb0: {  	s21 =	sadd.s32 $0x10, s21;
	[tilespmem:s23+$0xC80] =	vst v0  }
0xb1: {  	s22 =	sadd.s32 $0x10, s22;
	v0 =	vld [tilespmem:s21+$0x0]  }
0xb2: {  	_ =	sdelay $0x3  }
0xb3: {  	v0 =	vadd.s32 $0x400, v0;
	_ =	sdelay $0x4  }
0xb4: {  	v0 =	vld.idx.msk [tilespmem:v0+s26+$0x0], $0xffff;
	_ =	sdelay $0x1  }
0xb5: {  	s19 =	sadd.s32 $0x20, s19  }
0xb6: {  	s20 =	sand.u32 $0x70, s20;
	s21 =	sld [smem:$0x7DC];
	s19 =	sand.u32 $0x700, s19  }
0xb7: {  	s19 =	sor.u32 s20, s19  }
0xb8: {  	[tilespmem:s19+$0xC80] =	vst v0;
	s19 =	simm.s32 $0x0  }
0xb9: {  	[hbm4b:s21+s19] =	stream.linear.scatter [tilespmem:s10], [sflag:$0x2], $0x80, $0x38;
	[tilespmem:$0x1400] =	vst v63  }
0xba: {  	s24 =	sadd.s32 $0x80, s21  }
0xbb: {  	[hbm4b:s24+s19] =	stream.linear.scatter [tilespmem:s11], [sflag:$0x2], $0x80, $0x38;
	[tilespmem:$0x1400] =	vst v63  }
0xbc: {  	s22 =	sadd.s32 $0x100, s21  }
0xbd: {  	[hbm4b:s22+s19] =	stream.linear.scatter [tilespmem:s12], [sflag:$0x2], $0x80, $0x38;
	[tilespmem:$0x1400] =	vst v63  }
0xbe: {  	s23 =	sadd.s32 $0x180, s21  }
0xbf: {  	[hbm4b:s23+s19] =	stream.linear.scatter [tilespmem:s13], [sflag:$0x2], $0x80, $0x38;
	[tilespmem:$0x1400] =	vst v63  }
0xc0: {  	s24 =	sadd.s32 $0x200, s21  }
0xc1: {  	[hbm4b:s24+s19] =	stream.linear.scatter [tilespmem:s14], [sflag:$0x2], $0x80, $0x38;
	[tilespmem:$0x1400] =	vst v63  }
0xc2: {  	s22 =	sadd.s32 $0x280, s21  }
0xc3: {  	[hbm4b:s22+s19] =	stream.linear.scatter [tilespmem:s15], [sflag:$0x2], $0x80, $0x38;
	[tilespmem:$0x1400] =	vst v63  }
0xc4: {  	s23 =	sadd.s32 $0x300, s21  }
0xc5: {  	[hbm4b:s23+s19] =	stream.linear.scatter [tilespmem:s16], [sflag:$0x2], $0x80, $0x38;
	[tilespmem:$0x1400] =	vst v63  }
0xc6: {  	s24 =	sadd.s32 $0x380, s21;
	s21 =	sld [smem:$0x7F9]  }
0xc7: {  	[hbm4b:s24+s19] =	stream.linear.scatter [tilespmem:s17], [sflag:$0x2], $0x80, $0x38;
	[tilespmem:$0x1400] =	vst v63  }
0xc8: {  	_ = 	snop  }
0xc9: {  	[tilespmem:s0], [sflag:$0x1] =	stream.linear.gather [hbm4b:s21+s19], $0x400, $0x38;
	[tilespmem:$0x1400] =	vst v63  }
0xca: {  	_ =	swait.ge [sflag:s31], $0x400  }
0xcb: {  	[sflag:s31] =	ssyncset.done $0x0  }
0xcc: {  	[sflag:s31] =	ssyncadd.s32 $0xFFFFFC00  }
0xcd: {  	_ =	swait.ge [sflag:s18], $0x400  }
0xce: {  	[sflag:s18] =	ssyncset.done $0x0  }
0xcf: {  	s22 =	simm.s32 $0x800;
	[sflag:s18] =	ssyncadd.s32 $0xFFFFFC00  }
0xd0: {  	v0 =	vld [tilespmem:s22+$0x0];
	_ =	sdelay $0x7  }
0xd1: {  	v0 =	vld.idx.msk [tilespmem:v0+s26+$0x0], $0xffff;
	_ =	sdelay $0x2  }
0xd2: {  	s23 =	sand.u32 $0x70, s19;
	s24 =	sand.u32 $0x700, s19  }
0xd3: {  	s20 =	sor.u32 s23, s24  }
0xd4: {  	s21 =	simm.s32 $0x810;
	[tilespmem:s20+$0xC00] =	vst v0  }
0xd5: {  	s22 =	simm.s32 $0x20;
	s20 =	simm.s32 $0x10;
	v0 =	vld [tilespmem:s21+$0x0]  }
.LBB2_6:
0xd6: {  	p0 =	sne.s32 s22, $0x3F0;
	_ =	sdelay $0x6  }
0xd7: {  	v0 =	vld.idx.msk [tilespmem:v0+s26+$0x0], $0xffff;
	_ =	sdelay $0x2  }
.Ltmp2:
0xd8: {  	s19 =	sadd.s32 $0x20, s19;
	(pc) =	sbr.rel @p0 .LBB2_6-.Ltmp2, $4  }
0xd9: {  	s23 =	sand.u32 $0x70, s20;
	s20 =	smov.u32 s22;
	s24 =	sand.u32 $0x700, s19  }
0xda: {  	s23 =	sor.u32 s23, s24  }
0xdb: {  	s21 =	sadd.s32 $0x10, s21;
	[tilespmem:s23+$0xC00] =	vst v0  }
0xdc: {  	s22 =	sadd.s32 $0x10, s22;
	v0 =	vld [tilespmem:s21+$0x0]  }
0xdd: {  	_ =	sdelay $0x7  }
0xde: {  	v0 =	vld.idx.msk [tilespmem:v0+s26+$0x0], $0xffff;
	_ =	sdelay $0x1  }
0xdf: {  	s19 =	sadd.s32 $0x20, s19  }
0xe0: {  	s20 =	sand.u32 $0x70, s20;
	s21 =	sld [smem:$0x7E0];
	s19 =	sand.u32 $0x700, s19  }
0xe1: {  	s19 =	sor.u32 s20, s19  }
0xe2: {  	[tilespmem:s19+$0xC00] =	vst v0;
	s19 =	simm.s32 $0x0  }
0xe3: {  	[hbm4b:s21+s19] =	stream.linear.scatter [tilespmem:s1], [sflag:$0x2], $0x80, $0x38;
	[tilespmem:$0x1400] =	vst v63  }
0xe4: {  	s24 =	sadd.s32 $0x80, s21  }
0xe5: {  	[hbm4b:s24+s19] =	stream.linear.scatter [tilespmem:s3], [sflag:$0x2], $0x80, $0x38;
	[tilespmem:$0x1400] =	vst v63  }
0xe6: {  	s22 =	sadd.s32 $0x100, s21  }
0xe7: {  	[hbm4b:s22+s19] =	stream.linear.scatter [tilespmem:s4], [sflag:$0x2], $0x80, $0x38;
	[tilespmem:$0x1400] =	vst v63  }
0xe8: {  	s23 =	sadd.s32 $0x180, s21  }
0xe9: {  	[hbm4b:s23+s19] =	stream.linear.scatter [tilespmem:s5], [sflag:$0x2], $0x80, $0x38;
	[tilespmem:$0x1400] =	vst v63  }
0xea: {  	s24 =	sadd.s32 $0x200, s21  }
0xeb: {  	[hbm4b:s24+s19] =	stream.linear.scatter [tilespmem:s6], [sflag:$0x2], $0x80, $0x38;
	[tilespmem:$0x1400] =	vst v63  }
0xec: {  	s22 =	sadd.s32 $0x280, s21  }
0xed: {  	[hbm4b:s22+s19] =	stream.linear.scatter [tilespmem:s7], [sflag:$0x2], $0x80, $0x38;
	[tilespmem:$0x1400] =	vst v63  }
0xee: {  	s23 =	sadd.s32 $0x300, s21  }
0xef: {  	[hbm4b:s23+s19] =	stream.linear.scatter [tilespmem:s8], [sflag:$0x2], $0x80, $0x38;
	[tilespmem:$0x1400] =	vst v63  }
0xf0: {  	s24 =	sadd.s32 $0x380, s21;
	s21 =	sld [smem:$0x7FA]  }
0xf1: {  	[hbm4b:s24+s19] =	stream.linear.scatter [tilespmem:s9], [sflag:$0x2], $0x80, $0x38;
	[tilespmem:$0x1400] =	vst v63  }
0xf2: {  	_ = 	snop  }
0xf3: {  	[tilespmem:s19], [sflag:$0x1] =	stream.linear.gather [hbm4b:s21+s19], $0x400, $0x38;
	[tilespmem:$0x1400] =	vst v63  }
0xf4: {  	_ =	swait.ge [sflag:s31], $0x400  }
0xf5: {  	[sflag:s31] =	ssyncset.done $0x0  }
0xf6: {  	[sflag:s31] =	ssyncadd.s32 $0xFFFFFC00  }
0xf7: {  	_ =	swait.ge [sflag:s18], $0x400  }
0xf8: {  	[sflag:s18] =	ssyncset.done $0x0  }
0xf9: {  	s22 =	simm.s32 $0x800;
	[sflag:s18] =	ssyncadd.s32 $0xFFFFFC00  }
0xfa: {  	v0 =	vld [tilespmem:s22+$0x0];
	_ =	sdelay $0x4  }
0xfb: {  	v0 =	vadd.s32 $0x400, v0;
	_ =	sdelay $0x4  }
0xfc: {  	v0 =	vld.idx.msk [tilespmem:v0+s26+$0x0], $0xffff;
	_ =	sdelay $0x2  }
0xfd: {  	s23 =	sand.u32 $0x70, s19;
	s24 =	sand.u32 $0x700, s19  }
0xfe: {  	s20 =	sor.u32 s23, s24  }
0xff: {  	s21 =	simm.s32 $0x810;
	[tilespmem:s20+$0xC80] =	vst v0  }
0x100: {  	s22 =	simm.s32 $0x20;
	s20 =	simm.s32 $0x10;
	v0 =	vld [tilespmem:s21+$0x0]  }
.LBB2_8:
0x101: {  	p0 =	sne.s32 s22, $0x3F0;
	_ =	sdelay $0x3  }
0x102: {  	v0 =	vadd.s32 $0x400, v0;
	_ =	sdelay $0x4  }
0x103: {  	v0 =	vld.idx.msk [tilespmem:v0+s26+$0x0], $0xffff;
	_ =	sdelay $0x2  }
.Ltmp3:
0x104: {  	s19 =	sadd.s32 $0x20, s19;
	(pc) =	sbr.rel @p0 .LBB2_8-.Ltmp3, $4  }
0x105: {  	s23 =	sand.u32 $0x70, s20;
	s20 =	smov.u32 s22;
	s24 =	sand.u32 $0x700, s19  }
0x106: {  	s23 =	sor.u32 s23, s24  }
0x107: {  	s21 =	sadd.s32 $0x10, s21;
	[tilespmem:s23+$0xC80] =	vst v0  }
0x108: {  	s22 =	sadd.s32 $0x10, s22;
	v0 =	vld [tilespmem:s21+$0x0]  }
0x109: {  	_ =	sdelay $0x3  }
0x10a: {  	v0 =	vadd.s32 $0x400, v0;
	_ =	sdelay $0x4  }
0x10b: {  	v0 =	vld.idx.msk [tilespmem:v0+s26+$0x0], $0xffff;
	_ =	sdelay $0x1  }
0x10c: {  	s19 =	sadd.s32 $0x20, s19  }
0x10d: {  	s20 =	sand.u32 $0x70, s20;
	s21 =	sld [smem:$0x7E4];
	s19 =	sand.u32 $0x700, s19  }
0x10e: {  	s19 =	sor.u32 s20, s19  }
0x10f: {  	[tilespmem:s19+$0xC80] =	vst v0;
	s19 =	simm.s32 $0x0  }
0x110: {  	[hbm4b:s21+s19] =	stream.linear.scatter [tilespmem:s10], [sflag:$0x2], $0x80, $0x38;
	[tilespmem:$0x1400] =	vst v63  }
0x111: {  	s24 =	sadd.s32 $0x80, s21  }
0x112: {  	[hbm4b:s24+s19] =	stream.linear.scatter [tilespmem:s11], [sflag:$0x2], $0x80, $0x38;
	[tilespmem:$0x1400] =	vst v63  }
0x113: {  	s22 =	sadd.s32 $0x100, s21  }
0x114: {  	[hbm4b:s22+s19] =	stream.linear.scatter [tilespmem:s12], [sflag:$0x2], $0x80, $0x38;
	[tilespmem:$0x1400] =	vst v63  }
0x115: {  	s23 =	sadd.s32 $0x180, s21  }
0x116: {  	[hbm4b:s23+s19] =	stream.linear.scatter [tilespmem:s13], [sflag:$0x2], $0x80, $0x38;
	[tilespmem:$0x1400] =	vst v63  }
0x117: {  	s24 =	sadd.s32 $0x200, s21  }
0x118: {  	[hbm4b:s24+s19] =	stream.linear.scatter [tilespmem:s14], [sflag:$0x2], $0x80, $0x38;
	[tilespmem:$0x1400] =	vst v63  }
0x119: {  	s22 =	sadd.s32 $0x280, s21  }
0x11a: {  	[hbm4b:s22+s19] =	stream.linear.scatter [tilespmem:s15], [sflag:$0x2], $0x80, $0x38;
	[tilespmem:$0x1400] =	vst v63  }
0x11b: {  	s23 =	sadd.s32 $0x300, s21  }
0x11c: {  	[hbm4b:s23+s19] =	stream.linear.scatter [tilespmem:s16], [sflag:$0x2], $0x80, $0x38;
	[tilespmem:$0x1400] =	vst v63  }
0x11d: {  	s24 =	sadd.s32 $0x380, s21;
	s21 =	sld [smem:$0x7FB]  }
0x11e: {  	[hbm4b:s24+s19] =	stream.linear.scatter [tilespmem:s17], [sflag:$0x2], $0x80, $0x38;
	[tilespmem:$0x1400] =	vst v63  }
0x11f: {  	_ = 	snop  }
0x120: {  	[tilespmem:s0], [sflag:$0x1] =	stream.linear.gather [hbm4b:s21+s19], $0x400, $0x38;
	[tilespmem:$0x1400] =	vst v63  }
0x121: {  	_ =	swait.ge [sflag:s31], $0x400  }
0x122: {  	[sflag:s31] =	ssyncset.done $0x0  }
0x123: {  	[sflag:s31] =	ssyncadd.s32 $0xFFFFFC00  }
0x124: {  	_ =	swait.ge [sflag:s18], $0x400  }
0x125: {  	[sflag:s18] =	ssyncset.done $0x0  }
0x126: {  	s22 =	simm.s32 $0x800;
	[sflag:s18] =	ssyncadd.s32 $0xFFFFFC00  }
0x127: {  	v0 =	vld [tilespmem:s22+$0x0];
	_ =	sdelay $0x7  }
0x128: {  	v0 =	vld.idx.msk [tilespmem:v0+s26+$0x0], $0xffff;
	_ =	sdelay $0x2  }
0x129: {  	s23 =	sand.u32 $0x70, s19;
	s24 =	sand.u32 $0x700, s19  }
0x12a: {  	s20 =	sor.u32 s23, s24  }
0x12b: {  	s21 =	simm.s32 $0x810;
	[tilespmem:s20+$0xC00] =	vst v0  }
0x12c: {  	s22 =	simm.s32 $0x20;
	s20 =	simm.s32 $0x10;
	v0 =	vld [tilespmem:s21+$0x0]  }
.LBB2_10:
0x12d: {  	p0 =	sne.s32 s22, $0x3F0;
	_ =	sdelay $0x6  }
0x12e: {  	v0 =	vld.idx.msk [tilespmem:v0+s26+$0x0], $0xffff;
	_ =	sdelay $0x2  }
.Ltmp4:
0x12f: {  	s19 =	sadd.s32 $0x20, s19;
	(pc) =	sbr.rel @p0 .LBB2_10-.Ltmp4, $4  }
0x130: {  	s23 =	sand.u32 $0x70, s20;
	s20 =	smov.u32 s22;
	s24 =	sand.u32 $0x700, s19  }
0x131: {  	s23 =	sor.u32 s23, s24  }
0x132: {  	s21 =	sadd.s32 $0x10, s21;
	[tilespmem:s23+$0xC00] =	vst v0  }
0x133: {  	s22 =	sadd.s32 $0x10, s22;
	v0 =	vld [tilespmem:s21+$0x0]  }
0x134: {  	_ =	sdelay $0x7  }
0x135: {  	v0 =	vld.idx.msk [tilespmem:v0+s26+$0x0], $0xffff;
	_ =	sdelay $0x1  }
0x136: {  	s19 =	sadd.s32 $0x20, s19  }
0x137: {  	s20 =	sand.u32 $0x70, s20;
	s21 =	sld [smem:$0x7E8];
	s19 =	sand.u32 $0x700, s19  }
0x138: {  	s19 =	sor.u32 s20, s19  }
0x139: {  	[tilespmem:s19+$0xC00] =	vst v0;
	s19 =	simm.s32 $0x0  }
0x13a: {  	[hbm4b:s21+s19] =	stream.linear.scatter [tilespmem:s1], [sflag:$0x2], $0x80, $0x38;
	[tilespmem:$0x1400] =	vst v63  }
0x13b: {  	s24 =	sadd.s32 $0x80, s21  }
0x13c: {  	[hbm4b:s24+s19] =	stream.linear.scatter [tilespmem:s3], [sflag:$0x2], $0x80, $0x38;
	[tilespmem:$0x1400] =	vst v63  }
0x13d: {  	s22 =	sadd.s32 $0x100, s21  }
0x13e: {  	[hbm4b:s22+s19] =	stream.linear.scatter [tilespmem:s4], [sflag:$0x2], $0x80, $0x38;
	[tilespmem:$0x1400] =	vst v63  }
0x13f: {  	s23 =	sadd.s32 $0x180, s21  }
0x140: {  	[hbm4b:s23+s19] =	stream.linear.scatter [tilespmem:s5], [sflag:$0x2], $0x80, $0x38;
	[tilespmem:$0x1400] =	vst v63  }
0x141: {  	s24 =	sadd.s32 $0x200, s21  }
0x142: {  	[hbm4b:s24+s19] =	stream.linear.scatter [tilespmem:s6], [sflag:$0x2], $0x80, $0x38;
	[tilespmem:$0x1400] =	vst v63  }
0x143: {  	s22 =	sadd.s32 $0x280, s21  }
0x144: {  	[hbm4b:s22+s19] =	stream.linear.scatter [tilespmem:s7], [sflag:$0x2], $0x80, $0x38;
	[tilespmem:$0x1400] =	vst v63  }
0x145: {  	s23 =	sadd.s32 $0x300, s21  }
0x146: {  	[hbm4b:s23+s19] =	stream.linear.scatter [tilespmem:s8], [sflag:$0x2], $0x80, $0x38;
	[tilespmem:$0x1400] =	vst v63  }
0x147: {  	s24 =	sadd.s32 $0x380, s21;
	s21 =	sld [smem:$0x7FC]  }
0x148: {  	[hbm4b:s24+s19] =	stream.linear.scatter [tilespmem:s9], [sflag:$0x2], $0x80, $0x38;
	[tilespmem:$0x1400] =	vst v63  }
0x149: {  	_ = 	snop  }
0x14a: {  	[tilespmem:s19], [sflag:$0x1] =	stream.linear.gather [hbm4b:s21+s19], $0x400, $0x38;
	[tilespmem:$0x1400] =	vst v63  }
0x14b: {  	_ =	swait.ge [sflag:s31], $0x400  }
0x14c: {  	[sflag:s31] =	ssyncset.done $0x0  }
0x14d: {  	[sflag:s31] =	ssyncadd.s32 $0xFFFFFC00  }
0x14e: {  	_ =	swait.ge [sflag:s18], $0x400  }
0x14f: {  	[sflag:s18] =	ssyncset.done $0x0  }
0x150: {  	s22 =	simm.s32 $0x800;
	[sflag:s18] =	ssyncadd.s32 $0xFFFFFC00  }
0x151: {  	v0 =	vld [tilespmem:s22+$0x0];
	_ =	sdelay $0x4  }
0x152: {  	v0 =	vadd.s32 $0x400, v0;
	_ =	sdelay $0x4  }
0x153: {  	v0 =	vld.idx.msk [tilespmem:v0+s26+$0x0], $0xffff;
	_ =	sdelay $0x2  }
0x154: {  	s23 =	sand.u32 $0x70, s19;
	s24 =	sand.u32 $0x700, s19  }
0x155: {  	s20 =	sor.u32 s23, s24  }
0x156: {  	s21 =	simm.s32 $0x810;
	[tilespmem:s20+$0xC80] =	vst v0  }
0x157: {  	s22 =	simm.s32 $0x20;
	s20 =	simm.s32 $0x10;
	v0 =	vld [tilespmem:s21+$0x0]  }
.LBB2_12:
0x158: {  	p0 =	sne.s32 s22, $0x3F0;
	_ =	sdelay $0x3  }
0x159: {  	v0 =	vadd.s32 $0x400, v0;
	_ =	sdelay $0x4  }
0x15a: {  	v0 =	vld.idx.msk [tilespmem:v0+s26+$0x0], $0xffff;
	_ =	sdelay $0x2  }
.Ltmp5:
0x15b: {  	s19 =	sadd.s32 $0x20, s19;
	(pc) =	sbr.rel @p0 .LBB2_12-.Ltmp5, $4  }
0x15c: {  	s23 =	sand.u32 $0x70, s20;
	s20 =	smov.u32 s22;
	s24 =	sand.u32 $0x700, s19  }
0x15d: {  	s23 =	sor.u32 s23, s24  }
0x15e: {  	s21 =	sadd.s32 $0x10, s21;
	[tilespmem:s23+$0xC80] =	vst v0  }
0x15f: {  	s22 =	sadd.s32 $0x10, s22;
	v0 =	vld [tilespmem:s21+$0x0]  }
0x160: {  	_ =	sdelay $0x3  }
0x161: {  	v0 =	vadd.s32 $0x400, v0;
	_ =	sdelay $0x4  }
0x162: {  	v0 =	vld.idx.msk [tilespmem:v0+s26+$0x0], $0xffff;
	_ =	sdelay $0x1  }
0x163: {  	s19 =	sadd.s32 $0x20, s19  }
0x164: {  	s20 =	sand.u32 $0x70, s20;
	s21 =	sld [smem:$0x7EC];
	s19 =	sand.u32 $0x700, s19  }
0x165: {  	s19 =	sor.u32 s20, s19  }
0x166: {  	[tilespmem:s19+$0xC80] =	vst v0;
	s19 =	simm.s32 $0x0  }
0x167: {  	[hbm4b:s21+s19] =	stream.linear.scatter [tilespmem:s10], [sflag:$0x2], $0x80, $0x38;
	[tilespmem:$0x1400] =	vst v63  }
0x168: {  	s24 =	sadd.s32 $0x80, s21  }
0x169: {  	[hbm4b:s24+s19] =	stream.linear.scatter [tilespmem:s11], [sflag:$0x2], $0x80, $0x38;
	[tilespmem:$0x1400] =	vst v63  }
0x16a: {  	s22 =	sadd.s32 $0x100, s21  }
0x16b: {  	[hbm4b:s22+s19] =	stream.linear.scatter [tilespmem:s12], [sflag:$0x2], $0x80, $0x38;
	[tilespmem:$0x1400] =	vst v63  }
0x16c: {  	s23 =	sadd.s32 $0x180, s21  }
0x16d: {  	[hbm4b:s23+s19] =	stream.linear.scatter [tilespmem:s13], [sflag:$0x2], $0x80, $0x38;
	[tilespmem:$0x1400] =	vst v63  }
0x16e: {  	s24 =	sadd.s32 $0x200, s21  }
0x16f: {  	[hbm4b:s24+s19] =	stream.linear.scatter [tilespmem:s14], [sflag:$0x2], $0x80, $0x38;
	[tilespmem:$0x1400] =	vst v63  }
0x170: {  	s22 =	sadd.s32 $0x280, s21  }
0x171: {  	[hbm4b:s22+s19] =	stream.linear.scatter [tilespmem:s15], [sflag:$0x2], $0x80, $0x38;
	[tilespmem:$0x1400] =	vst v63  }
0x172: {  	s23 =	sadd.s32 $0x300, s21  }
0x173: {  	[hbm4b:s23+s19] =	stream.linear.scatter [tilespmem:s16], [sflag:$0x2], $0x80, $0x38;
	[tilespmem:$0x1400] =	vst v63  }
0x174: {  	s24 =	sadd.s32 $0x380, s21;
	s21 =	sld [smem:$0x7FD]  }
0x175: {  	[hbm4b:s24+s19] =	stream.linear.scatter [tilespmem:s17], [sflag:$0x2], $0x80, $0x38;
	[tilespmem:$0x1400] =	vst v63  }
0x176: {  	_ = 	snop  }
0x177: {  	[tilespmem:s0], [sflag:$0x1] =	stream.linear.gather [hbm4b:s21+s19], $0x400, $0x38;
	[tilespmem:$0x1400] =	vst v63  }
0x178: {  	_ =	swait.ge [sflag:s31], $0x400  }
0x179: {  	[sflag:s31] =	ssyncset.done $0x0  }
0x17a: {  	[sflag:s31] =	ssyncadd.s32 $0xFFFFFC00  }
0x17b: {  	_ =	swait.ge [sflag:s18], $0x400  }
0x17c: {  	[sflag:s18] =	ssyncset.done $0x0  }
0x17d: {  	s22 =	simm.s32 $0x800;
	[sflag:s18] =	ssyncadd.s32 $0xFFFFFC00  }
0x17e: {  	v0 =	vld [tilespmem:s22+$0x0];
	_ =	sdelay $0x7  }
0x17f: {  	v0 =	vld.idx.msk [tilespmem:v0+s26+$0x0], $0xffff;
	_ =	sdelay $0x2  }
0x180: {  	s23 =	sand.u32 $0x70, s19;
	s24 =	sand.u32 $0x700, s19  }
0x181: {  	s20 =	sor.u32 s23, s24  }
0x182: {  	s21 =	simm.s32 $0x810;
	[tilespmem:s20+$0xC00] =	vst v0  }
0x183: {  	s22 =	simm.s32 $0x20;
	s20 =	simm.s32 $0x10;
	v0 =	vld [tilespmem:s21+$0x0]  }
.LBB2_14:
0x184: {  	p0 =	sne.s32 s22, $0x3F0;
	_ =	sdelay $0x6  }
0x185: {  	v0 =	vld.idx.msk [tilespmem:v0+s26+$0x0], $0xffff;
	_ =	sdelay $0x2  }
.Ltmp6:
0x186: {  	s19 =	sadd.s32 $0x20, s19;
	(pc) =	sbr.rel @p0 .LBB2_14-.Ltmp6, $4  }
0x187: {  	s23 =	sand.u32 $0x70, s20;
	s20 =	smov.u32 s22;
	s24 =	sand.u32 $0x700, s19  }
0x188: {  	s23 =	sor.u32 s23, s24  }
0x189: {  	s21 =	sadd.s32 $0x10, s21;
	[tilespmem:s23+$0xC00] =	vst v0  }
0x18a: {  	s22 =	sadd.s32 $0x10, s22;
	v0 =	vld [tilespmem:s21+$0x0]  }
0x18b: {  	_ =	sdelay $0x7  }
0x18c: {  	v0 =	vld.idx.msk [tilespmem:v0+s26+$0x0], $0xffff;
	_ =	sdelay $0x1  }
0x18d: {  	s19 =	sadd.s32 $0x20, s19  }
0x18e: {  	s20 =	sand.u32 $0x70, s20;
	s19 =	sand.u32 $0x700, s19  }
0x18f: {  	s19 =	sor.u32 s20, s19  }
0x190: {  	[tilespmem:s19+$0xC00] =	vst v0;
	s19 =	simm.s32 $0x0  }
0x191: {  	[hbm4b:s25+s19] =	stream.linear.scatter [tilespmem:s1], [sflag:$0x2], $0x80, $0x38;
	[tilespmem:$0x1400] =	vst v63  }
0x192: {  	s23 =	sadd.s32 $0x80, s25  }
0x193: {  	[hbm4b:s23+s19] =	stream.linear.scatter [tilespmem:s3], [sflag:$0x2], $0x80, $0x38;
	[tilespmem:$0x1400] =	vst v63  }
0x194: {  	s24 =	sadd.s32 $0x100, s25  }
0x195: {  	[hbm4b:s24+s19] =	stream.linear.scatter [tilespmem:s4], [sflag:$0x2], $0x80, $0x38;
	[tilespmem:$0x1400] =	vst v63  }
0x196: {  	s21 =	sadd.s32 $0x180, s25  }
0x197: {  	[hbm4b:s21+s19] =	stream.linear.scatter [tilespmem:s5], [sflag:$0x2], $0x80, $0x38;
	[tilespmem:$0x1400] =	vst v63  }
0x198: {  	s22 =	sadd.s32 $0x200, s25  }
0x199: {  	[hbm4b:s22+s19] =	stream.linear.scatter [tilespmem:s6], [sflag:$0x2], $0x80, $0x38;
	[tilespmem:$0x1400] =	vst v63  }
0x19a: {  	s23 =	sadd.s32 $0x280, s25  }
0x19b: {  	[hbm4b:s23+s19] =	stream.linear.scatter [tilespmem:s7], [sflag:$0x2], $0x80, $0x38;
	[tilespmem:$0x1400] =	vst v63  }
0x19c: {  	s24 =	sadd.s32 $0x300, s25  }
0x19d: {  	[hbm4b:s24+s19] =	stream.linear.scatter [tilespmem:s8], [sflag:$0x2], $0x80, $0x38;
	[tilespmem:$0x1400] =	vst v63  }
0x19e: {  	s21 =	sadd.s32 $0x380, s25  }
0x19f: {  	[hbm4b:s21+s19] =	stream.linear.scatter [tilespmem:s9], [sflag:$0x2], $0x80, $0x38;
	[tilespmem:$0x1400] =	vst v63  }
0x1a0: {  	s22 =	rddreg [dreg:$0x6]  }
0x1a1: {  	[tilespmem:s19], [sflag:$0x1] =	stream.linear.gather [hbm4b:s22+s19], $0x400, $0x38;
	[tilespmem:$0x1400] =	vst v63  }
0x1a2: {  	_ =	swait.ge [sflag:s31], $0x400  }
0x1a3: {  	[sflag:s31] =	ssyncset.done $0x0  }
0x1a4: {  	[sflag:s31] =	ssyncadd.s32 $0xFFFFFC00  }
0x1a5: {  	_ =	swait.ge [sflag:s18], $0x400  }
0x1a6: {  	[sflag:s18] =	ssyncset.done $0x0  }
0x1a7: {  	s23 =	simm.s32 $0x800;
	[sflag:s18] =	ssyncadd.s32 $0xFFFFFC00  }
0x1a8: {  	v0 =	vld [tilespmem:s23+$0x0];
	_ =	sdelay $0x4  }
0x1a9: {  	v0 =	vadd.s32 $0x400, v0;
	_ =	sdelay $0x4  }
0x1aa: {  	v0 =	vld.idx.msk [tilespmem:v0+s26+$0x0], $0xffff;
	_ =	sdelay $0x2  }
0x1ab: {  	s24 =	sand.u32 $0x70, s19;
	s21 =	sand.u32 $0x700, s19  }
0x1ac: {  	s20 =	sor.u32 s24, s21  }
0x1ad: {  	s21 =	simm.s32 $0x810;
	[tilespmem:s20+$0xC80] =	vst v0  }
0x1ae: {  	s22 =	simm.s32 $0x20;
	s20 =	simm.s32 $0x10;
	v0 =	vld [tilespmem:s21+$0x0]  }
.LBB2_16:
0x1af: {  	p0 =	sne.s32 s22, $0x3F0;
	_ =	sdelay $0x3  }
0x1b0: {  	v0 =	vadd.s32 $0x400, v0;
	_ =	sdelay $0x4  }
0x1b1: {  	v0 =	vld.idx.msk [tilespmem:v0+s26+$0x0], $0xffff;
	_ =	sdelay $0x2  }
.Ltmp7:
0x1b2: {  	s19 =	sadd.s32 $0x20, s19;
	(pc) =	sbr.rel @p0 .LBB2_16-.Ltmp7, $4  }
0x1b3: {  	s23 =	sand.u32 $0x70, s20;
	s20 =	smov.u32 s22;
	s24 =	sand.u32 $0x700, s19  }
0x1b4: {  	s23 =	sor.u32 s23, s24  }
0x1b5: {  	s21 =	sadd.s32 $0x10, s21;
	[tilespmem:s23+$0xC80] =	vst v0  }
0x1b6: {  	s22 =	sadd.s32 $0x10, s22;
	v0 =	vld [tilespmem:s21+$0x0]  }
0x1b7: {  	_ =	sdelay $0x3  }
0x1b8: {  	v0 =	vadd.s32 $0x400, v0;
	_ =	sdelay $0x4  }
0x1b9: {  	v0 =	vld.idx.msk [tilespmem:v0+s26+$0x0], $0xffff;
	_ =	sdelay $0x1  }
0x1ba: {  	s19 =	sadd.s32 $0x20, s19  }
0x1bb: {  	s20 =	sand.u32 $0x70, s20;
	s19 =	sand.u32 $0x700, s19  }
0x1bc: {  	s19 =	sor.u32 s20, s19  }
0x1bd: {  	[tilespmem:s19+$0xC80] =	vst v0;
	s19 =	simm.s32 $0x0  }
0x1be: {  	[hbm4b:s28+s19] =	stream.linear.scatter [tilespmem:s10], [sflag:$0x2], $0x80, $0x38;
	[tilespmem:$0x1400] =	vst v63  }
0x1bf: {  	s23 =	sadd.s32 $0x80, s28  }
0x1c0: {  	[hbm4b:s23+s19] =	stream.linear.scatter [tilespmem:s11], [sflag:$0x2], $0x80, $0x38;
	[tilespmem:$0x1400] =	vst v63  }
0x1c1: {  	s24 =	sadd.s32 $0x100, s28  }
0x1c2: {  	[hbm4b:s24+s19] =	stream.linear.scatter [tilespmem:s12], [sflag:$0x2], $0x80, $0x38;
	[tilespmem:$0x1400] =	vst v63  }
0x1c3: {  	s21 =	sadd.s32 $0x180, s28  }
0x1c4: {  	[hbm4b:s21+s19] =	stream.linear.scatter [tilespmem:s13], [sflag:$0x2], $0x80, $0x38;
	[tilespmem:$0x1400] =	vst v63  }
0x1c5: {  	s22 =	sadd.s32 $0x200, s28  }
0x1c6: {  	[hbm4b:s22+s19] =	stream.linear.scatter [tilespmem:s14], [sflag:$0x2], $0x80, $0x38;
	[tilespmem:$0x1400] =	vst v63  }
0x1c7: {  	s23 =	sadd.s32 $0x280, s28  }
0x1c8: {  	[hbm4b:s23+s19] =	stream.linear.scatter [tilespmem:s15], [sflag:$0x2], $0x80, $0x38;
	[tilespmem:$0x1400] =	vst v63  }
0x1c9: {  	s24 =	sadd.s32 $0x300, s28  }
0x1ca: {  	[hbm4b:s24+s19] =	stream.linear.scatter [tilespmem:s16], [sflag:$0x2], $0x80, $0x38;
	[tilespmem:$0x1400] =	vst v63  }
0x1cb: {  	s21 =	sadd.s32 $0x380, s28  }
0x1cc: {  	[hbm4b:s21+s19] =	stream.linear.scatter [tilespmem:s17], [sflag:$0x2], $0x80, $0x38;
	[tilespmem:$0x1400] =	vst v63  }
0x1cd: {  	s22 =	rddreg [dreg:$0x7]  }
0x1ce: {  	[tilespmem:s0], [sflag:$0x1] =	stream.linear.gather [hbm4b:s22+s19], $0x400, $0x38;
	[tilespmem:$0x1400] =	vst v63  }
0x1cf: {  	_ =	swait.ge [sflag:s31], $0x400  }
0x1d0: {  	[sflag:s31] =	ssyncset.done $0x0  }
0x1d1: {  	[sflag:s31] =	ssyncadd.s32 $0xFFFFFC00  }
0x1d2: {  	_ =	swait.ge [sflag:s18], $0x400  }
0x1d3: {  	[sflag:s18] =	ssyncset.done $0x0  }
0x1d4: {  	s23 =	simm.s32 $0x800;
	[sflag:s18] =	ssyncadd.s32 $0xFFFFFC00  }
0x1d5: {  	v0 =	vld [tilespmem:s23+$0x0];
	_ =	sdelay $0x7  }
0x1d6: {  	v0 =	vld.idx.msk [tilespmem:v0+s26+$0x0], $0xffff;
	_ =	sdelay $0x2  }
0x1d7: {  	s24 =	sand.u32 $0x70, s19;
	s21 =	sand.u32 $0x700, s19  }
0x1d8: {  	s20 =	sor.u32 s24, s21  }
0x1d9: {  	s21 =	simm.s32 $0x810;
	[tilespmem:s20+$0xC00] =	vst v0  }
0x1da: {  	s22 =	simm.s32 $0x20;
	s20 =	simm.s32 $0x10;
	v0 =	vld [tilespmem:s21+$0x0]  }
.LBB2_18:
0x1db: {  	p0 =	sne.s32 s22, $0x3F0;
	_ =	sdelay $0x6  }
0x1dc: {  	v0 =	vld.idx.msk [tilespmem:v0+s26+$0x0], $0xffff;
	_ =	sdelay $0x2  }
.Ltmp8:
0x1dd: {  	s19 =	sadd.s32 $0x20, s19;
	(pc) =	sbr.rel @p0 .LBB2_18-.Ltmp8, $4  }
0x1de: {  	s23 =	sand.u32 $0x70, s20;
	s20 =	smov.u32 s22;
	s24 =	sand.u32 $0x700, s19  }
0x1df: {  	s23 =	sor.u32 s23, s24  }
0x1e0: {  	s21 =	sadd.s32 $0x10, s21;
	[tilespmem:s23+$0xC00] =	vst v0  }
0x1e1: {  	s22 =	sadd.s32 $0x10, s22;
	v0 =	vld [tilespmem:s21+$0x0]  }
0x1e2: {  	_ =	sdelay $0x7  }
0x1e3: {  	v0 =	vld.idx.msk [tilespmem:v0+s26+$0x0], $0xffff;
	_ =	sdelay $0x1  }
0x1e4: {  	s19 =	sadd.s32 $0x20, s19  }
0x1e5: {  	s20 =	sand.u32 $0x70, s20;
	s21 =	sld [smem:$0x7EE];
	s19 =	sand.u32 $0x700, s19  }
0x1e6: {  	s19 =	sor.u32 s20, s19  }
0x1e7: {  	[tilespmem:s19+$0xC00] =	vst v0;
	s19 =	simm.s32 $0x0  }
0x1e8: {  	[hbm4b:s21+s19] =	stream.linear.scatter [tilespmem:s1], [sflag:$0x2], $0x80, $0x38;
	[tilespmem:$0x1400] =	vst v63  }
0x1e9: {  	s24 =	sadd.s32 $0x80, s21  }
0x1ea: {  	[hbm4b:s24+s19] =	stream.linear.scatter [tilespmem:s3], [sflag:$0x2], $0x80, $0x38;
	[tilespmem:$0x1400] =	vst v63  }
0x1eb: {  	s22 =	sadd.s32 $0x100, s21  }
0x1ec: {  	[hbm4b:s22+s19] =	stream.linear.scatter [tilespmem:s4], [sflag:$0x2], $0x80, $0x38;
	[tilespmem:$0x1400] =	vst v63  }
0x1ed: {  	s23 =	sadd.s32 $0x180, s21  }
0x1ee: {  	[hbm4b:s23+s19] =	stream.linear.scatter [tilespmem:s5], [sflag:$0x2], $0x80, $0x38;
	[tilespmem:$0x1400] =	vst v63  }
0x1ef: {  	s24 =	sadd.s32 $0x200, s21  }
0x1f0: {  	[hbm4b:s24+s19] =	stream.linear.scatter [tilespmem:s6], [sflag:$0x2], $0x80, $0x38;
	[tilespmem:$0x1400] =	vst v63  }
0x1f1: {  	s22 =	sadd.s32 $0x280, s21  }
0x1f2: {  	[hbm4b:s22+s19] =	stream.linear.scatter [tilespmem:s7], [sflag:$0x2], $0x80, $0x38;
	[tilespmem:$0x1400] =	vst v63  }
0x1f3: {  	s23 =	sadd.s32 $0x300, s21  }
0x1f4: {  	[hbm4b:s23+s19] =	stream.linear.scatter [tilespmem:s8], [sflag:$0x2], $0x80, $0x38;
	[tilespmem:$0x1400] =	vst v63  }
0x1f5: {  	s24 =	sadd.s32 $0x380, s21  }
0x1f6: {  	[hbm4b:s24+s19] =	stream.linear.scatter [tilespmem:s9], [sflag:$0x2], $0x80, $0x38;
	[tilespmem:$0x1400] =	vst v63  }
0x1f7: {  	s21 =	rddreg [dreg:$0x8]  }
0x1f8: {  	[tilespmem:s19], [sflag:$0x1] =	stream.linear.gather [hbm4b:s21+s19], $0x400, $0x38;
	[tilespmem:$0x1400] =	vst v63  }
0x1f9: {  	_ =	swait.ge [sflag:s31], $0x400  }
0x1fa: {  	[sflag:s31] =	ssyncset.done $0x0  }
0x1fb: {  	[sflag:s31] =	ssyncadd.s32 $0xFFFFFC00  }
0x1fc: {  	_ =	swait.ge [sflag:s18], $0x400  }
0x1fd: {  	[sflag:s18] =	ssyncset.done $0x0  }
0x1fe: {  	s22 =	simm.s32 $0x800;
	[sflag:s18] =	ssyncadd.s32 $0xFFFFFC00  }
0x1ff: {  	v0 =	vld [tilespmem:s22+$0x0];
	_ =	sdelay $0x4  }
0x200: {  	v0 =	vadd.s32 $0x400, v0;
	_ =	sdelay $0x4  }
0x201: {  	v0 =	vld.idx.msk [tilespmem:v0+s26+$0x0], $0xffff;
	_ =	sdelay $0x2  }
0x202: {  	s23 =	sand.u32 $0x70, s19;
	s24 =	sand.u32 $0x700, s19  }
0x203: {  	s20 =	sor.u32 s23, s24  }
0x204: {  	s21 =	simm.s32 $0x810;
	[tilespmem:s20+$0xC80] =	vst v0  }
0x205: {  	s22 =	simm.s32 $0x20;
	s20 =	simm.s32 $0x10;
	v0 =	vld [tilespmem:s21+$0x0]  }
.LBB2_20:
0x206: {  	p0 =	sne.s32 s22, $0x3F0;
	_ =	sdelay $0x3  }
0x207: {  	v0 =	vadd.s32 $0x400, v0;
	_ =	sdelay $0x4  }
0x208: {  	v0 =	vld.idx.msk [tilespmem:v0+s26+$0x0], $0xffff;
	_ =	sdelay $0x2  }
.Ltmp9:
0x209: {  	s19 =	sadd.s32 $0x20, s19;
	(pc) =	sbr.rel @p0 .LBB2_20-.Ltmp9, $4  }
0x20a: {  	s23 =	sand.u32 $0x70, s20;
	s20 =	smov.u32 s22;
	s24 =	sand.u32 $0x700, s19  }
0x20b: {  	s23 =	sor.u32 s23, s24  }
0x20c: {  	s21 =	sadd.s32 $0x10, s21;
	[tilespmem:s23+$0xC80] =	vst v0  }
0x20d: {  	s22 =	sadd.s32 $0x10, s22;
	v0 =	vld [tilespmem:s21+$0x0]  }
0x20e: {  	_ =	sdelay $0x3  }
0x20f: {  	v0 =	vadd.s32 $0x400, v0;
	_ =	sdelay $0x4  }
0x210: {  	v0 =	vld.idx.msk [tilespmem:v0+s26+$0x0], $0xffff;
	_ =	sdelay $0x1  }
0x211: {  	s19 =	sadd.s32 $0x20, s19  }
0x212: {  	s20 =	sand.u32 $0x70, s20;
	s19 =	sand.u32 $0x700, s19  }
0x213: {  	s19 =	sor.u32 s20, s19  }
0x214: {  	s21 =	rddreg [dreg:$0x1e];
	[tilespmem:s19+$0xC80] =	vst v0;
	s19 =	simm.s32 $0x0  }
0x215: {  	[hbm4b:s21+s19] =	stream.linear.scatter [tilespmem:s10], [sflag:$0x2], $0x80, $0x38;
	[tilespmem:$0x1400] =	vst v63  }
0x216: {  	s24 =	sadd.s32 $0x80, s21  }
0x217: {  	[hbm4b:s24+s19] =	stream.linear.scatter [tilespmem:s11], [sflag:$0x2], $0x80, $0x38;
	[tilespmem:$0x1400] =	vst v63  }
0x218: {  	s22 =	sadd.s32 $0x100, s21  }
0x219: {  	[hbm4b:s22+s19] =	stream.linear.scatter [tilespmem:s12], [sflag:$0x2], $0x80, $0x38;
	[tilespmem:$0x1400] =	vst v63  }
0x21a: {  	s23 =	sadd.s32 $0x180, s21  }
0x21b: {  	[hbm4b:s23+s19] =	stream.linear.scatter [tilespmem:s13], [sflag:$0x2], $0x80, $0x38;
	[tilespmem:$0x1400] =	vst v63  }
0x21c: {  	s24 =	sadd.s32 $0x200, s21  }
0x21d: {  	[hbm4b:s24+s19] =	stream.linear.scatter [tilespmem:s14], [sflag:$0x2], $0x80, $0x38;
	[tilespmem:$0x1400] =	vst v63  }
0x21e: {  	s22 =	sadd.s32 $0x280, s21  }
0x21f: {  	[hbm4b:s22+s19] =	stream.linear.scatter [tilespmem:s15], [sflag:$0x2], $0x80, $0x38;
	[tilespmem:$0x1400] =	vst v63  }
0x220: {  	s23 =	sadd.s32 $0x300, s21  }
0x221: {  	[hbm4b:s23+s19] =	stream.linear.scatter [tilespmem:s16], [sflag:$0x2], $0x80, $0x38;
	[tilespmem:$0x1400] =	vst v63  }
0x222: {  	s24 =	sadd.s32 $0x380, s21  }
0x223: {  	[hbm4b:s24+s19] =	stream.linear.scatter [tilespmem:s17], [sflag:$0x2], $0x80, $0x38;
	[tilespmem:$0x1400] =	vst v63  }
0x224: {  	s21 =	rddreg [dreg:$0x9]  }
0x225: {  	[tilespmem:s0], [sflag:$0x1] =	stream.linear.gather [hbm4b:s21+s19], $0x400, $0x38;
	[tilespmem:$0x1400] =	vst v63  }
0x226: {  	_ =	swait.ge [sflag:s31], $0x400  }
0x227: {  	[sflag:s31] =	ssyncset.done $0x0  }
0x228: {  	[sflag:s31] =	ssyncadd.s32 $0xFFFFFC00  }
0x229: {  	_ =	swait.ge [sflag:s18], $0x400  }
0x22a: {  	[sflag:s18] =	ssyncset.done $0x0  }
0x22b: {  	s22 =	simm.s32 $0x800;
	[sflag:s18] =	ssyncadd.s32 $0xFFFFFC00  }
0x22c: {  	v0 =	vld [tilespmem:s22+$0x0];
	_ =	sdelay $0x7  }
0x22d: {  	v0 =	vld.idx.msk [tilespmem:v0+s26+$0x0], $0xffff;
	_ =	sdelay $0x2  }
0x22e: {  	s23 =	sand.u32 $0x70, s19;
	s24 =	sand.u32 $0x700, s19  }
0x22f: {  	s20 =	sor.u32 s23, s24  }
0x230: {  	s21 =	simm.s32 $0x810;
	[tilespmem:s20+$0xC00] =	vst v0  }
0x231: {  	s22 =	simm.s32 $0x20;
	s20 =	simm.s32 $0x10;
	v0 =	vld [tilespmem:s21+$0x0]  }
.LBB2_22:
0x232: {  	p0 =	sne.s32 s22, $0x3F0;
	_ =	sdelay $0x6  }
0x233: {  	v0 =	vld.idx.msk [tilespmem:v0+s26+$0x0], $0xffff;
	_ =	sdelay $0x2  }
.Ltmp10:
0x234: {  	s19 =	sadd.s32 $0x20, s19;
	(pc) =	sbr.rel @p0 .LBB2_22-.Ltmp10, $4  }
0x235: {  	s23 =	sand.u32 $0x70, s20;
	s20 =	smov.u32 s22;
	s24 =	sand.u32 $0x700, s19  }
0x236: {  	s23 =	sor.u32 s23, s24  }
0x237: {  	s21 =	sadd.s32 $0x10, s21;
	[tilespmem:s23+$0xC00] =	vst v0  }
0x238: {  	s22 =	sadd.s32 $0x10, s22;
	v0 =	vld [tilespmem:s21+$0x0]  }
0x239: {  	_ =	sdelay $0x7  }
0x23a: {  	v0 =	vld.idx.msk [tilespmem:v0+s26+$0x0], $0xffff;
	_ =	sdelay $0x1  }
0x23b: {  	s19 =	sadd.s32 $0x20, s19  }
0x23c: {  	s20 =	sand.u32 $0x70, s20;
	s21 =	sld [smem:$0x7DD];
	s19 =	sand.u32 $0x700, s19  }
0x23d: {  	s19 =	sor.u32 s20, s19  }
0x23e: {  	[tilespmem:s19+$0xC00] =	vst v0;
	s19 =	simm.s32 $0x0  }
0x23f: {  	[hbm4b:s21+s19] =	stream.linear.scatter [tilespmem:s1], [sflag:$0x2], $0x80, $0x38;
	[tilespmem:$0x1400] =	vst v63  }
0x240: {  	s24 =	sadd.s32 $0x80, s21  }
0x241: {  	[hbm4b:s24+s19] =	stream.linear.scatter [tilespmem:s3], [sflag:$0x2], $0x80, $0x38;
	[tilespmem:$0x1400] =	vst v63  }
0x242: {  	s22 =	sadd.s32 $0x100, s21  }
0x243: {  	[hbm4b:s22+s19] =	stream.linear.scatter [tilespmem:s4], [sflag:$0x2], $0x80, $0x38;
	[tilespmem:$0x1400] =	vst v63  }
0x244: {  	s23 =	sadd.s32 $0x180, s21  }
0x245: {  	[hbm4b:s23+s19] =	stream.linear.scatter [tilespmem:s5], [sflag:$0x2], $0x80, $0x38;
	[tilespmem:$0x1400] =	vst v63  }
0x246: {  	s24 =	sadd.s32 $0x200, s21  }
0x247: {  	[hbm4b:s24+s19] =	stream.linear.scatter [tilespmem:s6], [sflag:$0x2], $0x80, $0x38;
	[tilespmem:$0x1400] =	vst v63  }
0x248: {  	s22 =	sadd.s32 $0x280, s21  }
0x249: {  	[hbm4b:s22+s19] =	stream.linear.scatter [tilespmem:s7], [sflag:$0x2], $0x80, $0x38;
	[tilespmem:$0x1400] =	vst v63  }
0x24a: {  	s23 =	sadd.s32 $0x300, s21  }
0x24b: {  	[hbm4b:s23+s19] =	stream.linear.scatter [tilespmem:s8], [sflag:$0x2], $0x80, $0x38;
	[tilespmem:$0x1400] =	vst v63  }
0x24c: {  	s24 =	sadd.s32 $0x380, s21  }
0x24d: {  	[hbm4b:s24+s19] =	stream.linear.scatter [tilespmem:s9], [sflag:$0x2], $0x80, $0x38;
	[tilespmem:$0x1400] =	vst v63  }
0x24e: {  	s21 =	rddreg [dreg:$0xa]  }
0x24f: {  	[tilespmem:s19], [sflag:$0x1] =	stream.linear.gather [hbm4b:s21+s19], $0x400, $0x38;
	[tilespmem:$0x1400] =	vst v63  }
0x250: {  	_ =	swait.ge [sflag:s31], $0x400  }
0x251: {  	[sflag:s31] =	ssyncset.done $0x0  }
0x252: {  	[sflag:s31] =	ssyncadd.s32 $0xFFFFFC00  }
0x253: {  	_ =	swait.ge [sflag:s18], $0x400  }
0x254: {  	[sflag:s18] =	ssyncset.done $0x0  }
0x255: {  	s22 =	simm.s32 $0x800;
	[sflag:s18] =	ssyncadd.s32 $0xFFFFFC00  }
0x256: {  	v0 =	vld [tilespmem:s22+$0x0];
	_ =	sdelay $0x4  }
0x257: {  	v0 =	vadd.s32 $0x400, v0;
	_ =	sdelay $0x4  }
0x258: {  	v0 =	vld.idx.msk [tilespmem:v0+s26+$0x0], $0xffff;
	_ =	sdelay $0x2  }
0x259: {  	s23 =	sand.u32 $0x70, s19;
	s24 =	sand.u32 $0x700, s19  }
0x25a: {  	s20 =	sor.u32 s23, s24  }
0x25b: {  	s21 =	simm.s32 $0x810;
	[tilespmem:s20+$0xC80] =	vst v0  }
0x25c: {  	s22 =	simm.s32 $0x20;
	s20 =	simm.s32 $0x10;
	v0 =	vld [tilespmem:s21+$0x0]  }
.LBB2_24:
0x25d: {  	p0 =	sne.s32 s22, $0x3F0;
	_ =	sdelay $0x3  }
0x25e: {  	v0 =	vadd.s32 $0x400, v0;
	_ =	sdelay $0x4  }
0x25f: {  	v0 =	vld.idx.msk [tilespmem:v0+s26+$0x0], $0xffff;
	_ =	sdelay $0x2  }
.Ltmp11:
0x260: {  	s19 =	sadd.s32 $0x20, s19;
	(pc) =	sbr.rel @p0 .LBB2_24-.Ltmp11, $4  }
0x261: {  	s23 =	sand.u32 $0x70, s20;
	s20 =	smov.u32 s22;
	s24 =	sand.u32 $0x700, s19  }
0x262: {  	s23 =	sor.u32 s23, s24  }
0x263: {  	s21 =	sadd.s32 $0x10, s21;
	[tilespmem:s23+$0xC80] =	vst v0  }
0x264: {  	s22 =	sadd.s32 $0x10, s22;
	v0 =	vld [tilespmem:s21+$0x0]  }
0x265: {  	_ =	sdelay $0x3  }
0x266: {  	v0 =	vadd.s32 $0x400, v0;
	_ =	sdelay $0x4  }
0x267: {  	v0 =	vld.idx.msk [tilespmem:v0+s26+$0x0], $0xffff;
	_ =	sdelay $0x1  }
0x268: {  	s19 =	sadd.s32 $0x20, s19  }
0x269: {  	s20 =	sand.u32 $0x70, s20;
	s21 =	sld [smem:$0x7E1];
	s19 =	sand.u32 $0x700, s19  }
0x26a: {  	s19 =	sor.u32 s20, s19  }
0x26b: {  	[tilespmem:s19+$0xC80] =	vst v0;
	s19 =	simm.s32 $0x0  }
0x26c: {  	[hbm4b:s21+s19] =	stream.linear.scatter [tilespmem:s10], [sflag:$0x2], $0x80, $0x38;
	[tilespmem:$0x1400] =	vst v63  }
0x26d: {  	s24 =	sadd.s32 $0x80, s21  }
0x26e: {  	[hbm4b:s24+s19] =	stream.linear.scatter [tilespmem:s11], [sflag:$0x2], $0x80, $0x38;
	[tilespmem:$0x1400] =	vst v63  }
0x26f: {  	s22 =	sadd.s32 $0x100, s21  }
0x270: {  	[hbm4b:s22+s19] =	stream.linear.scatter [tilespmem:s12], [sflag:$0x2], $0x80, $0x38;
	[tilespmem:$0x1400] =	vst v63  }
0x271: {  	s23 =	sadd.s32 $0x180, s21  }
0x272: {  	[hbm4b:s23+s19] =	stream.linear.scatter [tilespmem:s13], [sflag:$0x2], $0x80, $0x38;
	[tilespmem:$0x1400] =	vst v63  }
0x273: {  	s24 =	sadd.s32 $0x200, s21  }
0x274: {  	[hbm4b:s24+s19] =	stream.linear.scatter [tilespmem:s14], [sflag:$0x2], $0x80, $0x38;
	[tilespmem:$0x1400] =	vst v63  }
0x275: {  	s22 =	sadd.s32 $0x280, s21  }
0x276: {  	[hbm4b:s22+s19] =	stream.linear.scatter [tilespmem:s15], [sflag:$0x2], $0x80, $0x38;
	[tilespmem:$0x1400] =	vst v63  }
0x277: {  	s23 =	sadd.s32 $0x300, s21  }
0x278: {  	[hbm4b:s23+s19] =	stream.linear.scatter [tilespmem:s16], [sflag:$0x2], $0x80, $0x38;
	[tilespmem:$0x1400] =	vst v63  }
0x279: {  	s24 =	sadd.s32 $0x380, s21  }
0x27a: {  	[hbm4b:s24+s19] =	stream.linear.scatter [tilespmem:s17], [sflag:$0x2], $0x80, $0x38;
	[tilespmem:$0x1400] =	vst v63  }
0x27b: {  	s21 =	rddreg [dreg:$0xb]  }
0x27c: {  	[tilespmem:s0], [sflag:$0x1] =	stream.linear.gather [hbm4b:s21+s19], $0x400, $0x38;
	[tilespmem:$0x1400] =	vst v63  }
0x27d: {  	_ =	swait.ge [sflag:s31], $0x400  }
0x27e: {  	[sflag:s31] =	ssyncset.done $0x0  }
0x27f: {  	[sflag:s31] =	ssyncadd.s32 $0xFFFFFC00  }
0x280: {  	_ =	swait.ge [sflag:s18], $0x400  }
0x281: {  	[sflag:s18] =	ssyncset.done $0x0  }
0x282: {  	s22 =	simm.s32 $0x800;
	[sflag:s18] =	ssyncadd.s32 $0xFFFFFC00  }
0x283: {  	v0 =	vld [tilespmem:s22+$0x0];
	_ =	sdelay $0x7  }
0x284: {  	v0 =	vld.idx.msk [tilespmem:v0+s26+$0x0], $0xffff;
	_ =	sdelay $0x2  }
0x285: {  	s23 =	sand.u32 $0x70, s19;
	s24 =	sand.u32 $0x700, s19  }
0x286: {  	s20 =	sor.u32 s23, s24  }
0x287: {  	s21 =	simm.s32 $0x810;
	[tilespmem:s20+$0xC00] =	vst v0  }
0x288: {  	s22 =	simm.s32 $0x20;
	s20 =	simm.s32 $0x10;
	v0 =	vld [tilespmem:s21+$0x0]  }
.LBB2_26:
0x289: {  	p0 =	sne.s32 s22, $0x3F0;
	_ =	sdelay $0x6  }
0x28a: {  	v0 =	vld.idx.msk [tilespmem:v0+s26+$0x0], $0xffff;
	_ =	sdelay $0x2  }
.Ltmp12:
0x28b: {  	s19 =	sadd.s32 $0x20, s19;
	(pc) =	sbr.rel @p0 .LBB2_26-.Ltmp12, $4  }
0x28c: {  	s23 =	sand.u32 $0x70, s20;
	s20 =	smov.u32 s22;
	s24 =	sand.u32 $0x700, s19  }
0x28d: {  	s23 =	sor.u32 s23, s24  }
0x28e: {  	s21 =	sadd.s32 $0x10, s21;
	[tilespmem:s23+$0xC00] =	vst v0  }
0x28f: {  	s22 =	sadd.s32 $0x10, s22;
	v0 =	vld [tilespmem:s21+$0x0]  }
0x290: {  	_ =	sdelay $0x7  }
0x291: {  	v0 =	vld.idx.msk [tilespmem:v0+s26+$0x0], $0xffff;
	_ =	sdelay $0x1  }
0x292: {  	s19 =	sadd.s32 $0x20, s19  }
0x293: {  	s20 =	sand.u32 $0x70, s20;
	s21 =	sld [smem:$0x7E5];
	s19 =	sand.u32 $0x700, s19  }
0x294: {  	s19 =	sor.u32 s20, s19  }
0x295: {  	[tilespmem:s19+$0xC00] =	vst v0;
	s19 =	simm.s32 $0x0  }
0x296: {  	[hbm4b:s21+s19] =	stream.linear.scatter [tilespmem:s1], [sflag:$0x2], $0x80, $0x38;
	[tilespmem:$0x1400] =	vst v63  }
0x297: {  	s24 =	sadd.s32 $0x80, s21  }
0x298: {  	[hbm4b:s24+s19] =	stream.linear.scatter [tilespmem:s3], [sflag:$0x2], $0x80, $0x38;
	[tilespmem:$0x1400] =	vst v63  }
0x299: {  	s22 =	sadd.s32 $0x100, s21  }
0x29a: {  	[hbm4b:s22+s19] =	stream.linear.scatter [tilespmem:s4], [sflag:$0x2], $0x80, $0x38;
	[tilespmem:$0x1400] =	vst v63  }
0x29b: {  	s23 =	sadd.s32 $0x180, s21  }
0x29c: {  	[hbm4b:s23+s19] =	stream.linear.scatter [tilespmem:s5], [sflag:$0x2], $0x80, $0x38;
	[tilespmem:$0x1400] =	vst v63  }
0x29d: {  	s24 =	sadd.s32 $0x200, s21  }
0x29e: {  	[hbm4b:s24+s19] =	stream.linear.scatter [tilespmem:s6], [sflag:$0x2], $0x80, $0x38;
	[tilespmem:$0x1400] =	vst v63  }
0x29f: {  	s22 =	sadd.s32 $0x280, s21  }
0x2a0: {  	[hbm4b:s22+s19] =	stream.linear.scatter [tilespmem:s7], [sflag:$0x2], $0x80, $0x38;
	[tilespmem:$0x1400] =	vst v63  }
0x2a1: {  	s23 =	sadd.s32 $0x300, s21  }
0x2a2: {  	[hbm4b:s23+s19] =	stream.linear.scatter [tilespmem:s8], [sflag:$0x2], $0x80, $0x38;
	[tilespmem:$0x1400] =	vst v63  }
0x2a3: {  	s24 =	sadd.s32 $0x380, s21  }
0x2a4: {  	[hbm4b:s24+s19] =	stream.linear.scatter [tilespmem:s9], [sflag:$0x2], $0x80, $0x38;
	[tilespmem:$0x1400] =	vst v63  }
0x2a5: {  	s21 =	rddreg [dreg:$0xc]  }
0x2a6: {  	[tilespmem:s19], [sflag:$0x1] =	stream.linear.gather [hbm4b:s21+s19], $0x400, $0x38;
	[tilespmem:$0x1400] =	vst v63  }
0x2a7: {  	_ =	swait.ge [sflag:s31], $0x400  }
0x2a8: {  	[sflag:s31] =	ssyncset.done $0x0  }
0x2a9: {  	[sflag:s31] =	ssyncadd.s32 $0xFFFFFC00  }
0x2aa: {  	_ =	swait.ge [sflag:s18], $0x400  }
0x2ab: {  	[sflag:s18] =	ssyncset.done $0x0  }
0x2ac: {  	s22 =	simm.s32 $0x800;
	[sflag:s18] =	ssyncadd.s32 $0xFFFFFC00  }
0x2ad: {  	v0 =	vld [tilespmem:s22+$0x0];
	_ =	sdelay $0x4  }
0x2ae: {  	v0 =	vadd.s32 $0x400, v0;
	_ =	sdelay $0x4  }
0x2af: {  	v0 =	vld.idx.msk [tilespmem:v0+s26+$0x0], $0xffff;
	_ =	sdelay $0x2  }
0x2b0: {  	s23 =	sand.u32 $0x70, s19;
	s24 =	sand.u32 $0x700, s19  }
0x2b1: {  	s20 =	sor.u32 s23, s24  }
0x2b2: {  	s21 =	simm.s32 $0x810;
	[tilespmem:s20+$0xC80] =	vst v0  }
0x2b3: {  	s22 =	simm.s32 $0x20;
	s20 =	simm.s32 $0x10;
	v0 =	vld [tilespmem:s21+$0x0]  }
.LBB2_28:
0x2b4: {  	p0 =	sne.s32 s22, $0x3F0;
	_ =	sdelay $0x3  }
0x2b5: {  	v0 =	vadd.s32 $0x400, v0;
	_ =	sdelay $0x4  }
0x2b6: {  	v0 =	vld.idx.msk [tilespmem:v0+s26+$0x0], $0xffff;
	_ =	sdelay $0x2  }
.Ltmp13:
0x2b7: {  	s19 =	sadd.s32 $0x20, s19;
	(pc) =	sbr.rel @p0 .LBB2_28-.Ltmp13, $4  }
0x2b8: {  	s23 =	sand.u32 $0x70, s20;
	s20 =	smov.u32 s22;
	s24 =	sand.u32 $0x700, s19  }
0x2b9: {  	s23 =	sor.u32 s23, s24  }
0x2ba: {  	s21 =	sadd.s32 $0x10, s21;
	[tilespmem:s23+$0xC80] =	vst v0  }
0x2bb: {  	s22 =	sadd.s32 $0x10, s22;
	v0 =	vld [tilespmem:s21+$0x0]  }
0x2bc: {  	_ =	sdelay $0x3  }
0x2bd: {  	v0 =	vadd.s32 $0x400, v0;
	_ =	sdelay $0x4  }
0x2be: {  	v0 =	vld.idx.msk [tilespmem:v0+s26+$0x0], $0xffff;
	_ =	sdelay $0x1  }
0x2bf: {  	s19 =	sadd.s32 $0x20, s19  }
0x2c0: {  	s20 =	sand.u32 $0x70, s20;
	s21 =	sld [smem:$0x7E9];
	s19 =	sand.u32 $0x700, s19  }
0x2c1: {  	s19 =	sor.u32 s20, s19  }
0x2c2: {  	[tilespmem:s19+$0xC80] =	vst v0;
	s19 =	simm.s32 $0x0  }
0x2c3: {  	[hbm4b:s21+s19] =	stream.linear.scatter [tilespmem:s10], [sflag:$0x2], $0x80, $0x38;
	[tilespmem:$0x1400] =	vst v63  }
0x2c4: {  	s24 =	sadd.s32 $0x80, s21  }
0x2c5: {  	[hbm4b:s24+s19] =	stream.linear.scatter [tilespmem:s11], [sflag:$0x2], $0x80, $0x38;
	[tilespmem:$0x1400] =	vst v63  }
0x2c6: {  	s22 =	sadd.s32 $0x100, s21  }
0x2c7: {  	[hbm4b:s22+s19] =	stream.linear.scatter [tilespmem:s12], [sflag:$0x2], $0x80, $0x38;
	[tilespmem:$0x1400] =	vst v63  }
0x2c8: {  	s23 =	sadd.s32 $0x180, s21  }
0x2c9: {  	[hbm4b:s23+s19] =	stream.linear.scatter [tilespmem:s13], [sflag:$0x2], $0x80, $0x38;
	[tilespmem:$0x1400] =	vst v63  }
0x2ca: {  	s24 =	sadd.s32 $0x200, s21  }
0x2cb: {  	[hbm4b:s24+s19] =	stream.linear.scatter [tilespmem:s14], [sflag:$0x2], $0x80, $0x38;
	[tilespmem:$0x1400] =	vst v63  }
0x2cc: {  	s22 =	sadd.s32 $0x280, s21  }
0x2cd: {  	[hbm4b:s22+s19] =	stream.linear.scatter [tilespmem:s15], [sflag:$0x2], $0x80, $0x38;
	[tilespmem:$0x1400] =	vst v63  }
0x2ce: {  	s23 =	sadd.s32 $0x300, s21  }
0x2cf: {  	[hbm4b:s23+s19] =	stream.linear.scatter [tilespmem:s16], [sflag:$0x2], $0x80, $0x38;
	[tilespmem:$0x1400] =	vst v63  }
0x2d0: {  	s24 =	sadd.s32 $0x380, s21  }
0x2d1: {  	[hbm4b:s24+s19] =	stream.linear.scatter [tilespmem:s17], [sflag:$0x2], $0x80, $0x38;
	[tilespmem:$0x1400] =	vst v63  }
0x2d2: {  	s21 =	rddreg [dreg:$0xd]  }
0x2d3: {  	[tilespmem:s0], [sflag:$0x1] =	stream.linear.gather [hbm4b:s21+s19], $0x400, $0x38;
	[tilespmem:$0x1400] =	vst v63  }
0x2d4: {  	_ =	swait.ge [sflag:s31], $0x400  }
0x2d5: {  	[sflag:s31] =	ssyncset.done $0x0  }
0x2d6: {  	[sflag:s31] =	ssyncadd.s32 $0xFFFFFC00  }
0x2d7: {  	_ =	swait.ge [sflag:s18], $0x400  }
0x2d8: {  	[sflag:s18] =	ssyncset.done $0x0  }
0x2d9: {  	s22 =	simm.s32 $0x800;
	[sflag:s18] =	ssyncadd.s32 $0xFFFFFC00  }
0x2da: {  	v0 =	vld [tilespmem:s22+$0x0];
	_ =	sdelay $0x7  }
0x2db: {  	v0 =	vld.idx.msk [tilespmem:v0+s26+$0x0], $0xffff;
	_ =	sdelay $0x2  }
0x2dc: {  	s23 =	sand.u32 $0x70, s19;
	s24 =	sand.u32 $0x700, s19  }
0x2dd: {  	s20 =	sor.u32 s23, s24  }
0x2de: {  	s21 =	simm.s32 $0x810;
	[tilespmem:s20+$0xC00] =	vst v0  }
0x2df: {  	s22 =	simm.s32 $0x20;
	s20 =	simm.s32 $0x10;
	v0 =	vld [tilespmem:s21+$0x0]  }
.LBB2_30:
0x2e0: {  	p0 =	sne.s32 s22, $0x3F0;
	_ =	sdelay $0x6  }
0x2e1: {  	v0 =	vld.idx.msk [tilespmem:v0+s26+$0x0], $0xffff;
	_ =	sdelay $0x2  }
.Ltmp14:
0x2e2: {  	s19 =	sadd.s32 $0x20, s19;
	(pc) =	sbr.rel @p0 .LBB2_30-.Ltmp14, $4  }
0x2e3: {  	s23 =	sand.u32 $0x70, s20;
	s20 =	smov.u32 s22;
	s24 =	sand.u32 $0x700, s19  }
0x2e4: {  	s23 =	sor.u32 s23, s24  }
0x2e5: {  	s21 =	sadd.s32 $0x10, s21;
	[tilespmem:s23+$0xC00] =	vst v0  }
0x2e6: {  	s22 =	sadd.s32 $0x10, s22;
	v0 =	vld [tilespmem:s21+$0x0]  }
0x2e7: {  	_ =	sdelay $0x7  }
0x2e8: {  	v0 =	vld.idx.msk [tilespmem:v0+s26+$0x0], $0xffff;
	_ =	sdelay $0x1  }
0x2e9: {  	s19 =	sadd.s32 $0x20, s19  }
0x2ea: {  	s20 =	sand.u32 $0x70, s20;
	s21 =	sld [smem:$0x7F2];
	s19 =	sand.u32 $0x700, s19  }
0x2eb: {  	s19 =	sor.u32 s20, s19  }
0x2ec: {  	[tilespmem:s19+$0xC00] =	vst v0;
	s19 =	simm.s32 $0x0  }
0x2ed: {  	[hbm4b:s21+s19] =	stream.linear.scatter [tilespmem:s1], [sflag:$0x2], $0x80, $0x38;
	[tilespmem:$0x1400] =	vst v63  }
0x2ee: {  	s24 =	sadd.s32 $0x80, s21  }
0x2ef: {  	[hbm4b:s24+s19] =	stream.linear.scatter [tilespmem:s3], [sflag:$0x2], $0x80, $0x38;
	[tilespmem:$0x1400] =	vst v63  }
0x2f0: {  	s22 =	sadd.s32 $0x100, s21  }
0x2f1: {  	[hbm4b:s22+s19] =	stream.linear.scatter [tilespmem:s4], [sflag:$0x2], $0x80, $0x38;
	[tilespmem:$0x1400] =	vst v63  }
0x2f2: {  	s23 =	sadd.s32 $0x180, s21  }
0x2f3: {  	[hbm4b:s23+s19] =	stream.linear.scatter [tilespmem:s5], [sflag:$0x2], $0x80, $0x38;
	[tilespmem:$0x1400] =	vst v63  }
0x2f4: {  	s24 =	sadd.s32 $0x200, s21  }
0x2f5: {  	[hbm4b:s24+s19] =	stream.linear.scatter [tilespmem:s6], [sflag:$0x2], $0x80, $0x38;
	[tilespmem:$0x1400] =	vst v63  }
0x2f6: {  	s22 =	sadd.s32 $0x280, s21  }
0x2f7: {  	[hbm4b:s22+s19] =	stream.linear.scatter [tilespmem:s7], [sflag:$0x2], $0x80, $0x38;
	[tilespmem:$0x1400] =	vst v63  }
0x2f8: {  	s23 =	sadd.s32 $0x300, s21  }
0x2f9: {  	[hbm4b:s23+s19] =	stream.linear.scatter [tilespmem:s8], [sflag:$0x2], $0x80, $0x38;
	[tilespmem:$0x1400] =	vst v63  }
0x2fa: {  	s24 =	sadd.s32 $0x380, s21  }
0x2fb: {  	[hbm4b:s24+s19] =	stream.linear.scatter [tilespmem:s9], [sflag:$0x2], $0x80, $0x38;
	[tilespmem:$0x1400] =	vst v63  }
0x2fc: {  	s21 =	rddreg [dreg:$0xe]  }
0x2fd: {  	[tilespmem:s19], [sflag:$0x1] =	stream.linear.gather [hbm4b:s21+s19], $0x400, $0x38;
	[tilespmem:$0x1400] =	vst v63  }
0x2fe: {  	_ =	swait.ge [sflag:s31], $0x400  }
0x2ff: {  	[sflag:s31] =	ssyncset.done $0x0  }
0x300: {  	[sflag:s31] =	ssyncadd.s32 $0xFFFFFC00  }
0x301: {  	_ =	swait.ge [sflag:s18], $0x400  }
0x302: {  	[sflag:s18] =	ssyncset.done $0x0  }
0x303: {  	s22 =	simm.s32 $0x800;
	[sflag:s18] =	ssyncadd.s32 $0xFFFFFC00  }
0x304: {  	v0 =	vld [tilespmem:s22+$0x0];
	_ =	sdelay $0x4  }
0x305: {  	v0 =	vadd.s32 $0x400, v0;
	_ =	sdelay $0x4  }
0x306: {  	v0 =	vld.idx.msk [tilespmem:v0+s26+$0x0], $0xffff;
	_ =	sdelay $0x2  }
0x307: {  	s23 =	sand.u32 $0x70, s19;
	s24 =	sand.u32 $0x700, s19  }
0x308: {  	s20 =	sor.u32 s23, s24  }
0x309: {  	s21 =	simm.s32 $0x810;
	[tilespmem:s20+$0xC80] =	vst v0  }
0x30a: {  	s22 =	simm.s32 $0x20;
	s20 =	simm.s32 $0x10;
	v0 =	vld [tilespmem:s21+$0x0]  }
.LBB2_32:
0x30b: {  	p0 =	sne.s32 s22, $0x3F0;
	_ =	sdelay $0x3  }
0x30c: {  	v0 =	vadd.s32 $0x400, v0;
	_ =	sdelay $0x4  }
0x30d: {  	v0 =	vld.idx.msk [tilespmem:v0+s26+$0x0], $0xffff;
	_ =	sdelay $0x2  }
.Ltmp15:
0x30e: {  	s19 =	sadd.s32 $0x20, s19;
	(pc) =	sbr.rel @p0 .LBB2_32-.Ltmp15, $4  }
0x30f: {  	s23 =	sand.u32 $0x70, s20;
	s20 =	smov.u32 s22;
	s24 =	sand.u32 $0x700, s19  }
0x310: {  	s23 =	sor.u32 s23, s24  }
0x311: {  	s21 =	sadd.s32 $0x10, s21;
	[tilespmem:s23+$0xC80] =	vst v0  }
0x312: {  	s22 =	sadd.s32 $0x10, s22;
	v0 =	vld [tilespmem:s21+$0x0]  }
0x313: {  	_ =	sdelay $0x3  }
0x314: {  	v0 =	vadd.s32 $0x400, v0;
	_ =	sdelay $0x4  }
0x315: {  	v0 =	vld.idx.msk [tilespmem:v0+s26+$0x0], $0xffff;
	_ =	sdelay $0x1  }
0x316: {  	s19 =	sadd.s32 $0x20, s19  }
0x317: {  	s20 =	sand.u32 $0x70, s20;
	s19 =	sand.u32 $0x700, s19  }
0x318: {  	s19 =	sor.u32 s20, s19  }
0x319: {  	[tilespmem:s19+$0xC80] =	vst v0;
	s19 =	simm.s32 $0x0  }
0x31a: {  	[hbm4b:s2+s19] =	stream.linear.scatter [tilespmem:s10], [sflag:$0x2], $0x80, $0x38;
	[tilespmem:$0x1400] =	vst v63  }
0x31b: {  	s23 =	sadd.s32 $0x80, s2  }
0x31c: {  	[hbm4b:s23+s19] =	stream.linear.scatter [tilespmem:s11], [sflag:$0x2], $0x80, $0x38;
	[tilespmem:$0x1400] =	vst v63  }
0x31d: {  	s24 =	sadd.s32 $0x100, s2  }
0x31e: {  	[hbm4b:s24+s19] =	stream.linear.scatter [tilespmem:s12], [sflag:$0x2], $0x80, $0x38;
	[tilespmem:$0x1400] =	vst v63  }
0x31f: {  	s21 =	sadd.s32 $0x180, s2  }
0x320: {  	[hbm4b:s21+s19] =	stream.linear.scatter [tilespmem:s13], [sflag:$0x2], $0x80, $0x38;
	[tilespmem:$0x1400] =	vst v63  }
0x321: {  	s22 =	sadd.s32 $0x200, s2  }
0x322: {  	[hbm4b:s22+s19] =	stream.linear.scatter [tilespmem:s14], [sflag:$0x2], $0x80, $0x38;
	[tilespmem:$0x1400] =	vst v63  }
0x323: {  	s23 =	sadd.s32 $0x280, s2  }
0x324: {  	[hbm4b:s23+s19] =	stream.linear.scatter [tilespmem:s15], [sflag:$0x2], $0x80, $0x38;
	[tilespmem:$0x1400] =	vst v63  }
0x325: {  	s24 =	sadd.s32 $0x300, s2  }
0x326: {  	[hbm4b:s24+s19] =	stream.linear.scatter [tilespmem:s16], [sflag:$0x2], $0x80, $0x38;
	[tilespmem:$0x1400] =	vst v63  }
0x327: {  	s21 =	sadd.s32 $0x380, s2  }
0x328: {  	[hbm4b:s21+s19] =	stream.linear.scatter [tilespmem:s17], [sflag:$0x2], $0x80, $0x38;
	[tilespmem:$0x1400] =	vst v63  }
0x329: {  	s22 =	rddreg [dreg:$0xf]  }
0x32a: {  	[tilespmem:s0], [sflag:$0x1] =	stream.linear.gather [hbm4b:s22+s19], $0x400, $0x38;
	[tilespmem:$0x1400] =	vst v63  }
0x32b: {  	_ =	swait.ge [sflag:s31], $0x400  }
0x32c: {  	[sflag:s31] =	ssyncset.done $0x0  }
0x32d: {  	[sflag:s31] =	ssyncadd.s32 $0xFFFFFC00  }
0x32e: {  	_ =	swait.ge [sflag:s18], $0x400  }
0x32f: {  	[sflag:s18] =	ssyncset.done $0x0  }
0x330: {  	s23 =	simm.s32 $0x800;
	[sflag:s18] =	ssyncadd.s32 $0xFFFFFC00  }
0x331: {  	v0 =	vld [tilespmem:s23+$0x0];
	_ =	sdelay $0x7  }
0x332: {  	v0 =	vld.idx.msk [tilespmem:v0+s26+$0x0], $0xffff;
	_ =	sdelay $0x2  }
0x333: {  	s24 =	sand.u32 $0x70, s19;
	s21 =	sand.u32 $0x700, s19  }
0x334: {  	s20 =	sor.u32 s24, s21  }
0x335: {  	s21 =	simm.s32 $0x810;
	[tilespmem:s20+$0xC00] =	vst v0  }
0x336: {  	s22 =	simm.s32 $0x20;
	s20 =	simm.s32 $0x10;
	v0 =	vld [tilespmem:s21+$0x0]  }
.LBB2_34:
0x337: {  	p0 =	sne.s32 s22, $0x3F0;
	_ =	sdelay $0x6  }
0x338: {  	v0 =	vld.idx.msk [tilespmem:v0+s26+$0x0], $0xffff;
	_ =	sdelay $0x2  }
.Ltmp16:
0x339: {  	s19 =	sadd.s32 $0x20, s19;
	(pc) =	sbr.rel @p0 .LBB2_34-.Ltmp16, $4  }
0x33a: {  	s23 =	sand.u32 $0x70, s20;
	s20 =	smov.u32 s22;
	s24 =	sand.u32 $0x700, s19  }
0x33b: {  	s23 =	sor.u32 s23, s24  }
0x33c: {  	s21 =	sadd.s32 $0x10, s21;
	[tilespmem:s23+$0xC00] =	vst v0  }
0x33d: {  	s22 =	sadd.s32 $0x10, s22;
	v0 =	vld [tilespmem:s21+$0x0]  }
0x33e: {  	_ =	sdelay $0x7  }
0x33f: {  	v0 =	vld.idx.msk [tilespmem:v0+s26+$0x0], $0xffff;
	_ =	sdelay $0x1  }
0x340: {  	s19 =	sadd.s32 $0x20, s19  }
0x341: {  	s20 =	sand.u32 $0x70, s20;
	s21 =	sld [smem:$0x7EF];
	s19 =	sand.u32 $0x700, s19  }
0x342: {  	s19 =	sor.u32 s20, s19  }
0x343: {  	[tilespmem:s19+$0xC00] =	vst v0;
	s19 =	simm.s32 $0x0  }
0x344: {  	[hbm4b:s21+s19] =	stream.linear.scatter [tilespmem:s1], [sflag:$0x2], $0x80, $0x38;
	[tilespmem:$0x1400] =	vst v63  }
0x345: {  	s24 =	sadd.s32 $0x80, s21  }
0x346: {  	[hbm4b:s24+s19] =	stream.linear.scatter [tilespmem:s3], [sflag:$0x2], $0x80, $0x38;
	[tilespmem:$0x1400] =	vst v63  }
0x347: {  	s22 =	sadd.s32 $0x100, s21  }
0x348: {  	[hbm4b:s22+s19] =	stream.linear.scatter [tilespmem:s4], [sflag:$0x2], $0x80, $0x38;
	[tilespmem:$0x1400] =	vst v63  }
0x349: {  	s23 =	sadd.s32 $0x180, s21  }
0x34a: {  	[hbm4b:s23+s19] =	stream.linear.scatter [tilespmem:s5], [sflag:$0x2], $0x80, $0x38;
	[tilespmem:$0x1400] =	vst v63  }
0x34b: {  	s24 =	sadd.s32 $0x200, s21  }
0x34c: {  	[hbm4b:s24+s19] =	stream.linear.scatter [tilespmem:s6], [sflag:$0x2], $0x80, $0x38;
	[tilespmem:$0x1400] =	vst v63  }
0x34d: {  	s22 =	sadd.s32 $0x280, s21  }
0x34e: {  	[hbm4b:s22+s19] =	stream.linear.scatter [tilespmem:s7], [sflag:$0x2], $0x80, $0x38;
	[tilespmem:$0x1400] =	vst v63  }
0x34f: {  	s23 =	sadd.s32 $0x300, s21  }
0x350: {  	[hbm4b:s23+s19] =	stream.linear.scatter [tilespmem:s8], [sflag:$0x2], $0x80, $0x38;
	[tilespmem:$0x1400] =	vst v63  }
0x351: {  	s24 =	sadd.s32 $0x380, s21  }
0x352: {  	[hbm4b:s24+s19] =	stream.linear.scatter [tilespmem:s9], [sflag:$0x2], $0x80, $0x38;
	[tilespmem:$0x1400] =	vst v63  }
0x353: {  	s21 =	rddreg [dreg:$0x10]  }
0x354: {  	[tilespmem:s19], [sflag:$0x1] =	stream.linear.gather [hbm4b:s21+s19], $0x400, $0x38;
	[tilespmem:$0x1400] =	vst v63  }
0x355: {  	_ =	swait.ge [sflag:s31], $0x400  }
0x356: {  	[sflag:s31] =	ssyncset.done $0x0  }
0x357: {  	[sflag:s31] =	ssyncadd.s32 $0xFFFFFC00  }
0x358: {  	_ =	swait.ge [sflag:s18], $0x400  }
0x359: {  	[sflag:s18] =	ssyncset.done $0x0  }
0x35a: {  	s22 =	simm.s32 $0x800;
	[sflag:s18] =	ssyncadd.s32 $0xFFFFFC00  }
0x35b: {  	v0 =	vld [tilespmem:s22+$0x0];
	_ =	sdelay $0x4  }
0x35c: {  	v0 =	vadd.s32 $0x400, v0;
	_ =	sdelay $0x4  }
0x35d: {  	v0 =	vld.idx.msk [tilespmem:v0+s26+$0x0], $0xffff;
	_ =	sdelay $0x2  }
0x35e: {  	s23 =	sand.u32 $0x70, s19;
	s24 =	sand.u32 $0x700, s19  }
0x35f: {  	s20 =	sor.u32 s23, s24  }
0x360: {  	s21 =	simm.s32 $0x810;
	[tilespmem:s20+$0xC80] =	vst v0  }
0x361: {  	s22 =	simm.s32 $0x20;
	s20 =	simm.s32 $0x10;
	v0 =	vld [tilespmem:s21+$0x0]  }
.LBB2_36:
0x362: {  	p0 =	sne.s32 s22, $0x3F0;
	_ =	sdelay $0x3  }
0x363: {  	v0 =	vadd.s32 $0x400, v0;
	_ =	sdelay $0x4  }
0x364: {  	v0 =	vld.idx.msk [tilespmem:v0+s26+$0x0], $0xffff;
	_ =	sdelay $0x2  }
.Ltmp17:
0x365: {  	s19 =	sadd.s32 $0x20, s19;
	(pc) =	sbr.rel @p0 .LBB2_36-.Ltmp17, $4  }
0x366: {  	s23 =	sand.u32 $0x70, s20;
	s20 =	smov.u32 s22;
	s24 =	sand.u32 $0x700, s19  }
0x367: {  	s23 =	sor.u32 s23, s24  }
0x368: {  	s21 =	sadd.s32 $0x10, s21;
	[tilespmem:s23+$0xC80] =	vst v0  }
0x369: {  	s22 =	sadd.s32 $0x10, s22;
	v0 =	vld [tilespmem:s21+$0x0]  }
0x36a: {  	_ =	sdelay $0x3  }
0x36b: {  	v0 =	vadd.s32 $0x400, v0;
	_ =	sdelay $0x4  }
0x36c: {  	v0 =	vld.idx.msk [tilespmem:v0+s26+$0x0], $0xffff;
	_ =	sdelay $0x1  }
0x36d: {  	s19 =	sadd.s32 $0x20, s19  }
0x36e: {  	s20 =	sand.u32 $0x70, s20;
	s19 =	sand.u32 $0x700, s19  }
0x36f: {  	s19 =	sor.u32 s20, s19  }
0x370: {  	s21 =	rddreg [dreg:$0x1f];
	[tilespmem:s19+$0xC80] =	vst v0;
	s19 =	simm.s32 $0x0  }
0x371: {  	[hbm4b:s21+s19] =	stream.linear.scatter [tilespmem:s10], [sflag:$0x2], $0x80, $0x38;
	[tilespmem:$0x1400] =	vst v63  }
0x372: {  	s24 =	sadd.s32 $0x80, s21  }
0x373: {  	[hbm4b:s24+s19] =	stream.linear.scatter [tilespmem:s11], [sflag:$0x2], $0x80, $0x38;
	[tilespmem:$0x1400] =	vst v63  }
0x374: {  	s22 =	sadd.s32 $0x100, s21  }
0x375: {  	[hbm4b:s22+s19] =	stream.linear.scatter [tilespmem:s12], [sflag:$0x2], $0x80, $0x38;
	[tilespmem:$0x1400] =	vst v63  }
0x376: {  	s23 =	sadd.s32 $0x180, s21  }
0x377: {  	[hbm4b:s23+s19] =	stream.linear.scatter [tilespmem:s13], [sflag:$0x2], $0x80, $0x38;
	[tilespmem:$0x1400] =	vst v63  }
0x378: {  	s24 =	sadd.s32 $0x200, s21  }
0x379: {  	[hbm4b:s24+s19] =	stream.linear.scatter [tilespmem:s14], [sflag:$0x2], $0x80, $0x38;
	[tilespmem:$0x1400] =	vst v63  }
0x37a: {  	s22 =	sadd.s32 $0x280, s21  }
0x37b: {  	[hbm4b:s22+s19] =	stream.linear.scatter [tilespmem:s15], [sflag:$0x2], $0x80, $0x38;
	[tilespmem:$0x1400] =	vst v63  }
0x37c: {  	s23 =	sadd.s32 $0x300, s21  }
0x37d: {  	[hbm4b:s23+s19] =	stream.linear.scatter [tilespmem:s16], [sflag:$0x2], $0x80, $0x38;
	[tilespmem:$0x1400] =	vst v63  }
0x37e: {  	s24 =	sadd.s32 $0x380, s21  }
0x37f: {  	[hbm4b:s24+s19] =	stream.linear.scatter [tilespmem:s17], [sflag:$0x2], $0x80, $0x38;
	[tilespmem:$0x1400] =	vst v63  }
0x380: {  	s21 =	rddreg [dreg:$0x11]  }
0x381: {  	[tilespmem:s0], [sflag:$0x1] =	stream.linear.gather [hbm4b:s21+s19], $0x400, $0x38;
	[tilespmem:$0x1400] =	vst v63  }
0x382: {  	_ =	swait.ge [sflag:s31], $0x400  }
0x383: {  	[sflag:s31] =	ssyncset.done $0x0  }
0x384: {  	[sflag:s31] =	ssyncadd.s32 $0xFFFFFC00  }
0x385: {  	_ =	swait.ge [sflag:s18], $0x400  }
0x386: {  	[sflag:s18] =	ssyncset.done $0x0  }
0x387: {  	s22 =	simm.s32 $0x800;
	[sflag:s18] =	ssyncadd.s32 $0xFFFFFC00  }
0x388: {  	v0 =	vld [tilespmem:s22+$0x0];
	_ =	sdelay $0x7  }
0x389: {  	v0 =	vld.idx.msk [tilespmem:v0+s26+$0x0], $0xffff;
	_ =	sdelay $0x2  }
0x38a: {  	s23 =	sand.u32 $0x70, s19;
	s24 =	sand.u32 $0x700, s19  }
0x38b: {  	s20 =	sor.u32 s23, s24  }
0x38c: {  	s21 =	simm.s32 $0x810;
	[tilespmem:s20+$0xC00] =	vst v0  }
0x38d: {  	s22 =	simm.s32 $0x20;
	s20 =	simm.s32 $0x10;
	v0 =	vld [tilespmem:s21+$0x0]  }
.LBB2_38:
0x38e: {  	p0 =	sne.s32 s22, $0x3F0;
	_ =	sdelay $0x6  }
0x38f: {  	v0 =	vld.idx.msk [tilespmem:v0+s26+$0x0], $0xffff;
	_ =	sdelay $0x2  }
.Ltmp18:
0x390: {  	s19 =	sadd.s32 $0x20, s19;
	(pc) =	sbr.rel @p0 .LBB2_38-.Ltmp18, $4  }
0x391: {  	s23 =	sand.u32 $0x70, s20;
	s20 =	smov.u32 s22;
	s24 =	sand.u32 $0x700, s19  }
0x392: {  	s23 =	sor.u32 s23, s24  }
0x393: {  	s21 =	sadd.s32 $0x10, s21;
	[tilespmem:s23+$0xC00] =	vst v0  }
0x394: {  	s22 =	sadd.s32 $0x10, s22;
	v0 =	vld [tilespmem:s21+$0x0]  }
0x395: {  	_ =	sdelay $0x7  }
0x396: {  	v0 =	vld.idx.msk [tilespmem:v0+s26+$0x0], $0xffff;
	_ =	sdelay $0x1  }
0x397: {  	s19 =	sadd.s32 $0x20, s19  }
0x398: {  	s20 =	sand.u32 $0x70, s20;
	s21 =	sld [smem:$0x7DE];
	s19 =	sand.u32 $0x700, s19  }
0x399: {  	s19 =	sor.u32 s20, s19  }
0x39a: {  	[tilespmem:s19+$0xC00] =	vst v0;
	s19 =	simm.s32 $0x0  }
0x39b: {  	[hbm4b:s21+s19] =	stream.linear.scatter [tilespmem:s1], [sflag:$0x2], $0x80, $0x38;
	[tilespmem:$0x1400] =	vst v63  }
0x39c: {  	s24 =	sadd.s32 $0x80, s21  }
0x39d: {  	[hbm4b:s24+s19] =	stream.linear.scatter [tilespmem:s3], [sflag:$0x2], $0x80, $0x38;
	[tilespmem:$0x1400] =	vst v63  }
0x39e: {  	s22 =	sadd.s32 $0x100, s21  }
0x39f: {  	[hbm4b:s22+s19] =	stream.linear.scatter [tilespmem:s4], [sflag:$0x2], $0x80, $0x38;
	[tilespmem:$0x1400] =	vst v63  }
0x3a0: {  	s23 =	sadd.s32 $0x180, s21  }
0x3a1: {  	[hbm4b:s23+s19] =	stream.linear.scatter [tilespmem:s5], [sflag:$0x2], $0x80, $0x38;
	[tilespmem:$0x1400] =	vst v63  }
0x3a2: {  	s24 =	sadd.s32 $0x200, s21  }
0x3a3: {  	[hbm4b:s24+s19] =	stream.linear.scatter [tilespmem:s6], [sflag:$0x2], $0x80, $0x38;
	[tilespmem:$0x1400] =	vst v63  }
0x3a4: {  	s22 =	sadd.s32 $0x280, s21  }
0x3a5: {  	[hbm4b:s22+s19] =	stream.linear.scatter [tilespmem:s7], [sflag:$0x2], $0x80, $0x38;
	[tilespmem:$0x1400] =	vst v63  }
0x3a6: {  	s23 =	sadd.s32 $0x300, s21  }
0x3a7: {  	[hbm4b:s23+s19] =	stream.linear.scatter [tilespmem:s8], [sflag:$0x2], $0x80, $0x38;
	[tilespmem:$0x1400] =	vst v63  }
0x3a8: {  	s24 =	sadd.s32 $0x380, s21  }
0x3a9: {  	[hbm4b:s24+s19] =	stream.linear.scatter [tilespmem:s9], [sflag:$0x2], $0x80, $0x38;
	[tilespmem:$0x1400] =	vst v63  }
0x3aa: {  	s21 =	rddreg [dreg:$0x12]  }
0x3ab: {  	[tilespmem:s19], [sflag:$0x1] =	stream.linear.gather [hbm4b:s21+s19], $0x400, $0x38;
	[tilespmem:$0x1400] =	vst v63  }
0x3ac: {  	_ =	swait.ge [sflag:s31], $0x400  }
0x3ad: {  	[sflag:s31] =	ssyncset.done $0x0  }
0x3ae: {  	[sflag:s31] =	ssyncadd.s32 $0xFFFFFC00  }
0x3af: {  	_ =	swait.ge [sflag:s18], $0x400  }
0x3b0: {  	[sflag:s18] =	ssyncset.done $0x0  }
0x3b1: {  	s22 =	simm.s32 $0x800;
	[sflag:s18] =	ssyncadd.s32 $0xFFFFFC00  }
0x3b2: {  	v0 =	vld [tilespmem:s22+$0x0];
	_ =	sdelay $0x4  }
0x3b3: {  	v0 =	vadd.s32 $0x400, v0;
	_ =	sdelay $0x4  }
0x3b4: {  	v0 =	vld.idx.msk [tilespmem:v0+s26+$0x0], $0xffff;
	_ =	sdelay $0x2  }
0x3b5: {  	s23 =	sand.u32 $0x70, s19;
	s24 =	sand.u32 $0x700, s19  }
0x3b6: {  	s20 =	sor.u32 s23, s24  }
0x3b7: {  	s21 =	simm.s32 $0x810;
	[tilespmem:s20+$0xC80] =	vst v0  }
0x3b8: {  	s22 =	simm.s32 $0x20;
	s20 =	simm.s32 $0x10;
	v0 =	vld [tilespmem:s21+$0x0]  }
.LBB2_40:
0x3b9: {  	p0 =	sne.s32 s22, $0x3F0;
	_ =	sdelay $0x3  }
0x3ba: {  	v0 =	vadd.s32 $0x400, v0;
	_ =	sdelay $0x4  }
0x3bb: {  	v0 =	vld.idx.msk [tilespmem:v0+s26+$0x0], $0xffff;
	_ =	sdelay $0x2  }
.Ltmp19:
0x3bc: {  	s19 =	sadd.s32 $0x20, s19;
	(pc) =	sbr.rel @p0 .LBB2_40-.Ltmp19, $4  }
0x3bd: {  	s23 =	sand.u32 $0x70, s20;
	s20 =	smov.u32 s22;
	s24 =	sand.u32 $0x700, s19  }
0x3be: {  	s23 =	sor.u32 s23, s24  }
0x3bf: {  	s21 =	sadd.s32 $0x10, s21;
	[tilespmem:s23+$0xC80] =	vst v0  }
0x3c0: {  	s22 =	sadd.s32 $0x10, s22;
	v0 =	vld [tilespmem:s21+$0x0]  }
0x3c1: {  	_ =	sdelay $0x3  }
0x3c2: {  	v0 =	vadd.s32 $0x400, v0;
	_ =	sdelay $0x4  }
0x3c3: {  	v0 =	vld.idx.msk [tilespmem:v0+s26+$0x0], $0xffff;
	_ =	sdelay $0x1  }
0x3c4: {  	s19 =	sadd.s32 $0x20, s19  }
0x3c5: {  	s20 =	sand.u32 $0x70, s20;
	s21 =	sld [smem:$0x7E2];
	s19 =	sand.u32 $0x700, s19  }
0x3c6: {  	s19 =	sor.u32 s20, s19  }
0x3c7: {  	[tilespmem:s19+$0xC80] =	vst v0;
	s19 =	simm.s32 $0x0  }
0x3c8: {  	[hbm4b:s21+s19] =	stream.linear.scatter [tilespmem:s10], [sflag:$0x2], $0x80, $0x38;
	[tilespmem:$0x1400] =	vst v63  }
0x3c9: {  	s24 =	sadd.s32 $0x80, s21  }
0x3ca: {  	[hbm4b:s24+s19] =	stream.linear.scatter [tilespmem:s11], [sflag:$0x2], $0x80, $0x38;
	[tilespmem:$0x1400] =	vst v63  }
0x3cb: {  	s22 =	sadd.s32 $0x100, s21  }
0x3cc: {  	[hbm4b:s22+s19] =	stream.linear.scatter [tilespmem:s12], [sflag:$0x2], $0x80, $0x38;
	[tilespmem:$0x1400] =	vst v63  }
0x3cd: {  	s23 =	sadd.s32 $0x180, s21  }
0x3ce: {  	[hbm4b:s23+s19] =	stream.linear.scatter [tilespmem:s13], [sflag:$0x2], $0x80, $0x38;
	[tilespmem:$0x1400] =	vst v63  }
0x3cf: {  	s24 =	sadd.s32 $0x200, s21  }
0x3d0: {  	[hbm4b:s24+s19] =	stream.linear.scatter [tilespmem:s14], [sflag:$0x2], $0x80, $0x38;
	[tilespmem:$0x1400] =	vst v63  }
0x3d1: {  	s22 =	sadd.s32 $0x280, s21  }
0x3d2: {  	[hbm4b:s22+s19] =	stream.linear.scatter [tilespmem:s15], [sflag:$0x2], $0x80, $0x38;
	[tilespmem:$0x1400] =	vst v63  }
0x3d3: {  	s23 =	sadd.s32 $0x300, s21  }
0x3d4: {  	[hbm4b:s23+s19] =	stream.linear.scatter [tilespmem:s16], [sflag:$0x2], $0x80, $0x38;
	[tilespmem:$0x1400] =	vst v63  }
0x3d5: {  	s24 =	sadd.s32 $0x380, s21  }
0x3d6: {  	[hbm4b:s24+s19] =	stream.linear.scatter [tilespmem:s17], [sflag:$0x2], $0x80, $0x38;
	[tilespmem:$0x1400] =	vst v63  }
0x3d7: {  	s21 =	rddreg [dreg:$0x13]  }
0x3d8: {  	[tilespmem:s0], [sflag:$0x1] =	stream.linear.gather [hbm4b:s21+s19], $0x400, $0x38;
	[tilespmem:$0x1400] =	vst v63  }
0x3d9: {  	_ =	swait.ge [sflag:s31], $0x400  }
0x3da: {  	[sflag:s31] =	ssyncset.done $0x0  }
0x3db: {  	[sflag:s31] =	ssyncadd.s32 $0xFFFFFC00  }
0x3dc: {  	_ =	swait.ge [sflag:s18], $0x400  }
0x3dd: {  	[sflag:s18] =	ssyncset.done $0x0  }
0x3de: {  	s22 =	simm.s32 $0x800;
	[sflag:s18] =	ssyncadd.s32 $0xFFFFFC00  }
0x3df: {  	v0 =	vld [tilespmem:s22+$0x0];
	_ =	sdelay $0x7  }
0x3e0: {  	v0 =	vld.idx.msk [tilespmem:v0+s26+$0x0], $0xffff;
	_ =	sdelay $0x2  }
0x3e1: {  	s23 =	sand.u32 $0x70, s19;
	s24 =	sand.u32 $0x700, s19  }
0x3e2: {  	s20 =	sor.u32 s23, s24  }
0x3e3: {  	s21 =	simm.s32 $0x810;
	[tilespmem:s20+$0xC00] =	vst v0  }
0x3e4: {  	s22 =	simm.s32 $0x20;
	s20 =	simm.s32 $0x10;
	v0 =	vld [tilespmem:s21+$0x0]  }
.LBB2_42:
0x3e5: {  	p0 =	sne.s32 s22, $0x3F0;
	_ =	sdelay $0x6  }
0x3e6: {  	v0 =	vld.idx.msk [tilespmem:v0+s26+$0x0], $0xffff;
	_ =	sdelay $0x2  }
.Ltmp20:
0x3e7: {  	s19 =	sadd.s32 $0x20, s19;
	(pc) =	sbr.rel @p0 .LBB2_42-.Ltmp20, $4  }
0x3e8: {  	s23 =	sand.u32 $0x70, s20;
	s20 =	smov.u32 s22;
	s24 =	sand.u32 $0x700, s19  }
0x3e9: {  	s23 =	sor.u32 s23, s24  }
0x3ea: {  	s21 =	sadd.s32 $0x10, s21;
	[tilespmem:s23+$0xC00] =	vst v0  }
0x3eb: {  	s22 =	sadd.s32 $0x10, s22;
	v0 =	vld [tilespmem:s21+$0x0]  }
0x3ec: {  	_ =	sdelay $0x7  }
0x3ed: {  	v0 =	vld.idx.msk [tilespmem:v0+s26+$0x0], $0xffff;
	_ =	sdelay $0x1  }
0x3ee: {  	s19 =	sadd.s32 $0x20, s19  }
0x3ef: {  	s20 =	sand.u32 $0x70, s20;
	s21 =	sld [smem:$0x7E6];
	s19 =	sand.u32 $0x700, s19  }
0x3f0: {  	s19 =	sor.u32 s20, s19  }
0x3f1: {  	[tilespmem:s19+$0xC00] =	vst v0;
	s19 =	simm.s32 $0x0  }
0x3f2: {  	[hbm4b:s21+s19] =	stream.linear.scatter [tilespmem:s1], [sflag:$0x2], $0x80, $0x38;
	[tilespmem:$0x1400] =	vst v63  }
0x3f3: {  	s24 =	sadd.s32 $0x80, s21  }
0x3f4: {  	[hbm4b:s24+s19] =	stream.linear.scatter [tilespmem:s3], [sflag:$0x2], $0x80, $0x38;
	[tilespmem:$0x1400] =	vst v63  }
0x3f5: {  	s22 =	sadd.s32 $0x100, s21  }
0x3f6: {  	[hbm4b:s22+s19] =	stream.linear.scatter [tilespmem:s4], [sflag:$0x2], $0x80, $0x38;
	[tilespmem:$0x1400] =	vst v63  }
0x3f7: {  	s23 =	sadd.s32 $0x180, s21  }
0x3f8: {  	[hbm4b:s23+s19] =	stream.linear.scatter [tilespmem:s5], [sflag:$0x2], $0x80, $0x38;
	[tilespmem:$0x1400] =	vst v63  }
0x3f9: {  	s24 =	sadd.s32 $0x200, s21  }
0x3fa: {  	[hbm4b:s24+s19] =	stream.linear.scatter [tilespmem:s6], [sflag:$0x2], $0x80, $0x38;
	[tilespmem:$0x1400] =	vst v63  }
0x3fb: {  	s22 =	sadd.s32 $0x280, s21  }
0x3fc: {  	[hbm4b:s22+s19] =	stream.linear.scatter [tilespmem:s7], [sflag:$0x2], $0x80, $0x38;
	[tilespmem:$0x1400] =	vst v63  }
0x3fd: {  	s23 =	sadd.s32 $0x300, s21  }
0x3fe: {  	[hbm4b:s23+s19] =	stream.linear.scatter [tilespmem:s8], [sflag:$0x2], $0x80, $0x38;
	[tilespmem:$0x1400] =	vst v63  }
0x3ff: {  	s24 =	sadd.s32 $0x380, s21  }
0x400: {  	[hbm4b:s24+s19] =	stream.linear.scatter [tilespmem:s9], [sflag:$0x2], $0x80, $0x38;
	[tilespmem:$0x1400] =	vst v63  }
0x401: {  	s21 =	rddreg [dreg:$0x14]  }
0x402: {  	[tilespmem:s19], [sflag:$0x1] =	stream.linear.gather [hbm4b:s21+s19], $0x400, $0x38;
	[tilespmem:$0x1400] =	vst v63  }
0x403: {  	_ =	swait.ge [sflag:s31], $0x400  }
0x404: {  	[sflag:s31] =	ssyncset.done $0x0  }
0x405: {  	[sflag:s31] =	ssyncadd.s32 $0xFFFFFC00  }
0x406: {  	_ =	swait.ge [sflag:s18], $0x400  }
0x407: {  	[sflag:s18] =	ssyncset.done $0x0  }
0x408: {  	s22 =	simm.s32 $0x800;
	[sflag:s18] =	ssyncadd.s32 $0xFFFFFC00  }
0x409: {  	v0 =	vld [tilespmem:s22+$0x0];
	_ =	sdelay $0x4  }
0x40a: {  	v0 =	vadd.s32 $0x400, v0;
	_ =	sdelay $0x4  }
0x40b: {  	v0 =	vld.idx.msk [tilespmem:v0+s26+$0x0], $0xffff;
	_ =	sdelay $0x2  }
0x40c: {  	s23 =	sand.u32 $0x70, s19;
	s24 =	sand.u32 $0x700, s19  }
0x40d: {  	s20 =	sor.u32 s23, s24  }
0x40e: {  	s21 =	simm.s32 $0x810;
	[tilespmem:s20+$0xC80] =	vst v0  }
0x40f: {  	s22 =	simm.s32 $0x20;
	s20 =	simm.s32 $0x10;
	v0 =	vld [tilespmem:s21+$0x0]  }
.LBB2_44:
0x410: {  	p0 =	sne.s32 s22, $0x3F0;
	_ =	sdelay $0x3  }
0x411: {  	v0 =	vadd.s32 $0x400, v0;
	_ =	sdelay $0x4  }
0x412: {  	v0 =	vld.idx.msk [tilespmem:v0+s26+$0x0], $0xffff;
	_ =	sdelay $0x2  }
.Ltmp21:
0x413: {  	s19 =	sadd.s32 $0x20, s19;
	(pc) =	sbr.rel @p0 .LBB2_44-.Ltmp21, $4  }
0x414: {  	s23 =	sand.u32 $0x70, s20;
	s20 =	smov.u32 s22;
	s24 =	sand.u32 $0x700, s19  }
0x415: {  	s23 =	sor.u32 s23, s24  }
0x416: {  	s21 =	sadd.s32 $0x10, s21;
	[tilespmem:s23+$0xC80] =	vst v0  }
0x417: {  	s22 =	sadd.s32 $0x10, s22;
	v0 =	vld [tilespmem:s21+$0x0]  }
0x418: {  	_ =	sdelay $0x3  }
0x419: {  	v0 =	vadd.s32 $0x400, v0;
	_ =	sdelay $0x4  }
0x41a: {  	v0 =	vld.idx.msk [tilespmem:v0+s26+$0x0], $0xffff;
	_ =	sdelay $0x1  }
0x41b: {  	s19 =	sadd.s32 $0x20, s19  }
0x41c: {  	s20 =	sand.u32 $0x70, s20;
	s21 =	sld [smem:$0x7EA];
	s19 =	sand.u32 $0x700, s19  }
0x41d: {  	s19 =	sor.u32 s20, s19  }
0x41e: {  	[tilespmem:s19+$0xC80] =	vst v0;
	s19 =	simm.s32 $0x0  }
0x41f: {  	[hbm4b:s21+s19] =	stream.linear.scatter [tilespmem:s10], [sflag:$0x2], $0x80, $0x38;
	[tilespmem:$0x1400] =	vst v63  }
0x420: {  	s24 =	sadd.s32 $0x80, s21  }
0x421: {  	[hbm4b:s24+s19] =	stream.linear.scatter [tilespmem:s11], [sflag:$0x2], $0x80, $0x38;
	[tilespmem:$0x1400] =	vst v63  }
0x422: {  	s22 =	sadd.s32 $0x100, s21  }
0x423: {  	[hbm4b:s22+s19] =	stream.linear.scatter [tilespmem:s12], [sflag:$0x2], $0x80, $0x38;
	[tilespmem:$0x1400] =	vst v63  }
0x424: {  	s23 =	sadd.s32 $0x180, s21  }
0x425: {  	[hbm4b:s23+s19] =	stream.linear.scatter [tilespmem:s13], [sflag:$0x2], $0x80, $0x38;
	[tilespmem:$0x1400] =	vst v63  }
0x426: {  	s24 =	sadd.s32 $0x200, s21  }
0x427: {  	[hbm4b:s24+s19] =	stream.linear.scatter [tilespmem:s14], [sflag:$0x2], $0x80, $0x38;
	[tilespmem:$0x1400] =	vst v63  }
0x428: {  	s22 =	sadd.s32 $0x280, s21  }
0x429: {  	[hbm4b:s22+s19] =	stream.linear.scatter [tilespmem:s15], [sflag:$0x2], $0x80, $0x38;
	[tilespmem:$0x1400] =	vst v63  }
0x42a: {  	s23 =	sadd.s32 $0x300, s21  }
0x42b: {  	[hbm4b:s23+s19] =	stream.linear.scatter [tilespmem:s16], [sflag:$0x2], $0x80, $0x38;
	[tilespmem:$0x1400] =	vst v63  }
0x42c: {  	s24 =	sadd.s32 $0x380, s21  }
0x42d: {  	[hbm4b:s24+s19] =	stream.linear.scatter [tilespmem:s17], [sflag:$0x2], $0x80, $0x38;
	[tilespmem:$0x1400] =	vst v63  }
0x42e: {  	s21 =	rddreg [dreg:$0x15]  }
0x42f: {  	[tilespmem:s0], [sflag:$0x1] =	stream.linear.gather [hbm4b:s21+s19], $0x400, $0x38;
	[tilespmem:$0x1400] =	vst v63  }
0x430: {  	_ =	swait.ge [sflag:s31], $0x400  }
0x431: {  	[sflag:s31] =	ssyncset.done $0x0  }
0x432: {  	[sflag:s31] =	ssyncadd.s32 $0xFFFFFC00  }
0x433: {  	_ =	swait.ge [sflag:s18], $0x400  }
0x434: {  	[sflag:s18] =	ssyncset.done $0x0  }
0x435: {  	s22 =	simm.s32 $0x800;
	[sflag:s18] =	ssyncadd.s32 $0xFFFFFC00  }
0x436: {  	v0 =	vld [tilespmem:s22+$0x0];
	_ =	sdelay $0x7  }
0x437: {  	v0 =	vld.idx.msk [tilespmem:v0+s26+$0x0], $0xffff;
	_ =	sdelay $0x2  }
0x438: {  	s23 =	sand.u32 $0x70, s19;
	s24 =	sand.u32 $0x700, s19  }
0x439: {  	s20 =	sor.u32 s23, s24  }
0x43a: {  	s21 =	simm.s32 $0x810;
	[tilespmem:s20+$0xC00] =	vst v0  }
0x43b: {  	s22 =	simm.s32 $0x20;
	s20 =	simm.s32 $0x10;
	v0 =	vld [tilespmem:s21+$0x0]  }
.LBB2_46:
0x43c: {  	p0 =	sne.s32 s22, $0x3F0;
	_ =	sdelay $0x6  }
0x43d: {  	v0 =	vld.idx.msk [tilespmem:v0+s26+$0x0], $0xffff;
	_ =	sdelay $0x2  }
.Ltmp22:
0x43e: {  	s19 =	sadd.s32 $0x20, s19;
	(pc) =	sbr.rel @p0 .LBB2_46-.Ltmp22, $4  }
0x43f: {  	s23 =	sand.u32 $0x70, s20;
	s20 =	smov.u32 s22;
	s24 =	sand.u32 $0x700, s19  }
0x440: {  	s23 =	sor.u32 s23, s24  }
0x441: {  	s21 =	sadd.s32 $0x10, s21;
	[tilespmem:s23+$0xC00] =	vst v0  }
0x442: {  	s22 =	sadd.s32 $0x10, s22;
	v0 =	vld [tilespmem:s21+$0x0]  }
0x443: {  	_ =	sdelay $0x7  }
0x444: {  	v0 =	vld.idx.msk [tilespmem:v0+s26+$0x0], $0xffff;
	_ =	sdelay $0x1  }
0x445: {  	s19 =	sadd.s32 $0x20, s19  }
0x446: {  	s20 =	sand.u32 $0x70, s20;
	s21 =	sld [smem:$0x7F3];
	s19 =	sand.u32 $0x700, s19  }
0x447: {  	s19 =	sor.u32 s20, s19  }
0x448: {  	[tilespmem:s19+$0xC00] =	vst v0;
	s19 =	simm.s32 $0x0  }
0x449: {  	[hbm4b:s21+s19] =	stream.linear.scatter [tilespmem:s1], [sflag:$0x2], $0x80, $0x38;
	[tilespmem:$0x1400] =	vst v63  }
0x44a: {  	s24 =	sadd.s32 $0x80, s21  }
0x44b: {  	[hbm4b:s24+s19] =	stream.linear.scatter [tilespmem:s3], [sflag:$0x2], $0x80, $0x38;
	[tilespmem:$0x1400] =	vst v63  }
0x44c: {  	s22 =	sadd.s32 $0x100, s21  }
0x44d: {  	[hbm4b:s22+s19] =	stream.linear.scatter [tilespmem:s4], [sflag:$0x2], $0x80, $0x38;
	[tilespmem:$0x1400] =	vst v63  }
0x44e: {  	s23 =	sadd.s32 $0x180, s21  }
0x44f: {  	[hbm4b:s23+s19] =	stream.linear.scatter [tilespmem:s5], [sflag:$0x2], $0x80, $0x38;
	[tilespmem:$0x1400] =	vst v63  }
0x450: {  	s24 =	sadd.s32 $0x200, s21  }
0x451: {  	[hbm4b:s24+s19] =	stream.linear.scatter [tilespmem:s6], [sflag:$0x2], $0x80, $0x38;
	[tilespmem:$0x1400] =	vst v63  }
0x452: {  	s22 =	sadd.s32 $0x280, s21  }
0x453: {  	[hbm4b:s22+s19] =	stream.linear.scatter [tilespmem:s7], [sflag:$0x2], $0x80, $0x38;
	[tilespmem:$0x1400] =	vst v63  }
0x454: {  	s23 =	sadd.s32 $0x300, s21  }
0x455: {  	[hbm4b:s23+s19] =	stream.linear.scatter [tilespmem:s8], [sflag:$0x2], $0x80, $0x38;
	[tilespmem:$0x1400] =	vst v63  }
0x456: {  	s24 =	sadd.s32 $0x380, s21  }
0x457: {  	[hbm4b:s24+s19] =	stream.linear.scatter [tilespmem:s9], [sflag:$0x2], $0x80, $0x38;
	[tilespmem:$0x1400] =	vst v63  }
0x458: {  	s21 =	rddreg [dreg:$0x16]  }
0x459: {  	[tilespmem:s19], [sflag:$0x1] =	stream.linear.gather [hbm4b:s21+s19], $0x400, $0x38;
	[tilespmem:$0x1400] =	vst v63  }
0x45a: {  	_ =	swait.ge [sflag:s31], $0x400  }
0x45b: {  	[sflag:s31] =	ssyncset.done $0x0  }
0x45c: {  	[sflag:s31] =	ssyncadd.s32 $0xFFFFFC00  }
0x45d: {  	_ =	swait.ge [sflag:s18], $0x400  }
0x45e: {  	[sflag:s18] =	ssyncset.done $0x0  }
0x45f: {  	s22 =	simm.s32 $0x800;
	[sflag:s18] =	ssyncadd.s32 $0xFFFFFC00  }
0x460: {  	v0 =	vld [tilespmem:s22+$0x0];
	_ =	sdelay $0x4  }
0x461: {  	v0 =	vadd.s32 $0x400, v0;
	_ =	sdelay $0x4  }
0x462: {  	v0 =	vld.idx.msk [tilespmem:v0+s26+$0x0], $0xffff;
	_ =	sdelay $0x2  }
0x463: {  	s23 =	sand.u32 $0x70, s19;
	s24 =	sand.u32 $0x700, s19  }
0x464: {  	s20 =	sor.u32 s23, s24  }
0x465: {  	s21 =	simm.s32 $0x810;
	[tilespmem:s20+$0xC80] =	vst v0  }
0x466: {  	s22 =	simm.s32 $0x20;
	s20 =	simm.s32 $0x10;
	v0 =	vld [tilespmem:s21+$0x0]  }
.LBB2_48:
0x467: {  	p0 =	sne.s32 s22, $0x3F0;
	_ =	sdelay $0x3  }
0x468: {  	v0 =	vadd.s32 $0x400, v0;
	_ =	sdelay $0x4  }
0x469: {  	v0 =	vld.idx.msk [tilespmem:v0+s26+$0x0], $0xffff;
	_ =	sdelay $0x2  }
.Ltmp23:
0x46a: {  	s19 =	sadd.s32 $0x20, s19;
	(pc) =	sbr.rel @p0 .LBB2_48-.Ltmp23, $4  }
0x46b: {  	s23 =	sand.u32 $0x70, s20;
	s20 =	smov.u32 s22;
	s24 =	sand.u32 $0x700, s19  }
0x46c: {  	s23 =	sor.u32 s23, s24  }
0x46d: {  	s21 =	sadd.s32 $0x10, s21;
	[tilespmem:s23+$0xC80] =	vst v0  }
0x46e: {  	s22 =	sadd.s32 $0x10, s22;
	v0 =	vld [tilespmem:s21+$0x0]  }
0x46f: {  	_ =	sdelay $0x3  }
0x470: {  	v0 =	vadd.s32 $0x400, v0;
	_ =	sdelay $0x4  }
0x471: {  	v0 =	vld.idx.msk [tilespmem:v0+s26+$0x0], $0xffff;
	_ =	sdelay $0x1  }
0x472: {  	s19 =	sadd.s32 $0x20, s19  }
0x473: {  	s20 =	sand.u32 $0x70, s20;
	s19 =	sand.u32 $0x700, s19  }
0x474: {  	s19 =	sor.u32 s20, s19  }
0x475: {  	[tilespmem:s19+$0xC80] =	vst v0;
	s19 =	simm.s32 $0x0  }
0x476: {  	[hbm4b:s29+s19] =	stream.linear.scatter [tilespmem:s10], [sflag:$0x2], $0x80, $0x38;
	[tilespmem:$0x1400] =	vst v63  }
0x477: {  	s23 =	sadd.s32 $0x80, s29  }
0x478: {  	[hbm4b:s23+s19] =	stream.linear.scatter [tilespmem:s11], [sflag:$0x2], $0x80, $0x38;
	[tilespmem:$0x1400] =	vst v63  }
0x479: {  	s24 =	sadd.s32 $0x100, s29  }
0x47a: {  	[hbm4b:s24+s19] =	stream.linear.scatter [tilespmem:s12], [sflag:$0x2], $0x80, $0x38;
	[tilespmem:$0x1400] =	vst v63  }
0x47b: {  	s21 =	sadd.s32 $0x180, s29  }
0x47c: {  	[hbm4b:s21+s19] =	stream.linear.scatter [tilespmem:s13], [sflag:$0x2], $0x80, $0x38;
	[tilespmem:$0x1400] =	vst v63  }
0x47d: {  	s22 =	sadd.s32 $0x200, s29  }
0x47e: {  	[hbm4b:s22+s19] =	stream.linear.scatter [tilespmem:s14], [sflag:$0x2], $0x80, $0x38;
	[tilespmem:$0x1400] =	vst v63  }
0x47f: {  	s23 =	sadd.s32 $0x280, s29  }
0x480: {  	[hbm4b:s23+s19] =	stream.linear.scatter [tilespmem:s15], [sflag:$0x2], $0x80, $0x38;
	[tilespmem:$0x1400] =	vst v63  }
0x481: {  	s24 =	sadd.s32 $0x300, s29  }
0x482: {  	[hbm4b:s24+s19] =	stream.linear.scatter [tilespmem:s16], [sflag:$0x2], $0x80, $0x38;
	[tilespmem:$0x1400] =	vst v63  }
0x483: {  	s21 =	sadd.s32 $0x380, s29  }
0x484: {  	[hbm4b:s21+s19] =	stream.linear.scatter [tilespmem:s17], [sflag:$0x2], $0x80, $0x38;
	[tilespmem:$0x1400] =	vst v63  }
0x485: {  	s22 =	rddreg [dreg:$0x17]  }
0x486: {  	[tilespmem:s0], [sflag:$0x1] =	stream.linear.gather [hbm4b:s22+s19], $0x400, $0x38;
	[tilespmem:$0x1400] =	vst v63  }
0x487: {  	_ =	swait.ge [sflag:s31], $0x400  }
0x488: {  	[sflag:s31] =	ssyncset.done $0x0  }
0x489: {  	[sflag:s31] =	ssyncadd.s32 $0xFFFFFC00  }
0x48a: {  	_ =	swait.ge [sflag:s18], $0x400  }
0x48b: {  	[sflag:s18] =	ssyncset.done $0x0  }
0x48c: {  	s23 =	simm.s32 $0x800;
	[sflag:s18] =	ssyncadd.s32 $0xFFFFFC00  }
0x48d: {  	v0 =	vld [tilespmem:s23+$0x0];
	_ =	sdelay $0x7  }
0x48e: {  	v0 =	vld.idx.msk [tilespmem:v0+s26+$0x0], $0xffff;
	_ =	sdelay $0x2  }
0x48f: {  	s24 =	sand.u32 $0x70, s19;
	s21 =	sand.u32 $0x700, s19  }
0x490: {  	s20 =	sor.u32 s24, s21  }
0x491: {  	s21 =	simm.s32 $0x810;
	[tilespmem:s20+$0xC00] =	vst v0  }
0x492: {  	s22 =	simm.s32 $0x20;
	s20 =	simm.s32 $0x10;
	v0 =	vld [tilespmem:s21+$0x0]  }
.LBB2_50:
0x493: {  	p0 =	sne.s32 s22, $0x3F0;
	_ =	sdelay $0x6  }
0x494: {  	v0 =	vld.idx.msk [tilespmem:v0+s26+$0x0], $0xffff;
	_ =	sdelay $0x2  }
.Ltmp24:
0x495: {  	s19 =	sadd.s32 $0x20, s19;
	(pc) =	sbr.rel @p0 .LBB2_50-.Ltmp24, $4  }
0x496: {  	s23 =	sand.u32 $0x70, s20;
	s20 =	smov.u32 s22;
	s24 =	sand.u32 $0x700, s19  }
0x497: {  	s23 =	sor.u32 s23, s24  }
0x498: {  	s21 =	sadd.s32 $0x10, s21;
	[tilespmem:s23+$0xC00] =	vst v0  }
0x499: {  	s22 =	sadd.s32 $0x10, s22;
	v0 =	vld [tilespmem:s21+$0x0]  }
0x49a: {  	_ =	sdelay $0x7  }
0x49b: {  	v0 =	vld.idx.msk [tilespmem:v0+s26+$0x0], $0xffff;
	_ =	sdelay $0x1  }
0x49c: {  	s19 =	sadd.s32 $0x20, s19  }
0x49d: {  	s20 =	sand.u32 $0x70, s20;
	s21 =	sld [smem:$0x7F0];
	s19 =	sand.u32 $0x700, s19  }
0x49e: {  	s19 =	sor.u32 s20, s19  }
0x49f: {  	[tilespmem:s19+$0xC00] =	vst v0;
	s19 =	simm.s32 $0x0  }
0x4a0: {  	[hbm4b:s21+s19] =	stream.linear.scatter [tilespmem:s1], [sflag:$0x2], $0x80, $0x38;
	[tilespmem:$0x1400] =	vst v63  }
0x4a1: {  	s24 =	sadd.s32 $0x80, s21  }
0x4a2: {  	[hbm4b:s24+s19] =	stream.linear.scatter [tilespmem:s3], [sflag:$0x2], $0x80, $0x38;
	[tilespmem:$0x1400] =	vst v63  }
0x4a3: {  	s22 =	sadd.s32 $0x100, s21  }
0x4a4: {  	[hbm4b:s22+s19] =	stream.linear.scatter [tilespmem:s4], [sflag:$0x2], $0x80, $0x38;
	[tilespmem:$0x1400] =	vst v63  }
0x4a5: {  	s23 =	sadd.s32 $0x180, s21  }
0x4a6: {  	[hbm4b:s23+s19] =	stream.linear.scatter [tilespmem:s5], [sflag:$0x2], $0x80, $0x38;
	[tilespmem:$0x1400] =	vst v63  }
0x4a7: {  	s24 =	sadd.s32 $0x200, s21  }
0x4a8: {  	[hbm4b:s24+s19] =	stream.linear.scatter [tilespmem:s6], [sflag:$0x2], $0x80, $0x38;
	[tilespmem:$0x1400] =	vst v63  }
0x4a9: {  	s22 =	sadd.s32 $0x280, s21  }
0x4aa: {  	[hbm4b:s22+s19] =	stream.linear.scatter [tilespmem:s7], [sflag:$0x2], $0x80, $0x38;
	[tilespmem:$0x1400] =	vst v63  }
0x4ab: {  	s23 =	sadd.s32 $0x300, s21  }
0x4ac: {  	[hbm4b:s23+s19] =	stream.linear.scatter [tilespmem:s8], [sflag:$0x2], $0x80, $0x38;
	[tilespmem:$0x1400] =	vst v63  }
0x4ad: {  	s24 =	sadd.s32 $0x380, s21  }
0x4ae: {  	[hbm4b:s24+s19] =	stream.linear.scatter [tilespmem:s9], [sflag:$0x2], $0x80, $0x38;
	[tilespmem:$0x1400] =	vst v63  }
0x4af: {  	s21 =	rddreg [dreg:$0x18]  }
0x4b0: {  	[tilespmem:s19], [sflag:$0x1] =	stream.linear.gather [hbm4b:s21+s19], $0x400, $0x38;
	[tilespmem:$0x1400] =	vst v63  }
0x4b1: {  	_ =	swait.ge [sflag:s31], $0x400  }
0x4b2: {  	[sflag:s31] =	ssyncset.done $0x0  }
0x4b3: {  	[sflag:s31] =	ssyncadd.s32 $0xFFFFFC00  }
0x4b4: {  	_ =	swait.ge [sflag:s18], $0x400  }
0x4b5: {  	[sflag:s18] =	ssyncset.done $0x0  }
0x4b6: {  	s22 =	simm.s32 $0x800;
	[sflag:s18] =	ssyncadd.s32 $0xFFFFFC00  }
0x4b7: {  	v0 =	vld [tilespmem:s22+$0x0];
	_ =	sdelay $0x4  }
0x4b8: {  	v0 =	vadd.s32 $0x400, v0;
	_ =	sdelay $0x4  }
0x4b9: {  	v0 =	vld.idx.msk [tilespmem:v0+s26+$0x0], $0xffff;
	_ =	sdelay $0x2  }
0x4ba: {  	s23 =	sand.u32 $0x70, s19;
	s24 =	sand.u32 $0x700, s19  }
0x4bb: {  	s20 =	sor.u32 s23, s24  }
0x4bc: {  	s21 =	simm.s32 $0x810;
	[tilespmem:s20+$0xC80] =	vst v0  }
0x4bd: {  	s22 =	simm.s32 $0x20;
	s20 =	simm.s32 $0x10;
	v0 =	vld [tilespmem:s21+$0x0]  }
.LBB2_52:
0x4be: {  	p0 =	sne.s32 s22, $0x3F0;
	_ =	sdelay $0x3  }
0x4bf: {  	v0 =	vadd.s32 $0x400, v0;
	_ =	sdelay $0x4  }
0x4c0: {  	v0 =	vld.idx.msk [tilespmem:v0+s26+$0x0], $0xffff;
	_ =	sdelay $0x2  }
.Ltmp25:
0x4c1: {  	s19 =	sadd.s32 $0x20, s19;
	(pc) =	sbr.rel @p0 .LBB2_52-.Ltmp25, $4  }
0x4c2: {  	s23 =	sand.u32 $0x70, s20;
	s20 =	smov.u32 s22;
	s24 =	sand.u32 $0x700, s19  }
0x4c3: {  	s23 =	sor.u32 s23, s24  }
0x4c4: {  	s21 =	sadd.s32 $0x10, s21;
	[tilespmem:s23+$0xC80] =	vst v0  }
0x4c5: {  	s22 =	sadd.s32 $0x10, s22;
	v0 =	vld [tilespmem:s21+$0x0]  }
0x4c6: {  	_ =	sdelay $0x3  }
0x4c7: {  	v0 =	vadd.s32 $0x400, v0;
	_ =	sdelay $0x4  }
0x4c8: {  	v0 =	vld.idx.msk [tilespmem:v0+s26+$0x0], $0xffff;
	_ =	sdelay $0x1  }
0x4c9: {  	s19 =	sadd.s32 $0x20, s19  }
0x4ca: {  	s20 =	sand.u32 $0x70, s20;
	s21 =	sld [smem:$0x7DB];
	s19 =	sand.u32 $0x700, s19  }
0x4cb: {  	s19 =	sor.u32 s20, s19  }
0x4cc: {  	[tilespmem:s19+$0xC80] =	vst v0;
	s19 =	simm.s32 $0x0  }
0x4cd: {  	[hbm4b:s21+s19] =	stream.linear.scatter [tilespmem:s10], [sflag:$0x2], $0x80, $0x38;
	[tilespmem:$0x1400] =	vst v63  }
0x4ce: {  	s24 =	sadd.s32 $0x80, s21  }
0x4cf: {  	[hbm4b:s24+s19] =	stream.linear.scatter [tilespmem:s11], [sflag:$0x2], $0x80, $0x38;
	[tilespmem:$0x1400] =	vst v63  }
0x4d0: {  	s22 =	sadd.s32 $0x100, s21  }
0x4d1: {  	[hbm4b:s22+s19] =	stream.linear.scatter [tilespmem:s12], [sflag:$0x2], $0x80, $0x38;
	[tilespmem:$0x1400] =	vst v63  }
0x4d2: {  	s23 =	sadd.s32 $0x180, s21  }
0x4d3: {  	[hbm4b:s23+s19] =	stream.linear.scatter [tilespmem:s13], [sflag:$0x2], $0x80, $0x38;
	[tilespmem:$0x1400] =	vst v63  }
0x4d4: {  	s24 =	sadd.s32 $0x200, s21  }
0x4d5: {  	[hbm4b:s24+s19] =	stream.linear.scatter [tilespmem:s14], [sflag:$0x2], $0x80, $0x38;
	[tilespmem:$0x1400] =	vst v63  }
0x4d6: {  	s22 =	sadd.s32 $0x280, s21  }
0x4d7: {  	[hbm4b:s22+s19] =	stream.linear.scatter [tilespmem:s15], [sflag:$0x2], $0x80, $0x38;
	[tilespmem:$0x1400] =	vst v63  }
0x4d8: {  	s23 =	sadd.s32 $0x300, s21  }
0x4d9: {  	[hbm4b:s23+s19] =	stream.linear.scatter [tilespmem:s16], [sflag:$0x2], $0x80, $0x38;
	[tilespmem:$0x1400] =	vst v63  }
0x4da: {  	s24 =	sadd.s32 $0x380, s21  }
0x4db: {  	[hbm4b:s24+s19] =	stream.linear.scatter [tilespmem:s17], [sflag:$0x2], $0x80, $0x38;
	[tilespmem:$0x1400] =	vst v63  }
0x4dc: {  	s21 =	rddreg [dreg:$0x19]  }
0x4dd: {  	[tilespmem:s0], [sflag:$0x1] =	stream.linear.gather [hbm4b:s21+s19], $0x400, $0x38;
	[tilespmem:$0x1400] =	vst v63  }
0x4de: {  	_ =	swait.ge [sflag:s31], $0x400  }
0x4df: {  	[sflag:s31] =	ssyncset.done $0x0  }
0x4e0: {  	[sflag:s31] =	ssyncadd.s32 $0xFFFFFC00  }
0x4e1: {  	_ =	swait.ge [sflag:s18], $0x400  }
0x4e2: {  	[sflag:s18] =	ssyncset.done $0x0  }
0x4e3: {  	s22 =	simm.s32 $0x800;
	[sflag:s18] =	ssyncadd.s32 $0xFFFFFC00  }
0x4e4: {  	v0 =	vld [tilespmem:s22+$0x0];
	_ =	sdelay $0x7  }
0x4e5: {  	v0 =	vld.idx.msk [tilespmem:v0+s26+$0x0], $0xffff;
	_ =	sdelay $0x2  }
0x4e6: {  	s23 =	sand.u32 $0x70, s19;
	s24 =	sand.u32 $0x700, s19  }
0x4e7: {  	s20 =	sor.u32 s23, s24  }
0x4e8: {  	s21 =	simm.s32 $0x810;
	[tilespmem:s20+$0xC00] =	vst v0  }
0x4e9: {  	s22 =	simm.s32 $0x20;
	s20 =	simm.s32 $0x10;
	v0 =	vld [tilespmem:s21+$0x0]  }
.LBB2_54:
0x4ea: {  	p0 =	sne.s32 s22, $0x3F0;
	_ =	sdelay $0x6  }
0x4eb: {  	v0 =	vld.idx.msk [tilespmem:v0+s26+$0x0], $0xffff;
	_ =	sdelay $0x2  }
.Ltmp26:
0x4ec: {  	s19 =	sadd.s32 $0x20, s19;
	(pc) =	sbr.rel @p0 .LBB2_54-.Ltmp26, $4  }
0x4ed: {  	s23 =	sand.u32 $0x70, s20;
	s20 =	smov.u32 s22;
	s24 =	sand.u32 $0x700, s19  }
0x4ee: {  	s23 =	sor.u32 s23, s24  }
0x4ef: {  	s21 =	sadd.s32 $0x10, s21;
	[tilespmem:s23+$0xC00] =	vst v0  }
0x4f0: {  	s22 =	sadd.s32 $0x10, s22;
	v0 =	vld [tilespmem:s21+$0x0]  }
0x4f1: {  	_ =	sdelay $0x7  }
0x4f2: {  	v0 =	vld.idx.msk [tilespmem:v0+s26+$0x0], $0xffff;
	_ =	sdelay $0x1  }
0x4f3: {  	s19 =	sadd.s32 $0x20, s19  }
0x4f4: {  	s20 =	sand.u32 $0x70, s20;
	s21 =	sld [smem:$0x7DF];
	s19 =	sand.u32 $0x700, s19  }
0x4f5: {  	s19 =	sor.u32 s20, s19  }
0x4f6: {  	[tilespmem:s19+$0xC00] =	vst v0;
	s19 =	simm.s32 $0x0  }
0x4f7: {  	[hbm4b:s21+s19] =	stream.linear.scatter [tilespmem:s1], [sflag:$0x2], $0x80, $0x38;
	[tilespmem:$0x1400] =	vst v63  }
0x4f8: {  	s24 =	sadd.s32 $0x80, s21  }
0x4f9: {  	[hbm4b:s24+s19] =	stream.linear.scatter [tilespmem:s3], [sflag:$0x2], $0x80, $0x38;
	[tilespmem:$0x1400] =	vst v63  }
0x4fa: {  	s22 =	sadd.s32 $0x100, s21  }
0x4fb: {  	[hbm4b:s22+s19] =	stream.linear.scatter [tilespmem:s4], [sflag:$0x2], $0x80, $0x38;
	[tilespmem:$0x1400] =	vst v63  }
0x4fc: {  	s23 =	sadd.s32 $0x180, s21  }
0x4fd: {  	[hbm4b:s23+s19] =	stream.linear.scatter [tilespmem:s5], [sflag:$0x2], $0x80, $0x38;
	[tilespmem:$0x1400] =	vst v63  }
0x4fe: {  	s24 =	sadd.s32 $0x200, s21  }
0x4ff: {  	[hbm4b:s24+s19] =	stream.linear.scatter [tilespmem:s6], [sflag:$0x2], $0x80, $0x38;
	[tilespmem:$0x1400] =	vst v63  }
0x500: {  	s22 =	sadd.s32 $0x280, s21  }
0x501: {  	[hbm4b:s22+s19] =	stream.linear.scatter [tilespmem:s7], [sflag:$0x2], $0x80, $0x38;
	[tilespmem:$0x1400] =	vst v63  }
0x502: {  	s23 =	sadd.s32 $0x300, s21  }
0x503: {  	[hbm4b:s23+s19] =	stream.linear.scatter [tilespmem:s8], [sflag:$0x2], $0x80, $0x38;
	[tilespmem:$0x1400] =	vst v63  }
0x504: {  	s24 =	sadd.s32 $0x380, s21  }
0x505: {  	[hbm4b:s24+s19] =	stream.linear.scatter [tilespmem:s9], [sflag:$0x2], $0x80, $0x38;
	[tilespmem:$0x1400] =	vst v63  }
0x506: {  	s21 =	rddreg [dreg:$0x1a]  }
0x507: {  	[tilespmem:s19], [sflag:$0x1] =	stream.linear.gather [hbm4b:s21+s19], $0x400, $0x38;
	[tilespmem:$0x1400] =	vst v63  }
0x508: {  	_ =	swait.ge [sflag:s31], $0x400  }
0x509: {  	[sflag:s31] =	ssyncset.done $0x0  }
0x50a: {  	[sflag:s31] =	ssyncadd.s32 $0xFFFFFC00  }
0x50b: {  	_ =	swait.ge [sflag:s18], $0x400  }
0x50c: {  	[sflag:s18] =	ssyncset.done $0x0  }
0x50d: {  	s22 =	simm.s32 $0x800;
	[sflag:s18] =	ssyncadd.s32 $0xFFFFFC00  }
0x50e: {  	v0 =	vld [tilespmem:s22+$0x0];
	_ =	sdelay $0x4  }
0x50f: {  	v0 =	vadd.s32 $0x400, v0;
	_ =	sdelay $0x4  }
0x510: {  	v0 =	vld.idx.msk [tilespmem:v0+s26+$0x0], $0xffff;
	_ =	sdelay $0x2  }
0x511: {  	s23 =	sand.u32 $0x70, s19;
	s24 =	sand.u32 $0x700, s19  }
0x512: {  	s20 =	sor.u32 s23, s24  }
0x513: {  	s21 =	simm.s32 $0x810;
	[tilespmem:s20+$0xC80] =	vst v0  }
0x514: {  	s22 =	simm.s32 $0x20;
	s20 =	simm.s32 $0x10;
	v0 =	vld [tilespmem:s21+$0x0]  }
.LBB2_56:
0x515: {  	p0 =	sne.s32 s22, $0x3F0;
	_ =	sdelay $0x3  }
0x516: {  	v0 =	vadd.s32 $0x400, v0;
	_ =	sdelay $0x4  }
0x517: {  	v0 =	vld.idx.msk [tilespmem:v0+s26+$0x0], $0xffff;
	_ =	sdelay $0x2  }
.Ltmp27:
0x518: {  	s19 =	sadd.s32 $0x20, s19;
	(pc) =	sbr.rel @p0 .LBB2_56-.Ltmp27, $4  }
0x519: {  	s23 =	sand.u32 $0x70, s20;
	s20 =	smov.u32 s22;
	s24 =	sand.u32 $0x700, s19  }
0x51a: {  	s23 =	sor.u32 s23, s24  }
0x51b: {  	s21 =	sadd.s32 $0x10, s21;
	[tilespmem:s23+$0xC80] =	vst v0  }
0x51c: {  	s22 =	sadd.s32 $0x10, s22;
	v0 =	vld [tilespmem:s21+$0x0]  }
0x51d: {  	_ =	sdelay $0x3  }
0x51e: {  	v0 =	vadd.s32 $0x400, v0;
	_ =	sdelay $0x4  }
0x51f: {  	v0 =	vld.idx.msk [tilespmem:v0+s26+$0x0], $0xffff;
	_ =	sdelay $0x1  }
0x520: {  	s19 =	sadd.s32 $0x20, s19  }
0x521: {  	s20 =	sand.u32 $0x70, s20;
	s21 =	sld [smem:$0x7E3];
	s19 =	sand.u32 $0x700, s19  }
0x522: {  	s19 =	sor.u32 s20, s19  }
0x523: {  	[tilespmem:s19+$0xC80] =	vst v0;
	s19 =	simm.s32 $0x0  }
0x524: {  	[hbm4b:s21+s19] =	stream.linear.scatter [tilespmem:s10], [sflag:$0x2], $0x80, $0x38;
	[tilespmem:$0x1400] =	vst v63  }
0x525: {  	s24 =	sadd.s32 $0x80, s21  }
0x526: {  	[hbm4b:s24+s19] =	stream.linear.scatter [tilespmem:s11], [sflag:$0x2], $0x80, $0x38;
	[tilespmem:$0x1400] =	vst v63  }
0x527: {  	s22 =	sadd.s32 $0x100, s21  }
0x528: {  	[hbm4b:s22+s19] =	stream.linear.scatter [tilespmem:s12], [sflag:$0x2], $0x80, $0x38;
	[tilespmem:$0x1400] =	vst v63  }
0x529: {  	s23 =	sadd.s32 $0x180, s21  }
0x52a: {  	[hbm4b:s23+s19] =	stream.linear.scatter [tilespmem:s13], [sflag:$0x2], $0x80, $0x38;
	[tilespmem:$0x1400] =	vst v63  }
0x52b: {  	s24 =	sadd.s32 $0x200, s21  }
0x52c: {  	[hbm4b:s24+s19] =	stream.linear.scatter [tilespmem:s14], [sflag:$0x2], $0x80, $0x38;
	[tilespmem:$0x1400] =	vst v63  }
0x52d: {  	s22 =	sadd.s32 $0x280, s21  }
0x52e: {  	[hbm4b:s22+s19] =	stream.linear.scatter [tilespmem:s15], [sflag:$0x2], $0x80, $0x38;
	[tilespmem:$0x1400] =	vst v63  }
0x52f: {  	s23 =	sadd.s32 $0x300, s21  }
0x530: {  	[hbm4b:s23+s19] =	stream.linear.scatter [tilespmem:s16], [sflag:$0x2], $0x80, $0x38;
	[tilespmem:$0x1400] =	vst v63  }
0x531: {  	s24 =	sadd.s32 $0x380, s21  }
0x532: {  	[hbm4b:s24+s19] =	stream.linear.scatter [tilespmem:s17], [sflag:$0x2], $0x80, $0x38;
	[tilespmem:$0x1400] =	vst v63  }
0x533: {  	s21 =	rddreg [dreg:$0x1b]  }
0x534: {  	[tilespmem:s0], [sflag:$0x1] =	stream.linear.gather [hbm4b:s21+s19], $0x400, $0x38;
	[tilespmem:$0x1400] =	vst v63  }
0x535: {  	_ =	swait.ge [sflag:s31], $0x400  }
0x536: {  	[sflag:s31] =	ssyncset.done $0x0  }
0x537: {  	[sflag:s31] =	ssyncadd.s32 $0xFFFFFC00  }
0x538: {  	_ =	swait.ge [sflag:s18], $0x400  }
0x539: {  	[sflag:s18] =	ssyncset.done $0x0  }
0x53a: {  	s22 =	simm.s32 $0x800;
	[sflag:s18] =	ssyncadd.s32 $0xFFFFFC00  }
0x53b: {  	v0 =	vld [tilespmem:s22+$0x0];
	_ =	sdelay $0x7  }
0x53c: {  	v0 =	vld.idx.msk [tilespmem:v0+s26+$0x0], $0xffff;
	_ =	sdelay $0x2  }
0x53d: {  	s23 =	sand.u32 $0x70, s19;
	s24 =	sand.u32 $0x700, s19  }
0x53e: {  	s20 =	sor.u32 s23, s24  }
0x53f: {  	s21 =	simm.s32 $0x810;
	[tilespmem:s20+$0xC00] =	vst v0  }
0x540: {  	s22 =	simm.s32 $0x20;
	s20 =	simm.s32 $0x10;
	v0 =	vld [tilespmem:s21+$0x0]  }
.LBB2_58:
0x541: {  	p0 =	sne.s32 s22, $0x3F0;
	_ =	sdelay $0x6  }
0x542: {  	v0 =	vld.idx.msk [tilespmem:v0+s26+$0x0], $0xffff;
	_ =	sdelay $0x2  }
.Ltmp28:
0x543: {  	s19 =	sadd.s32 $0x20, s19;
	(pc) =	sbr.rel @p0 .LBB2_58-.Ltmp28, $4  }
0x544: {  	s23 =	sand.u32 $0x70, s20;
	s20 =	smov.u32 s22;
	s24 =	sand.u32 $0x700, s19  }
0x545: {  	s23 =	sor.u32 s23, s24  }
0x546: {  	s21 =	sadd.s32 $0x10, s21;
	[tilespmem:s23+$0xC00] =	vst v0  }
0x547: {  	s22 =	sadd.s32 $0x10, s22;
	v0 =	vld [tilespmem:s21+$0x0]  }
0x548: {  	_ =	sdelay $0x7  }
0x549: {  	v0 =	vld.idx.msk [tilespmem:v0+s26+$0x0], $0xffff;
	_ =	sdelay $0x1  }
0x54a: {  	s19 =	sadd.s32 $0x20, s19  }
0x54b: {  	s20 =	sand.u32 $0x70, s20;
	s21 =	sld [smem:$0x7E7];
	s19 =	sand.u32 $0x700, s19  }
0x54c: {  	s19 =	sor.u32 s20, s19  }
0x54d: {  	[tilespmem:s19+$0xC00] =	vst v0;
	s19 =	simm.s32 $0x0  }
0x54e: {  	[hbm4b:s21+s19] =	stream.linear.scatter [tilespmem:s1], [sflag:$0x2], $0x80, $0x38;
	[tilespmem:$0x1400] =	vst v63  }
0x54f: {  	s24 =	sadd.s32 $0x80, s21  }
0x550: {  	[hbm4b:s24+s19] =	stream.linear.scatter [tilespmem:s3], [sflag:$0x2], $0x80, $0x38;
	[tilespmem:$0x1400] =	vst v63  }
0x551: {  	s22 =	sadd.s32 $0x100, s21  }
0x552: {  	[hbm4b:s22+s19] =	stream.linear.scatter [tilespmem:s4], [sflag:$0x2], $0x80, $0x38;
	[tilespmem:$0x1400] =	vst v63  }
0x553: {  	s23 =	sadd.s32 $0x180, s21  }
0x554: {  	[hbm4b:s23+s19] =	stream.linear.scatter [tilespmem:s5], [sflag:$0x2], $0x80, $0x38;
	[tilespmem:$0x1400] =	vst v63  }
0x555: {  	s24 =	sadd.s32 $0x200, s21  }
0x556: {  	[hbm4b:s24+s19] =	stream.linear.scatter [tilespmem:s6], [sflag:$0x2], $0x80, $0x38;
	[tilespmem:$0x1400] =	vst v63  }
0x557: {  	s22 =	sadd.s32 $0x280, s21  }
0x558: {  	[hbm4b:s22+s19] =	stream.linear.scatter [tilespmem:s7], [sflag:$0x2], $0x80, $0x38;
	[tilespmem:$0x1400] =	vst v63  }
0x559: {  	s23 =	sadd.s32 $0x300, s21  }
0x55a: {  	[hbm4b:s23+s19] =	stream.linear.scatter [tilespmem:s8], [sflag:$0x2], $0x80, $0x38;
	[tilespmem:$0x1400] =	vst v63  }
0x55b: {  	s24 =	sadd.s32 $0x380, s21  }
0x55c: {  	[hbm4b:s24+s19] =	stream.linear.scatter [tilespmem:s9], [sflag:$0x2], $0x80, $0x38;
	[tilespmem:$0x1400] =	vst v63  }
0x55d: {  	s21 =	rddreg [dreg:$0x1c]  }
0x55e: {  	[tilespmem:s19], [sflag:$0x1] =	stream.linear.gather [hbm4b:s21+s19], $0x400, $0x38;
	[tilespmem:$0x1400] =	vst v63  }
0x55f: {  	_ =	swait.ge [sflag:s31], $0x400  }
0x560: {  	[sflag:s31] =	ssyncset.done $0x0  }
0x561: {  	[sflag:s31] =	ssyncadd.s32 $0xFFFFFC00  }
0x562: {  	_ =	swait.ge [sflag:s18], $0x400  }
0x563: {  	[sflag:s18] =	ssyncset.done $0x0  }
0x564: {  	s22 =	simm.s32 $0x800;
	[sflag:s18] =	ssyncadd.s32 $0xFFFFFC00  }
0x565: {  	v0 =	vld [tilespmem:s22+$0x0];
	_ =	sdelay $0x4  }
0x566: {  	v0 =	vadd.s32 $0x400, v0;
	_ =	sdelay $0x4  }
0x567: {  	v0 =	vld.idx.msk [tilespmem:v0+s26+$0x0], $0xffff;
	_ =	sdelay $0x2  }
0x568: {  	s23 =	sand.u32 $0x70, s19;
	s24 =	sand.u32 $0x700, s19  }
0x569: {  	s20 =	sor.u32 s23, s24  }
0x56a: {  	s21 =	simm.s32 $0x810;
	[tilespmem:s20+$0xC80] =	vst v0  }
0x56b: {  	s22 =	simm.s32 $0x20;
	s20 =	simm.s32 $0x10;
	v0 =	vld [tilespmem:s21+$0x0]  }
.LBB2_60:
0x56c: {  	p0 =	sne.s32 s22, $0x3F0;
	_ =	sdelay $0x3  }
0x56d: {  	v0 =	vadd.s32 $0x400, v0;
	_ =	sdelay $0x4  }
0x56e: {  	v0 =	vld.idx.msk [tilespmem:v0+s26+$0x0], $0xffff;
	_ =	sdelay $0x2  }
.Ltmp29:
0x56f: {  	s19 =	sadd.s32 $0x20, s19;
	(pc) =	sbr.rel @p0 .LBB2_60-.Ltmp29, $4  }
0x570: {  	s23 =	sand.u32 $0x70, s20;
	s20 =	smov.u32 s22;
	s24 =	sand.u32 $0x700, s19  }
0x571: {  	s23 =	sor.u32 s23, s24  }
0x572: {  	s21 =	sadd.s32 $0x10, s21;
	[tilespmem:s23+$0xC80] =	vst v0  }
0x573: {  	s22 =	sadd.s32 $0x10, s22;
	v0 =	vld [tilespmem:s21+$0x0]  }
0x574: {  	_ =	sdelay $0x3  }
0x575: {  	v0 =	vadd.s32 $0x400, v0;
	_ =	sdelay $0x4  }
0x576: {  	v0 =	vld.idx.msk [tilespmem:v0+s26+$0x0], $0xffff;
	_ =	sdelay $0x1  }
0x577: {  	s19 =	sadd.s32 $0x20, s19  }
0x578: {  	s20 =	sand.u32 $0x70, s20;
	s21 =	sld [smem:$0x7EB];
	s19 =	sand.u32 $0x700, s19  }
0x579: {  	s19 =	sor.u32 s20, s19  }
0x57a: {  	[tilespmem:s19+$0xC80] =	vst v0;
	s19 =	simm.s32 $0x0  }
0x57b: {  	[hbm4b:s21+s19] =	stream.linear.scatter [tilespmem:s10], [sflag:$0x2], $0x80, $0x38;
	[tilespmem:$0x1400] =	vst v63  }
0x57c: {  	s24 =	sadd.s32 $0x80, s21  }
0x57d: {  	[hbm4b:s24+s19] =	stream.linear.scatter [tilespmem:s11], [sflag:$0x2], $0x80, $0x38;
	[tilespmem:$0x1400] =	vst v63  }
0x57e: {  	s22 =	sadd.s32 $0x100, s21  }
0x57f: {  	[hbm4b:s22+s19] =	stream.linear.scatter [tilespmem:s12], [sflag:$0x2], $0x80, $0x38;
	[tilespmem:$0x1400] =	vst v63  }
0x580: {  	s23 =	sadd.s32 $0x180, s21  }
0x581: {  	[hbm4b:s23+s19] =	stream.linear.scatter [tilespmem:s13], [sflag:$0x2], $0x80, $0x38;
	[tilespmem:$0x1400] =	vst v63  }
0x582: {  	s24 =	sadd.s32 $0x200, s21  }
0x583: {  	[hbm4b:s24+s19] =	stream.linear.scatter [tilespmem:s14], [sflag:$0x2], $0x80, $0x38;
	[tilespmem:$0x1400] =	vst v63  }
0x584: {  	s22 =	sadd.s32 $0x280, s21  }
0x585: {  	[hbm4b:s22+s19] =	stream.linear.scatter [tilespmem:s15], [sflag:$0x2], $0x80, $0x38;
	[tilespmem:$0x1400] =	vst v63  }
0x586: {  	s23 =	sadd.s32 $0x300, s21  }
0x587: {  	[hbm4b:s23+s19] =	stream.linear.scatter [tilespmem:s16], [sflag:$0x2], $0x80, $0x38;
	[tilespmem:$0x1400] =	vst v63  }
0x588: {  	s24 =	sadd.s32 $0x380, s21  }
0x589: {  	[hbm4b:s24+s19] =	stream.linear.scatter [tilespmem:s17], [sflag:$0x2], $0x80, $0x38;
	[tilespmem:$0x1400] =	vst v63  }
0x58a: {  	s21 =	rddreg [dreg:$0x1d]  }
0x58b: {  	[tilespmem:s0], [sflag:$0x1] =	stream.linear.gather [hbm4b:s21+s19], $0x400, $0x38;
	[tilespmem:$0x1400] =	vst v63  }
0x58c: {  	_ =	swait.ge [sflag:s31], $0x400  }
0x58d: {  	[sflag:s31] =	ssyncset.done $0x0  }
0x58e: {  	[sflag:s31] =	ssyncadd.s32 $0xFFFFFC00  }
0x58f: {  	_ =	swait.ge [sflag:s18], $0x400  }
0x590: {  	[sflag:s18] =	ssyncset.done $0x0  }
0x591: {  	s22 =	simm.s32 $0x800;
	[sflag:s18] =	ssyncadd.s32 $0xFFFFFC00  }
0x592: {  	v0 =	vld [tilespmem:s22+$0x0];
	_ =	sdelay $0x7  }
0x593: {  	v0 =	vld.idx.msk [tilespmem:v0+s26+$0x0], $0xffff;
	_ =	sdelay $0x2  }
0x594: {  	s23 =	sand.u32 $0x70, s19;
	s24 =	sand.u32 $0x700, s19  }
0x595: {  	s20 =	sor.u32 s23, s24  }
0x596: {  	s21 =	simm.s32 $0x810;
	[tilespmem:s20+$0xC00] =	vst v0  }
0x597: {  	s22 =	simm.s32 $0x20;
	s20 =	simm.s32 $0x10;
	v0 =	vld [tilespmem:s21+$0x0]  }
.LBB2_62:
0x598: {  	p0 =	sne.s32 s22, $0x3F0;
	_ =	sdelay $0x6  }
0x599: {  	v0 =	vld.idx.msk [tilespmem:v0+s26+$0x0], $0xffff;
	_ =	sdelay $0x2  }
.Ltmp30:
0x59a: {  	s19 =	sadd.s32 $0x20, s19;
	(pc) =	sbr.rel @p0 .LBB2_62-.Ltmp30, $4  }
0x59b: {  	s23 =	sand.u32 $0x70, s20;
	s20 =	smov.u32 s22;
	s24 =	sand.u32 $0x700, s19  }
0x59c: {  	s23 =	sor.u32 s23, s24  }
0x59d: {  	s21 =	sadd.s32 $0x10, s21;
	[tilespmem:s23+$0xC00] =	vst v0  }
0x59e: {  	s22 =	sadd.s32 $0x10, s22;
	v0 =	vld [tilespmem:s21+$0x0]  }
0x59f: {  	_ =	sdelay $0x7  }
0x5a0: {  	v0 =	vld.idx.msk [tilespmem:v0+s26+$0x0], $0xffff;
	_ =	sdelay $0x1  }
0x5a1: {  	s19 =	sadd.s32 $0x20, s19  }
0x5a2: {  	s20 =	sand.u32 $0x70, s20;
	s21 =	sld [smem:$0x7F4];
	s19 =	sand.u32 $0x700, s19  }
0x5a3: {  	s19 =	sor.u32 s20, s19  }
0x5a4: {  	[tilespmem:s19+$0xC00] =	vst v0;
	s19 =	simm.s32 $0x0  }
0x5a5: {  	[hbm4b:s21+s19] =	stream.linear.scatter [tilespmem:s1], [sflag:$0x2], $0x80, $0x38;
	[tilespmem:$0x1400] =	vst v63  }
0x5a6: {  	s22 =	sadd.s32 $0x80, s21  }
0x5a7: {  	[hbm4b:s22+s19] =	stream.linear.scatter [tilespmem:s3], [sflag:$0x2], $0x80, $0x38;
	[tilespmem:$0x1400] =	vst v63  }
0x5a8: {  	s23 =	sadd.s32 $0x100, s21  }
0x5a9: {  	[hbm4b:s23+s19] =	stream.linear.scatter [tilespmem:s4], [sflag:$0x2], $0x80, $0x38;
	[tilespmem:$0x1400] =	vst v63  }
0x5aa: {  	s24 =	sadd.s32 $0x180, s21  }
0x5ab: {  	[hbm4b:s24+s19] =	stream.linear.scatter [tilespmem:s5], [sflag:$0x2], $0x80, $0x38;
	[tilespmem:$0x1400] =	vst v63  }
0x5ac: {  	s22 =	sadd.s32 $0x200, s21  }
0x5ad: {  	[hbm4b:s22+s19] =	stream.linear.scatter [tilespmem:s6], [sflag:$0x2], $0x80, $0x38;
	[tilespmem:$0x1400] =	vst v63  }
0x5ae: {  	s23 =	sadd.s32 $0x280, s21  }
0x5af: {  	[hbm4b:s23+s19] =	stream.linear.scatter [tilespmem:s7], [sflag:$0x2], $0x80, $0x38;
	[tilespmem:$0x1400] =	vst v63  }
0x5b0: {  	s24 =	sadd.s32 $0x300, s21  }
0x5b1: {  	[hbm4b:s24+s19] =	stream.linear.scatter [tilespmem:s8], [sflag:$0x2], $0x80, $0x38;
	[tilespmem:$0x1400] =	vst v63  }
0x5b2: {  	s21 =	sadd.s32 $0x380, s21  }
0x5b3: {  	[hbm4b:s21+s19] =	stream.linear.scatter [tilespmem:s9], [sflag:$0x2], $0x80, $0x38;
	[tilespmem:$0x1400] =	vst v63  }
0x5b4: {  	_ =	swait.ge [sflag:s31], $0x400  }
0x5b5: {  	[sflag:s31] =	ssyncset.done $0x0  }
0x5b6: {  	[sflag:s31] =	ssyncadd.s32 $0xFFFFFC00  }
0x5b7: {  	_ =	swait.ge [sflag:s18], $0x400  }
0x5b8: {  	[sflag:s18] =	ssyncset.done $0x0  }
0x5b9: {  	s22 =	simm.s32 $0x800;
	[sflag:s18] =	ssyncadd.s32 $0xFFFFFC00  }
0x5ba: {  	v0 =	vld [tilespmem:s22+$0x0];
	_ =	sdelay $0x4  }
0x5bb: {  	v0 =	vadd.s32 $0x400, v0;
	_ =	sdelay $0x4  }
0x5bc: {  	v0 =	vld.idx.msk [tilespmem:v0+s26+$0x0], $0xffff;
	_ =	sdelay $0x2  }
0x5bd: {  	s23 =	sand.u32 $0x70, s19;
	s24 =	sand.u32 $0x700, s19  }
0x5be: {  	s20 =	sor.u32 s23, s24  }
0x5bf: {  	s21 =	simm.s32 $0x810;
	[tilespmem:s20+$0xC80] =	vst v0  }
0x5c0: {  	s22 =	simm.s32 $0x20;
	s20 =	simm.s32 $0x10;
	v0 =	vld [tilespmem:s21+$0x0]  }
.LBB2_64:
0x5c1: {  	p0 =	sne.s32 s22, $0x3F0;
	_ =	sdelay $0x3  }
0x5c2: {  	v0 =	vadd.s32 $0x400, v0;
	_ =	sdelay $0x4  }
0x5c3: {  	v0 =	vld.idx.msk [tilespmem:v0+s26+$0x0], $0xffff;
	_ =	sdelay $0x2  }
.Ltmp31:
0x5c4: {  	s19 =	sadd.s32 $0x20, s19;
	(pc) =	sbr.rel @p0 .LBB2_64-.Ltmp31, $4  }
0x5c5: {  	s23 =	sand.u32 $0x70, s20;
	s20 =	smov.u32 s22;
	s24 =	sand.u32 $0x700, s19  }
0x5c6: {  	s23 =	sor.u32 s23, s24  }
0x5c7: {  	s21 =	sadd.s32 $0x10, s21;
	[tilespmem:s23+$0xC80] =	vst v0  }
0x5c8: {  	s22 =	sadd.s32 $0x10, s22;
	v0 =	vld [tilespmem:s21+$0x0]  }
0x5c9: {  	_ =	sdelay $0x3  }
0x5ca: {  	v0 =	vadd.s32 $0x400, v0;
	_ =	sdelay $0x4  }
0x5cb: {  	v0 =	vld.idx.msk [tilespmem:v0+s26+$0x0], $0xffff;
	_ =	sdelay $0x1  }
0x5cc: {  	s19 =	sadd.s32 $0x20, s19  }
0x5cd: {  	s20 =	sand.u32 $0x70, s20;
	s19 =	sand.u32 $0x700, s19  }
0x5ce: {  	s19 =	sor.u32 s20, s19  }
0x5cf: {  	[tilespmem:s19+$0xC80] =	vst v0  }
0x5d0: {  	[hbm4b:s30+s26] =	stream.linear.scatter [tilespmem:s10], [sflag:$0x2], $0x80, $0x38;
	[tilespmem:$0x1400] =	vst v63  }
0x5d1: {  	s21 =	sadd.s32 $0x80, s30  }
0x5d2: {  	[hbm4b:s21+s26] =	stream.linear.scatter [tilespmem:s11], [sflag:$0x2], $0x80, $0x38;
	[tilespmem:$0x1400] =	vst v63  }
0x5d3: {  	s22 =	sadd.s32 $0x100, s30  }
0x5d4: {  	[hbm4b:s22+s26] =	stream.linear.scatter [tilespmem:s12], [sflag:$0x2], $0x80, $0x38;
	[tilespmem:$0x1400] =	vst v63  }
0x5d5: {  	s23 =	sadd.s32 $0x180, s30  }
0x5d6: {  	[hbm4b:s23+s26] =	stream.linear.scatter [tilespmem:s13], [sflag:$0x2], $0x80, $0x38;
	[tilespmem:$0x1400] =	vst v63  }
0x5d7: {  	s24 =	sadd.s32 $0x200, s30  }
0x5d8: {  	[hbm4b:s24+s26] =	stream.linear.scatter [tilespmem:s14], [sflag:$0x2], $0x80, $0x38;
	[tilespmem:$0x1400] =	vst v63  }
0x5d9: {  	s20 =	sadd.s32 $0x280, s30  }
0x5da: {  	[hbm4b:s20+s26] =	stream.linear.scatter [tilespmem:s15], [sflag:$0x2], $0x80, $0x38;
	[tilespmem:$0x1400] =	vst v63  }
0x5db: {  	s21 =	sadd.s32 $0x300, s30  }
0x5dc: {  	[hbm4b:s21+s26] =	stream.linear.scatter [tilespmem:s16], [sflag:$0x2], $0x80, $0x38;
	[tilespmem:$0x1400] =	vst v63  }
0x5dd: {  	s22 =	sadd.s32 $0x380, s30  }
0x5de: {  	[hbm4b:s22+s26] =	stream.linear.scatter [tilespmem:s17], [sflag:$0x2], $0x80, $0x38;
	[tilespmem:$0x1400] =	vst v63  }
0x5df: {  	_ =	swait.ge [sflag:s18], $0x400  }
0x5e0: {  	[sflag:s18] =	ssyncset.done $0x0  }
0x5e1: {  	[sflag:s18] =	ssyncadd.s32 $0xFFFFFC00  }
0x5e2: {  	_ =	swait.ge [sflag:s18], $0x400  }
0x5e3: {  	s23 =	sld [smem:$0x7DA]  }
0x5e4: {  	s24 =	sld [smem:$0x7F6];
	_ =	sdelay $0x1  }
0x5e5: {  	s20 =	sadd.s32 $0x1, s23  }
0x5e6: {  	p0 =	sne.s32 s20, s24  }
.Ltmp32:
0x5e7: {  	_ = 	snop;
	(pc) =	sbr.rel @p0 .LBB2_1-.Ltmp32, $3  }
0x5e8: {  	_ =	sdelay $0x1  }
0x5e9: {  	[sflag:s18] =	ssyncset.done $0x0  }
0x5ea: {  	[sflag:s18] =	ssyncadd.s32 $0xFFFFFC00  }
0x5eb: {  	_ =	sfence.sel $0x180000  }
0x5ec: {  	[bflag:$0x0] =	sbarrier.arrive $0xFFFF  }
0x5ed: {  	_ =	strace $0x90000047  }
0x5ee: {  	s0 =	stileid.u32;
	[bflag:$0x2] =	sbarrier.arrive $0xFFFF  }
0x5ef: {  	p0 =	sne.s32 s0, $0x0;
	s0 =	rddreg [dreg:$0x3]  }
0x5f0: {  	s0 =	sadd.s32 @!p0 $0x100000, s0  }
0x5f1: {  	[sflag:s0] =	ssyncadd.tile.s32 @!p0 $0x1;
	_ =	shalt  }
.Lfunc_end2:
_tile_overlayer_lowered:
.L_overlay_start_2:
0x5f2: {  	(tag) =	ssettag $0x2  }
0x5f3: {  	s0 =	rddreg [dreg:$0x0];
	s2 =	stileid.u32  }
0x5f4: {  	s1 =	rddreg [dreg:$0x1];
	p0 =	sne.s32 s2, $0x0  }
0x5f5: {  	s3 =	rddreg [dreg:$0x2];
	[bflag:$0x3] =	sbarrier.arrive $0xFFFF;
	s2 =	simm.s32 @!p0 $0x1C03  }
0x5f6: {  	[timem:s3], [sflag:s2] =	dma.local @!p0 [hbm:s0], s1  }
0x5f7: {  	s0 =	simm.s32 @!p0 $0x3  }
0x5f8: {  	_ =	swait.ge @!p0 [sflag:s0], s1  }
0x5f9: {  	s1 =	ssub.s32 @!p0 $0x0, s1;
	[sflag:s0] =	ssyncset.done @!p0 $0x0  }
0x5fa: {  	[sflag:s0] =	ssyncadd.s32 @!p0 s1  }
0x5fb: {  	[bflag:$0x3] =	sbarrier.arrive $0xFFFF  }
0x5fc: {  	_ =	shalt  }

</sc_bundles>
